<compile_context>
chip_gen: v7x
topology: tpu7x:2x2x1
jax: 0.10.2.dev20260603
libtpu: 0.0.44.dev20260713+nightly
codegen_flags: <defaults>
</compile_context>

<pallas_src>
import jax
import jax.numpy as jnp
from jax import lax
from jax.experimental import pallas as pl
from jax.experimental.pallas import tpu as pltpu
from jax.experimental.pallas import tpu_sc as plsc

B, L, D, N = 4, 2048, 4096, 16
NEW_L = L + N
NC, NS = 2, 16
NW = NC * NS
SUBS_PER_B = NW // B
ROWS_PER_W = L // SUBS_PER_B
CHUNK = 8
NCHUNK = ROWS_PER_W // CHUNK
NSLOT = 3
LANES = 16


def _sc_body(emb_hbm, mem_hbm, pos_hbm, out_hbm, buf, pos_v, gsems, ssems):
    c = lax.axis_index("c")
    s = lax.axis_index("s")
    wid = c * NS + s
    b = wid // SUBS_PER_B
    sub = wid % SUBS_PER_B

    base_local = sub * ROWS_PER_W
    src_base = b * L + base_local
    out_base = b * NEW_L
    iota = lax.iota(jnp.int32, LANES)

    slots = [buf.at[pl.ds(k * CHUNK, CHUNK)] for k in range(NSLOT)]

    def start_gather(i, k):
        r = pl.multiple_of(src_base + i * CHUNK, CHUNK)
        pltpu.async_copy(emb_hbm.at[pl.ds(r, CHUNK)], slots[k], gsems.at[k])

    def wait_gather(k):
        pltpu.make_async_copy(emb_hbm.at[pl.ds(0, CHUNK)], slots[k],
                              gsems.at[k]).wait()

    start_gather(0, 0)
    start_gather(1, 1)
    pltpu.sync_copy(pos_hbm, pos_v)
    pos_s = pos_v[pl.ds(b, LANES)][0]
    pos_vec = jnp.full((LANES,), pos_s, jnp.int32)

    def scatter_each(i, k, fn):
        row0 = base_local + i * CHUNK

        @pl.when(row0 < pos_s)
        def _():
            fn(slots[k], pl.multiple_of(out_base + row0, CHUNK), ssems.at[k])

        @pl.when(row0 + CHUNK > pos_s)
        def _():
            fn(slots[k], pl.multiple_of(out_base + row0 + N, CHUNK),
               ssems.at[k])

    def start_scatter(i, k):
        scatter_each(
            i, k, lambda sl, dst0, sem:
            pltpu.async_copy(sl, out_hbm.at[pl.ds(dst0, CHUNK)], sem))

    def wait_scatter(i, k):
        scatter_each(
            i, k, lambda sl, dst0, sem:
            pltpu.make_async_copy(sl, out_hbm.at[pl.ds(dst0, CHUNK)],
                                  sem).wait())

    for i in range(NCHUNK):
        wait_gather(i % NSLOT)
        start_scatter(i, i % NSLOT)
        if i >= 1:
            wait_scatter(i - 1, (i - 1) % NSLOT)
        if i + 2 < NCHUNK:
            start_gather(i + 2, (i + 2) % NSLOT)
    wait_scatter(NCHUNK - 1, (NCHUNK - 1) % NSLOT)

    @pl.when(sub == pos_s // ROWS_PER_W)
    def _():
        mrow0 = pl.multiple_of(b * N, N)
        stage = buf.at[pl.ds(0, N)]
        pltpu.sync_copy(mem_hbm.at[pl.ds(mrow0, N)], stage)
        dstm = out_base + pos_vec + iota
        pltpu.sync_copy(stage, out_hbm.at[dstm])


def _mask_body(am_ref, pos_ref, out_ref):
    j = lax.broadcasted_iota(jnp.int32, (B, NEW_L), 1)
    pos = pos_ref[...].reshape(B, 1)
    am = am_ref[...]
    zpad = jnp.zeros((B, N), jnp.float32)
    am_lo = jnp.concatenate([am, zpad], axis=1)
    am_hi = jnp.concatenate([zpad, am], axis=1)
    out_ref[...] = jnp.where(
        j < pos, am_lo, jnp.where(j >= pos + N, am_hi,
                                  jnp.ones((B, NEW_L), jnp.float32)))


@jax.jit
def kernel(inputs_embeds, memory, attention_mask, injection_positions):
    emb_flat = inputs_embeds.reshape(B * L, D)
    mem_flat = memory.reshape(B * N, D)
    am = attention_mask.astype(jnp.float32)
    pos32 = injection_positions.astype(jnp.int32)
    pos_pad = jnp.zeros((2 * LANES,), jnp.int32).at[:B].set(pos32)

    mesh = plsc.VectorSubcoreMesh(core_axis_name="c", subcore_axis_name="s",
                                  num_cores=NC, num_subcores=NS)
    run = pl.kernel(
        _sc_body,
        out_type=jax.ShapeDtypeStruct((B * NEW_L, D), jnp.float32),
        mesh=mesh,
        scratch_types=[
            pltpu.VMEM((NSLOT * CHUNK, D), jnp.float32),
            pltpu.VMEM((2 * LANES,), jnp.int32),
            pltpu.SemaphoreType.DMA((NSLOT,)),
            pltpu.SemaphoreType.DMA((NSLOT,)),
        ],
    )
    out_flat = run(emb_flat, mem_flat, pos_pad)

    new_mask = pl.pallas_call(
        _mask_body,
        out_shape=jax.ShapeDtypeStruct((B, NEW_L), jnp.float32),
    )(am, pos32)

    return out_flat.reshape(B, NEW_L, D), new_mask

# --- scband reference (transcript-rebuilt; emitter-appended) ---
"""Pipeline reference for scband-hidden-stream-injector-30820685316477 (READ-ONLY COPY).

The authoritative reference and input builder live on the scoring server;
editing this copy changes nothing except your own understanding.
"""

import jax, jax.numpy as jnp
import numpy as np

B, L, D, N = 4, 2048, 4096, 16

def setup_inputs(seed: int = 0) -> dict:
    key = jax.random.key(seed)
    k1, k2, k3 = jax.random.split(key, 3)
    inputs_embeds = jax.random.normal(k1, (B, L, D), dtype=jnp.float32)
    memory = jax.random.normal(k2, (B, N, D), dtype=jnp.float32)
    attention_mask = jnp.ones((B, L), dtype=jnp.float32)
    injection_positions = jax.random.randint(k3, (B,), 0, L)
    return {
        'inputs_embeds': inputs_embeds,
        'memory': memory,
        'attention_mask': attention_mask,
        'injection_positions': injection_positions,
    }


def reference(inputs_embeds, memory, attention_mask, injection_positions):
    # Faithful vectorized translation of HiddenStreamInjector.inject:
    # for each sample i with pos = injection_positions[i]:
    #   new[:pos]        = inputs_embeds[:pos]
    #   new[pos:pos+N]   = memory[i]
    #   new[pos+N:]      = inputs_embeds[pos:]
    b, l, d = inputs_embeds.shape
    n = memory.shape[1]
    new_l = l + n
    j = jnp.arange(new_l)[None, :]                      # (1, new_L)
    pos = injection_positions[:, None]                  # (B, 1)
    is_mem = (j >= pos) & (j < pos + n)                 # (B, new_L)
    src_idx = jnp.where(j < pos, j, j - n)              # source index into original seq
    src_idx = jnp.clip(src_idx, 0, l - 1)
    mem_idx = jnp.clip(j - pos, 0, n - 1)
    gathered_emb = jnp.take_along_axis(inputs_embeds, src_idx[:, :, None], axis=1)  # (B, new_L, D)
    gathered_mem = jnp.take_along_axis(memory, mem_idx[:, :, None], axis=1)         # (B, new_L, D)
    new_embeds = jnp.where(is_mem[:, :, None], gathered_mem, gathered_emb)
    gathered_mask = jnp.take_along_axis(attention_mask, src_idx, axis=1)            # (B, new_L)
    new_mask = jnp.where(is_mem, jnp.ones_like(gathered_mask), gathered_mask)
    return new_embeds, new_mask

if __name__ == "__main__":
    import jax
    _d = setup_inputs()
    print(jax.jit(kernel)(*tuple(_d.values())))

</pallas_src>

<mosaic_0001>
#map = affine_map<(d0, d1) -> (0, 0)>
#map1 = affine_map<(d0, d1) -> (0)>
module attributes {stable_mosaic.version = 14 : i64} {
  func.func @_sc_body(%arg0: i32, %arg1: i32, %arg2: memref<8192x4096xf32, #tpu.memory_space<hbm>>, %arg3: memref<64x4096xf32, #tpu.memory_space<hbm>>, %arg4: memref<32xi32, #tpu.memory_space<hbm>>, %arg5: memref<8256x4096xf32, #tpu.memory_space<hbm>>, %arg6: memref<24x4096xf32, #tpu.memory_space<vmem>>, %arg7: memref<32xi32, #tpu.memory_space<vmem>>, %arg8: memref<3x!tpu.dma_semaphore, #tpu.memory_space<semaphore_mem>>, %arg9: memref<3x!tpu.dma_semaphore, #tpu.memory_space<semaphore_mem>>) attributes {dimension_semantics = [#tpu.dimension_semantics<core_parallel>, #tpu.dimension_semantics<subcore_parallel>], iteration_bounds = array<i64: 2, 16>, scalar_prefetch = 0 : i64, scratch_operands = 4 : i64, tpu.core_type = #tpu.core_type<sc_vector_subcore>, window_params = [{transform_indices = #map}, {transform_indices = #map}, {transform_indices = #map1}, {transform_indices = #map}]} {
    %mul3A = arith.constant 16 : i32
    %mul3A_0 = arith.muli %arg0, %mul3A : i32
    %add3A = arith.addi %mul3A_0, %arg1 : i32
    %jit3A = arith.constant 8 : i32
    %div3A = arith.divsi %add3A, %jit3A : i32
    %sign3A = arith.constant 0 : i32
    %sign3A_1 = arith.cmpi sgt, %add3A, %sign3A : i32
    %sign3A_2 = arith.extui %sign3A_1 : i1 to i32
    %sign3A_3 = arith.constant 0 : i32
    %sign3A_4 = arith.cmpi slt, %add3A, %sign3A_3 : i32
    %sign3A_5 = arith.extui %sign3A_4 : i1 to i32
    %sign3A_6 = arith.subi %sign3A_2, %sign3A_5 : i32
    %sign3A_7 = arith.constant 0 : i32
    %sign3A_8 = arith.cmpi sgt, %jit3A, %sign3A_7 : i32
    %sign3A_9 = arith.extui %sign3A_8 : i1 to i32
    %sign3A_10 = arith.constant 0 : i32
    %sign3A_11 = arith.cmpi slt, %jit3A, %sign3A_10 : i32
    %sign3A_12 = arith.extui %sign3A_11 : i1 to i32
    %sign3A_13 = arith.subi %sign3A_9, %sign3A_12 : i32
    %ne3A = arith.cmpi ne, %sign3A_6, %sign3A_13 : i32
    %rem3A = arith.remsi %add3A, %jit3A : i32
    %ne3A_14 = arith.constant 0 : i32
    %ne3A_15 = arith.cmpi ne, %rem3A, %ne3A_14 : i32
    %and3A = arith.andi %ne3A, %ne3A_15 : i1
    %sub3A = arith.constant 1 : i32
    %sub3A_16 = arith.subi %div3A, %sub3A : i32
    %select_n3A = arith.select %and3A, %sub3A_16, %div3A : i32
    %jit3A_17 = arith.constant 8 : i32
    %eq3A = arith.constant 0 : i32
    %eq3A_18 = arith.cmpi eq, %jit3A_17, %eq3A : i32
    %jit3A_19 = arith.constant 1 : i32
    %select_n3A_20 = arith.select %eq3A_18, %jit3A_19, %jit3A_17 : i32
    %rem3A_21 = arith.remsi %add3A, %select_n3A_20 : i32
    %ne3A_22 = arith.constant 0 : i32
    %ne3A_23 = arith.cmpi ne, %rem3A_21, %ne3A_22 : i32
    %lt3A = arith.constant 0 : i32
    %lt3A_24 = arith.cmpi slt, %rem3A_21, %lt3A : i32
    %lt3A_25 = arith.constant 0 : i32
    %lt3A_26 = arith.cmpi slt, %select_n3A_20, %lt3A_25 : i32
    %ne3A_27 = arith.xori %lt3A_24, %lt3A_26 : i1
    %and3A_28 = arith.andi %ne3A_27, %ne3A_23 : i1
    %add3A_29 = arith.addi %rem3A_21, %select_n3A_20 : i32
    %select_n3A_30 = arith.select %and3A_28, %add3A_29, %rem3A_21 : i32
    %mul3A_31 = arith.constant 256 : i32
    %mul3A_32 = arith.muli %select_n3A_30, %mul3A_31 : i32
    %mul3A_33 = arith.constant 2048 : i32
    %mul3A_34 = arith.muli %select_n3A, %mul3A_33 : i32
    %add3A_35 = arith.addi %mul3A_34, %mul3A_32 : i32
    %mul3A_36 = arith.constant 2064 : i32
    %mul3A_37 = arith.muli %select_n3A, %mul3A_36 : i32
    %iota3A = tpu.iota {dimensions = array<i32: 0>} : vector<16xi32>
    %add3A_38 = arith.constant 0 : i32
    %add3A_39 = arith.addi %add3A_35, %add3A_38 : i32
    %multiple_of3A = tpu.assume_multiple %add3A_39, 8 : i32
    %dma_start3A = arith.constant 0 : i32
    %dma_start3A_40 = arith.constant 0 : i32
    %dma_start3A_41 = arith.constant 0 : i32
    %dma_start3A_42 = tpu.memref_slice %arg6[%dma_start3A_40, %dma_start3A_41] : memref<24x4096xf32, #tpu.memory_space<vmem>> -> memref<8x4096xf32, #tpu.memory_space<vmem>>
    %dma_start3A_43 = arith.constant 0 : i32
    %dma_start3A_44 = tpu.memref_slice %arg2[%multiple_of3A, %dma_start3A_43] : memref<8192x4096xf32, #tpu.memory_space<hbm>> -> memref<8x4096xf32, #tpu.memory_space<hbm>>
    %dma_start3A_45 = tpu.memref_slice %arg8[%dma_start3A] : memref<3x!tpu.dma_semaphore, #tpu.memory_space<semaphore_mem>> -> memref<1x!tpu.dma_semaphore, #tpu.memory_space<semaphore_mem>>
    %dma_start3A_46 = tpu.memref_squeeze %dma_start3A_45 : memref<1x!tpu.dma_semaphore, #tpu.memory_space<semaphore_mem>> -> memref<!tpu.dma_semaphore, #tpu.memory_space<semaphore_mem>>
    %dma_start3A_47 = arith.constant 0 : i32
    %dma_start3A_48 = arith.constant 0 : i32
    %dma_start3A_49 = tpu.memref_slice %arg6[%dma_start3A_47, %dma_start3A_48] : memref<24x4096xf32, #tpu.memory_space<vmem>> -> memref<8x4096xf32, #tpu.memory_space<vmem>>
    %dma_start3A_50 = arith.constant 0 : i32
    %dma_start3A_51 = tpu.memref_slice %arg2[%multiple_of3A, %dma_start3A_50] : memref<8192x4096xf32, #tpu.memory_space<hbm>> -> memref<8x4096xf32, #tpu.memory_space<hbm>>
    tpu.enqueue_dma source(%dma_start3A_51 : memref<8x4096xf32, #tpu.memory_space<hbm>>) target(%dma_start3A_49 : memref<8x4096xf32, #tpu.memory_space<vmem>>) target_semaphore(%dma_start3A_46 : memref<!tpu.dma_semaphore, #tpu.memory_space<semaphore_mem>>)
    %add3A_52 = arith.constant 8 : i32
    %add3A_53 = arith.addi %add3A_35, %add3A_52 : i32
    %multiple_of3A_54 = tpu.assume_multiple %add3A_53, 8 : i32
    %dma_start3A_55 = arith.constant 1 : i32
    %dma_start3A_56 = arith.constant 8 : i32
    %dma_start3A_57 = arith.constant 0 : i32
    %dma_start3A_58 = tpu.memref_slice %arg6[%dma_start3A_56, %dma_start3A_57] : memref<24x4096xf32, #tpu.memory_space<vmem>> -> memref<8x4096xf32, #tpu.memory_space<vmem>>
    %dma_start3A_59 = arith.constant 0 : i32
    %dma_start3A_60 = tpu.memref_slice %arg2[%multiple_of3A_54, %dma_start3A_59] : memref<8192x4096xf32, #tpu.memory_space<hbm>> -> memref<8x4096xf32, #tpu.memory_space<hbm>>
    %dma_start3A_61 = tpu.memref_slice %arg8[%dma_start3A_55] : memref<3x!tpu.dma_semaphore, #tpu.memory_space<semaphore_mem>> -> memref<1x!tpu.dma_semaphore, #tpu.memory_space<semaphore_mem>>
    %dma_start3A_62 = tpu.memref_squeeze %dma_start3A_61 : memref<1x!tpu.dma_semaphore, #tpu.memory_space<semaphore_mem>> -> memref<!tpu.dma_semaphore, #tpu.memory_space<semaphore_mem>>
    %dma_start3A_63 = arith.constant 8 : i32
    %dma_start3A_64 = arith.constant 0 : i32
    %dma_start3A_65 = tpu.memref_slice %arg6[%dma_start3A_63, %dma_start3A_64] : memref<24x4096xf32, #tpu.memory_space<vmem>> -> memref<8x4096xf32, #tpu.memory_space<vmem>>
    %dma_start3A_66 = arith.constant 0 : i32
    %dma_start3A_67 = tpu.memref_slice %arg2[%multiple_of3A_54, %dma_start3A_66] : memref<8192x4096xf32, #tpu.memory_space<hbm>> -> memref<8x4096xf32, #tpu.memory_space<hbm>>
    tpu.enqueue_dma source(%dma_start3A_67 : memref<8x4096xf32, #tpu.memory_space<hbm>>) target(%dma_start3A_65 : memref<8x4096xf32, #tpu.memory_space<vmem>>) target_semaphore(%dma_start3A_62 : memref<!tpu.dma_semaphore, #tpu.memory_space<semaphore_mem>>)
    "tpu.region"() ({
      %run_scoped3A = tpu.sem_alloc : memref<!tpu.dma_semaphore, #tpu.memory_space<semaphore_mem>>
      tpu.enqueue_dma source(%arg4 : memref<32xi32, #tpu.memory_space<hbm>>) target(%arg7 : memref<32xi32, #tpu.memory_space<vmem>>) target_semaphore(%run_scoped3A : memref<!tpu.dma_semaphore, #tpu.memory_space<semaphore_mem>>)
      tpu.wait_dma2 semaphore(%run_scoped3A : memref<!tpu.dma_semaphore, #tpu.memory_space<semaphore_mem>>) src(%arg4 : memref<32xi32, #tpu.memory_space<hbm>>) dst(%arg7 : memref<32xi32, #tpu.memory_space<vmem>>)
      tpu.yield
    }) : () -> ()
    %get3A = arith.index_cast %select_n3A : i32 to index
    %get3A_68 = tpu.vector_load %arg7[%get3A] {strides = array<i32>} : memref<32xi32, #tpu.memory_space<vmem>>, vector<16xi32>,
    %get3A_69 = vector.shape_cast %get3A_68 : vector<16xi32> to vector<16xi32>
    %slice3A = vector.extract_strided_slice %get3A_69 {offsets = [0], sizes = [1], strides = [1]} : vector<16xi32> to vector<1xi32>
    %squeeze3A = vector.extract %slice3A[0] : i32 from vector<1xi32>
    %broadcast_in_dim3A = vector.broadcast %squeeze3A : i32 to vector<16xi32>
    %dma_wait3A = arith.constant 0 : i32
    %dma_wait3A_70 = arith.constant 0 : i32
    %dma_wait3A_71 = arith.constant 0 : i32
    %dma_wait3A_72 = tpu.memref_slice %arg6[%dma_wait3A_70, %dma_wait3A_71] : memref<24x4096xf32, #tpu.memory_space<vmem>> -> memref<8x4096xf32, #tpu.memory_space<vmem>>
    %dma_wait3A_73 = arith.constant 0 : i32
    %dma_wait3A_74 = arith.constant 0 : i32
    %dma_wait3A_75 = tpu.memref_slice %arg2[%dma_wait3A_73, %dma_wait3A_74] : memref<8192x4096xf32, #tpu.memory_space<hbm>> -> memref<8x4096xf32, #tpu.memory_space<hbm>>
    %dma_wait3A_76 = tpu.memref_slice %arg8[%dma_wait3A] : memref<3x!tpu.dma_semaphore, #tpu.memory_space<semaphore_mem>> -> memref<1x!tpu.dma_semaphore, #tpu.memory_space<semaphore_mem>>
    %dma_wait3A_77 = tpu.memref_squeeze %dma_wait3A_76 : memref<1x!tpu.dma_semaphore, #tpu.memory_space<semaphore_mem>> -> memref<!tpu.dma_semaphore, #tpu.memory_space<semaphore_mem>>
    %dma_wait3A_78 = arith.constant 0 : i32
    %dma_wait3A_79 = arith.constant 0 : i32
    %dma_wait3A_80 = tpu.memref_slice %arg6[%dma_wait3A_78, %dma_wait3A_79] : memref<24x4096xf32, #tpu.memory_space<vmem>> -> memref<8x4096xf32, #tpu.memory_space<vmem>>
    %dma_wait3A_81 = arith.constant 0 : i32
    %dma_wait3A_82 = arith.constant 0 : i32
    %dma_wait3A_83 = tpu.memref_slice %arg2[%dma_wait3A_81, %dma_wait3A_82] : memref<8192x4096xf32, #tpu.memory_space<hbm>> -> memref<8x4096xf32, #tpu.memory_space<hbm>>
    tpu.wait_dma2 semaphore(%dma_wait3A_77 : memref<!tpu.dma_semaphore, #tpu.memory_space<semaphore_mem>>) src(%dma_wait3A_83 : memref<8x4096xf32, #tpu.memory_space<hbm>>) dst(%dma_wait3A_80 : memref<8x4096xf32, #tpu.memory_space<vmem>>)
    %add3A_84 = arith.constant 0 : i32
    %add3A_85 = arith.addi %mul3A_32, %add3A_84 : i32
    %lt3A_86 = arith.cmpi slt, %add3A_85, %squeeze3A : i32
    %convert_element_type3A = arith.extui %lt3A_86 : i1 to i32
    %cond3A = arith.constant 0 : i32
    %cond3A_87 = arith.cmpi ne, %convert_element_type3A, %cond3A : i32
    scf.if %cond3A_87 {
      %add3A_1822 = arith.addi %mul3A_37, %add3A_85 : i32
      %multiple_of3A_1823 = tpu.assume_multiple %add3A_1822, 8 : i32
      %dma_start3A_1824 = arith.constant 0 : i32
      %dma_start3A_1825 = arith.constant 0 : i32
      %dma_start3A_1826 = arith.constant 0 : i32
      %dma_start3A_1827 = tpu.memref_slice %arg6[%dma_start3A_1825, %dma_start3A_1826] : memref<24x4096xf32, #tpu.memory_space<vmem>> -> memref<8x4096xf32, #tpu.memory_space<vmem>>
      %dma_start3A_1828 = arith.constant 0 : i32
      %dma_start3A_1829 = tpu.memref_slice %arg5[%multiple_of3A_1823, %dma_start3A_1828] : memref<8256x4096xf32, #tpu.memory_space<hbm>> -> memref<8x4096xf32, #tpu.memory_space<hbm>>
      %dma_start3A_1830 = tpu.memref_slice %arg9[%dma_start3A_1824] : memref<3x!tpu.dma_semaphore, #tpu.memory_space<semaphore_mem>> -> memref<1x!tpu.dma_semaphore, #tpu.memory_space<semaphore_mem>>
      %dma_start3A_1831 = tpu.memref_squeeze %dma_start3A_1830 : memref<1x!tpu.dma_semaphore, #tpu.memory_space<semaphore_mem>> -> memref<!tpu.dma_semaphore, #tpu.memory_space<semaphore_mem>>
      %dma_start3A_1832 = arith.constant 0 : i32
      %dma_start3A_1833 = tpu.memref_slice %arg5[%multiple_of3A_1823, %dma_start3A_1832] : memref<8256x4096xf32, #tpu.memory_space<hbm>> -> memref<8x4096xf32, #tpu.memory_space<hbm>>
      %dma_start3A_1834 = arith.constant 0 : i32
      %dma_start3A_1835 = arith.constant 0 : i32
      %dma_start3A_1836 = tpu.memref_slice %arg6[%dma_start3A_1834, %dma_start3A_1835] : memref<24x4096xf32, #tpu.memory_space<vmem>> -> memref<8x4096xf32, #tpu.memory_space<vmem>>
      tpu.enqueue_dma source(%dma_start3A_1836 : memref<8x4096xf32, #tpu.memory_space<vmem>>) target(%dma_start3A_1833 : memref<8x4096xf32, #tpu.memory_space<hbm>>) target_semaphore(%dma_start3A_1831 : memref<!tpu.dma_semaphore, #tpu.memory_space<semaphore_mem>>)
    } else {
    }
    %add3A_88 = arith.constant 8 : i32
    %add3A_89 = arith.addi %add3A_85, %add3A_88 : i32
    %gt3A = arith.cmpi sgt, %add3A_89, %squeeze3A : i32
    %convert_element_type3A_90 = arith.extui %gt3A : i1 to i32
    %cond3A_91 = arith.constant 0 : i32
    %cond3A_92 = arith.cmpi ne, %convert_element_type3A_90, %cond3A_91 : i32
    scf.if %cond3A_92 {
      %add3A_1822 = arith.addi %mul3A_37, %add3A_85 : i32
      %add3A_1823 = arith.constant 16 : i32
      %add3A_1824 = arith.addi %add3A_1822, %add3A_1823 : i32
      %multiple_of3A_1825 = tpu.assume_multiple %add3A_1824, 8 : i32
      %dma_start3A_1826 = arith.constant 0 : i32
      %dma_start3A_1827 = arith.constant 0 : i32
      %dma_start3A_1828 = arith.constant 0 : i32
      %dma_start3A_1829 = tpu.memref_slice %arg6[%dma_start3A_1827, %dma_start3A_1828] : memref<24x4096xf32, #tpu.memory_space<vmem>> -> memref<8x4096xf32, #tpu.memory_space<vmem>>
      %dma_start3A_1830 = arith.constant 0 : i32
      %dma_start3A_1831 = tpu.memref_slice %arg5[%multiple_of3A_1825, %dma_start3A_1830] : memref<8256x4096xf32, #tpu.memory_space<hbm>> -> memref<8x4096xf32, #tpu.memory_space<hbm>>
      %dma_start3A_1832 = tpu.memref_slice %arg9[%dma_start3A_1826] : memref<3x!tpu.dma_semaphore, #tpu.memory_space<semaphore_mem>> -> memref<1x!tpu.dma_semaphore, #tpu.memory_space<semaphore_mem>>
      %dma_start3A_1833 = tpu.memref_squeeze %dma_start3A_1832 : memref<1x!tpu.dma_semaphore, #tpu.memory_space<semaphore_mem>> -> memref<!tpu.dma_semaphore, #tpu.memory_space<semaphore_mem>>
      %dma_start3A_1834 = arith.constant 0 : i32
      %dma_start3A_1835 = tpu.memref_slice %arg5[%multiple_of3A_1825, %dma_start3A_1834] : memref<8256x4096xf32, #tpu.memory_space<hbm>> -> memref<8x4096xf32, #tpu.memory_space<hbm>>
      %dma_start3A_1836 = arith.constant 0 : i32
      %dma_start3A_1837 = arith.constant 0 : i32
      %dma_start3A_1838 = tpu.memref_slice %arg6[%dma_start3A_1836, %dma_start3A_1837] : memref<24x4096xf32, #tpu.memory_space<vmem>> -> memref<8x4096xf32, #tpu.memory_space<vmem>>
      tpu.enqueue_dma source(%dma_start3A_1838 : memref<8x4096xf32, #tpu.memory_space<vmem>>) target(%dma_start3A_1835 : memref<8x4096xf32, #tpu.memory_space<hbm>>) target_semaphore(%dma_start3A_1833 : memref<!tpu.dma_semaphore, #tpu.memory_space<semaphore_mem>>)
    } else {
    }
    %add3A_93 = arith.constant 16 : i32
    %add3A_94 = arith.addi %add3A_35, %add3A_93 : i32
    %multiple_of3A_95 = tpu.assume_multiple %add3A_94, 8 : i32
    %dma_start3A_96 = arith.constant 2 : i32
    %dma_start3A_97 = arith.constant 16 : i32
    %dma_start3A_98 = arith.constant 0 : i32
    %dma_start3A_99 = tpu.memref_slice %arg6[%dma_start3A_97, %dma_start3A_98] : memref<24x4096xf32, #tpu.memory_space<vmem>> -> memref<8x4096xf32, #tpu.memory_space<vmem>>
    %dma_start3A_100 = arith.constant 0 : i32
    %dma_start3A_101 = tpu.memref_slice %arg2[%multiple_of3A_95, %dma_start3A_100] : memref<8192x4096xf32, #tpu.memory_space<hbm>> -> memref<8x4096xf32, #tpu.memory_space<hbm>>
    %dma_start3A_102 = tpu.memref_slice %arg8[%dma_start3A_96] : memref<3x!tpu.dma_semaphore, #tpu.memory_space<semaphore_mem>> -> memref<1x!tpu.dma_semaphore, #tpu.memory_space<semaphore_mem>>
    %dma_start3A_103 = tpu.memref_squeeze %dma_start3A_102 : memref<1x!tpu.dma_semaphore, #tpu.memory_space<semaphore_mem>> -> memref<!tpu.dma_semaphore, #tpu.memory_space<semaphore_mem>>
    %dma_start3A_104 = arith.constant 16 : i32
    %dma_start3A_105 = arith.constant 0 : i32
    %dma_start3A_106 = tpu.memref_slice %arg6[%dma_start3A_104, %dma_start3A_105] : memref<24x4096xf32, #tpu.memory_space<vmem>> -> memref<8x4096xf32, #tpu.memory_space<vmem>>
    %dma_start3A_107 = arith.constant 0 : i32
    %dma_start3A_108 = tpu.memref_slice %arg2[%multiple_of3A_95, %dma_start3A_107] : memref<8192x4096xf32, #tpu.memory_space<hbm>> -> memref<8x4096xf32, #tpu.memory_space<hbm>>
    tpu.enqueue_dma source(%dma_start3A_108 : memref<8x4096xf32, #tpu.memory_space<hbm>>) target(%dma_start3A_106 : memref<8x4096xf32, #tpu.memory_space<vmem>>) target_semaphore(%dma_start3A_103 : memref<!tpu.dma_semaphore, #tpu.memory_space<semaphore_mem>>)
    %dma_wait3A_109 = arith.constant 1 : i32
    %dma_wait3A_110 = arith.constant 8 : i32
    %dma_wait3A_111 = arith.constant 0 : i32
    %dma_wait3A_112 = tpu.memref_slice %arg6[%dma_wait3A_110, %dma_wait3A_111] : memref<24x4096xf32, #tpu.memory_space<vmem>> -> memref<8x4096xf32, #tpu.memory_space<vmem>>
    %dma_wait3A_113 = arith.constant 0 : i32
    %dma_wait3A_114 = arith.constant 0 : i32
    %dma_wait3A_115 = tpu.memref_slice %arg2[%dma_wait3A_113, %dma_wait3A_114] : memref<8192x4096xf32, #tpu.memory_space<hbm>> -> memref<8x4096xf32, #tpu.memory_space<hbm>>
    %dma_wait3A_116 = tpu.memref_slice %arg8[%dma_wait3A_109] : memref<3x!tpu.dma_semaphore, #tpu.memory_space<semaphore_mem>> -> memref<1x!tpu.dma_semaphore, #tpu.memory_space<semaphore_mem>>
    %dma_wait3A_117 = tpu.memref_squeeze %dma_wait3A_116 : memref<1x!tpu.dma_semaphore, #tpu.memory_space<semaphore_mem>> -> memref<!tpu.dma_semaphore, #tpu.memory_space<semaphore_mem>>
    %dma_wait3A_118 = arith.constant 8 : i32
    %dma_wait3A_119 = arith.constant 0 : i32
    %dma_wait3A_120 = tpu.memref_slice %arg6[%dma_wait3A_118, %dma_wait3A_119] : memref<24x4096xf32, #tpu.memory_space<vmem>> -> memref<8x4096xf32, #tpu.memory_space<vmem>>
    %dma_wait3A_121 = arith.constant 0 : i32
    %dma_wait3A_122 = arith.constant 0 : i32
    %dma_wait3A_123 = tpu.memref_slice %arg2[%dma_wait3A_121, %dma_wait3A_122] : memref<8192x4096xf32, #tpu.memory_space<hbm>> -> memref<8x4096xf32, #tpu.memory_space<hbm>>
    tpu.wait_dma2 semaphore(%dma_wait3A_117 : memref<!tpu.dma_semaphore, #tpu.memory_space<semaphore_mem>>) src(%dma_wait3A_123 : memref<8x4096xf32, #tpu.memory_space<hbm>>) dst(%dma_wait3A_120 : memref<8x4096xf32, #tpu.memory_space<vmem>>)
    %add3A_124 = arith.constant 8 : i32
    %add3A_125 = arith.addi %mul3A_32, %add3A_124 : i32
    %lt3A_126 = arith.cmpi slt, %add3A_125, %squeeze3A : i32
    %convert_element_type3A_127 = arith.extui %lt3A_126 : i1 to i32
    %cond3A_128 = arith.constant 0 : i32
    %cond3A_129 = arith.cmpi ne, %convert_element_type3A_127, %cond3A_128 : i32
    scf.if %cond3A_129 {
      %add3A_1822 = arith.addi %mul3A_37, %add3A_125 : i32
      %multiple_of3A_1823 = tpu.assume_multiple %add3A_1822, 8 : i32
      %dma_start3A_1824 = arith.constant 1 : i32
      %dma_start3A_1825 = arith.constant 8 : i32
      %dma_start3A_1826 = arith.constant 0 : i32
      %dma_start3A_1827 = tpu.memref_slice %arg6[%dma_start3A_1825, %dma_start3A_1826] : memref<24x4096xf32, #tpu.memory_space<vmem>> -> memref<8x4096xf32, #tpu.memory_space<vmem>>
      %dma_start3A_1828 = arith.constant 0 : i32
      %dma_start3A_1829 = tpu.memref_slice %arg5[%multiple_of3A_1823, %dma_start3A_1828] : memref<8256x4096xf32, #tpu.memory_space<hbm>> -> memref<8x4096xf32, #tpu.memory_space<hbm>>
      %dma_start3A_1830 = tpu.memref_slice %arg9[%dma_start3A_1824] : memref<3x!tpu.dma_semaphore, #tpu.memory_space<semaphore_mem>> -> memref<1x!tpu.dma_semaphore, #tpu.memory_space<semaphore_mem>>
      %dma_start3A_1831 = tpu.memref_squeeze %dma_start3A_1830 : memref<1x!tpu.dma_semaphore, #tpu.memory_space<semaphore_mem>> -> memref<!tpu.dma_semaphore, #tpu.memory_space<semaphore_mem>>
      %dma_start3A_1832 = arith.constant 0 : i32
      %dma_start3A_1833 = tpu.memref_slice %arg5[%multiple_of3A_1823, %dma_start3A_1832] : memref<8256x4096xf32, #tpu.memory_space<hbm>> -> memref<8x4096xf32, #tpu.memory_space<hbm>>
      %dma_start3A_1834 = arith.constant 8 : i32
      %dma_start3A_1835 = arith.constant 0 : i32
      %dma_start3A_1836 = tpu.memref_slice %arg6[%dma_start3A_1834, %dma_start3A_1835] : memref<24x4096xf32, #tpu.memory_space<vmem>> -> memref<8x4096xf32, #tpu.memory_space<vmem>>
      tpu.enqueue_dma source(%dma_start3A_1836 : memref<8x4096xf32, #tpu.memory_space<vmem>>) target(%dma_start3A_1833 : memref<8x4096xf32, #tpu.memory_space<hbm>>) target_semaphore(%dma_start3A_1831 : memref<!tpu.dma_semaphore, #tpu.memory_space<semaphore_mem>>)
    } else {
    }
    %add3A_130 = arith.constant 8 : i32
    %add3A_131 = arith.addi %add3A_125, %add3A_130 : i32
    %gt3A_132 = arith.cmpi sgt, %add3A_131, %squeeze3A : i32
    %convert_element_type3A_133 = arith.extui %gt3A_132 : i1 to i32
    %cond3A_134 = arith.constant 0 : i32
    %cond3A_135 = arith.cmpi ne, %convert_element_type3A_133, %cond3A_134 : i32
    scf.if %cond3A_135 {
      %add3A_1822 = arith.addi %mul3A_37, %add3A_125 : i32
      %add3A_1823 = arith.constant 16 : i32
      %add3A_1824 = arith.addi %add3A_1822, %add3A_1823 : i32
      %multiple_of3A_1825 = tpu.assume_multiple %add3A_1824, 8 : i32
      %dma_start3A_1826 = arith.constant 1 : i32
      %dma_start3A_1827 = arith.constant 8 : i32
      %dma_start3A_1828 = arith.constant 0 : i32
      %dma_start3A_1829 = tpu.memref_slice %arg6[%dma_start3A_1827, %dma_start3A_1828] : memref<24x4096xf32, #tpu.memory_space<vmem>> -> memref<8x4096xf32, #tpu.memory_space<vmem>>
      %dma_start3A_1830 = arith.constant 0 : i32
      %dma_start3A_1831 = tpu.memref_slice %arg5[%multiple_of3A_1825, %dma_start3A_1830] : memref<8256x4096xf32, #tpu.memory_space<hbm>> -> memref<8x4096xf32, #tpu.memory_space<hbm>>
      %dma_start3A_1832 = tpu.memref_slice %arg9[%dma_start3A_1826] : memref<3x!tpu.dma_semaphore, #tpu.memory_space<semaphore_mem>> -> memref<1x!tpu.dma_semaphore, #tpu.memory_space<semaphore_mem>>
      %dma_start3A_1833 = tpu.memref_squeeze %dma_start3A_1832 : memref<1x!tpu.dma_semaphore, #tpu.memory_space<semaphore_mem>> -> memref<!tpu.dma_semaphore, #tpu.memory_space<semaphore_mem>>
      %dma_start3A_1834 = arith.constant 0 : i32
      %dma_start3A_1835 = tpu.memref_slice %arg5[%multiple_of3A_1825, %dma_start3A_1834] : memref<8256x4096xf32, #tpu.memory_space<hbm>> -> memref<8x4096xf32, #tpu.memory_space<hbm>>
      %dma_start3A_1836 = arith.constant 8 : i32
      %dma_start3A_1837 = arith.constant 0 : i32
      %dma_start3A_1838 = tpu.memref_slice %arg6[%dma_start3A_1836, %dma_start3A_1837] : memref<24x4096xf32, #tpu.memory_space<vmem>> -> memref<8x4096xf32, #tpu.memory_space<vmem>>
      tpu.enqueue_dma source(%dma_start3A_1838 : memref<8x4096xf32, #tpu.memory_space<vmem>>) target(%dma_start3A_1835 : memref<8x4096xf32, #tpu.memory_space<hbm>>) target_semaphore(%dma_start3A_1833 : memref<!tpu.dma_semaphore, #tpu.memory_space<semaphore_mem>>)
    } else {
    }
    %add3A_136 = arith.constant 0 : i32
    %add3A_137 = arith.addi %mul3A_32, %add3A_136 : i32
    %lt3A_138 = arith.cmpi slt, %add3A_137, %squeeze3A : i32
    %convert_element_type3A_139 = arith.extui %lt3A_138 : i1 to i32
    %cond3A_140 = arith.constant 0 : i32
    %cond3A_141 = arith.cmpi ne, %convert_element_type3A_139, %cond3A_140 : i32
    scf.if %cond3A_141 {
      %add3A_1822 = arith.addi %mul3A_37, %add3A_137 : i32
      %multiple_of3A_1823 = tpu.assume_multiple %add3A_1822, 8 : i32
      %dma_wait3A_1824 = arith.constant 0 : i32
      %dma_wait3A_1825 = arith.constant 0 : i32
      %dma_wait3A_1826 = arith.constant 0 : i32
      %dma_wait3A_1827 = tpu.memref_slice %arg6[%dma_wait3A_1825, %dma_wait3A_1826] : memref<24x4096xf32, #tpu.memory_space<vmem>> -> memref<8x4096xf32, #tpu.memory_space<vmem>>
      %dma_wait3A_1828 = arith.constant 0 : i32
      %dma_wait3A_1829 = tpu.memref_slice %arg5[%multiple_of3A_1823, %dma_wait3A_1828] : memref<8256x4096xf32, #tpu.memory_space<hbm>> -> memref<8x4096xf32, #tpu.memory_space<hbm>>
      %dma_wait3A_1830 = tpu.memref_slice %arg9[%dma_wait3A_1824] : memref<3x!tpu.dma_semaphore, #tpu.memory_space<semaphore_mem>> -> memref<1x!tpu.dma_semaphore, #tpu.memory_space<semaphore_mem>>
      %dma_wait3A_1831 = tpu.memref_squeeze %dma_wait3A_1830 : memref<1x!tpu.dma_semaphore, #tpu.memory_space<semaphore_mem>> -> memref<!tpu.dma_semaphore, #tpu.memory_space<semaphore_mem>>
      %dma_wait3A_1832 = arith.constant 0 : i32
      %dma_wait3A_1833 = tpu.memref_slice %arg5[%multiple_of3A_1823, %dma_wait3A_1832] : memref<8256x4096xf32, #tpu.memory_space<hbm>> -> memref<8x4096xf32, #tpu.memory_space<hbm>>
      %dma_wait3A_1834 = arith.constant 0 : i32
      %dma_wait3A_1835 = arith.constant 0 : i32
      %dma_wait3A_1836 = tpu.memref_slice %arg6[%dma_wait3A_1834, %dma_wait3A_1835] : memref<24x4096xf32, #tpu.memory_space<vmem>> -> memref<8x4096xf32, #tpu.memory_space<vmem>>
      tpu.wait_dma2 semaphore(%dma_wait3A_1831 : memref<!tpu.dma_semaphore, #tpu.memory_space<semaphore_mem>>) src(%dma_wait3A_1836 : memref<8x4096xf32, #tpu.memory_space<vmem>>) dst(%dma_wait3A_1833 : memref<8x4096xf32, #tpu.memory_space<hbm>>)
    } else {
    }
    %add3A_142 = arith.constant 8 : i32
    %add3A_143 = arith.addi %add3A_137, %add3A_142 : i32
    %gt3A_144 = arith.cmpi sgt, %add3A_143, %squeeze3A : i32
    %convert_element_type3A_145 = arith.extui %gt3A_144 : i1 to i32
    %cond3A_146 = arith.constant 0 : i32
    %cond3A_147 = arith.cmpi ne, %convert_element_type3A_145, %cond3A_146 : i32
    scf.if %cond3A_147 {
      %add3A_1822 = arith.addi %mul3A_37, %add3A_137 : i32
      %add3A_1823 = arith.constant 16 : i32
      %add3A_1824 = arith.addi %add3A_1822, %add3A_1823 : i32
      %multiple_of3A_1825 = tpu.assume_multiple %add3A_1824, 8 : i32
      %dma_wait3A_1826 = arith.constant 0 : i32
      %dma_wait3A_1827 = arith.constant 0 : i32
      %dma_wait3A_1828 = arith.constant 0 : i32
      %dma_wait3A_1829 = tpu.memref_slice %arg6[%dma_wait3A_1827, %dma_wait3A_1828] : memref<24x4096xf32, #tpu.memory_space<vmem>> -> memref<8x4096xf32, #tpu.memory_space<vmem>>
      %dma_wait3A_1830 = arith.constant 0 : i32
      %dma_wait3A_1831 = tpu.memref_slice %arg5[%multiple_of3A_1825, %dma_wait3A_1830] : memref<8256x4096xf32, #tpu.memory_space<hbm>> -> memref<8x4096xf32, #tpu.memory_space<hbm>>
      %dma_wait3A_1832 = tpu.memref_slice %arg9[%dma_wait3A_1826] : memref<3x!tpu.dma_semaphore, #tpu.memory_space<semaphore_mem>> -> memref<1x!tpu.dma_semaphore, #tpu.memory_space<semaphore_mem>>
      %dma_wait3A_1833 = tpu.memref_squeeze %dma_wait3A_1832 : memref<1x!tpu.dma_semaphore, #tpu.memory_space<semaphore_mem>> -> memref<!tpu.dma_semaphore, #tpu.memory_space<semaphore_mem>>
      %dma_wait3A_1834 = arith.constant 0 : i32
      %dma_wait3A_1835 = tpu.memref_slice %arg5[%multiple_of3A_1825, %dma_wait3A_1834] : memref<8256x4096xf32, #tpu.memory_space<hbm>> -> memref<8x4096xf32, #tpu.memory_space<hbm>>
      %dma_wait3A_1836 = arith.constant 0 : i32
      %dma_wait3A_1837 = arith.constant 0 : i32
      %dma_wait3A_1838 = tpu.memref_slice %arg6[%dma_wait3A_1836, %dma_wait3A_1837] : memref<24x4096xf32, #tpu.memory_space<vmem>> -> memref<8x4096xf32, #tpu.memory_space<vmem>>
      tpu.wait_dma2 semaphore(%dma_wait3A_1833 : memref<!tpu.dma_semaphore, #tpu.memory_space<semaphore_mem>>) src(%dma_wait3A_1838 : memref<8x4096xf32, #tpu.memory_space<vmem>>) dst(%dma_wait3A_1835 : memref<8x4096xf32, #tpu.memory_space<hbm>>)
    } else {
    }
    %add3A_148 = arith.constant 24 : i32
    %add3A_149 = arith.addi %add3A_35, %add3A_148 : i32
    %multiple_of3A_150 = tpu.assume_multiple %add3A_149, 8 : i32
    %dma_start3A_151 = arith.constant 0 : i32
    %dma_start3A_152 = arith.constant 0 : i32
    %dma_start3A_153 = arith.constant 0 : i32
    %dma_start3A_154 = tpu.memref_slice %arg6[%dma_start3A_152, %dma_start3A_153] : memref<24x4096xf32, #tpu.memory_space<vmem>> -> memref<8x4096xf32, #tpu.memory_space<vmem>>
    %dma_start3A_155 = arith.constant 0 : i32
    %dma_start3A_156 = tpu.memref_slice %arg2[%multiple_of3A_150, %dma_start3A_155] : memref<8192x4096xf32, #tpu.memory_space<hbm>> -> memref<8x4096xf32, #tpu.memory_space<hbm>>
    %dma_start3A_157 = tpu.memref_slice %arg8[%dma_start3A_151] : memref<3x!tpu.dma_semaphore, #tpu.memory_space<semaphore_mem>> -> memref<1x!tpu.dma_semaphore, #tpu.memory_space<semaphore_mem>>
    %dma_start3A_158 = tpu.memref_squeeze %dma_start3A_157 : memref<1x!tpu.dma_semaphore, #tpu.memory_space<semaphore_mem>> -> memref<!tpu.dma_semaphore, #tpu.memory_space<semaphore_mem>>
    %dma_start3A_159 = arith.constant 0 : i32
    %dma_start3A_160 = arith.constant 0 : i32
    %dma_start3A_161 = tpu.memref_slice %arg6[%dma_start3A_159, %dma_start3A_160] : memref<24x4096xf32, #tpu.memory_space<vmem>> -> memref<8x4096xf32, #tpu.memory_space<vmem>>
    %dma_start3A_162 = arith.constant 0 : i32
    %dma_start3A_163 = tpu.memref_slice %arg2[%multiple_of3A_150, %dma_start3A_162] : memref<8192x4096xf32, #tpu.memory_space<hbm>> -> memref<8x4096xf32, #tpu.memory_space<hbm>>
    tpu.enqueue_dma source(%dma_start3A_163 : memref<8x4096xf32, #tpu.memory_space<hbm>>) target(%dma_start3A_161 : memref<8x4096xf32, #tpu.memory_space<vmem>>) target_semaphore(%dma_start3A_158 : memref<!tpu.dma_semaphore, #tpu.memory_space<semaphore_mem>>)
    %dma_wait3A_164 = arith.constant 2 : i32
    %dma_wait3A_165 = arith.constant 16 : i32
    %dma_wait3A_166 = arith.constant 0 : i32
    %dma_wait3A_167 = tpu.memref_slice %arg6[%dma_wait3A_165, %dma_wait3A_166] : memref<24x4096xf32, #tpu.memory_space<vmem>> -> memref<8x4096xf32, #tpu.memory_space<vmem>>
    %dma_wait3A_168 = arith.constant 0 : i32
    %dma_wait3A_169 = arith.constant 0 : i32
    %dma_wait3A_170 = tpu.memref_slice %arg2[%dma_wait3A_168, %dma_wait3A_169] : memref<8192x4096xf32, #tpu.memory_space<hbm>> -> memref<8x4096xf32, #tpu.memory_space<hbm>>
    %dma_wait3A_171 = tpu.memref_slice %arg8[%dma_wait3A_164] : memref<3x!tpu.dma_semaphore, #tpu.memory_space<semaphore_mem>> -> memref<1x!tpu.dma_semaphore, #tpu.memory_space<semaphore_mem>>
    %dma_wait3A_172 = tpu.memref_squeeze %dma_wait3A_171 : memref<1x!tpu.dma_semaphore, #tpu.memory_space<semaphore_mem>> -> memref<!tpu.dma_semaphore, #tpu.memory_space<semaphore_mem>>
    %dma_wait3A_173 = arith.constant 16 : i32
    %dma_wait3A_174 = arith.constant 0 : i32
    %dma_wait3A_175 = tpu.memref_slice %arg6[%dma_wait3A_173, %dma_wait3A_174] : memref<24x4096xf32, #tpu.memory_space<vmem>> -> memref<8x4096xf32, #tpu.memory_space<vmem>>
    %dma_wait3A_176 = arith.constant 0 : i32
    %dma_wait3A_177 = arith.constant 0 : i32
    %dma_wait3A_178 = tpu.memref_slice %arg2[%dma_wait3A_176, %dma_wait3A_177] : memref<8192x4096xf32, #tpu.memory_space<hbm>> -> memref<8x4096xf32, #tpu.memory_space<hbm>>
    tpu.wait_dma2 semaphore(%dma_wait3A_172 : memref<!tpu.dma_semaphore, #tpu.memory_space<semaphore_mem>>) src(%dma_wait3A_178 : memref<8x4096xf32, #tpu.memory_space<hbm>>) dst(%dma_wait3A_175 : memref<8x4096xf32, #tpu.memory_space<vmem>>)
    %add3A_179 = arith.constant 16 : i32
    %add3A_180 = arith.addi %mul3A_32, %add3A_179 : i32
    %lt3A_181 = arith.cmpi slt, %add3A_180, %squeeze3A : i32
    %convert_element_type3A_182 = arith.extui %lt3A_181 : i1 to i32
    %cond3A_183 = arith.constant 0 : i32
    %cond3A_184 = arith.cmpi ne, %convert_element_type3A_182, %cond3A_183 : i32
    scf.if %cond3A_184 {
      %add3A_1822 = arith.addi %mul3A_37, %add3A_180 : i32
      %multiple_of3A_1823 = tpu.assume_multiple %add3A_1822, 8 : i32
      %dma_start3A_1824 = arith.constant 2 : i32
      %dma_start3A_1825 = arith.constant 16 : i32
      %dma_start3A_1826 = arith.constant 0 : i32
      %dma_start3A_1827 = tpu.memref_slice %arg6[%dma_start3A_1825, %dma_start3A_1826] : memref<24x4096xf32, #tpu.memory_space<vmem>> -> memref<8x4096xf32, #tpu.memory_space<vmem>>
      %dma_start3A_1828 = arith.constant 0 : i32
      %dma_start3A_1829 = tpu.memref_slice %arg5[%multiple_of3A_1823, %dma_start3A_1828] : memref<8256x4096xf32, #tpu.memory_space<hbm>> -> memref<8x4096xf32, #tpu.memory_space<hbm>>
      %dma_start3A_1830 = tpu.memref_slice %arg9[%dma_start3A_1824] : memref<3x!tpu.dma_semaphore, #tpu.memory_space<semaphore_mem>> -> memref<1x!tpu.dma_semaphore, #tpu.memory_space<semaphore_mem>>
      %dma_start3A_1831 = tpu.memref_squeeze %dma_start3A_1830 : memref<1x!tpu.dma_semaphore, #tpu.memory_space<semaphore_mem>> -> memref<!tpu.dma_semaphore, #tpu.memory_space<semaphore_mem>>
      %dma_start3A_1832 = arith.constant 0 : i32
      %dma_start3A_1833 = tpu.memref_slice %arg5[%multiple_of3A_1823, %dma_start3A_1832] : memref<8256x4096xf32, #tpu.memory_space<hbm>> -> memref<8x4096xf32, #tpu.memory_space<hbm>>
      %dma_start3A_1834 = arith.constant 16 : i32
      %dma_start3A_1835 = arith.constant 0 : i32
      %dma_start3A_1836 = tpu.memref_slice %arg6[%dma_start3A_1834, %dma_start3A_1835] : memref<24x4096xf32, #tpu.memory_space<vmem>> -> memref<8x4096xf32, #tpu.memory_space<vmem>>
      tpu.enqueue_dma source(%dma_start3A_1836 : memref<8x4096xf32, #tpu.memory_space<vmem>>) target(%dma_start3A_1833 : memref<8x4096xf32, #tpu.memory_space<hbm>>) target_semaphore(%dma_start3A_1831 : memref<!tpu.dma_semaphore, #tpu.memory_space<semaphore_mem>>)
    } else {
    }
    %add3A_185 = arith.constant 8 : i32
    %add3A_186 = arith.addi %add3A_180, %add3A_185 : i32
    %gt3A_187 = arith.cmpi sgt, %add3A_186, %squeeze3A : i32
    %convert_element_type3A_188 = arith.extui %gt3A_187 : i1 to i32
    %cond3A_189 = arith.constant 0 : i32
    %cond3A_190 = arith.cmpi ne, %convert_element_type3A_188, %cond3A_189 : i32
    scf.if %cond3A_190 {
      %add3A_1822 = arith.addi %mul3A_37, %add3A_180 : i32
      %add3A_1823 = arith.constant 16 : i32
      %add3A_1824 = arith.addi %add3A_1822, %add3A_1823 : i32
      %multiple_of3A_1825 = tpu.assume_multiple %add3A_1824, 8 : i32
      %dma_start3A_1826 = arith.constant 2 : i32
      %dma_start3A_1827 = arith.constant 16 : i32
      %dma_start3A_1828 = arith.constant 0 : i32
      %dma_start3A_1829 = tpu.memref_slice %arg6[%dma_start3A_1827, %dma_start3A_1828] : memref<24x4096xf32, #tpu.memory_space<vmem>> -> memref<8x4096xf32, #tpu.memory_space<vmem>>
      %dma_start3A_1830 = arith.constant 0 : i32
      %dma_start3A_1831 = tpu.memref_slice %arg5[%multiple_of3A_1825, %dma_start3A_1830] : memref<8256x4096xf32, #tpu.memory_space<hbm>> -> memref<8x4096xf32, #tpu.memory_space<hbm>>
      %dma_start3A_1832 = tpu.memref_slice %arg9[%dma_start3A_1826] : memref<3x!tpu.dma_semaphore, #tpu.memory_space<semaphore_mem>> -> memref<1x!tpu.dma_semaphore, #tpu.memory_space<semaphore_mem>>
      %dma_start3A_1833 = tpu.memref_squeeze %dma_start3A_1832 : memref<1x!tpu.dma_semaphore, #tpu.memory_space<semaphore_mem>> -> memref<!tpu.dma_semaphore, #tpu.memory_space<semaphore_mem>>
      %dma_start3A_1834 = arith.constant 0 : i32
      %dma_start3A_1835 = tpu.memref_slice %arg5[%multiple_of3A_1825, %dma_start3A_1834] : memref<8256x4096xf32, #tpu.memory_space<hbm>> -> memref<8x4096xf32, #tpu.memory_space<hbm>>
      %dma_start3A_1836 = arith.constant 16 : i32
      %dma_start3A_1837 = arith.constant 0 : i32
      %dma_start3A_1838 = tpu.memref_slice %arg6[%dma_start3A_1836, %dma_start3A_1837] : memref<24x4096xf32, #tpu.memory_space<vmem>> -> memref<8x4096xf32, #tpu.memory_space<vmem>>
      tpu.enqueue_dma source(%dma_start3A_1838 : memref<8x4096xf32, #tpu.memory_space<vmem>>) target(%dma_start3A_1835 : memref<8x4096xf32, #tpu.memory_space<hbm>>) target_semaphore(%dma_start3A_1833 : memref<!tpu.dma_semaphore, #tpu.memory_space<semaphore_mem>>)
    } else {
    }
    %add3A_191 = arith.constant 8 : i32
    %add3A_192 = arith.addi %mul3A_32, %add3A_191 : i32
    %lt3A_193 = arith.cmpi slt, %add3A_192, %squeeze3A : i32
    %convert_element_type3A_194 = arith.extui %lt3A_193 : i1 to i32
    %cond3A_195 = arith.constant 0 : i32
    %cond3A_196 = arith.cmpi ne, %convert_element_type3A_194, %cond3A_195 : i32
    scf.if %cond3A_196 {
      %add3A_1822 = arith.addi %mul3A_37, %add3A_192 : i32
      %multiple_of3A_1823 = tpu.assume_multiple %add3A_1822, 8 : i32
      %dma_wait3A_1824 = arith.constant 1 : i32
      %dma_wait3A_1825 = arith.constant 8 : i32
      %dma_wait3A_1826 = arith.constant 0 : i32
      %dma_wait3A_1827 = tpu.memref_slice %arg6[%dma_wait3A_1825, %dma_wait3A_1826] : memref<24x4096xf32, #tpu.memory_space<vmem>> -> memref<8x4096xf32, #tpu.memory_space<vmem>>
      %dma_wait3A_1828 = arith.constant 0 : i32
      %dma_wait3A_1829 = tpu.memref_slice %arg5[%multiple_of3A_1823, %dma_wait3A_1828] : memref<8256x4096xf32, #tpu.memory_space<hbm>> -> memref<8x4096xf32, #tpu.memory_space<hbm>>
      %dma_wait3A_1830 = tpu.memref_slice %arg9[%dma_wait3A_1824] : memref<3x!tpu.dma_semaphore, #tpu.memory_space<semaphore_mem>> -> memref<1x!tpu.dma_semaphore, #tpu.memory_space<semaphore_mem>>
      %dma_wait3A_1831 = tpu.memref_squeeze %dma_wait3A_1830 : memref<1x!tpu.dma_semaphore, #tpu.memory_space<semaphore_mem>> -> memref<!tpu.dma_semaphore, #tpu.memory_space<semaphore_mem>>
      %dma_wait3A_1832 = arith.constant 0 : i32
      %dma_wait3A_1833 = tpu.memref_slice %arg5[%multiple_of3A_1823, %dma_wait3A_1832] : memref<8256x4096xf32, #tpu.memory_space<hbm>> -> memref<8x4096xf32, #tpu.memory_space<hbm>>
      %dma_wait3A_1834 = arith.constant 8 : i32
      %dma_wait3A_1835 = arith.constant 0 : i32
      %dma_wait3A_1836 = tpu.memref_slice %arg6[%dma_wait3A_1834, %dma_wait3A_1835] : memref<24x4096xf32, #tpu.memory_space<vmem>> -> memref<8x4096xf32, #tpu.memory_space<vmem>>
      tpu.wait_dma2 semaphore(%dma_wait3A_1831 : memref<!tpu.dma_semaphore, #tpu.memory_space<semaphore_mem>>) src(%dma_wait3A_1836 : memref<8x4096xf32, #tpu.memory_space<vmem>>) dst(%dma_wait3A_1833 : memref<8x4096xf32, #tpu.memory_space<hbm>>)
    } else {
    }
    %add3A_197 = arith.constant 8 : i32
    %add3A_198 = arith.addi %add3A_192, %add3A_197 : i32
    %gt3A_199 = arith.cmpi sgt, %add3A_198, %squeeze3A : i32
    %convert_element_type3A_200 = arith.extui %gt3A_199 : i1 to i32
    %cond3A_201 = arith.constant 0 : i32
    %cond3A_202 = arith.cmpi ne, %convert_element_type3A_200, %cond3A_201 : i32
    scf.if %cond3A_202 {
      %add3A_1822 = arith.addi %mul3A_37, %add3A_192 : i32
      %add3A_1823 = arith.constant 16 : i32
      %add3A_1824 = arith.addi %add3A_1822, %add3A_1823 : i32
      %multiple_of3A_1825 = tpu.assume_multiple %add3A_1824, 8 : i32
      %dma_wait3A_1826 = arith.constant 1 : i32
      %dma_wait3A_1827 = arith.constant 8 : i32
      %dma_wait3A_1828 = arith.constant 0 : i32
      %dma_wait3A_1829 = tpu.memref_slice %arg6[%dma_wait3A_1827, %dma_wait3A_1828] : memref<24x4096xf32, #tpu.memory_space<vmem>> -> memref<8x4096xf32, #tpu.memory_space<vmem>>
      %dma_wait3A_1830 = arith.constant 0 : i32
      %dma_wait3A_1831 = tpu.memref_slice %arg5[%multiple_of3A_1825, %dma_wait3A_1830] : memref<8256x4096xf32, #tpu.memory_space<hbm>> -> memref<8x4096xf32, #tpu.memory_space<hbm>>
      %dma_wait3A_1832 = tpu.memref_slice %arg9[%dma_wait3A_1826] : memref<3x!tpu.dma_semaphore, #tpu.memory_space<semaphore_mem>> -> memref<1x!tpu.dma_semaphore, #tpu.memory_space<semaphore_mem>>
      %dma_wait3A_1833 = tpu.memref_squeeze %dma_wait3A_1832 : memref<1x!tpu.dma_semaphore, #tpu.memory_space<semaphore_mem>> -> memref<!tpu.dma_semaphore, #tpu.memory_space<semaphore_mem>>
      %dma_wait3A_1834 = arith.constant 0 : i32
      %dma_wait3A_1835 = tpu.memref_slice %arg5[%multiple_of3A_1825, %dma_wait3A_1834] : memref<8256x4096xf32, #tpu.memory_space<hbm>> -> memref<8x4096xf32, #tpu.memory_space<hbm>>
      %dma_wait3A_1836 = arith.constant 8 : i32
      %dma_wait3A_1837 = arith.constant 0 : i32
      %dma_wait3A_1838 = tpu.memref_slice %arg6[%dma_wait3A_1836, %dma_wait3A_1837] : memref<24x4096xf32, #tpu.memory_space<vmem>> -> memref<8x4096xf32, #tpu.memory_space<vmem>>
      tpu.wait_dma2 semaphore(%dma_wait3A_1833 : memref<!tpu.dma_semaphore, #tpu.memory_space<semaphore_mem>>) src(%dma_wait3A_1838 : memref<8x4096xf32, #tpu.memory_space<vmem>>) dst(%dma_wait3A_1835 : memref<8x4096xf32, #tpu.memory_space<hbm>>)
    } else {
    }
    %add3A_203 = arith.constant 32 : i32
    %add3A_204 = arith.addi %add3A_35, %add3A_203 : i32
    %multiple_of3A_205 = tpu.assume_multiple %add3A_204, 8 : i32
    %dma_start3A_206 = arith.constant 1 : i32
    %dma_start3A_207 = arith.constant 8 : i32
    %dma_start3A_208 = arith.constant 0 : i32
    %dma_start3A_209 = tpu.memref_slice %arg6[%dma_start3A_207, %dma_start3A_208] : memref<24x4096xf32, #tpu.memory_space<vmem>> -> memref<8x4096xf32, #tpu.memory_space<vmem>>
    %dma_start3A_210 = arith.constant 0 : i32
    %dma_start3A_211 = tpu.memref_slice %arg2[%multiple_of3A_205, %dma_start3A_210] : memref<8192x4096xf32, #tpu.memory_space<hbm>> -> memref<8x4096xf32, #tpu.memory_space<hbm>>
    %dma_start3A_212 = tpu.memref_slice %arg8[%dma_start3A_206] : memref<3x!tpu.dma_semaphore, #tpu.memory_space<semaphore_mem>> -> memref<1x!tpu.dma_semaphore, #tpu.memory_space<semaphore_mem>>
    %dma_start3A_213 = tpu.memref_squeeze %dma_start3A_212 : memref<1x!tpu.dma_semaphore, #tpu.memory_space<semaphore_mem>> -> memref<!tpu.dma_semaphore, #tpu.memory_space<semaphore_mem>>
    %dma_start3A_214 = arith.constant 8 : i32
    %dma_start3A_215 = arith.constant 0 : i32
    %dma_start3A_216 = tpu.memref_slice %arg6[%dma_start3A_214, %dma_start3A_215] : memref<24x4096xf32, #tpu.memory_space<vmem>> -> memref<8x4096xf32, #tpu.memory_space<vmem>>
    %dma_start3A_217 = arith.constant 0 : i32
    %dma_start3A_218 = tpu.memref_slice %arg2[%multiple_of3A_205, %dma_start3A_217] : memref<8192x4096xf32, #tpu.memory_space<hbm>> -> memref<8x4096xf32, #tpu.memory_space<hbm>>
    tpu.enqueue_dma source(%dma_start3A_218 : memref<8x4096xf32, #tpu.memory_space<hbm>>) target(%dma_start3A_216 : memref<8x4096xf32, #tpu.memory_space<vmem>>) target_semaphore(%dma_start3A_213 : memref<!tpu.dma_semaphore, #tpu.memory_space<semaphore_mem>>)
    %dma_wait3A_219 = arith.constant 0 : i32
    %dma_wait3A_220 = arith.constant 0 : i32
    %dma_wait3A_221 = arith.constant 0 : i32
    %dma_wait3A_222 = tpu.memref_slice %arg6[%dma_wait3A_220, %dma_wait3A_221] : memref<24x4096xf32, #tpu.memory_space<vmem>> -> memref<8x4096xf32, #tpu.memory_space<vmem>>
    %dma_wait3A_223 = arith.constant 0 : i32
    %dma_wait3A_224 = arith.constant 0 : i32
    %dma_wait3A_225 = tpu.memref_slice %arg2[%dma_wait3A_223, %dma_wait3A_224] : memref<8192x4096xf32, #tpu.memory_space<hbm>> -> memref<8x4096xf32, #tpu.memory_space<hbm>>
    %dma_wait3A_226 = tpu.memref_slice %arg8[%dma_wait3A_219] : memref<3x!tpu.dma_semaphore, #tpu.memory_space<semaphore_mem>> -> memref<1x!tpu.dma_semaphore, #tpu.memory_space<semaphore_mem>>
    %dma_wait3A_227 = tpu.memref_squeeze %dma_wait3A_226 : memref<1x!tpu.dma_semaphore, #tpu.memory_space<semaphore_mem>> -> memref<!tpu.dma_semaphore, #tpu.memory_space<semaphore_mem>>
    %dma_wait3A_228 = arith.constant 0 : i32
    %dma_wait3A_229 = arith.constant 0 : i32
    %dma_wait3A_230 = tpu.memref_slice %arg6[%dma_wait3A_228, %dma_wait3A_229] : memref<24x4096xf32, #tpu.memory_space<vmem>> -> memref<8x4096xf32, #tpu.memory_space<vmem>>
    %dma_wait3A_231 = arith.constant 0 : i32
    %dma_wait3A_232 = arith.constant 0 : i32
    %dma_wait3A_233 = tpu.memref_slice %arg2[%dma_wait3A_231, %dma_wait3A_232] : memref<8192x4096xf32, #tpu.memory_space<hbm>> -> memref<8x4096xf32, #tpu.memory_space<hbm>>
    tpu.wait_dma2 semaphore(%dma_wait3A_227 : memref<!tpu.dma_semaphore, #tpu.memory_space<semaphore_mem>>) src(%dma_wait3A_233 : memref<8x4096xf32, #tpu.memory_space<hbm>>) dst(%dma_wait3A_230 : memref<8x4096xf32, #tpu.memory_space<vmem>>)
    %add3A_234 = arith.constant 24 : i32
    %add3A_235 = arith.addi %mul3A_32, %add3A_234 : i32
    %lt3A_236 = arith.cmpi slt, %add3A_235, %squeeze3A : i32
    %convert_element_type3A_237 = arith.extui %lt3A_236 : i1 to i32
    %cond3A_238 = arith.constant 0 : i32
    %cond3A_239 = arith.cmpi ne, %convert_element_type3A_237, %cond3A_238 : i32
    scf.if %cond3A_239 {
      %add3A_1822 = arith.addi %mul3A_37, %add3A_235 : i32
      %multiple_of3A_1823 = tpu.assume_multiple %add3A_1822, 8 : i32
      %dma_start3A_1824 = arith.constant 0 : i32
      %dma_start3A_1825 = arith.constant 0 : i32
      %dma_start3A_1826 = arith.constant 0 : i32
      %dma_start3A_1827 = tpu.memref_slice %arg6[%dma_start3A_1825, %dma_start3A_1826] : memref<24x4096xf32, #tpu.memory_space<vmem>> -> memref<8x4096xf32, #tpu.memory_space<vmem>>
      %dma_start3A_1828 = arith.constant 0 : i32
      %dma_start3A_1829 = tpu.memref_slice %arg5[%multiple_of3A_1823, %dma_start3A_1828] : memref<8256x4096xf32, #tpu.memory_space<hbm>> -> memref<8x4096xf32, #tpu.memory_space<hbm>>
      %dma_start3A_1830 = tpu.memref_slice %arg9[%dma_start3A_1824] : memref<3x!tpu.dma_semaphore, #tpu.memory_space<semaphore_mem>> -> memref<1x!tpu.dma_semaphore, #tpu.memory_space<semaphore_mem>>
      %dma_start3A_1831 = tpu.memref_squeeze %dma_start3A_1830 : memref<1x!tpu.dma_semaphore, #tpu.memory_space<semaphore_mem>> -> memref<!tpu.dma_semaphore, #tpu.memory_space<semaphore_mem>>
      %dma_start3A_1832 = arith.constant 0 : i32
      %dma_start3A_1833 = tpu.memref_slice %arg5[%multiple_of3A_1823, %dma_start3A_1832] : memref<8256x4096xf32, #tpu.memory_space<hbm>> -> memref<8x4096xf32, #tpu.memory_space<hbm>>
      %dma_start3A_1834 = arith.constant 0 : i32
      %dma_start3A_1835 = arith.constant 0 : i32
      %dma_start3A_1836 = tpu.memref_slice %arg6[%dma_start3A_1834, %dma_start3A_1835] : memref<24x4096xf32, #tpu.memory_space<vmem>> -> memref<8x4096xf32, #tpu.memory_space<vmem>>
      tpu.enqueue_dma source(%dma_start3A_1836 : memref<8x4096xf32, #tpu.memory_space<vmem>>) target(%dma_start3A_1833 : memref<8x4096xf32, #tpu.memory_space<hbm>>) target_semaphore(%dma_start3A_1831 : memref<!tpu.dma_semaphore, #tpu.memory_space<semaphore_mem>>)
    } else {
    }
    %add3A_240 = arith.constant 8 : i32
    %add3A_241 = arith.addi %add3A_235, %add3A_240 : i32
    %gt3A_242 = arith.cmpi sgt, %add3A_241, %squeeze3A : i32
    %convert_element_type3A_243 = arith.extui %gt3A_242 : i1 to i32
    %cond3A_244 = arith.constant 0 : i32
    %cond3A_245 = arith.cmpi ne, %convert_element_type3A_243, %cond3A_244 : i32
    scf.if %cond3A_245 {
      %add3A_1822 = arith.addi %mul3A_37, %add3A_235 : i32
      %add3A_1823 = arith.constant 16 : i32
      %add3A_1824 = arith.addi %add3A_1822, %add3A_1823 : i32
      %multiple_of3A_1825 = tpu.assume_multiple %add3A_1824, 8 : i32
      %dma_start3A_1826 = arith.constant 0 : i32
      %dma_start3A_1827 = arith.constant 0 : i32
      %dma_start3A_1828 = arith.constant 0 : i32
      %dma_start3A_1829 = tpu.memref_slice %arg6[%dma_start3A_1827, %dma_start3A_1828] : memref<24x4096xf32, #tpu.memory_space<vmem>> -> memref<8x4096xf32, #tpu.memory_space<vmem>>
      %dma_start3A_1830 = arith.constant 0 : i32
      %dma_start3A_1831 = tpu.memref_slice %arg5[%multiple_of3A_1825, %dma_start3A_1830] : memref<8256x4096xf32, #tpu.memory_space<hbm>> -> memref<8x4096xf32, #tpu.memory_space<hbm>>
      %dma_start3A_1832 = tpu.memref_slice %arg9[%dma_start3A_1826] : memref<3x!tpu.dma_semaphore, #tpu.memory_space<semaphore_mem>> -> memref<1x!tpu.dma_semaphore, #tpu.memory_space<semaphore_mem>>
      %dma_start3A_1833 = tpu.memref_squeeze %dma_start3A_1832 : memref<1x!tpu.dma_semaphore, #tpu.memory_space<semaphore_mem>> -> memref<!tpu.dma_semaphore, #tpu.memory_space<semaphore_mem>>
      %dma_start3A_1834 = arith.constant 0 : i32
      %dma_start3A_1835 = tpu.memref_slice %arg5[%multiple_of3A_1825, %dma_start3A_1834] : memref<8256x4096xf32, #tpu.memory_space<hbm>> -> memref<8x4096xf32, #tpu.memory_space<hbm>>
      %dma_start3A_1836 = arith.constant 0 : i32
      %dma_start3A_1837 = arith.constant 0 : i32
      %dma_start3A_1838 = tpu.memref_slice %arg6[%dma_start3A_1836, %dma_start3A_1837] : memref<24x4096xf32, #tpu.memory_space<vmem>> -> memref<8x4096xf32, #tpu.memory_space<vmem>>
      tpu.enqueue_dma source(%dma_start3A_1838 : memref<8x4096xf32, #tpu.memory_space<vmem>>) target(%dma_start3A_1835 : memref<8x4096xf32, #tpu.memory_space<hbm>>) target_semaphore(%dma_start3A_1833 : memref<!tpu.dma_semaphore, #tpu.memory_space<semaphore_mem>>)
    } else {
    }
    %add3A_246 = arith.constant 16 : i32
    %add3A_247 = arith.addi %mul3A_32, %add3A_246 : i32
    %lt3A_248 = arith.cmpi slt, %add3A_247, %squeeze3A : i32
    %convert_element_type3A_249 = arith.extui %lt3A_248 : i1 to i32
    %cond3A_250 = arith.constant 0 : i32
    %cond3A_251 = arith.cmpi ne, %convert_element_type3A_249, %cond3A_250 : i32
    scf.if %cond3A_251 {
      %add3A_1822 = arith.addi %mul3A_37, %add3A_247 : i32
      %multiple_of3A_1823 = tpu.assume_multiple %add3A_1822, 8 : i32
      %dma_wait3A_1824 = arith.constant 2 : i32
      %dma_wait3A_1825 = arith.constant 16 : i32
      %dma_wait3A_1826 = arith.constant 0 : i32
      %dma_wait3A_1827 = tpu.memref_slice %arg6[%dma_wait3A_1825, %dma_wait3A_1826] : memref<24x4096xf32, #tpu.memory_space<vmem>> -> memref<8x4096xf32, #tpu.memory_space<vmem>>
      %dma_wait3A_1828 = arith.constant 0 : i32
      %dma_wait3A_1829 = tpu.memref_slice %arg5[%multiple_of3A_1823, %dma_wait3A_1828] : memref<8256x4096xf32, #tpu.memory_space<hbm>> -> memref<8x4096xf32, #tpu.memory_space<hbm>>
      %dma_wait3A_1830 = tpu.memref_slice %arg9[%dma_wait3A_1824] : memref<3x!tpu.dma_semaphore, #tpu.memory_space<semaphore_mem>> -> memref<1x!tpu.dma_semaphore, #tpu.memory_space<semaphore_mem>>
      %dma_wait3A_1831 = tpu.memref_squeeze %dma_wait3A_1830 : memref<1x!tpu.dma_semaphore, #tpu.memory_space<semaphore_mem>> -> memref<!tpu.dma_semaphore, #tpu.memory_space<semaphore_mem>>
      %dma_wait3A_1832 = arith.constant 0 : i32
      %dma_wait3A_1833 = tpu.memref_slice %arg5[%multiple_of3A_1823, %dma_wait3A_1832] : memref<8256x4096xf32, #tpu.memory_space<hbm>> -> memref<8x4096xf32, #tpu.memory_space<hbm>>
      %dma_wait3A_1834 = arith.constant 16 : i32
      %dma_wait3A_1835 = arith.constant 0 : i32
      %dma_wait3A_1836 = tpu.memref_slice %arg6[%dma_wait3A_1834, %dma_wait3A_1835] : memref<24x4096xf32, #tpu.memory_space<vmem>> -> memref<8x4096xf32, #tpu.memory_space<vmem>>
      tpu.wait_dma2 semaphore(%dma_wait3A_1831 : memref<!tpu.dma_semaphore, #tpu.memory_space<semaphore_mem>>) src(%dma_wait3A_1836 : memref<8x4096xf32, #tpu.memory_space<vmem>>) dst(%dma_wait3A_1833 : memref<8x4096xf32, #tpu.memory_space<hbm>>)
    } else {
    }
    %add3A_252 = arith.constant 8 : i32
    %add3A_253 = arith.addi %add3A_247, %add3A_252 : i32
    %gt3A_254 = arith.cmpi sgt, %add3A_253, %squeeze3A : i32
    %convert_element_type3A_255 = arith.extui %gt3A_254 : i1 to i32
    %cond3A_256 = arith.constant 0 : i32
    %cond3A_257 = arith.cmpi ne, %convert_element_type3A_255, %cond3A_256 : i32
    scf.if %cond3A_257 {
      %add3A_1822 = arith.addi %mul3A_37, %add3A_247 : i32
      %add3A_1823 = arith.constant 16 : i32
      %add3A_1824 = arith.addi %add3A_1822, %add3A_1823 : i32
      %multiple_of3A_1825 = tpu.assume_multiple %add3A_1824, 8 : i32
      %dma_wait3A_1826 = arith.constant 2 : i32
      %dma_wait3A_1827 = arith.constant 16 : i32
      %dma_wait3A_1828 = arith.constant 0 : i32
      %dma_wait3A_1829 = tpu.memref_slice %arg6[%dma_wait3A_1827, %dma_wait3A_1828] : memref<24x4096xf32, #tpu.memory_space<vmem>> -> memref<8x4096xf32, #tpu.memory_space<vmem>>
      %dma_wait3A_1830 = arith.constant 0 : i32
      %dma_wait3A_1831 = tpu.memref_slice %arg5[%multiple_of3A_1825, %dma_wait3A_1830] : memref<8256x4096xf32, #tpu.memory_space<hbm>> -> memref<8x4096xf32, #tpu.memory_space<hbm>>
      %dma_wait3A_1832 = tpu.memref_slice %arg9[%dma_wait3A_1826] : memref<3x!tpu.dma_semaphore, #tpu.memory_space<semaphore_mem>> -> memref<1x!tpu.dma_semaphore, #tpu.memory_space<semaphore_mem>>
      %dma_wait3A_1833 = tpu.memref_squeeze %dma_wait3A_1832 : memref<1x!tpu.dma_semaphore, #tpu.memory_space<semaphore_mem>> -> memref<!tpu.dma_semaphore, #tpu.memory_space<semaphore_mem>>
      %dma_wait3A_1834 = arith.constant 0 : i32
      %dma_wait3A_1835 = tpu.memref_slice %arg5[%multiple_of3A_1825, %dma_wait3A_1834] : memref<8256x4096xf32, #tpu.memory_space<hbm>> -> memref<8x4096xf32, #tpu.memory_space<hbm>>
      %dma_wait3A_1836 = arith.constant 16 : i32
      %dma_wait3A_1837 = arith.constant 0 : i32
      %dma_wait3A_1838 = tpu.memref_slice %arg6[%dma_wait3A_1836, %dma_wait3A_1837] : memref<24x4096xf32, #tpu.memory_space<vmem>> -> memref<8x4096xf32, #tpu.memory_space<vmem>>
      tpu.wait_dma2 semaphore(%dma_wait3A_1833 : memref<!tpu.dma_semaphore, #tpu.memory_space<semaphore_mem>>) src(%dma_wait3A_1838 : memref<8x4096xf32, #tpu.memory_space<vmem>>) dst(%dma_wait3A_1835 : memref<8x4096xf32, #tpu.memory_space<hbm>>)
    } else {
    }
    %add3A_258 = arith.constant 40 : i32
    %add3A_259 = arith.addi %add3A_35, %add3A_258 : i32
    %multiple_of3A_260 = tpu.assume_multiple %add3A_259, 8 : i32
    %dma_start3A_261 = arith.constant 2 : i32
    %dma_start3A_262 = arith.constant 16 : i32
    %dma_start3A_263 = arith.constant 0 : i32
    %dma_start3A_264 = tpu.memref_slice %arg6[%dma_start3A_262, %dma_start3A_263] : memref<24x4096xf32, #tpu.memory_space<vmem>> -> memref<8x4096xf32, #tpu.memory_space<vmem>>
    %dma_start3A_265 = arith.constant 0 : i32
    %dma_start3A_266 = tpu.memref_slice %arg2[%multiple_of3A_260, %dma_start3A_265] : memref<8192x4096xf32, #tpu.memory_space<hbm>> -> memref<8x4096xf32, #tpu.memory_space<hbm>>
    %dma_start3A_267 = tpu.memref_slice %arg8[%dma_start3A_261] : memref<3x!tpu.dma_semaphore, #tpu.memory_space<semaphore_mem>> -> memref<1x!tpu.dma_semaphore, #tpu.memory_space<semaphore_mem>>
    %dma_start3A_268 = tpu.memref_squeeze %dma_start3A_267 : memref<1x!tpu.dma_semaphore, #tpu.memory_space<semaphore_mem>> -> memref<!tpu.dma_semaphore, #tpu.memory_space<semaphore_mem>>
    %dma_start3A_269 = arith.constant 16 : i32
    %dma_start3A_270 = arith.constant 0 : i32
    %dma_start3A_271 = tpu.memref_slice %arg6[%dma_start3A_269, %dma_start3A_270] : memref<24x4096xf32, #tpu.memory_space<vmem>> -> memref<8x4096xf32, #tpu.memory_space<vmem>>
    %dma_start3A_272 = arith.constant 0 : i32
    %dma_start3A_273 = tpu.memref_slice %arg2[%multiple_of3A_260, %dma_start3A_272] : memref<8192x4096xf32, #tpu.memory_space<hbm>> -> memref<8x4096xf32, #tpu.memory_space<hbm>>
    tpu.enqueue_dma source(%dma_start3A_273 : memref<8x4096xf32, #tpu.memory_space<hbm>>) target(%dma_start3A_271 : memref<8x4096xf32, #tpu.memory_space<vmem>>) target_semaphore(%dma_start3A_268 : memref<!tpu.dma_semaphore, #tpu.memory_space<semaphore_mem>>)
    %dma_wait3A_274 = arith.constant 1 : i32
    %dma_wait3A_275 = arith.constant 8 : i32
    %dma_wait3A_276 = arith.constant 0 : i32
    %dma_wait3A_277 = tpu.memref_slice %arg6[%dma_wait3A_275, %dma_wait3A_276] : memref<24x4096xf32, #tpu.memory_space<vmem>> -> memref<8x4096xf32, #tpu.memory_space<vmem>>
    %dma_wait3A_278 = arith.constant 0 : i32
    %dma_wait3A_279 = arith.constant 0 : i32
    %dma_wait3A_280 = tpu.memref_slice %arg2[%dma_wait3A_278, %dma_wait3A_279] : memref<8192x4096xf32, #tpu.memory_space<hbm>> -> memref<8x4096xf32, #tpu.memory_space<hbm>>
    %dma_wait3A_281 = tpu.memref_slice %arg8[%dma_wait3A_274] : memref<3x!tpu.dma_semaphore, #tpu.memory_space<semaphore_mem>> -> memref<1x!tpu.dma_semaphore, #tpu.memory_space<semaphore_mem>>
    %dma_wait3A_282 = tpu.memref_squeeze %dma_wait3A_281 : memref<1x!tpu.dma_semaphore, #tpu.memory_space<semaphore_mem>> -> memref<!tpu.dma_semaphore, #tpu.memory_space<semaphore_mem>>
    %dma_wait3A_283 = arith.constant 8 : i32
    %dma_wait3A_284 = arith.constant 0 : i32
    %dma_wait3A_285 = tpu.memref_slice %arg6[%dma_wait3A_283, %dma_wait3A_284] : memref<24x4096xf32, #tpu.memory_space<vmem>> -> memref<8x4096xf32, #tpu.memory_space<vmem>>
    %dma_wait3A_286 = arith.constant 0 : i32
    %dma_wait3A_287 = arith.constant 0 : i32
    %dma_wait3A_288 = tpu.memref_slice %arg2[%dma_wait3A_286, %dma_wait3A_287] : memref<8192x4096xf32, #tpu.memory_space<hbm>> -> memref<8x4096xf32, #tpu.memory_space<hbm>>
    tpu.wait_dma2 semaphore(%dma_wait3A_282 : memref<!tpu.dma_semaphore, #tpu.memory_space<semaphore_mem>>) src(%dma_wait3A_288 : memref<8x4096xf32, #tpu.memory_space<hbm>>) dst(%dma_wait3A_285 : memref<8x4096xf32, #tpu.memory_space<vmem>>)
    %add3A_289 = arith.constant 32 : i32
    %add3A_290 = arith.addi %mul3A_32, %add3A_289 : i32
    %lt3A_291 = arith.cmpi slt, %add3A_290, %squeeze3A : i32
    %convert_element_type3A_292 = arith.extui %lt3A_291 : i1 to i32
    %cond3A_293 = arith.constant 0 : i32
    %cond3A_294 = arith.cmpi ne, %convert_element_type3A_292, %cond3A_293 : i32
    scf.if %cond3A_294 {
      %add3A_1822 = arith.addi %mul3A_37, %add3A_290 : i32
      %multiple_of3A_1823 = tpu.assume_multiple %add3A_1822, 8 : i32
      %dma_start3A_1824 = arith.constant 1 : i32
      %dma_start3A_1825 = arith.constant 8 : i32
      %dma_start3A_1826 = arith.constant 0 : i32
      %dma_start3A_1827 = tpu.memref_slice %arg6[%dma_start3A_1825, %dma_start3A_1826] : memref<24x4096xf32, #tpu.memory_space<vmem>> -> memref<8x4096xf32, #tpu.memory_space<vmem>>
      %dma_start3A_1828 = arith.constant 0 : i32
      %dma_start3A_1829 = tpu.memref_slice %arg5[%multiple_of3A_1823, %dma_start3A_1828] : memref<8256x4096xf32, #tpu.memory_space<hbm>> -> memref<8x4096xf32, #tpu.memory_space<hbm>>
      %dma_start3A_1830 = tpu.memref_slice %arg9[%dma_start3A_1824] : memref<3x!tpu.dma_semaphore, #tpu.memory_space<semaphore_mem>> -> memref<1x!tpu.dma_semaphore, #tpu.memory_space<semaphore_mem>>
      %dma_start3A_1831 = tpu.memref_squeeze %dma_start3A_1830 : memref<1x!tpu.dma_semaphore, #tpu.memory_space<semaphore_mem>> -> memref<!tpu.dma_semaphore, #tpu.memory_space<semaphore_mem>>
      %dma_start3A_1832 = arith.constant 0 : i32
      %dma_start3A_1833 = tpu.memref_slice %arg5[%multiple_of3A_1823, %dma_start3A_1832] : memref<8256x4096xf32, #tpu.memory_space<hbm>> -> memref<8x4096xf32, #tpu.memory_space<hbm>>
      %dma_start3A_1834 = arith.constant 8 : i32
      %dma_start3A_1835 = arith.constant 0 : i32
      %dma_start3A_1836 = tpu.memref_slice %arg6[%dma_start3A_1834, %dma_start3A_1835] : memref<24x4096xf32, #tpu.memory_space<vmem>> -> memref<8x4096xf32, #tpu.memory_space<vmem>>
      tpu.enqueue_dma source(%dma_start3A_1836 : memref<8x4096xf32, #tpu.memory_space<vmem>>) target(%dma_start3A_1833 : memref<8x4096xf32, #tpu.memory_space<hbm>>) target_semaphore(%dma_start3A_1831 : memref<!tpu.dma_semaphore, #tpu.memory_space<semaphore_mem>>)
    } else {
    }
    %add3A_295 = arith.constant 8 : i32
    %add3A_296 = arith.addi %add3A_290, %add3A_295 : i32
    %gt3A_297 = arith.cmpi sgt, %add3A_296, %squeeze3A : i32
    %convert_element_type3A_298 = arith.extui %gt3A_297 : i1 to i32
    %cond3A_299 = arith.constant 0 : i32
    %cond3A_300 = arith.cmpi ne, %convert_element_type3A_298, %cond3A_299 : i32
    scf.if %cond3A_300 {
      %add3A_1822 = arith.addi %mul3A_37, %add3A_290 : i32
      %add3A_1823 = arith.constant 16 : i32
      %add3A_1824 = arith.addi %add3A_1822, %add3A_1823 : i32
      %multiple_of3A_1825 = tpu.assume_multiple %add3A_1824, 8 : i32
      %dma_start3A_1826 = arith.constant 1 : i32
      %dma_start3A_1827 = arith.constant 8 : i32
      %dma_start3A_1828 = arith.constant 0 : i32
      %dma_start3A_1829 = tpu.memref_slice %arg6[%dma_start3A_1827, %dma_start3A_1828] : memref<24x4096xf32, #tpu.memory_space<vmem>> -> memref<8x4096xf32, #tpu.memory_space<vmem>>
      %dma_start3A_1830 = arith.constant 0 : i32
      %dma_start3A_1831 = tpu.memref_slice %arg5[%multiple_of3A_1825, %dma_start3A_1830] : memref<8256x4096xf32, #tpu.memory_space<hbm>> -> memref<8x4096xf32, #tpu.memory_space<hbm>>
      %dma_start3A_1832 = tpu.memref_slice %arg9[%dma_start3A_1826] : memref<3x!tpu.dma_semaphore, #tpu.memory_space<semaphore_mem>> -> memref<1x!tpu.dma_semaphore, #tpu.memory_space<semaphore_mem>>
      %dma_start3A_1833 = tpu.memref_squeeze %dma_start3A_1832 : memref<1x!tpu.dma_semaphore, #tpu.memory_space<semaphore_mem>> -> memref<!tpu.dma_semaphore, #tpu.memory_space<semaphore_mem>>
      %dma_start3A_1834 = arith.constant 0 : i32
      %dma_start3A_1835 = tpu.memref_slice %arg5[%multiple_of3A_1825, %dma_start3A_1834] : memref<8256x4096xf32, #tpu.memory_space<hbm>> -> memref<8x4096xf32, #tpu.memory_space<hbm>>
      %dma_start3A_1836 = arith.constant 8 : i32
      %dma_start3A_1837 = arith.constant 0 : i32
      %dma_start3A_1838 = tpu.memref_slice %arg6[%dma_start3A_1836, %dma_start3A_1837] : memref<24x4096xf32, #tpu.memory_space<vmem>> -> memref<8x4096xf32, #tpu.memory_space<vmem>>
      tpu.enqueue_dma source(%dma_start3A_1838 : memref<8x4096xf32, #tpu.memory_space<vmem>>) target(%dma_start3A_1835 : memref<8x4096xf32, #tpu.memory_space<hbm>>) target_semaphore(%dma_start3A_1833 : memref<!tpu.dma_semaphore, #tpu.memory_space<semaphore_mem>>)
    } else {
    }
    %add3A_301 = arith.constant 24 : i32
    %add3A_302 = arith.addi %mul3A_32, %add3A_301 : i32
    %lt3A_303 = arith.cmpi slt, %add3A_302, %squeeze3A : i32
    %convert_element_type3A_304 = arith.extui %lt3A_303 : i1 to i32
    %cond3A_305 = arith.constant 0 : i32
    %cond3A_306 = arith.cmpi ne, %convert_element_type3A_304, %cond3A_305 : i32
    scf.if %cond3A_306 {
      %add3A_1822 = arith.addi %mul3A_37, %add3A_302 : i32
      %multiple_of3A_1823 = tpu.assume_multiple %add3A_1822, 8 : i32
      %dma_wait3A_1824 = arith.constant 0 : i32
      %dma_wait3A_1825 = arith.constant 0 : i32
      %dma_wait3A_1826 = arith.constant 0 : i32
      %dma_wait3A_1827 = tpu.memref_slice %arg6[%dma_wait3A_1825, %dma_wait3A_1826] : memref<24x4096xf32, #tpu.memory_space<vmem>> -> memref<8x4096xf32, #tpu.memory_space<vmem>>
      %dma_wait3A_1828 = arith.constant 0 : i32
      %dma_wait3A_1829 = tpu.memref_slice %arg5[%multiple_of3A_1823, %dma_wait3A_1828] : memref<8256x4096xf32, #tpu.memory_space<hbm>> -> memref<8x4096xf32, #tpu.memory_space<hbm>>
      %dma_wait3A_1830 = tpu.memref_slice %arg9[%dma_wait3A_1824] : memref<3x!tpu.dma_semaphore, #tpu.memory_space<semaphore_mem>> -> memref<1x!tpu.dma_semaphore, #tpu.memory_space<semaphore_mem>>
      %dma_wait3A_1831 = tpu.memref_squeeze %dma_wait3A_1830 : memref<1x!tpu.dma_semaphore, #tpu.memory_space<semaphore_mem>> -> memref<!tpu.dma_semaphore, #tpu.memory_space<semaphore_mem>>
      %dma_wait3A_1832 = arith.constant 0 : i32
      %dma_wait3A_1833 = tpu.memref_slice %arg5[%multiple_of3A_1823, %dma_wait3A_1832] : memref<8256x4096xf32, #tpu.memory_space<hbm>> -> memref<8x4096xf32, #tpu.memory_space<hbm>>
      %dma_wait3A_1834 = arith.constant 0 : i32
      %dma_wait3A_1835 = arith.constant 0 : i32
      %dma_wait3A_1836 = tpu.memref_slice %arg6[%dma_wait3A_1834, %dma_wait3A_1835] : memref<24x4096xf32, #tpu.memory_space<vmem>> -> memref<8x4096xf32, #tpu.memory_space<vmem>>
      tpu.wait_dma2 semaphore(%dma_wait3A_1831 : memref<!tpu.dma_semaphore, #tpu.memory_space<semaphore_mem>>) src(%dma_wait3A_1836 : memref<8x4096xf32, #tpu.memory_space<vmem>>) dst(%dma_wait3A_1833 : memref<8x4096xf32, #tpu.memory_space<hbm>>)
    } else {
    }
    %add3A_307 = arith.constant 8 : i32
    %add3A_308 = arith.addi %add3A_302, %add3A_307 : i32
    %gt3A_309 = arith.cmpi sgt, %add3A_308, %squeeze3A : i32
    %convert_element_type3A_310 = arith.extui %gt3A_309 : i1 to i32
    %cond3A_311 = arith.constant 0 : i32
    %cond3A_312 = arith.cmpi ne, %convert_element_type3A_310, %cond3A_311 : i32
    scf.if %cond3A_312 {
      %add3A_1822 = arith.addi %mul3A_37, %add3A_302 : i32
      %add3A_1823 = arith.constant 16 : i32
      %add3A_1824 = arith.addi %add3A_1822, %add3A_1823 : i32
      %multiple_of3A_1825 = tpu.assume_multiple %add3A_1824, 8 : i32
      %dma_wait3A_1826 = arith.constant 0 : i32
      %dma_wait3A_1827 = arith.constant 0 : i32
      %dma_wait3A_1828 = arith.constant 0 : i32
      %dma_wait3A_1829 = tpu.memref_slice %arg6[%dma_wait3A_1827, %dma_wait3A_1828] : memref<24x4096xf32, #tpu.memory_space<vmem>> -> memref<8x4096xf32, #tpu.memory_space<vmem>>
      %dma_wait3A_1830 = arith.constant 0 : i32
      %dma_wait3A_1831 = tpu.memref_slice %arg5[%multiple_of3A_1825, %dma_wait3A_1830] : memref<8256x4096xf32, #tpu.memory_space<hbm>> -> memref<8x4096xf32, #tpu.memory_space<hbm>>
      %dma_wait3A_1832 = tpu.memref_slice %arg9[%dma_wait3A_1826] : memref<3x!tpu.dma_semaphore, #tpu.memory_space<semaphore_mem>> -> memref<1x!tpu.dma_semaphore, #tpu.memory_space<semaphore_mem>>
      %dma_wait3A_1833 = tpu.memref_squeeze %dma_wait3A_1832 : memref<1x!tpu.dma_semaphore, #tpu.memory_space<semaphore_mem>> -> memref<!tpu.dma_semaphore, #tpu.memory_space<semaphore_mem>>
      %dma_wait3A_1834 = arith.constant 0 : i32
      %dma_wait3A_1835 = tpu.memref_slice %arg5[%multiple_of3A_1825, %dma_wait3A_1834] : memref<8256x4096xf32, #tpu.memory_space<hbm>> -> memref<8x4096xf32, #tpu.memory_space<hbm>>
      %dma_wait3A_1836 = arith.constant 0 : i32
      %dma_wait3A_1837 = arith.constant 0 : i32
      %dma_wait3A_1838 = tpu.memref_slice %arg6[%dma_wait3A_1836, %dma_wait3A_1837] : memref<24x4096xf32, #tpu.memory_space<vmem>> -> memref<8x4096xf32, #tpu.memory_space<vmem>>
      tpu.wait_dma2 semaphore(%dma_wait3A_1833 : memref<!tpu.dma_semaphore, #tpu.memory_space<semaphore_mem>>) src(%dma_wait3A_1838 : memref<8x4096xf32, #tpu.memory_space<vmem>>) dst(%dma_wait3A_1835 : memref<8x4096xf32, #tpu.memory_space<hbm>>)
    } else {
    }
    %add3A_313 = arith.constant 48 : i32
    %add3A_314 = arith.addi %add3A_35, %add3A_313 : i32
    %multiple_of3A_315 = tpu.assume_multiple %add3A_314, 8 : i32
    %dma_start3A_316 = arith.constant 0 : i32
    %dma_start3A_317 = arith.constant 0 : i32
    %dma_start3A_318 = arith.constant 0 : i32
    %dma_start3A_319 = tpu.memref_slice %arg6[%dma_start3A_317, %dma_start3A_318] : memref<24x4096xf32, #tpu.memory_space<vmem>> -> memref<8x4096xf32, #tpu.memory_space<vmem>>
    %dma_start3A_320 = arith.constant 0 : i32
    %dma_start3A_321 = tpu.memref_slice %arg2[%multiple_of3A_315, %dma_start3A_320] : memref<8192x4096xf32, #tpu.memory_space<hbm>> -> memref<8x4096xf32, #tpu.memory_space<hbm>>
    %dma_start3A_322 = tpu.memref_slice %arg8[%dma_start3A_316] : memref<3x!tpu.dma_semaphore, #tpu.memory_space<semaphore_mem>> -> memref<1x!tpu.dma_semaphore, #tpu.memory_space<semaphore_mem>>
    %dma_start3A_323 = tpu.memref_squeeze %dma_start3A_322 : memref<1x!tpu.dma_semaphore, #tpu.memory_space<semaphore_mem>> -> memref<!tpu.dma_semaphore, #tpu.memory_space<semaphore_mem>>
    %dma_start3A_324 = arith.constant 0 : i32
    %dma_start3A_325 = arith.constant 0 : i32
    %dma_start3A_326 = tpu.memref_slice %arg6[%dma_start3A_324, %dma_start3A_325] : memref<24x4096xf32, #tpu.memory_space<vmem>> -> memref<8x4096xf32, #tpu.memory_space<vmem>>
    %dma_start3A_327 = arith.constant 0 : i32
    %dma_start3A_328 = tpu.memref_slice %arg2[%multiple_of3A_315, %dma_start3A_327] : memref<8192x4096xf32, #tpu.memory_space<hbm>> -> memref<8x4096xf32, #tpu.memory_space<hbm>>
    tpu.enqueue_dma source(%dma_start3A_328 : memref<8x4096xf32, #tpu.memory_space<hbm>>) target(%dma_start3A_326 : memref<8x4096xf32, #tpu.memory_space<vmem>>) target_semaphore(%dma_start3A_323 : memref<!tpu.dma_semaphore, #tpu.memory_space<semaphore_mem>>)
    %dma_wait3A_329 = arith.constant 2 : i32
    %dma_wait3A_330 = arith.constant 16 : i32
    %dma_wait3A_331 = arith.constant 0 : i32
    %dma_wait3A_332 = tpu.memref_slice %arg6[%dma_wait3A_330, %dma_wait3A_331] : memref<24x4096xf32, #tpu.memory_space<vmem>> -> memref<8x4096xf32, #tpu.memory_space<vmem>>
    %dma_wait3A_333 = arith.constant 0 : i32
    %dma_wait3A_334 = arith.constant 0 : i32
    %dma_wait3A_335 = tpu.memref_slice %arg2[%dma_wait3A_333, %dma_wait3A_334] : memref<8192x4096xf32, #tpu.memory_space<hbm>> -> memref<8x4096xf32, #tpu.memory_space<hbm>>
    %dma_wait3A_336 = tpu.memref_slice %arg8[%dma_wait3A_329] : memref<3x!tpu.dma_semaphore, #tpu.memory_space<semaphore_mem>> -> memref<1x!tpu.dma_semaphore, #tpu.memory_space<semaphore_mem>>
    %dma_wait3A_337 = tpu.memref_squeeze %dma_wait3A_336 : memref<1x!tpu.dma_semaphore, #tpu.memory_space<semaphore_mem>> -> memref<!tpu.dma_semaphore, #tpu.memory_space<semaphore_mem>>
    %dma_wait3A_338 = arith.constant 16 : i32
    %dma_wait3A_339 = arith.constant 0 : i32
    %dma_wait3A_340 = tpu.memref_slice %arg6[%dma_wait3A_338, %dma_wait3A_339] : memref<24x4096xf32, #tpu.memory_space<vmem>> -> memref<8x4096xf32, #tpu.memory_space<vmem>>
    %dma_wait3A_341 = arith.constant 0 : i32
    %dma_wait3A_342 = arith.constant 0 : i32
    %dma_wait3A_343 = tpu.memref_slice %arg2[%dma_wait3A_341, %dma_wait3A_342] : memref<8192x4096xf32, #tpu.memory_space<hbm>> -> memref<8x4096xf32, #tpu.memory_space<hbm>>
    tpu.wait_dma2 semaphore(%dma_wait3A_337 : memref<!tpu.dma_semaphore, #tpu.memory_space<semaphore_mem>>) src(%dma_wait3A_343 : memref<8x4096xf32, #tpu.memory_space<hbm>>) dst(%dma_wait3A_340 : memref<8x4096xf32, #tpu.memory_space<vmem>>)
    %add3A_344 = arith.constant 40 : i32
    %add3A_345 = arith.addi %mul3A_32, %add3A_344 : i32
    %lt3A_346 = arith.cmpi slt, %add3A_345, %squeeze3A : i32
    %convert_element_type3A_347 = arith.extui %lt3A_346 : i1 to i32
    %cond3A_348 = arith.constant 0 : i32
    %cond3A_349 = arith.cmpi ne, %convert_element_type3A_347, %cond3A_348 : i32
    scf.if %cond3A_349 {
      %add3A_1822 = arith.addi %mul3A_37, %add3A_345 : i32
      %multiple_of3A_1823 = tpu.assume_multiple %add3A_1822, 8 : i32
      %dma_start3A_1824 = arith.constant 2 : i32
      %dma_start3A_1825 = arith.constant 16 : i32
      %dma_start3A_1826 = arith.constant 0 : i32
      %dma_start3A_1827 = tpu.memref_slice %arg6[%dma_start3A_1825, %dma_start3A_1826] : memref<24x4096xf32, #tpu.memory_space<vmem>> -> memref<8x4096xf32, #tpu.memory_space<vmem>>
      %dma_start3A_1828 = arith.constant 0 : i32
      %dma_start3A_1829 = tpu.memref_slice %arg5[%multiple_of3A_1823, %dma_start3A_1828] : memref<8256x4096xf32, #tpu.memory_space<hbm>> -> memref<8x4096xf32, #tpu.memory_space<hbm>>
      %dma_start3A_1830 = tpu.memref_slice %arg9[%dma_start3A_1824] : memref<3x!tpu.dma_semaphore, #tpu.memory_space<semaphore_mem>> -> memref<1x!tpu.dma_semaphore, #tpu.memory_space<semaphore_mem>>
      %dma_start3A_1831 = tpu.memref_squeeze %dma_start3A_1830 : memref<1x!tpu.dma_semaphore, #tpu.memory_space<semaphore_mem>> -> memref<!tpu.dma_semaphore, #tpu.memory_space<semaphore_mem>>
      %dma_start3A_1832 = arith.constant 0 : i32
      %dma_start3A_1833 = tpu.memref_slice %arg5[%multiple_of3A_1823, %dma_start3A_1832] : memref<8256x4096xf32, #tpu.memory_space<hbm>> -> memref<8x4096xf32, #tpu.memory_space<hbm>>
      %dma_start3A_1834 = arith.constant 16 : i32
      %dma_start3A_1835 = arith.constant 0 : i32
      %dma_start3A_1836 = tpu.memref_slice %arg6[%dma_start3A_1834, %dma_start3A_1835] : memref<24x4096xf32, #tpu.memory_space<vmem>> -> memref<8x4096xf32, #tpu.memory_space<vmem>>
      tpu.enqueue_dma source(%dma_start3A_1836 : memref<8x4096xf32, #tpu.memory_space<vmem>>) target(%dma_start3A_1833 : memref<8x4096xf32, #tpu.memory_space<hbm>>) target_semaphore(%dma_start3A_1831 : memref<!tpu.dma_semaphore, #tpu.memory_space<semaphore_mem>>)
    } else {
    }
    %add3A_350 = arith.constant 8 : i32
    %add3A_351 = arith.addi %add3A_345, %add3A_350 : i32
    %gt3A_352 = arith.cmpi sgt, %add3A_351, %squeeze3A : i32
    %convert_element_type3A_353 = arith.extui %gt3A_352 : i1 to i32
    %cond3A_354 = arith.constant 0 : i32
    %cond3A_355 = arith.cmpi ne, %convert_element_type3A_353, %cond3A_354 : i32
    scf.if %cond3A_355 {
      %add3A_1822 = arith.addi %mul3A_37, %add3A_345 : i32
      %add3A_1823 = arith.constant 16 : i32
      %add3A_1824 = arith.addi %add3A_1822, %add3A_1823 : i32
      %multiple_of3A_1825 = tpu.assume_multiple %add3A_1824, 8 : i32
      %dma_start3A_1826 = arith.constant 2 : i32
      %dma_start3A_1827 = arith.constant 16 : i32
      %dma_start3A_1828 = arith.constant 0 : i32
      %dma_start3A_1829 = tpu.memref_slice %arg6[%dma_start3A_1827, %dma_start3A_1828] : memref<24x4096xf32, #tpu.memory_space<vmem>> -> memref<8x4096xf32, #tpu.memory_space<vmem>>
      %dma_start3A_1830 = arith.constant 0 : i32
      %dma_start3A_1831 = tpu.memref_slice %arg5[%multiple_of3A_1825, %dma_start3A_1830] : memref<8256x4096xf32, #tpu.memory_space<hbm>> -> memref<8x4096xf32, #tpu.memory_space<hbm>>
      %dma_start3A_1832 = tpu.memref_slice %arg9[%dma_start3A_1826] : memref<3x!tpu.dma_semaphore, #tpu.memory_space<semaphore_mem>> -> memref<1x!tpu.dma_semaphore, #tpu.memory_space<semaphore_mem>>
      %dma_start3A_1833 = tpu.memref_squeeze %dma_start3A_1832 : memref<1x!tpu.dma_semaphore, #tpu.memory_space<semaphore_mem>> -> memref<!tpu.dma_semaphore, #tpu.memory_space<semaphore_mem>>
      %dma_start3A_1834 = arith.constant 0 : i32
      %dma_start3A_1835 = tpu.memref_slice %arg5[%multiple_of3A_1825, %dma_start3A_1834] : memref<8256x4096xf32, #tpu.memory_space<hbm>> -> memref<8x4096xf32, #tpu.memory_space<hbm>>
      %dma_start3A_1836 = arith.constant 16 : i32
      %dma_start3A_1837 = arith.constant 0 : i32
      %dma_start3A_1838 = tpu.memref_slice %arg6[%dma_start3A_1836, %dma_start3A_1837] : memref<24x4096xf32, #tpu.memory_space<vmem>> -> memref<8x4096xf32, #tpu.memory_space<vmem>>
      tpu.enqueue_dma source(%dma_start3A_1838 : memref<8x4096xf32, #tpu.memory_space<vmem>>) target(%dma_start3A_1835 : memref<8x4096xf32, #tpu.memory_space<hbm>>) target_semaphore(%dma_start3A_1833 : memref<!tpu.dma_semaphore, #tpu.memory_space<semaphore_mem>>)
    } else {
    }
    %add3A_356 = arith.constant 32 : i32
    %add3A_357 = arith.addi %mul3A_32, %add3A_356 : i32
    %lt3A_358 = arith.cmpi slt, %add3A_357, %squeeze3A : i32
    %convert_element_type3A_359 = arith.extui %lt3A_358 : i1 to i32
    %cond3A_360 = arith.constant 0 : i32
    %cond3A_361 = arith.cmpi ne, %convert_element_type3A_359, %cond3A_360 : i32
    scf.if %cond3A_361 {
      %add3A_1822 = arith.addi %mul3A_37, %add3A_357 : i32
      %multiple_of3A_1823 = tpu.assume_multiple %add3A_1822, 8 : i32
      %dma_wait3A_1824 = arith.constant 1 : i32
      %dma_wait3A_1825 = arith.constant 8 : i32
      %dma_wait3A_1826 = arith.constant 0 : i32
      %dma_wait3A_1827 = tpu.memref_slice %arg6[%dma_wait3A_1825, %dma_wait3A_1826] : memref<24x4096xf32, #tpu.memory_space<vmem>> -> memref<8x4096xf32, #tpu.memory_space<vmem>>
      %dma_wait3A_1828 = arith.constant 0 : i32
      %dma_wait3A_1829 = tpu.memref_slice %arg5[%multiple_of3A_1823, %dma_wait3A_1828] : memref<8256x4096xf32, #tpu.memory_space<hbm>> -> memref<8x4096xf32, #tpu.memory_space<hbm>>
      %dma_wait3A_1830 = tpu.memref_slice %arg9[%dma_wait3A_1824] : memref<3x!tpu.dma_semaphore, #tpu.memory_space<semaphore_mem>> -> memref<1x!tpu.dma_semaphore, #tpu.memory_space<semaphore_mem>>
      %dma_wait3A_1831 = tpu.memref_squeeze %dma_wait3A_1830 : memref<1x!tpu.dma_semaphore, #tpu.memory_space<semaphore_mem>> -> memref<!tpu.dma_semaphore, #tpu.memory_space<semaphore_mem>>
      %dma_wait3A_1832 = arith.constant 0 : i32
      %dma_wait3A_1833 = tpu.memref_slice %arg5[%multiple_of3A_1823, %dma_wait3A_1832] : memref<8256x4096xf32, #tpu.memory_space<hbm>> -> memref<8x4096xf32, #tpu.memory_space<hbm>>
      %dma_wait3A_1834 = arith.constant 8 : i32
      %dma_wait3A_1835 = arith.constant 0 : i32
      %dma_wait3A_1836 = tpu.memref_slice %arg6[%dma_wait3A_1834, %dma_wait3A_1835] : memref<24x4096xf32, #tpu.memory_space<vmem>> -> memref<8x4096xf32, #tpu.memory_space<vmem>>
      tpu.wait_dma2 semaphore(%dma_wait3A_1831 : memref<!tpu.dma_semaphore, #tpu.memory_space<semaphore_mem>>) src(%dma_wait3A_1836 : memref<8x4096xf32, #tpu.memory_space<vmem>>) dst(%dma_wait3A_1833 : memref<8x4096xf32, #tpu.memory_space<hbm>>)
    } else {
    }
    %add3A_362 = arith.constant 8 : i32
    %add3A_363 = arith.addi %add3A_357, %add3A_362 : i32
    %gt3A_364 = arith.cmpi sgt, %add3A_363, %squeeze3A : i32
    %convert_element_type3A_365 = arith.extui %gt3A_364 : i1 to i32
    %cond3A_366 = arith.constant 0 : i32
    %cond3A_367 = arith.cmpi ne, %convert_element_type3A_365, %cond3A_366 : i32
    scf.if %cond3A_367 {
      %add3A_1822 = arith.addi %mul3A_37, %add3A_357 : i32
      %add3A_1823 = arith.constant 16 : i32
      %add3A_1824 = arith.addi %add3A_1822, %add3A_1823 : i32
      %multiple_of3A_1825 = tpu.assume_multiple %add3A_1824, 8 : i32
      %dma_wait3A_1826 = arith.constant 1 : i32
      %dma_wait3A_1827 = arith.constant 8 : i32
      %dma_wait3A_1828 = arith.constant 0 : i32
      %dma_wait3A_1829 = tpu.memref_slice %arg6[%dma_wait3A_1827, %dma_wait3A_1828] : memref<24x4096xf32, #tpu.memory_space<vmem>> -> memref<8x4096xf32, #tpu.memory_space<vmem>>
      %dma_wait3A_1830 = arith.constant 0 : i32
      %dma_wait3A_1831 = tpu.memref_slice %arg5[%multiple_of3A_1825, %dma_wait3A_1830] : memref<8256x4096xf32, #tpu.memory_space<hbm>> -> memref<8x4096xf32, #tpu.memory_space<hbm>>
      %dma_wait3A_1832 = tpu.memref_slice %arg9[%dma_wait3A_1826] : memref<3x!tpu.dma_semaphore, #tpu.memory_space<semaphore_mem>> -> memref<1x!tpu.dma_semaphore, #tpu.memory_space<semaphore_mem>>
      %dma_wait3A_1833 = tpu.memref_squeeze %dma_wait3A_1832 : memref<1x!tpu.dma_semaphore, #tpu.memory_space<semaphore_mem>> -> memref<!tpu.dma_semaphore, #tpu.memory_space<semaphore_mem>>
      %dma_wait3A_1834 = arith.constant 0 : i32
      %dma_wait3A_1835 = tpu.memref_slice %arg5[%multiple_of3A_1825, %dma_wait3A_1834] : memref<8256x4096xf32, #tpu.memory_space<hbm>> -> memref<8x4096xf32, #tpu.memory_space<hbm>>
      %dma_wait3A_1836 = arith.constant 8 : i32
      %dma_wait3A_1837 = arith.constant 0 : i32
      %dma_wait3A_1838 = tpu.memref_slice %arg6[%dma_wait3A_1836, %dma_wait3A_1837] : memref<24x4096xf32, #tpu.memory_space<vmem>> -> memref<8x4096xf32, #tpu.memory_space<vmem>>
      tpu.wait_dma2 semaphore(%dma_wait3A_1833 : memref<!tpu.dma_semaphore, #tpu.memory_space<semaphore_mem>>) src(%dma_wait3A_1838 : memref<8x4096xf32, #tpu.memory_space<vmem>>) dst(%dma_wait3A_1835 : memref<8x4096xf32, #tpu.memory_space<hbm>>)
    } else {
    }
    %add3A_368 = arith.constant 56 : i32
    %add3A_369 = arith.addi %add3A_35, %add3A_368 : i32
    %multiple_of3A_370 = tpu.assume_multiple %add3A_369, 8 : i32
    %dma_start3A_371 = arith.constant 1 : i32
    %dma_start3A_372 = arith.constant 8 : i32
    %dma_start3A_373 = arith.constant 0 : i32
    %dma_start3A_374 = tpu.memref_slice %arg6[%dma_start3A_372, %dma_start3A_373] : memref<24x4096xf32, #tpu.memory_space<vmem>> -> memref<8x4096xf32, #tpu.memory_space<vmem>>
    %dma_start3A_375 = arith.constant 0 : i32
    %dma_start3A_376 = tpu.memref_slice %arg2[%multiple_of3A_370, %dma_start3A_375] : memref<8192x4096xf32, #tpu.memory_space<hbm>> -> memref<8x4096xf32, #tpu.memory_space<hbm>>
    %dma_start3A_377 = tpu.memref_slice %arg8[%dma_start3A_371] : memref<3x!tpu.dma_semaphore, #tpu.memory_space<semaphore_mem>> -> memref<1x!tpu.dma_semaphore, #tpu.memory_space<semaphore_mem>>
    %dma_start3A_378 = tpu.memref_squeeze %dma_start3A_377 : memref<1x!tpu.dma_semaphore, #tpu.memory_space<semaphore_mem>> -> memref<!tpu.dma_semaphore, #tpu.memory_space<semaphore_mem>>
    %dma_start3A_379 = arith.constant 8 : i32
    %dma_start3A_380 = arith.constant 0 : i32
    %dma_start3A_381 = tpu.memref_slice %arg6[%dma_start3A_379, %dma_start3A_380] : memref<24x4096xf32, #tpu.memory_space<vmem>> -> memref<8x4096xf32, #tpu.memory_space<vmem>>
    %dma_start3A_382 = arith.constant 0 : i32
    %dma_start3A_383 = tpu.memref_slice %arg2[%multiple_of3A_370, %dma_start3A_382] : memref<8192x4096xf32, #tpu.memory_space<hbm>> -> memref<8x4096xf32, #tpu.memory_space<hbm>>
    tpu.enqueue_dma source(%dma_start3A_383 : memref<8x4096xf32, #tpu.memory_space<hbm>>) target(%dma_start3A_381 : memref<8x4096xf32, #tpu.memory_space<vmem>>) target_semaphore(%dma_start3A_378 : memref<!tpu.dma_semaphore, #tpu.memory_space<semaphore_mem>>)
    %dma_wait3A_384 = arith.constant 0 : i32
    %dma_wait3A_385 = arith.constant 0 : i32
    %dma_wait3A_386 = arith.constant 0 : i32
    %dma_wait3A_387 = tpu.memref_slice %arg6[%dma_wait3A_385, %dma_wait3A_386] : memref<24x4096xf32, #tpu.memory_space<vmem>> -> memref<8x4096xf32, #tpu.memory_space<vmem>>
    %dma_wait3A_388 = arith.constant 0 : i32
    %dma_wait3A_389 = arith.constant 0 : i32
    %dma_wait3A_390 = tpu.memref_slice %arg2[%dma_wait3A_388, %dma_wait3A_389] : memref<8192x4096xf32, #tpu.memory_space<hbm>> -> memref<8x4096xf32, #tpu.memory_space<hbm>>
    %dma_wait3A_391 = tpu.memref_slice %arg8[%dma_wait3A_384] : memref<3x!tpu.dma_semaphore, #tpu.memory_space<semaphore_mem>> -> memref<1x!tpu.dma_semaphore, #tpu.memory_space<semaphore_mem>>
    %dma_wait3A_392 = tpu.memref_squeeze %dma_wait3A_391 : memref<1x!tpu.dma_semaphore, #tpu.memory_space<semaphore_mem>> -> memref<!tpu.dma_semaphore, #tpu.memory_space<semaphore_mem>>
    %dma_wait3A_393 = arith.constant 0 : i32
    %dma_wait3A_394 = arith.constant 0 : i32
    %dma_wait3A_395 = tpu.memref_slice %arg6[%dma_wait3A_393, %dma_wait3A_394] : memref<24x4096xf32, #tpu.memory_space<vmem>> -> memref<8x4096xf32, #tpu.memory_space<vmem>>
    %dma_wait3A_396 = arith.constant 0 : i32
    %dma_wait3A_397 = arith.constant 0 : i32
    %dma_wait3A_398 = tpu.memref_slice %arg2[%dma_wait3A_396, %dma_wait3A_397] : memref<8192x4096xf32, #tpu.memory_space<hbm>> -> memref<8x4096xf32, #tpu.memory_space<hbm>>
    tpu.wait_dma2 semaphore(%dma_wait3A_392 : memref<!tpu.dma_semaphore, #tpu.memory_space<semaphore_mem>>) src(%dma_wait3A_398 : memref<8x4096xf32, #tpu.memory_space<hbm>>) dst(%dma_wait3A_395 : memref<8x4096xf32, #tpu.memory_space<vmem>>)
    %add3A_399 = arith.constant 48 : i32
    %add3A_400 = arith.addi %mul3A_32, %add3A_399 : i32
    %lt3A_401 = arith.cmpi slt, %add3A_400, %squeeze3A : i32
    %convert_element_type3A_402 = arith.extui %lt3A_401 : i1 to i32
    %cond3A_403 = arith.constant 0 : i32
    %cond3A_404 = arith.cmpi ne, %convert_element_type3A_402, %cond3A_403 : i32
    scf.if %cond3A_404 {
      %add3A_1822 = arith.addi %mul3A_37, %add3A_400 : i32
      %multiple_of3A_1823 = tpu.assume_multiple %add3A_1822, 8 : i32
      %dma_start3A_1824 = arith.constant 0 : i32
      %dma_start3A_1825 = arith.constant 0 : i32
      %dma_start3A_1826 = arith.constant 0 : i32
      %dma_start3A_1827 = tpu.memref_slice %arg6[%dma_start3A_1825, %dma_start3A_1826] : memref<24x4096xf32, #tpu.memory_space<vmem>> -> memref<8x4096xf32, #tpu.memory_space<vmem>>
      %dma_start3A_1828 = arith.constant 0 : i32
      %dma_start3A_1829 = tpu.memref_slice %arg5[%multiple_of3A_1823, %dma_start3A_1828] : memref<8256x4096xf32, #tpu.memory_space<hbm>> -> memref<8x4096xf32, #tpu.memory_space<hbm>>
      %dma_start3A_1830 = tpu.memref_slice %arg9[%dma_start3A_1824] : memref<3x!tpu.dma_semaphore, #tpu.memory_space<semaphore_mem>> -> memref<1x!tpu.dma_semaphore, #tpu.memory_space<semaphore_mem>>
      %dma_start3A_1831 = tpu.memref_squeeze %dma_start3A_1830 : memref<1x!tpu.dma_semaphore, #tpu.memory_space<semaphore_mem>> -> memref<!tpu.dma_semaphore, #tpu.memory_space<semaphore_mem>>
      %dma_start3A_1832 = arith.constant 0 : i32
      %dma_start3A_1833 = tpu.memref_slice %arg5[%multiple_of3A_1823, %dma_start3A_1832] : memref<8256x4096xf32, #tpu.memory_space<hbm>> -> memref<8x4096xf32, #tpu.memory_space<hbm>>
      %dma_start3A_1834 = arith.constant 0 : i32
      %dma_start3A_1835 = arith.constant 0 : i32
      %dma_start3A_1836 = tpu.memref_slice %arg6[%dma_start3A_1834, %dma_start3A_1835] : memref<24x4096xf32, #tpu.memory_space<vmem>> -> memref<8x4096xf32, #tpu.memory_space<vmem>>
      tpu.enqueue_dma source(%dma_start3A_1836 : memref<8x4096xf32, #tpu.memory_space<vmem>>) target(%dma_start3A_1833 : memref<8x4096xf32, #tpu.memory_space<hbm>>) target_semaphore(%dma_start3A_1831 : memref<!tpu.dma_semaphore, #tpu.memory_space<semaphore_mem>>)
    } else {
    }
    %add3A_405 = arith.constant 8 : i32
    %add3A_406 = arith.addi %add3A_400, %add3A_405 : i32
    %gt3A_407 = arith.cmpi sgt, %add3A_406, %squeeze3A : i32
    %convert_element_type3A_408 = arith.extui %gt3A_407 : i1 to i32
    %cond3A_409 = arith.constant 0 : i32
    %cond3A_410 = arith.cmpi ne, %convert_element_type3A_408, %cond3A_409 : i32
    scf.if %cond3A_410 {
      %add3A_1822 = arith.addi %mul3A_37, %add3A_400 : i32
      %add3A_1823 = arith.constant 16 : i32
      %add3A_1824 = arith.addi %add3A_1822, %add3A_1823 : i32
      %multiple_of3A_1825 = tpu.assume_multiple %add3A_1824, 8 : i32
      %dma_start3A_1826 = arith.constant 0 : i32
      %dma_start3A_1827 = arith.constant 0 : i32
      %dma_start3A_1828 = arith.constant 0 : i32
      %dma_start3A_1829 = tpu.memref_slice %arg6[%dma_start3A_1827, %dma_start3A_1828] : memref<24x4096xf32, #tpu.memory_space<vmem>> -> memref<8x4096xf32, #tpu.memory_space<vmem>>
      %dma_start3A_1830 = arith.constant 0 : i32
      %dma_start3A_1831 = tpu.memref_slice %arg5[%multiple_of3A_1825, %dma_start3A_1830] : memref<8256x4096xf32, #tpu.memory_space<hbm>> -> memref<8x4096xf32, #tpu.memory_space<hbm>>
      %dma_start3A_1832 = tpu.memref_slice %arg9[%dma_start3A_1826] : memref<3x!tpu.dma_semaphore, #tpu.memory_space<semaphore_mem>> -> memref<1x!tpu.dma_semaphore, #tpu.memory_space<semaphore_mem>>
      %dma_start3A_1833 = tpu.memref_squeeze %dma_start3A_1832 : memref<1x!tpu.dma_semaphore, #tpu.memory_space<semaphore_mem>> -> memref<!tpu.dma_semaphore, #tpu.memory_space<semaphore_mem>>
      %dma_start3A_1834 = arith.constant 0 : i32
      %dma_start3A_1835 = tpu.memref_slice %arg5[%multiple_of3A_1825, %dma_start3A_1834] : memref<8256x4096xf32, #tpu.memory_space<hbm>> -> memref<8x4096xf32, #tpu.memory_space<hbm>>
      %dma_start3A_1836 = arith.constant 0 : i32
      %dma_start3A_1837 = arith.constant 0 : i32
      %dma_start3A_1838 = tpu.memref_slice %arg6[%dma_start3A_1836, %dma_start3A_1837] : memref<24x4096xf32, #tpu.memory_space<vmem>> -> memref<8x4096xf32, #tpu.memory_space<vmem>>
      tpu.enqueue_dma source(%dma_start3A_1838 : memref<8x4096xf32, #tpu.memory_space<vmem>>) target(%dma_start3A_1835 : memref<8x4096xf32, #tpu.memory_space<hbm>>) target_semaphore(%dma_start3A_1833 : memref<!tpu.dma_semaphore, #tpu.memory_space<semaphore_mem>>)
    } else {
    }
    %add3A_411 = arith.constant 40 : i32
    %add3A_412 = arith.addi %mul3A_32, %add3A_411 : i32
    %lt3A_413 = arith.cmpi slt, %add3A_412, %squeeze3A : i32
    %convert_element_type3A_414 = arith.extui %lt3A_413 : i1 to i32
    %cond3A_415 = arith.constant 0 : i32
    %cond3A_416 = arith.cmpi ne, %convert_element_type3A_414, %cond3A_415 : i32
    scf.if %cond3A_416 {
      %add3A_1822 = arith.addi %mul3A_37, %add3A_412 : i32
      %multiple_of3A_1823 = tpu.assume_multiple %add3A_1822, 8 : i32
      %dma_wait3A_1824 = arith.constant 2 : i32
      %dma_wait3A_1825 = arith.constant 16 : i32
      %dma_wait3A_1826 = arith.constant 0 : i32
      %dma_wait3A_1827 = tpu.memref_slice %arg6[%dma_wait3A_1825, %dma_wait3A_1826] : memref<24x4096xf32, #tpu.memory_space<vmem>> -> memref<8x4096xf32, #tpu.memory_space<vmem>>
      %dma_wait3A_1828 = arith.constant 0 : i32
      %dma_wait3A_1829 = tpu.memref_slice %arg5[%multiple_of3A_1823, %dma_wait3A_1828] : memref<8256x4096xf32, #tpu.memory_space<hbm>> -> memref<8x4096xf32, #tpu.memory_space<hbm>>
      %dma_wait3A_1830 = tpu.memref_slice %arg9[%dma_wait3A_1824] : memref<3x!tpu.dma_semaphore, #tpu.memory_space<semaphore_mem>> -> memref<1x!tpu.dma_semaphore, #tpu.memory_space<semaphore_mem>>
      %dma_wait3A_1831 = tpu.memref_squeeze %dma_wait3A_1830 : memref<1x!tpu.dma_semaphore, #tpu.memory_space<semaphore_mem>> -> memref<!tpu.dma_semaphore, #tpu.memory_space<semaphore_mem>>
      %dma_wait3A_1832 = arith.constant 0 : i32
      %dma_wait3A_1833 = tpu.memref_slice %arg5[%multiple_of3A_1823, %dma_wait3A_1832] : memref<8256x4096xf32, #tpu.memory_space<hbm>> -> memref<8x4096xf32, #tpu.memory_space<hbm>>
      %dma_wait3A_1834 = arith.constant 16 : i32
      %dma_wait3A_1835 = arith.constant 0 : i32
      %dma_wait3A_1836 = tpu.memref_slice %arg6[%dma_wait3A_1834, %dma_wait3A_1835] : memref<24x4096xf32, #tpu.memory_space<vmem>> -> memref<8x4096xf32, #tpu.memory_space<vmem>>
      tpu.wait_dma2 semaphore(%dma_wait3A_1831 : memref<!tpu.dma_semaphore, #tpu.memory_space<semaphore_mem>>) src(%dma_wait3A_1836 : memref<8x4096xf32, #tpu.memory_space<vmem>>) dst(%dma_wait3A_1833 : memref<8x4096xf32, #tpu.memory_space<hbm>>)
    } else {
    }
    %add3A_417 = arith.constant 8 : i32
    %add3A_418 = arith.addi %add3A_412, %add3A_417 : i32
    %gt3A_419 = arith.cmpi sgt, %add3A_418, %squeeze3A : i32
    %convert_element_type3A_420 = arith.extui %gt3A_419 : i1 to i32
    %cond3A_421 = arith.constant 0 : i32
    %cond3A_422 = arith.cmpi ne, %convert_element_type3A_420, %cond3A_421 : i32
    scf.if %cond3A_422 {
      %add3A_1822 = arith.addi %mul3A_37, %add3A_412 : i32
      %add3A_1823 = arith.constant 16 : i32
      %add3A_1824 = arith.addi %add3A_1822, %add3A_1823 : i32
      %multiple_of3A_1825 = tpu.assume_multiple %add3A_1824, 8 : i32
      %dma_wait3A_1826 = arith.constant 2 : i32
      %dma_wait3A_1827 = arith.constant 16 : i32
      %dma_wait3A_1828 = arith.constant 0 : i32
      %dma_wait3A_1829 = tpu.memref_slice %arg6[%dma_wait3A_1827, %dma_wait3A_1828] : memref<24x4096xf32, #tpu.memory_space<vmem>> -> memref<8x4096xf32, #tpu.memory_space<vmem>>
      %dma_wait3A_1830 = arith.constant 0 : i32
      %dma_wait3A_1831 = tpu.memref_slice %arg5[%multiple_of3A_1825, %dma_wait3A_1830] : memref<8256x4096xf32, #tpu.memory_space<hbm>> -> memref<8x4096xf32, #tpu.memory_space<hbm>>
      %dma_wait3A_1832 = tpu.memref_slice %arg9[%dma_wait3A_1826] : memref<3x!tpu.dma_semaphore, #tpu.memory_space<semaphore_mem>> -> memref<1x!tpu.dma_semaphore, #tpu.memory_space<semaphore_mem>>
      %dma_wait3A_1833 = tpu.memref_squeeze %dma_wait3A_1832 : memref<1x!tpu.dma_semaphore, #tpu.memory_space<semaphore_mem>> -> memref<!tpu.dma_semaphore, #tpu.memory_space<semaphore_mem>>
      %dma_wait3A_1834 = arith.constant 0 : i32
      %dma_wait3A_1835 = tpu.memref_slice %arg5[%multiple_of3A_1825, %dma_wait3A_1834] : memref<8256x4096xf32, #tpu.memory_space<hbm>> -> memref<8x4096xf32, #tpu.memory_space<hbm>>
      %dma_wait3A_1836 = arith.constant 16 : i32
      %dma_wait3A_1837 = arith.constant 0 : i32
      %dma_wait3A_1838 = tpu.memref_slice %arg6[%dma_wait3A_1836, %dma_wait3A_1837] : memref<24x4096xf32, #tpu.memory_space<vmem>> -> memref<8x4096xf32, #tpu.memory_space<vmem>>
      tpu.wait_dma2 semaphore(%dma_wait3A_1833 : memref<!tpu.dma_semaphore, #tpu.memory_space<semaphore_mem>>) src(%dma_wait3A_1838 : memref<8x4096xf32, #tpu.memory_space<vmem>>) dst(%dma_wait3A_1835 : memref<8x4096xf32, #tpu.memory_space<hbm>>)
    } else {
    }
    %add3A_423 = arith.constant 64 : i32
    %add3A_424 = arith.addi %add3A_35, %add3A_423 : i32
    %multiple_of3A_425 = tpu.assume_multiple %add3A_424, 8 : i32
    %dma_start3A_426 = arith.constant 2 : i32
    %dma_start3A_427 = arith.constant 16 : i32
    %dma_start3A_428 = arith.constant 0 : i32
    %dma_start3A_429 = tpu.memref_slice %arg6[%dma_start3A_427, %dma_start3A_428] : memref<24x4096xf32, #tpu.memory_space<vmem>> -> memref<8x4096xf32, #tpu.memory_space<vmem>>
    %dma_start3A_430 = arith.constant 0 : i32
    %dma_start3A_431 = tpu.memref_slice %arg2[%multiple_of3A_425, %dma_start3A_430] : memref<8192x4096xf32, #tpu.memory_space<hbm>> -> memref<8x4096xf32, #tpu.memory_space<hbm>>
    %dma_start3A_432 = tpu.memref_slice %arg8[%dma_start3A_426] : memref<3x!tpu.dma_semaphore, #tpu.memory_space<semaphore_mem>> -> memref<1x!tpu.dma_semaphore, #tpu.memory_space<semaphore_mem>>
    %dma_start3A_433 = tpu.memref_squeeze %dma_start3A_432 : memref<1x!tpu.dma_semaphore, #tpu.memory_space<semaphore_mem>> -> memref<!tpu.dma_semaphore, #tpu.memory_space<semaphore_mem>>
    %dma_start3A_434 = arith.constant 16 : i32
    %dma_start3A_435 = arith.constant 0 : i32
    %dma_start3A_436 = tpu.memref_slice %arg6[%dma_start3A_434, %dma_start3A_435] : memref<24x4096xf32, #tpu.memory_space<vmem>> -> memref<8x4096xf32, #tpu.memory_space<vmem>>
    %dma_start3A_437 = arith.constant 0 : i32
    %dma_start3A_438 = tpu.memref_slice %arg2[%multiple_of3A_425, %dma_start3A_437] : memref<8192x4096xf32, #tpu.memory_space<hbm>> -> memref<8x4096xf32, #tpu.memory_space<hbm>>
    tpu.enqueue_dma source(%dma_start3A_438 : memref<8x4096xf32, #tpu.memory_space<hbm>>) target(%dma_start3A_436 : memref<8x4096xf32, #tpu.memory_space<vmem>>) target_semaphore(%dma_start3A_433 : memref<!tpu.dma_semaphore, #tpu.memory_space<semaphore_mem>>)
    %dma_wait3A_439 = arith.constant 1 : i32
    %dma_wait3A_440 = arith.constant 8 : i32
    %dma_wait3A_441 = arith.constant 0 : i32
    %dma_wait3A_442 = tpu.memref_slice %arg6[%dma_wait3A_440, %dma_wait3A_441] : memref<24x4096xf32, #tpu.memory_space<vmem>> -> memref<8x4096xf32, #tpu.memory_space<vmem>>
    %dma_wait3A_443 = arith.constant 0 : i32
    %dma_wait3A_444 = arith.constant 0 : i32
    %dma_wait3A_445 = tpu.memref_slice %arg2[%dma_wait3A_443, %dma_wait3A_444] : memref<8192x4096xf32, #tpu.memory_space<hbm>> -> memref<8x4096xf32, #tpu.memory_space<hbm>>
    %dma_wait3A_446 = tpu.memref_slice %arg8[%dma_wait3A_439] : memref<3x!tpu.dma_semaphore, #tpu.memory_space<semaphore_mem>> -> memref<1x!tpu.dma_semaphore, #tpu.memory_space<semaphore_mem>>
    %dma_wait3A_447 = tpu.memref_squeeze %dma_wait3A_446 : memref<1x!tpu.dma_semaphore, #tpu.memory_space<semaphore_mem>> -> memref<!tpu.dma_semaphore, #tpu.memory_space<semaphore_mem>>
    %dma_wait3A_448 = arith.constant 8 : i32
    %dma_wait3A_449 = arith.constant 0 : i32
    %dma_wait3A_450 = tpu.memref_slice %arg6[%dma_wait3A_448, %dma_wait3A_449] : memref<24x4096xf32, #tpu.memory_space<vmem>> -> memref<8x4096xf32, #tpu.memory_space<vmem>>
    %dma_wait3A_451 = arith.constant 0 : i32
    %dma_wait3A_452 = arith.constant 0 : i32
    %dma_wait3A_453 = tpu.memref_slice %arg2[%dma_wait3A_451, %dma_wait3A_452] : memref<8192x4096xf32, #tpu.memory_space<hbm>> -> memref<8x4096xf32, #tpu.memory_space<hbm>>
    tpu.wait_dma2 semaphore(%dma_wait3A_447 : memref<!tpu.dma_semaphore, #tpu.memory_space<semaphore_mem>>) src(%dma_wait3A_453 : memref<8x4096xf32, #tpu.memory_space<hbm>>) dst(%dma_wait3A_450 : memref<8x4096xf32, #tpu.memory_space<vmem>>)
    %add3A_454 = arith.constant 56 : i32
    %add3A_455 = arith.addi %mul3A_32, %add3A_454 : i32
    %lt3A_456 = arith.cmpi slt, %add3A_455, %squeeze3A : i32
    %convert_element_type3A_457 = arith.extui %lt3A_456 : i1 to i32
    %cond3A_458 = arith.constant 0 : i32
    %cond3A_459 = arith.cmpi ne, %convert_element_type3A_457, %cond3A_458 : i32
    scf.if %cond3A_459 {
      %add3A_1822 = arith.addi %mul3A_37, %add3A_455 : i32
      %multiple_of3A_1823 = tpu.assume_multiple %add3A_1822, 8 : i32
      %dma_start3A_1824 = arith.constant 1 : i32
      %dma_start3A_1825 = arith.constant 8 : i32
      %dma_start3A_1826 = arith.constant 0 : i32
      %dma_start3A_1827 = tpu.memref_slice %arg6[%dma_start3A_1825, %dma_start3A_1826] : memref<24x4096xf32, #tpu.memory_space<vmem>> -> memref<8x4096xf32, #tpu.memory_space<vmem>>
      %dma_start3A_1828 = arith.constant 0 : i32
      %dma_start3A_1829 = tpu.memref_slice %arg5[%multiple_of3A_1823, %dma_start3A_1828] : memref<8256x4096xf32, #tpu.memory_space<hbm>> -> memref<8x4096xf32, #tpu.memory_space<hbm>>
      %dma_start3A_1830 = tpu.memref_slice %arg9[%dma_start3A_1824] : memref<3x!tpu.dma_semaphore, #tpu.memory_space<semaphore_mem>> -> memref<1x!tpu.dma_semaphore, #tpu.memory_space<semaphore_mem>>
      %dma_start3A_1831 = tpu.memref_squeeze %dma_start3A_1830 : memref<1x!tpu.dma_semaphore, #tpu.memory_space<semaphore_mem>> -> memref<!tpu.dma_semaphore, #tpu.memory_space<semaphore_mem>>
      %dma_start3A_1832 = arith.constant 0 : i32
      %dma_start3A_1833 = tpu.memref_slice %arg5[%multiple_of3A_1823, %dma_start3A_1832] : memref<8256x4096xf32, #tpu.memory_space<hbm>> -> memref<8x4096xf32, #tpu.memory_space<hbm>>
      %dma_start3A_1834 = arith.constant 8 : i32
      %dma_start3A_1835 = arith.constant 0 : i32
      %dma_start3A_1836 = tpu.memref_slice %arg6[%dma_start3A_1834, %dma_start3A_1835] : memref<24x4096xf32, #tpu.memory_space<vmem>> -> memref<8x4096xf32, #tpu.memory_space<vmem>>
      tpu.enqueue_dma source(%dma_start3A_1836 : memref<8x4096xf32, #tpu.memory_space<vmem>>) target(%dma_start3A_1833 : memref<8x4096xf32, #tpu.memory_space<hbm>>) target_semaphore(%dma_start3A_1831 : memref<!tpu.dma_semaphore, #tpu.memory_space<semaphore_mem>>)
    } else {
    }
    %add3A_460 = arith.constant 8 : i32
    %add3A_461 = arith.addi %add3A_455, %add3A_460 : i32
    %gt3A_462 = arith.cmpi sgt, %add3A_461, %squeeze3A : i32
    %convert_element_type3A_463 = arith.extui %gt3A_462 : i1 to i32
    %cond3A_464 = arith.constant 0 : i32
    %cond3A_465 = arith.cmpi ne, %convert_element_type3A_463, %cond3A_464 : i32
    scf.if %cond3A_465 {
      %add3A_1822 = arith.addi %mul3A_37, %add3A_455 : i32
      %add3A_1823 = arith.constant 16 : i32
      %add3A_1824 = arith.addi %add3A_1822, %add3A_1823 : i32
      %multiple_of3A_1825 = tpu.assume_multiple %add3A_1824, 8 : i32
      %dma_start3A_1826 = arith.constant 1 : i32
      %dma_start3A_1827 = arith.constant 8 : i32
      %dma_start3A_1828 = arith.constant 0 : i32
      %dma_start3A_1829 = tpu.memref_slice %arg6[%dma_start3A_1827, %dma_start3A_1828] : memref<24x4096xf32, #tpu.memory_space<vmem>> -> memref<8x4096xf32, #tpu.memory_space<vmem>>
      %dma_start3A_1830 = arith.constant 0 : i32
      %dma_start3A_1831 = tpu.memref_slice %arg5[%multiple_of3A_1825, %dma_start3A_1830] : memref<8256x4096xf32, #tpu.memory_space<hbm>> -> memref<8x4096xf32, #tpu.memory_space<hbm>>
      %dma_start3A_1832 = tpu.memref_slice %arg9[%dma_start3A_1826] : memref<3x!tpu.dma_semaphore, #tpu.memory_space<semaphore_mem>> -> memref<1x!tpu.dma_semaphore, #tpu.memory_space<semaphore_mem>>
      %dma_start3A_1833 = tpu.memref_squeeze %dma_start3A_1832 : memref<1x!tpu.dma_semaphore, #tpu.memory_space<semaphore_mem>> -> memref<!tpu.dma_semaphore, #tpu.memory_space<semaphore_mem>>
      %dma_start3A_1834 = arith.constant 0 : i32
      %dma_start3A_1835 = tpu.memref_slice %arg5[%multiple_of3A_1825, %dma_start3A_1834] : memref<8256x4096xf32, #tpu.memory_space<hbm>> -> memref<8x4096xf32, #tpu.memory_space<hbm>>
      %dma_start3A_1836 = arith.constant 8 : i32
      %dma_start3A_1837 = arith.constant 0 : i32
      %dma_start3A_1838 = tpu.memref_slice %arg6[%dma_start3A_1836, %dma_start3A_1837] : memref<24x4096xf32, #tpu.memory_space<vmem>> -> memref<8x4096xf32, #tpu.memory_space<vmem>>
      tpu.enqueue_dma source(%dma_start3A_1838 : memref<8x4096xf32, #tpu.memory_space<vmem>>) target(%dma_start3A_1835 : memref<8x4096xf32, #tpu.memory_space<hbm>>) target_semaphore(%dma_start3A_1833 : memref<!tpu.dma_semaphore, #tpu.memory_space<semaphore_mem>>)
    } else {
    }
    %add3A_466 = arith.constant 48 : i32
    %add3A_467 = arith.addi %mul3A_32, %add3A_466 : i32
    %lt3A_468 = arith.cmpi slt, %add3A_467, %squeeze3A : i32
    %convert_element_type3A_469 = arith.extui %lt3A_468 : i1 to i32
    %cond3A_470 = arith.constant 0 : i32
    %cond3A_471 = arith.cmpi ne, %convert_element_type3A_469, %cond3A_470 : i32
    scf.if %cond3A_471 {
      %add3A_1822 = arith.addi %mul3A_37, %add3A_467 : i32
      %multiple_of3A_1823 = tpu.assume_multiple %add3A_1822, 8 : i32
      %dma_wait3A_1824 = arith.constant 0 : i32
      %dma_wait3A_1825 = arith.constant 0 : i32
      %dma_wait3A_1826 = arith.constant 0 : i32
      %dma_wait3A_1827 = tpu.memref_slice %arg6[%dma_wait3A_1825, %dma_wait3A_1826] : memref<24x4096xf32, #tpu.memory_space<vmem>> -> memref<8x4096xf32, #tpu.memory_space<vmem>>
      %dma_wait3A_1828 = arith.constant 0 : i32
      %dma_wait3A_1829 = tpu.memref_slice %arg5[%multiple_of3A_1823, %dma_wait3A_1828] : memref<8256x4096xf32, #tpu.memory_space<hbm>> -> memref<8x4096xf32, #tpu.memory_space<hbm>>
      %dma_wait3A_1830 = tpu.memref_slice %arg9[%dma_wait3A_1824] : memref<3x!tpu.dma_semaphore, #tpu.memory_space<semaphore_mem>> -> memref<1x!tpu.dma_semaphore, #tpu.memory_space<semaphore_mem>>
      %dma_wait3A_1831 = tpu.memref_squeeze %dma_wait3A_1830 : memref<1x!tpu.dma_semaphore, #tpu.memory_space<semaphore_mem>> -> memref<!tpu.dma_semaphore, #tpu.memory_space<semaphore_mem>>
      %dma_wait3A_1832 = arith.constant 0 : i32
      %dma_wait3A_1833 = tpu.memref_slice %arg5[%multiple_of3A_1823, %dma_wait3A_1832] : memref<8256x4096xf32, #tpu.memory_space<hbm>> -> memref<8x4096xf32, #tpu.memory_space<hbm>>
      %dma_wait3A_1834 = arith.constant 0 : i32
      %dma_wait3A_1835 = arith.constant 0 : i32
      %dma_wait3A_1836 = tpu.memref_slice %arg6[%dma_wait3A_1834, %dma_wait3A_1835] : memref<24x4096xf32, #tpu.memory_space<vmem>> -> memref<8x4096xf32, #tpu.memory_space<vmem>>
      tpu.wait_dma2 semaphore(%dma_wait3A_1831 : memref<!tpu.dma_semaphore, #tpu.memory_space<semaphore_mem>>) src(%dma_wait3A_1836 : memref<8x4096xf32, #tpu.memory_space<vmem>>) dst(%dma_wait3A_1833 : memref<8x4096xf32, #tpu.memory_space<hbm>>)
    } else {
    }
    %add3A_472 = arith.constant 8 : i32
    %add3A_473 = arith.addi %add3A_467, %add3A_472 : i32
    %gt3A_474 = arith.cmpi sgt, %add3A_473, %squeeze3A : i32
    %convert_element_type3A_475 = arith.extui %gt3A_474 : i1 to i32
    %cond3A_476 = arith.constant 0 : i32
    %cond3A_477 = arith.cmpi ne, %convert_element_type3A_475, %cond3A_476 : i32
    scf.if %cond3A_477 {
      %add3A_1822 = arith.addi %mul3A_37, %add3A_467 : i32
      %add3A_1823 = arith.constant 16 : i32
      %add3A_1824 = arith.addi %add3A_1822, %add3A_1823 : i32
      %multiple_of3A_1825 = tpu.assume_multiple %add3A_1824, 8 : i32
      %dma_wait3A_1826 = arith.constant 0 : i32
      %dma_wait3A_1827 = arith.constant 0 : i32
      %dma_wait3A_1828 = arith.constant 0 : i32
      %dma_wait3A_1829 = tpu.memref_slice %arg6[%dma_wait3A_1827, %dma_wait3A_1828] : memref<24x4096xf32, #tpu.memory_space<vmem>> -> memref<8x4096xf32, #tpu.memory_space<vmem>>
      %dma_wait3A_1830 = arith.constant 0 : i32
      %dma_wait3A_1831 = tpu.memref_slice %arg5[%multiple_of3A_1825, %dma_wait3A_1830] : memref<8256x4096xf32, #tpu.memory_space<hbm>> -> memref<8x4096xf32, #tpu.memory_space<hbm>>
      %dma_wait3A_1832 = tpu.memref_slice %arg9[%dma_wait3A_1826] : memref<3x!tpu.dma_semaphore, #tpu.memory_space<semaphore_mem>> -> memref<1x!tpu.dma_semaphore, #tpu.memory_space<semaphore_mem>>
      %dma_wait3A_1833 = tpu.memref_squeeze %dma_wait3A_1832 : memref<1x!tpu.dma_semaphore, #tpu.memory_space<semaphore_mem>> -> memref<!tpu.dma_semaphore, #tpu.memory_space<semaphore_mem>>
      %dma_wait3A_1834 = arith.constant 0 : i32
      %dma_wait3A_1835 = tpu.memref_slice %arg5[%multiple_of3A_1825, %dma_wait3A_1834] : memref<8256x4096xf32, #tpu.memory_space<hbm>> -> memref<8x4096xf32, #tpu.memory_space<hbm>>
      %dma_wait3A_1836 = arith.constant 0 : i32
      %dma_wait3A_1837 = arith.constant 0 : i32
      %dma_wait3A_1838 = tpu.memref_slice %arg6[%dma_wait3A_1836, %dma_wait3A_1837] : memref<24x4096xf32, #tpu.memory_space<vmem>> -> memref<8x4096xf32, #tpu.memory_space<vmem>>
      tpu.wait_dma2 semaphore(%dma_wait3A_1833 : memref<!tpu.dma_semaphore, #tpu.memory_space<semaphore_mem>>) src(%dma_wait3A_1838 : memref<8x4096xf32, #tpu.memory_space<vmem>>) dst(%dma_wait3A_1835 : memref<8x4096xf32, #tpu.memory_space<hbm>>)
    } else {
    }
    %add3A_478 = arith.constant 72 : i32
    %add3A_479 = arith.addi %add3A_35, %add3A_478 : i32
    %multiple_of3A_480 = tpu.assume_multiple %add3A_479, 8 : i32
    %dma_start3A_481 = arith.constant 0 : i32
    %dma_start3A_482 = arith.constant 0 : i32
    %dma_start3A_483 = arith.constant 0 : i32
    %dma_start3A_484 = tpu.memref_slice %arg6[%dma_start3A_482, %dma_start3A_483] : memref<24x4096xf32, #tpu.memory_space<vmem>> -> memref<8x4096xf32, #tpu.memory_space<vmem>>
    %dma_start3A_485 = arith.constant 0 : i32
    %dma_start3A_486 = tpu.memref_slice %arg2[%multiple_of3A_480, %dma_start3A_485] : memref<8192x4096xf32, #tpu.memory_space<hbm>> -> memref<8x4096xf32, #tpu.memory_space<hbm>>
    %dma_start3A_487 = tpu.memref_slice %arg8[%dma_start3A_481] : memref<3x!tpu.dma_semaphore, #tpu.memory_space<semaphore_mem>> -> memref<1x!tpu.dma_semaphore, #tpu.memory_space<semaphore_mem>>
    %dma_start3A_488 = tpu.memref_squeeze %dma_start3A_487 : memref<1x!tpu.dma_semaphore, #tpu.memory_space<semaphore_mem>> -> memref<!tpu.dma_semaphore, #tpu.memory_space<semaphore_mem>>
    %dma_start3A_489 = arith.constant 0 : i32
    %dma_start3A_490 = arith.constant 0 : i32
    %dma_start3A_491 = tpu.memref_slice %arg6[%dma_start3A_489, %dma_start3A_490] : memref<24x4096xf32, #tpu.memory_space<vmem>> -> memref<8x4096xf32, #tpu.memory_space<vmem>>
    %dma_start3A_492 = arith.constant 0 : i32
    %dma_start3A_493 = tpu.memref_slice %arg2[%multiple_of3A_480, %dma_start3A_492] : memref<8192x4096xf32, #tpu.memory_space<hbm>> -> memref<8x4096xf32, #tpu.memory_space<hbm>>
    tpu.enqueue_dma source(%dma_start3A_493 : memref<8x4096xf32, #tpu.memory_space<hbm>>) target(%dma_start3A_491 : memref<8x4096xf32, #tpu.memory_space<vmem>>) target_semaphore(%dma_start3A_488 : memref<!tpu.dma_semaphore, #tpu.memory_space<semaphore_mem>>)
    %dma_wait3A_494 = arith.constant 2 : i32
    %dma_wait3A_495 = arith.constant 16 : i32
    %dma_wait3A_496 = arith.constant 0 : i32
    %dma_wait3A_497 = tpu.memref_slice %arg6[%dma_wait3A_495, %dma_wait3A_496] : memref<24x4096xf32, #tpu.memory_space<vmem>> -> memref<8x4096xf32, #tpu.memory_space<vmem>>
    %dma_wait3A_498 = arith.constant 0 : i32
    %dma_wait3A_499 = arith.constant 0 : i32
    %dma_wait3A_500 = tpu.memref_slice %arg2[%dma_wait3A_498, %dma_wait3A_499] : memref<8192x4096xf32, #tpu.memory_space<hbm>> -> memref<8x4096xf32, #tpu.memory_space<hbm>>
    %dma_wait3A_501 = tpu.memref_slice %arg8[%dma_wait3A_494] : memref<3x!tpu.dma_semaphore, #tpu.memory_space<semaphore_mem>> -> memref<1x!tpu.dma_semaphore, #tpu.memory_space<semaphore_mem>>
    %dma_wait3A_502 = tpu.memref_squeeze %dma_wait3A_501 : memref<1x!tpu.dma_semaphore, #tpu.memory_space<semaphore_mem>> -> memref<!tpu.dma_semaphore, #tpu.memory_space<semaphore_mem>>
    %dma_wait3A_503 = arith.constant 16 : i32
    %dma_wait3A_504 = arith.constant 0 : i32
    %dma_wait3A_505 = tpu.memref_slice %arg6[%dma_wait3A_503, %dma_wait3A_504] : memref<24x4096xf32, #tpu.memory_space<vmem>> -> memref<8x4096xf32, #tpu.memory_space<vmem>>
    %dma_wait3A_506 = arith.constant 0 : i32
    %dma_wait3A_507 = arith.constant 0 : i32
    %dma_wait3A_508 = tpu.memref_slice %arg2[%dma_wait3A_506, %dma_wait3A_507] : memref<8192x4096xf32, #tpu.memory_space<hbm>> -> memref<8x4096xf32, #tpu.memory_space<hbm>>
    tpu.wait_dma2 semaphore(%dma_wait3A_502 : memref<!tpu.dma_semaphore, #tpu.memory_space<semaphore_mem>>) src(%dma_wait3A_508 : memref<8x4096xf32, #tpu.memory_space<hbm>>) dst(%dma_wait3A_505 : memref<8x4096xf32, #tpu.memory_space<vmem>>)
    %add3A_509 = arith.constant 64 : i32
    %add3A_510 = arith.addi %mul3A_32, %add3A_509 : i32
    %lt3A_511 = arith.cmpi slt, %add3A_510, %squeeze3A : i32
    %convert_element_type3A_512 = arith.extui %lt3A_511 : i1 to i32
    %cond3A_513 = arith.constant 0 : i32
    %cond3A_514 = arith.cmpi ne, %convert_element_type3A_512, %cond3A_513 : i32
    scf.if %cond3A_514 {
      %add3A_1822 = arith.addi %mul3A_37, %add3A_510 : i32
      %multiple_of3A_1823 = tpu.assume_multiple %add3A_1822, 8 : i32
      %dma_start3A_1824 = arith.constant 2 : i32
      %dma_start3A_1825 = arith.constant 16 : i32
      %dma_start3A_1826 = arith.constant 0 : i32
      %dma_start3A_1827 = tpu.memref_slice %arg6[%dma_start3A_1825, %dma_start3A_1826] : memref<24x4096xf32, #tpu.memory_space<vmem>> -> memref<8x4096xf32, #tpu.memory_space<vmem>>
      %dma_start3A_1828 = arith.constant 0 : i32
      %dma_start3A_1829 = tpu.memref_slice %arg5[%multiple_of3A_1823, %dma_start3A_1828] : memref<8256x4096xf32, #tpu.memory_space<hbm>> -> memref<8x4096xf32, #tpu.memory_space<hbm>>
      %dma_start3A_1830 = tpu.memref_slice %arg9[%dma_start3A_1824] : memref<3x!tpu.dma_semaphore, #tpu.memory_space<semaphore_mem>> -> memref<1x!tpu.dma_semaphore, #tpu.memory_space<semaphore_mem>>
      %dma_start3A_1831 = tpu.memref_squeeze %dma_start3A_1830 : memref<1x!tpu.dma_semaphore, #tpu.memory_space<semaphore_mem>> -> memref<!tpu.dma_semaphore, #tpu.memory_space<semaphore_mem>>
      %dma_start3A_1832 = arith.constant 0 : i32
      %dma_start3A_1833 = tpu.memref_slice %arg5[%multiple_of3A_1823, %dma_start3A_1832] : memref<8256x4096xf32, #tpu.memory_space<hbm>> -> memref<8x4096xf32, #tpu.memory_space<hbm>>
      %dma_start3A_1834 = arith.constant 16 : i32
      %dma_start3A_1835 = arith.constant 0 : i32
      %dma_start3A_1836 = tpu.memref_slice %arg6[%dma_start3A_1834, %dma_start3A_1835] : memref<24x4096xf32, #tpu.memory_space<vmem>> -> memref<8x4096xf32, #tpu.memory_space<vmem>>
      tpu.enqueue_dma source(%dma_start3A_1836 : memref<8x4096xf32, #tpu.memory_space<vmem>>) target(%dma_start3A_1833 : memref<8x4096xf32, #tpu.memory_space<hbm>>) target_semaphore(%dma_start3A_1831 : memref<!tpu.dma_semaphore, #tpu.memory_space<semaphore_mem>>)
    } else {
    }
    %add3A_515 = arith.constant 8 : i32
    %add3A_516 = arith.addi %add3A_510, %add3A_515 : i32
    %gt3A_517 = arith.cmpi sgt, %add3A_516, %squeeze3A : i32
    %convert_element_type3A_518 = arith.extui %gt3A_517 : i1 to i32
    %cond3A_519 = arith.constant 0 : i32
    %cond3A_520 = arith.cmpi ne, %convert_element_type3A_518, %cond3A_519 : i32
    scf.if %cond3A_520 {
      %add3A_1822 = arith.addi %mul3A_37, %add3A_510 : i32
      %add3A_1823 = arith.constant 16 : i32
      %add3A_1824 = arith.addi %add3A_1822, %add3A_1823 : i32
      %multiple_of3A_1825 = tpu.assume_multiple %add3A_1824, 8 : i32
      %dma_start3A_1826 = arith.constant 2 : i32
      %dma_start3A_1827 = arith.constant 16 : i32
      %dma_start3A_1828 = arith.constant 0 : i32
      %dma_start3A_1829 = tpu.memref_slice %arg6[%dma_start3A_1827, %dma_start3A_1828] : memref<24x4096xf32, #tpu.memory_space<vmem>> -> memref<8x4096xf32, #tpu.memory_space<vmem>>
      %dma_start3A_1830 = arith.constant 0 : i32
      %dma_start3A_1831 = tpu.memref_slice %arg5[%multiple_of3A_1825, %dma_start3A_1830] : memref<8256x4096xf32, #tpu.memory_space<hbm>> -> memref<8x4096xf32, #tpu.memory_space<hbm>>
      %dma_start3A_1832 = tpu.memref_slice %arg9[%dma_start3A_1826] : memref<3x!tpu.dma_semaphore, #tpu.memory_space<semaphore_mem>> -> memref<1x!tpu.dma_semaphore, #tpu.memory_space<semaphore_mem>>
      %dma_start3A_1833 = tpu.memref_squeeze %dma_start3A_1832 : memref<1x!tpu.dma_semaphore, #tpu.memory_space<semaphore_mem>> -> memref<!tpu.dma_semaphore, #tpu.memory_space<semaphore_mem>>
      %dma_start3A_1834 = arith.constant 0 : i32
      %dma_start3A_1835 = tpu.memref_slice %arg5[%multiple_of3A_1825, %dma_start3A_1834] : memref<8256x4096xf32, #tpu.memory_space<hbm>> -> memref<8x4096xf32, #tpu.memory_space<hbm>>
      %dma_start3A_1836 = arith.constant 16 : i32
      %dma_start3A_1837 = arith.constant 0 : i32
      %dma_start3A_1838 = tpu.memref_slice %arg6[%dma_start3A_1836, %dma_start3A_1837] : memref<24x4096xf32, #tpu.memory_space<vmem>> -> memref<8x4096xf32, #tpu.memory_space<vmem>>
      tpu.enqueue_dma source(%dma_start3A_1838 : memref<8x4096xf32, #tpu.memory_space<vmem>>) target(%dma_start3A_1835 : memref<8x4096xf32, #tpu.memory_space<hbm>>) target_semaphore(%dma_start3A_1833 : memref<!tpu.dma_semaphore, #tpu.memory_space<semaphore_mem>>)
    } else {
    }
    %add3A_521 = arith.constant 56 : i32
    %add3A_522 = arith.addi %mul3A_32, %add3A_521 : i32
    %lt3A_523 = arith.cmpi slt, %add3A_522, %squeeze3A : i32
    %convert_element_type3A_524 = arith.extui %lt3A_523 : i1 to i32
    %cond3A_525 = arith.constant 0 : i32
    %cond3A_526 = arith.cmpi ne, %convert_element_type3A_524, %cond3A_525 : i32
    scf.if %cond3A_526 {
      %add3A_1822 = arith.addi %mul3A_37, %add3A_522 : i32
      %multiple_of3A_1823 = tpu.assume_multiple %add3A_1822, 8 : i32
      %dma_wait3A_1824 = arith.constant 1 : i32
      %dma_wait3A_1825 = arith.constant 8 : i32
      %dma_wait3A_1826 = arith.constant 0 : i32
      %dma_wait3A_1827 = tpu.memref_slice %arg6[%dma_wait3A_1825, %dma_wait3A_1826] : memref<24x4096xf32, #tpu.memory_space<vmem>> -> memref<8x4096xf32, #tpu.memory_space<vmem>>
      %dma_wait3A_1828 = arith.constant 0 : i32
      %dma_wait3A_1829 = tpu.memref_slice %arg5[%multiple_of3A_1823, %dma_wait3A_1828] : memref<8256x4096xf32, #tpu.memory_space<hbm>> -> memref<8x4096xf32, #tpu.memory_space<hbm>>
      %dma_wait3A_1830 = tpu.memref_slice %arg9[%dma_wait3A_1824] : memref<3x!tpu.dma_semaphore, #tpu.memory_space<semaphore_mem>> -> memref<1x!tpu.dma_semaphore, #tpu.memory_space<semaphore_mem>>
      %dma_wait3A_1831 = tpu.memref_squeeze %dma_wait3A_1830 : memref<1x!tpu.dma_semaphore, #tpu.memory_space<semaphore_mem>> -> memref<!tpu.dma_semaphore, #tpu.memory_space<semaphore_mem>>
      %dma_wait3A_1832 = arith.constant 0 : i32
      %dma_wait3A_1833 = tpu.memref_slice %arg5[%multiple_of3A_1823, %dma_wait3A_1832] : memref<8256x4096xf32, #tpu.memory_space<hbm>> -> memref<8x4096xf32, #tpu.memory_space<hbm>>
      %dma_wait3A_1834 = arith.constant 8 : i32
      %dma_wait3A_1835 = arith.constant 0 : i32
      %dma_wait3A_1836 = tpu.memref_slice %arg6[%dma_wait3A_1834, %dma_wait3A_1835] : memref<24x4096xf32, #tpu.memory_space<vmem>> -> memref<8x4096xf32, #tpu.memory_space<vmem>>
      tpu.wait_dma2 semaphore(%dma_wait3A_1831 : memref<!tpu.dma_semaphore, #tpu.memory_space<semaphore_mem>>) src(%dma_wait3A_1836 : memref<8x4096xf32, #tpu.memory_space<vmem>>) dst(%dma_wait3A_1833 : memref<8x4096xf32, #tpu.memory_space<hbm>>)
    } else {
    }
    %add3A_527 = arith.constant 8 : i32
    %add3A_528 = arith.addi %add3A_522, %add3A_527 : i32
    %gt3A_529 = arith.cmpi sgt, %add3A_528, %squeeze3A : i32
    %convert_element_type3A_530 = arith.extui %gt3A_529 : i1 to i32
    %cond3A_531 = arith.constant 0 : i32
    %cond3A_532 = arith.cmpi ne, %convert_element_type3A_530, %cond3A_531 : i32
    scf.if %cond3A_532 {
      %add3A_1822 = arith.addi %mul3A_37, %add3A_522 : i32
      %add3A_1823 = arith.constant 16 : i32
      %add3A_1824 = arith.addi %add3A_1822, %add3A_1823 : i32
      %multiple_of3A_1825 = tpu.assume_multiple %add3A_1824, 8 : i32
      %dma_wait3A_1826 = arith.constant 1 : i32
      %dma_wait3A_1827 = arith.constant 8 : i32
      %dma_wait3A_1828 = arith.constant 0 : i32
      %dma_wait3A_1829 = tpu.memref_slice %arg6[%dma_wait3A_1827, %dma_wait3A_1828] : memref<24x4096xf32, #tpu.memory_space<vmem>> -> memref<8x4096xf32, #tpu.memory_space<vmem>>
      %dma_wait3A_1830 = arith.constant 0 : i32
      %dma_wait3A_1831 = tpu.memref_slice %arg5[%multiple_of3A_1825, %dma_wait3A_1830] : memref<8256x4096xf32, #tpu.memory_space<hbm>> -> memref<8x4096xf32, #tpu.memory_space<hbm>>
      %dma_wait3A_1832 = tpu.memref_slice %arg9[%dma_wait3A_1826] : memref<3x!tpu.dma_semaphore, #tpu.memory_space<semaphore_mem>> -> memref<1x!tpu.dma_semaphore, #tpu.memory_space<semaphore_mem>>
      %dma_wait3A_1833 = tpu.memref_squeeze %dma_wait3A_1832 : memref<1x!tpu.dma_semaphore, #tpu.memory_space<semaphore_mem>> -> memref<!tpu.dma_semaphore, #tpu.memory_space<semaphore_mem>>
      %dma_wait3A_1834 = arith.constant 0 : i32
      %dma_wait3A_1835 = tpu.memref_slice %arg5[%multiple_of3A_1825, %dma_wait3A_1834] : memref<8256x4096xf32, #tpu.memory_space<hbm>> -> memref<8x4096xf32, #tpu.memory_space<hbm>>
      %dma_wait3A_1836 = arith.constant 8 : i32
      %dma_wait3A_1837 = arith.constant 0 : i32
      %dma_wait3A_1838 = tpu.memref_slice %arg6[%dma_wait3A_1836, %dma_wait3A_1837] : memref<24x4096xf32, #tpu.memory_space<vmem>> -> memref<8x4096xf32, #tpu.memory_space<vmem>>
      tpu.wait_dma2 semaphore(%dma_wait3A_1833 : memref<!tpu.dma_semaphore, #tpu.memory_space<semaphore_mem>>) src(%dma_wait3A_1838 : memref<8x4096xf32, #tpu.memory_space<vmem>>) dst(%dma_wait3A_1835 : memref<8x4096xf32, #tpu.memory_space<hbm>>)
    } else {
    }
    %add3A_533 = arith.constant 80 : i32
    %add3A_534 = arith.addi %add3A_35, %add3A_533 : i32
    %multiple_of3A_535 = tpu.assume_multiple %add3A_534, 8 : i32
    %dma_start3A_536 = arith.constant 1 : i32
    %dma_start3A_537 = arith.constant 8 : i32
    %dma_start3A_538 = arith.constant 0 : i32
    %dma_start3A_539 = tpu.memref_slice %arg6[%dma_start3A_537, %dma_start3A_538] : memref<24x4096xf32, #tpu.memory_space<vmem>> -> memref<8x4096xf32, #tpu.memory_space<vmem>>
    %dma_start3A_540 = arith.constant 0 : i32
    %dma_start3A_541 = tpu.memref_slice %arg2[%multiple_of3A_535, %dma_start3A_540] : memref<8192x4096xf32, #tpu.memory_space<hbm>> -> memref<8x4096xf32, #tpu.memory_space<hbm>>
    %dma_start3A_542 = tpu.memref_slice %arg8[%dma_start3A_536] : memref<3x!tpu.dma_semaphore, #tpu.memory_space<semaphore_mem>> -> memref<1x!tpu.dma_semaphore, #tpu.memory_space<semaphore_mem>>
    %dma_start3A_543 = tpu.memref_squeeze %dma_start3A_542 : memref<1x!tpu.dma_semaphore, #tpu.memory_space<semaphore_mem>> -> memref<!tpu.dma_semaphore, #tpu.memory_space<semaphore_mem>>
    %dma_start3A_544 = arith.constant 8 : i32
    %dma_start3A_545 = arith.constant 0 : i32
    %dma_start3A_546 = tpu.memref_slice %arg6[%dma_start3A_544, %dma_start3A_545] : memref<24x4096xf32, #tpu.memory_space<vmem>> -> memref<8x4096xf32, #tpu.memory_space<vmem>>
    %dma_start3A_547 = arith.constant 0 : i32
    %dma_start3A_548 = tpu.memref_slice %arg2[%multiple_of3A_535, %dma_start3A_547] : memref<8192x4096xf32, #tpu.memory_space<hbm>> -> memref<8x4096xf32, #tpu.memory_space<hbm>>
    tpu.enqueue_dma source(%dma_start3A_548 : memref<8x4096xf32, #tpu.memory_space<hbm>>) target(%dma_start3A_546 : memref<8x4096xf32, #tpu.memory_space<vmem>>) target_semaphore(%dma_start3A_543 : memref<!tpu.dma_semaphore, #tpu.memory_space<semaphore_mem>>)
    %dma_wait3A_549 = arith.constant 0 : i32
    %dma_wait3A_550 = arith.constant 0 : i32
    %dma_wait3A_551 = arith.constant 0 : i32
    %dma_wait3A_552 = tpu.memref_slice %arg6[%dma_wait3A_550, %dma_wait3A_551] : memref<24x4096xf32, #tpu.memory_space<vmem>> -> memref<8x4096xf32, #tpu.memory_space<vmem>>
    %dma_wait3A_553 = arith.constant 0 : i32
    %dma_wait3A_554 = arith.constant 0 : i32
    %dma_wait3A_555 = tpu.memref_slice %arg2[%dma_wait3A_553, %dma_wait3A_554] : memref<8192x4096xf32, #tpu.memory_space<hbm>> -> memref<8x4096xf32, #tpu.memory_space<hbm>>
    %dma_wait3A_556 = tpu.memref_slice %arg8[%dma_wait3A_549] : memref<3x!tpu.dma_semaphore, #tpu.memory_space<semaphore_mem>> -> memref<1x!tpu.dma_semaphore, #tpu.memory_space<semaphore_mem>>
    %dma_wait3A_557 = tpu.memref_squeeze %dma_wait3A_556 : memref<1x!tpu.dma_semaphore, #tpu.memory_space<semaphore_mem>> -> memref<!tpu.dma_semaphore, #tpu.memory_space<semaphore_mem>>
    %dma_wait3A_558 = arith.constant 0 : i32
    %dma_wait3A_559 = arith.constant 0 : i32
    %dma_wait3A_560 = tpu.memref_slice %arg6[%dma_wait3A_558, %dma_wait3A_559] : memref<24x4096xf32, #tpu.memory_space<vmem>> -> memref<8x4096xf32, #tpu.memory_space<vmem>>
    %dma_wait3A_561 = arith.constant 0 : i32
    %dma_wait3A_562 = arith.constant 0 : i32
    %dma_wait3A_563 = tpu.memref_slice %arg2[%dma_wait3A_561, %dma_wait3A_562] : memref<8192x4096xf32, #tpu.memory_space<hbm>> -> memref<8x4096xf32, #tpu.memory_space<hbm>>
    tpu.wait_dma2 semaphore(%dma_wait3A_557 : memref<!tpu.dma_semaphore, #tpu.memory_space<semaphore_mem>>) src(%dma_wait3A_563 : memref<8x4096xf32, #tpu.memory_space<hbm>>) dst(%dma_wait3A_560 : memref<8x4096xf32, #tpu.memory_space<vmem>>)
    %add3A_564 = arith.constant 72 : i32
    %add3A_565 = arith.addi %mul3A_32, %add3A_564 : i32
    %lt3A_566 = arith.cmpi slt, %add3A_565, %squeeze3A : i32
    %convert_element_type3A_567 = arith.extui %lt3A_566 : i1 to i32
    %cond3A_568 = arith.constant 0 : i32
    %cond3A_569 = arith.cmpi ne, %convert_element_type3A_567, %cond3A_568 : i32
    scf.if %cond3A_569 {
      %add3A_1822 = arith.addi %mul3A_37, %add3A_565 : i32
      %multiple_of3A_1823 = tpu.assume_multiple %add3A_1822, 8 : i32
      %dma_start3A_1824 = arith.constant 0 : i32
      %dma_start3A_1825 = arith.constant 0 : i32
      %dma_start3A_1826 = arith.constant 0 : i32
      %dma_start3A_1827 = tpu.memref_slice %arg6[%dma_start3A_1825, %dma_start3A_1826] : memref<24x4096xf32, #tpu.memory_space<vmem>> -> memref<8x4096xf32, #tpu.memory_space<vmem>>
      %dma_start3A_1828 = arith.constant 0 : i32
      %dma_start3A_1829 = tpu.memref_slice %arg5[%multiple_of3A_1823, %dma_start3A_1828] : memref<8256x4096xf32, #tpu.memory_space<hbm>> -> memref<8x4096xf32, #tpu.memory_space<hbm>>
      %dma_start3A_1830 = tpu.memref_slice %arg9[%dma_start3A_1824] : memref<3x!tpu.dma_semaphore, #tpu.memory_space<semaphore_mem>> -> memref<1x!tpu.dma_semaphore, #tpu.memory_space<semaphore_mem>>
      %dma_start3A_1831 = tpu.memref_squeeze %dma_start3A_1830 : memref<1x!tpu.dma_semaphore, #tpu.memory_space<semaphore_mem>> -> memref<!tpu.dma_semaphore, #tpu.memory_space<semaphore_mem>>
      %dma_start3A_1832 = arith.constant 0 : i32
      %dma_start3A_1833 = tpu.memref_slice %arg5[%multiple_of3A_1823, %dma_start3A_1832] : memref<8256x4096xf32, #tpu.memory_space<hbm>> -> memref<8x4096xf32, #tpu.memory_space<hbm>>
      %dma_start3A_1834 = arith.constant 0 : i32
      %dma_start3A_1835 = arith.constant 0 : i32
      %dma_start3A_1836 = tpu.memref_slice %arg6[%dma_start3A_1834, %dma_start3A_1835] : memref<24x4096xf32, #tpu.memory_space<vmem>> -> memref<8x4096xf32, #tpu.memory_space<vmem>>
      tpu.enqueue_dma source(%dma_start3A_1836 : memref<8x4096xf32, #tpu.memory_space<vmem>>) target(%dma_start3A_1833 : memref<8x4096xf32, #tpu.memory_space<hbm>>) target_semaphore(%dma_start3A_1831 : memref<!tpu.dma_semaphore, #tpu.memory_space<semaphore_mem>>)
    } else {
    }
    %add3A_570 = arith.constant 8 : i32
    %add3A_571 = arith.addi %add3A_565, %add3A_570 : i32
    %gt3A_572 = arith.cmpi sgt, %add3A_571, %squeeze3A : i32
    %convert_element_type3A_573 = arith.extui %gt3A_572 : i1 to i32
    %cond3A_574 = arith.constant 0 : i32
    %cond3A_575 = arith.cmpi ne, %convert_element_type3A_573, %cond3A_574 : i32
    scf.if %cond3A_575 {
      %add3A_1822 = arith.addi %mul3A_37, %add3A_565 : i32
      %add3A_1823 = arith.constant 16 : i32
      %add3A_1824 = arith.addi %add3A_1822, %add3A_1823 : i32
      %multiple_of3A_1825 = tpu.assume_multiple %add3A_1824, 8 : i32
      %dma_start3A_1826 = arith.constant 0 : i32
      %dma_start3A_1827 = arith.constant 0 : i32
      %dma_start3A_1828 = arith.constant 0 : i32
      %dma_start3A_1829 = tpu.memref_slice %arg6[%dma_start3A_1827, %dma_start3A_1828] : memref<24x4096xf32, #tpu.memory_space<vmem>> -> memref<8x4096xf32, #tpu.memory_space<vmem>>
      %dma_start3A_1830 = arith.constant 0 : i32
      %dma_start3A_1831 = tpu.memref_slice %arg5[%multiple_of3A_1825, %dma_start3A_1830] : memref<8256x4096xf32, #tpu.memory_space<hbm>> -> memref<8x4096xf32, #tpu.memory_space<hbm>>
      %dma_start3A_1832 = tpu.memref_slice %arg9[%dma_start3A_1826] : memref<3x!tpu.dma_semaphore, #tpu.memory_space<semaphore_mem>> -> memref<1x!tpu.dma_semaphore, #tpu.memory_space<semaphore_mem>>
      %dma_start3A_1833 = tpu.memref_squeeze %dma_start3A_1832 : memref<1x!tpu.dma_semaphore, #tpu.memory_space<semaphore_mem>> -> memref<!tpu.dma_semaphore, #tpu.memory_space<semaphore_mem>>
      %dma_start3A_1834 = arith.constant 0 : i32
      %dma_start3A_1835 = tpu.memref_slice %arg5[%multiple_of3A_1825, %dma_start3A_1834] : memref<8256x4096xf32, #tpu.memory_space<hbm>> -> memref<8x4096xf32, #tpu.memory_space<hbm>>
      %dma_start3A_1836 = arith.constant 0 : i32
      %dma_start3A_1837 = arith.constant 0 : i32
      %dma_start3A_1838 = tpu.memref_slice %arg6[%dma_start3A_1836, %dma_start3A_1837] : memref<24x4096xf32, #tpu.memory_space<vmem>> -> memref<8x4096xf32, #tpu.memory_space<vmem>>
      tpu.enqueue_dma source(%dma_start3A_1838 : memref<8x4096xf32, #tpu.memory_space<vmem>>) target(%dma_start3A_1835 : memref<8x4096xf32, #tpu.memory_space<hbm>>) target_semaphore(%dma_start3A_1833 : memref<!tpu.dma_semaphore, #tpu.memory_space<semaphore_mem>>)
    } else {
    }
    %add3A_576 = arith.constant 64 : i32
    %add3A_577 = arith.addi %mul3A_32, %add3A_576 : i32
    %lt3A_578 = arith.cmpi slt, %add3A_577, %squeeze3A : i32
    %convert_element_type3A_579 = arith.extui %lt3A_578 : i1 to i32
    %cond3A_580 = arith.constant 0 : i32
    %cond3A_581 = arith.cmpi ne, %convert_element_type3A_579, %cond3A_580 : i32
    scf.if %cond3A_581 {
      %add3A_1822 = arith.addi %mul3A_37, %add3A_577 : i32
      %multiple_of3A_1823 = tpu.assume_multiple %add3A_1822, 8 : i32
      %dma_wait3A_1824 = arith.constant 2 : i32
      %dma_wait3A_1825 = arith.constant 16 : i32
      %dma_wait3A_1826 = arith.constant 0 : i32
      %dma_wait3A_1827 = tpu.memref_slice %arg6[%dma_wait3A_1825, %dma_wait3A_1826] : memref<24x4096xf32, #tpu.memory_space<vmem>> -> memref<8x4096xf32, #tpu.memory_space<vmem>>
      %dma_wait3A_1828 = arith.constant 0 : i32
      %dma_wait3A_1829 = tpu.memref_slice %arg5[%multiple_of3A_1823, %dma_wait3A_1828] : memref<8256x4096xf32, #tpu.memory_space<hbm>> -> memref<8x4096xf32, #tpu.memory_space<hbm>>
      %dma_wait3A_1830 = tpu.memref_slice %arg9[%dma_wait3A_1824] : memref<3x!tpu.dma_semaphore, #tpu.memory_space<semaphore_mem>> -> memref<1x!tpu.dma_semaphore, #tpu.memory_space<semaphore_mem>>
      %dma_wait3A_1831 = tpu.memref_squeeze %dma_wait3A_1830 : memref<1x!tpu.dma_semaphore, #tpu.memory_space<semaphore_mem>> -> memref<!tpu.dma_semaphore, #tpu.memory_space<semaphore_mem>>
      %dma_wait3A_1832 = arith.constant 0 : i32
      %dma_wait3A_1833 = tpu.memref_slice %arg5[%multiple_of3A_1823, %dma_wait3A_1832] : memref<8256x4096xf32, #tpu.memory_space<hbm>> -> memref<8x4096xf32, #tpu.memory_space<hbm>>
      %dma_wait3A_1834 = arith.constant 16 : i32
      %dma_wait3A_1835 = arith.constant 0 : i32
      %dma_wait3A_1836 = tpu.memref_slice %arg6[%dma_wait3A_1834, %dma_wait3A_1835] : memref<24x4096xf32, #tpu.memory_space<vmem>> -> memref<8x4096xf32, #tpu.memory_space<vmem>>
      tpu.wait_dma2 semaphore(%dma_wait3A_1831 : memref<!tpu.dma_semaphore, #tpu.memory_space<semaphore_mem>>) src(%dma_wait3A_1836 : memref<8x4096xf32, #tpu.memory_space<vmem>>) dst(%dma_wait3A_1833 : memref<8x4096xf32, #tpu.memory_space<hbm>>)
    } else {
    }
    %add3A_582 = arith.constant 8 : i32
    %add3A_583 = arith.addi %add3A_577, %add3A_582 : i32
    %gt3A_584 = arith.cmpi sgt, %add3A_583, %squeeze3A : i32
    %convert_element_type3A_585 = arith.extui %gt3A_584 : i1 to i32
    %cond3A_586 = arith.constant 0 : i32
    %cond3A_587 = arith.cmpi ne, %convert_element_type3A_585, %cond3A_586 : i32
    scf.if %cond3A_587 {
      %add3A_1822 = arith.addi %mul3A_37, %add3A_577 : i32
      %add3A_1823 = arith.constant 16 : i32
      %add3A_1824 = arith.addi %add3A_1822, %add3A_1823 : i32
      %multiple_of3A_1825 = tpu.assume_multiple %add3A_1824, 8 : i32
      %dma_wait3A_1826 = arith.constant 2 : i32
      %dma_wait3A_1827 = arith.constant 16 : i32
      %dma_wait3A_1828 = arith.constant 0 : i32
      %dma_wait3A_1829 = tpu.memref_slice %arg6[%dma_wait3A_1827, %dma_wait3A_1828] : memref<24x4096xf32, #tpu.memory_space<vmem>> -> memref<8x4096xf32, #tpu.memory_space<vmem>>
      %dma_wait3A_1830 = arith.constant 0 : i32
      %dma_wait3A_1831 = tpu.memref_slice %arg5[%multiple_of3A_1825, %dma_wait3A_1830] : memref<8256x4096xf32, #tpu.memory_space<hbm>> -> memref<8x4096xf32, #tpu.memory_space<hbm>>
      %dma_wait3A_1832 = tpu.memref_slice %arg9[%dma_wait3A_1826] : memref<3x!tpu.dma_semaphore, #tpu.memory_space<semaphore_mem>> -> memref<1x!tpu.dma_semaphore, #tpu.memory_space<semaphore_mem>>
      %dma_wait3A_1833 = tpu.memref_squeeze %dma_wait3A_1832 : memref<1x!tpu.dma_semaphore, #tpu.memory_space<semaphore_mem>> -> memref<!tpu.dma_semaphore, #tpu.memory_space<semaphore_mem>>
      %dma_wait3A_1834 = arith.constant 0 : i32
      %dma_wait3A_1835 = tpu.memref_slice %arg5[%multiple_of3A_1825, %dma_wait3A_1834] : memref<8256x4096xf32, #tpu.memory_space<hbm>> -> memref<8x4096xf32, #tpu.memory_space<hbm>>
      %dma_wait3A_1836 = arith.constant 16 : i32
      %dma_wait3A_1837 = arith.constant 0 : i32
      %dma_wait3A_1838 = tpu.memref_slice %arg6[%dma_wait3A_1836, %dma_wait3A_1837] : memref<24x4096xf32, #tpu.memory_space<vmem>> -> memref<8x4096xf32, #tpu.memory_space<vmem>>
      tpu.wait_dma2 semaphore(%dma_wait3A_1833 : memref<!tpu.dma_semaphore, #tpu.memory_space<semaphore_mem>>) src(%dma_wait3A_1838 : memref<8x4096xf32, #tpu.memory_space<vmem>>) dst(%dma_wait3A_1835 : memref<8x4096xf32, #tpu.memory_space<hbm>>)
    } else {
    }
    %add3A_588 = arith.constant 88 : i32
    %add3A_589 = arith.addi %add3A_35, %add3A_588 : i32
    %multiple_of3A_590 = tpu.assume_multiple %add3A_589, 8 : i32
    %dma_start3A_591 = arith.constant 2 : i32
    %dma_start3A_592 = arith.constant 16 : i32
    %dma_start3A_593 = arith.constant 0 : i32
    %dma_start3A_594 = tpu.memref_slice %arg6[%dma_start3A_592, %dma_start3A_593] : memref<24x4096xf32, #tpu.memory_space<vmem>> -> memref<8x4096xf32, #tpu.memory_space<vmem>>
    %dma_start3A_595 = arith.constant 0 : i32
    %dma_start3A_596 = tpu.memref_slice %arg2[%multiple_of3A_590, %dma_start3A_595] : memref<8192x4096xf32, #tpu.memory_space<hbm>> -> memref<8x4096xf32, #tpu.memory_space<hbm>>
    %dma_start3A_597 = tpu.memref_slice %arg8[%dma_start3A_591] : memref<3x!tpu.dma_semaphore, #tpu.memory_space<semaphore_mem>> -> memref<1x!tpu.dma_semaphore, #tpu.memory_space<semaphore_mem>>
    %dma_start3A_598 = tpu.memref_squeeze %dma_start3A_597 : memref<1x!tpu.dma_semaphore, #tpu.memory_space<semaphore_mem>> -> memref<!tpu.dma_semaphore, #tpu.memory_space<semaphore_mem>>
    %dma_start3A_599 = arith.constant 16 : i32
    %dma_start3A_600 = arith.constant 0 : i32
    %dma_start3A_601 = tpu.memref_slice %arg6[%dma_start3A_599, %dma_start3A_600] : memref<24x4096xf32, #tpu.memory_space<vmem>> -> memref<8x4096xf32, #tpu.memory_space<vmem>>
    %dma_start3A_602 = arith.constant 0 : i32
    %dma_start3A_603 = tpu.memref_slice %arg2[%multiple_of3A_590, %dma_start3A_602] : memref<8192x4096xf32, #tpu.memory_space<hbm>> -> memref<8x4096xf32, #tpu.memory_space<hbm>>
    tpu.enqueue_dma source(%dma_start3A_603 : memref<8x4096xf32, #tpu.memory_space<hbm>>) target(%dma_start3A_601 : memref<8x4096xf32, #tpu.memory_space<vmem>>) target_semaphore(%dma_start3A_598 : memref<!tpu.dma_semaphore, #tpu.memory_space<semaphore_mem>>)
    %dma_wait3A_604 = arith.constant 1 : i32
    %dma_wait3A_605 = arith.constant 8 : i32
    %dma_wait3A_606 = arith.constant 0 : i32
    %dma_wait3A_607 = tpu.memref_slice %arg6[%dma_wait3A_605, %dma_wait3A_606] : memref<24x4096xf32, #tpu.memory_space<vmem>> -> memref<8x4096xf32, #tpu.memory_space<vmem>>
    %dma_wait3A_608 = arith.constant 0 : i32
    %dma_wait3A_609 = arith.constant 0 : i32
    %dma_wait3A_610 = tpu.memref_slice %arg2[%dma_wait3A_608, %dma_wait3A_609] : memref<8192x4096xf32, #tpu.memory_space<hbm>> -> memref<8x4096xf32, #tpu.memory_space<hbm>>
    %dma_wait3A_611 = tpu.memref_slice %arg8[%dma_wait3A_604] : memref<3x!tpu.dma_semaphore, #tpu.memory_space<semaphore_mem>> -> memref<1x!tpu.dma_semaphore, #tpu.memory_space<semaphore_mem>>
    %dma_wait3A_612 = tpu.memref_squeeze %dma_wait3A_611 : memref<1x!tpu.dma_semaphore, #tpu.memory_space<semaphore_mem>> -> memref<!tpu.dma_semaphore, #tpu.memory_space<semaphore_mem>>
    %dma_wait3A_613 = arith.constant 8 : i32
    %dma_wait3A_614 = arith.constant 0 : i32
    %dma_wait3A_615 = tpu.memref_slice %arg6[%dma_wait3A_613, %dma_wait3A_614] : memref<24x4096xf32, #tpu.memory_space<vmem>> -> memref<8x4096xf32, #tpu.memory_space<vmem>>
    %dma_wait3A_616 = arith.constant 0 : i32
    %dma_wait3A_617 = arith.constant 0 : i32
    %dma_wait3A_618 = tpu.memref_slice %arg2[%dma_wait3A_616, %dma_wait3A_617] : memref<8192x4096xf32, #tpu.memory_space<hbm>> -> memref<8x4096xf32, #tpu.memory_space<hbm>>
    tpu.wait_dma2 semaphore(%dma_wait3A_612 : memref<!tpu.dma_semaphore, #tpu.memory_space<semaphore_mem>>) src(%dma_wait3A_618 : memref<8x4096xf32, #tpu.memory_space<hbm>>) dst(%dma_wait3A_615 : memref<8x4096xf32, #tpu.memory_space<vmem>>)
    %add3A_619 = arith.constant 80 : i32
    %add3A_620 = arith.addi %mul3A_32, %add3A_619 : i32
    %lt3A_621 = arith.cmpi slt, %add3A_620, %squeeze3A : i32
    %convert_element_type3A_622 = arith.extui %lt3A_621 : i1 to i32
    %cond3A_623 = arith.constant 0 : i32
    %cond3A_624 = arith.cmpi ne, %convert_element_type3A_622, %cond3A_623 : i32
    scf.if %cond3A_624 {
      %add3A_1822 = arith.addi %mul3A_37, %add3A_620 : i32
      %multiple_of3A_1823 = tpu.assume_multiple %add3A_1822, 8 : i32
      %dma_start3A_1824 = arith.constant 1 : i32
      %dma_start3A_1825 = arith.constant 8 : i32
      %dma_start3A_1826 = arith.constant 0 : i32
      %dma_start3A_1827 = tpu.memref_slice %arg6[%dma_start3A_1825, %dma_start3A_1826] : memref<24x4096xf32, #tpu.memory_space<vmem>> -> memref<8x4096xf32, #tpu.memory_space<vmem>>
      %dma_start3A_1828 = arith.constant 0 : i32
      %dma_start3A_1829 = tpu.memref_slice %arg5[%multiple_of3A_1823, %dma_start3A_1828] : memref<8256x4096xf32, #tpu.memory_space<hbm>> -> memref<8x4096xf32, #tpu.memory_space<hbm>>
      %dma_start3A_1830 = tpu.memref_slice %arg9[%dma_start3A_1824] : memref<3x!tpu.dma_semaphore, #tpu.memory_space<semaphore_mem>> -> memref<1x!tpu.dma_semaphore, #tpu.memory_space<semaphore_mem>>
      %dma_start3A_1831 = tpu.memref_squeeze %dma_start3A_1830 : memref<1x!tpu.dma_semaphore, #tpu.memory_space<semaphore_mem>> -> memref<!tpu.dma_semaphore, #tpu.memory_space<semaphore_mem>>
      %dma_start3A_1832 = arith.constant 0 : i32
      %dma_start3A_1833 = tpu.memref_slice %arg5[%multiple_of3A_1823, %dma_start3A_1832] : memref<8256x4096xf32, #tpu.memory_space<hbm>> -> memref<8x4096xf32, #tpu.memory_space<hbm>>
      %dma_start3A_1834 = arith.constant 8 : i32
      %dma_start3A_1835 = arith.constant 0 : i32
      %dma_start3A_1836 = tpu.memref_slice %arg6[%dma_start3A_1834, %dma_start3A_1835] : memref<24x4096xf32, #tpu.memory_space<vmem>> -> memref<8x4096xf32, #tpu.memory_space<vmem>>
      tpu.enqueue_dma source(%dma_start3A_1836 : memref<8x4096xf32, #tpu.memory_space<vmem>>) target(%dma_start3A_1833 : memref<8x4096xf32, #tpu.memory_space<hbm>>) target_semaphore(%dma_start3A_1831 : memref<!tpu.dma_semaphore, #tpu.memory_space<semaphore_mem>>)
    } else {
    }
    %add3A_625 = arith.constant 8 : i32
    %add3A_626 = arith.addi %add3A_620, %add3A_625 : i32
    %gt3A_627 = arith.cmpi sgt, %add3A_626, %squeeze3A : i32
    %convert_element_type3A_628 = arith.extui %gt3A_627 : i1 to i32
    %cond3A_629 = arith.constant 0 : i32
    %cond3A_630 = arith.cmpi ne, %convert_element_type3A_628, %cond3A_629 : i32
    scf.if %cond3A_630 {
      %add3A_1822 = arith.addi %mul3A_37, %add3A_620 : i32
      %add3A_1823 = arith.constant 16 : i32
      %add3A_1824 = arith.addi %add3A_1822, %add3A_1823 : i32
      %multiple_of3A_1825 = tpu.assume_multiple %add3A_1824, 8 : i32
      %dma_start3A_1826 = arith.constant 1 : i32
      %dma_start3A_1827 = arith.constant 8 : i32
      %dma_start3A_1828 = arith.constant 0 : i32
      %dma_start3A_1829 = tpu.memref_slice %arg6[%dma_start3A_1827, %dma_start3A_1828] : memref<24x4096xf32, #tpu.memory_space<vmem>> -> memref<8x4096xf32, #tpu.memory_space<vmem>>
      %dma_start3A_1830 = arith.constant 0 : i32
      %dma_start3A_1831 = tpu.memref_slice %arg5[%multiple_of3A_1825, %dma_start3A_1830] : memref<8256x4096xf32, #tpu.memory_space<hbm>> -> memref<8x4096xf32, #tpu.memory_space<hbm>>
      %dma_start3A_1832 = tpu.memref_slice %arg9[%dma_start3A_1826] : memref<3x!tpu.dma_semaphore, #tpu.memory_space<semaphore_mem>> -> memref<1x!tpu.dma_semaphore, #tpu.memory_space<semaphore_mem>>
      %dma_start3A_1833 = tpu.memref_squeeze %dma_start3A_1832 : memref<1x!tpu.dma_semaphore, #tpu.memory_space<semaphore_mem>> -> memref<!tpu.dma_semaphore, #tpu.memory_space<semaphore_mem>>
      %dma_start3A_1834 = arith.constant 0 : i32
      %dma_start3A_1835 = tpu.memref_slice %arg5[%multiple_of3A_1825, %dma_start3A_1834] : memref<8256x4096xf32, #tpu.memory_space<hbm>> -> memref<8x4096xf32, #tpu.memory_space<hbm>>
      %dma_start3A_1836 = arith.constant 8 : i32
      %dma_start3A_1837 = arith.constant 0 : i32
      %dma_start3A_1838 = tpu.memref_slice %arg6[%dma_start3A_1836, %dma_start3A_1837] : memref<24x4096xf32, #tpu.memory_space<vmem>> -> memref<8x4096xf32, #tpu.memory_space<vmem>>
      tpu.enqueue_dma source(%dma_start3A_1838 : memref<8x4096xf32, #tpu.memory_space<vmem>>) target(%dma_start3A_1835 : memref<8x4096xf32, #tpu.memory_space<hbm>>) target_semaphore(%dma_start3A_1833 : memref<!tpu.dma_semaphore, #tpu.memory_space<semaphore_mem>>)
    } else {
    }
    %add3A_631 = arith.constant 72 : i32
    %add3A_632 = arith.addi %mul3A_32, %add3A_631 : i32
    %lt3A_633 = arith.cmpi slt, %add3A_632, %squeeze3A : i32
    %convert_element_type3A_634 = arith.extui %lt3A_633 : i1 to i32
    %cond3A_635 = arith.constant 0 : i32
    %cond3A_636 = arith.cmpi ne, %convert_element_type3A_634, %cond3A_635 : i32
    scf.if %cond3A_636 {
      %add3A_1822 = arith.addi %mul3A_37, %add3A_632 : i32
      %multiple_of3A_1823 = tpu.assume_multiple %add3A_1822, 8 : i32
      %dma_wait3A_1824 = arith.constant 0 : i32
      %dma_wait3A_1825 = arith.constant 0 : i32
      %dma_wait3A_1826 = arith.constant 0 : i32
      %dma_wait3A_1827 = tpu.memref_slice %arg6[%dma_wait3A_1825, %dma_wait3A_1826] : memref<24x4096xf32, #tpu.memory_space<vmem>> -> memref<8x4096xf32, #tpu.memory_space<vmem>>
      %dma_wait3A_1828 = arith.constant 0 : i32
      %dma_wait3A_1829 = tpu.memref_slice %arg5[%multiple_of3A_1823, %dma_wait3A_1828] : memref<8256x4096xf32, #tpu.memory_space<hbm>> -> memref<8x4096xf32, #tpu.memory_space<hbm>>
      %dma_wait3A_1830 = tpu.memref_slice %arg9[%dma_wait3A_1824] : memref<3x!tpu.dma_semaphore, #tpu.memory_space<semaphore_mem>> -> memref<1x!tpu.dma_semaphore, #tpu.memory_space<semaphore_mem>>
      %dma_wait3A_1831 = tpu.memref_squeeze %dma_wait3A_1830 : memref<1x!tpu.dma_semaphore, #tpu.memory_space<semaphore_mem>> -> memref<!tpu.dma_semaphore, #tpu.memory_space<semaphore_mem>>
      %dma_wait3A_1832 = arith.constant 0 : i32
      %dma_wait3A_1833 = tpu.memref_slice %arg5[%multiple_of3A_1823, %dma_wait3A_1832] : memref<8256x4096xf32, #tpu.memory_space<hbm>> -> memref<8x4096xf32, #tpu.memory_space<hbm>>
      %dma_wait3A_1834 = arith.constant 0 : i32
      %dma_wait3A_1835 = arith.constant 0 : i32
      %dma_wait3A_1836 = tpu.memref_slice %arg6[%dma_wait3A_1834, %dma_wait3A_1835] : memref<24x4096xf32, #tpu.memory_space<vmem>> -> memref<8x4096xf32, #tpu.memory_space<vmem>>
      tpu.wait_dma2 semaphore(%dma_wait3A_1831 : memref<!tpu.dma_semaphore, #tpu.memory_space<semaphore_mem>>) src(%dma_wait3A_1836 : memref<8x4096xf32, #tpu.memory_space<vmem>>) dst(%dma_wait3A_1833 : memref<8x4096xf32, #tpu.memory_space<hbm>>)
    } else {
    }
    %add3A_637 = arith.constant 8 : i32
    %add3A_638 = arith.addi %add3A_632, %add3A_637 : i32
    %gt3A_639 = arith.cmpi sgt, %add3A_638, %squeeze3A : i32
    %convert_element_type3A_640 = arith.extui %gt3A_639 : i1 to i32
    %cond3A_641 = arith.constant 0 : i32
    %cond3A_642 = arith.cmpi ne, %convert_element_type3A_640, %cond3A_641 : i32
    scf.if %cond3A_642 {
      %add3A_1822 = arith.addi %mul3A_37, %add3A_632 : i32
      %add3A_1823 = arith.constant 16 : i32
      %add3A_1824 = arith.addi %add3A_1822, %add3A_1823 : i32
      %multiple_of3A_1825 = tpu.assume_multiple %add3A_1824, 8 : i32
      %dma_wait3A_1826 = arith.constant 0 : i32
      %dma_wait3A_1827 = arith.constant 0 : i32
      %dma_wait3A_1828 = arith.constant 0 : i32
      %dma_wait3A_1829 = tpu.memref_slice %arg6[%dma_wait3A_1827, %dma_wait3A_1828] : memref<24x4096xf32, #tpu.memory_space<vmem>> -> memref<8x4096xf32, #tpu.memory_space<vmem>>
      %dma_wait3A_1830 = arith.constant 0 : i32
      %dma_wait3A_1831 = tpu.memref_slice %arg5[%multiple_of3A_1825, %dma_wait3A_1830] : memref<8256x4096xf32, #tpu.memory_space<hbm>> -> memref<8x4096xf32, #tpu.memory_space<hbm>>
      %dma_wait3A_1832 = tpu.memref_slice %arg9[%dma_wait3A_1826] : memref<3x!tpu.dma_semaphore, #tpu.memory_space<semaphore_mem>> -> memref<1x!tpu.dma_semaphore, #tpu.memory_space<semaphore_mem>>
      %dma_wait3A_1833 = tpu.memref_squeeze %dma_wait3A_1832 : memref<1x!tpu.dma_semaphore, #tpu.memory_space<semaphore_mem>> -> memref<!tpu.dma_semaphore, #tpu.memory_space<semaphore_mem>>
      %dma_wait3A_1834 = arith.constant 0 : i32
      %dma_wait3A_1835 = tpu.memref_slice %arg5[%multiple_of3A_1825, %dma_wait3A_1834] : memref<8256x4096xf32, #tpu.memory_space<hbm>> -> memref<8x4096xf32, #tpu.memory_space<hbm>>
      %dma_wait3A_1836 = arith.constant 0 : i32
      %dma_wait3A_1837 = arith.constant 0 : i32
      %dma_wait3A_1838 = tpu.memref_slice %arg6[%dma_wait3A_1836, %dma_wait3A_1837] : memref<24x4096xf32, #tpu.memory_space<vmem>> -> memref<8x4096xf32, #tpu.memory_space<vmem>>
      tpu.wait_dma2 semaphore(%dma_wait3A_1833 : memref<!tpu.dma_semaphore, #tpu.memory_space<semaphore_mem>>) src(%dma_wait3A_1838 : memref<8x4096xf32, #tpu.memory_space<vmem>>) dst(%dma_wait3A_1835 : memref<8x4096xf32, #tpu.memory_space<hbm>>)
    } else {
    }
    %add3A_643 = arith.constant 96 : i32
    %add3A_644 = arith.addi %add3A_35, %add3A_643 : i32
    %multiple_of3A_645 = tpu.assume_multiple %add3A_644, 8 : i32
    %dma_start3A_646 = arith.constant 0 : i32
    %dma_start3A_647 = arith.constant 0 : i32
    %dma_start3A_648 = arith.constant 0 : i32
    %dma_start3A_649 = tpu.memref_slice %arg6[%dma_start3A_647, %dma_start3A_648] : memref<24x4096xf32, #tpu.memory_space<vmem>> -> memref<8x4096xf32, #tpu.memory_space<vmem>>
    %dma_start3A_650 = arith.constant 0 : i32
    %dma_start3A_651 = tpu.memref_slice %arg2[%multiple_of3A_645, %dma_start3A_650] : memref<8192x4096xf32, #tpu.memory_space<hbm>> -> memref<8x4096xf32, #tpu.memory_space<hbm>>
    %dma_start3A_652 = tpu.memref_slice %arg8[%dma_start3A_646] : memref<3x!tpu.dma_semaphore, #tpu.memory_space<semaphore_mem>> -> memref<1x!tpu.dma_semaphore, #tpu.memory_space<semaphore_mem>>
    %dma_start3A_653 = tpu.memref_squeeze %dma_start3A_652 : memref<1x!tpu.dma_semaphore, #tpu.memory_space<semaphore_mem>> -> memref<!tpu.dma_semaphore, #tpu.memory_space<semaphore_mem>>
    %dma_start3A_654 = arith.constant 0 : i32
    %dma_start3A_655 = arith.constant 0 : i32
    %dma_start3A_656 = tpu.memref_slice %arg6[%dma_start3A_654, %dma_start3A_655] : memref<24x4096xf32, #tpu.memory_space<vmem>> -> memref<8x4096xf32, #tpu.memory_space<vmem>>
    %dma_start3A_657 = arith.constant 0 : i32
    %dma_start3A_658 = tpu.memref_slice %arg2[%multiple_of3A_645, %dma_start3A_657] : memref<8192x4096xf32, #tpu.memory_space<hbm>> -> memref<8x4096xf32, #tpu.memory_space<hbm>>
    tpu.enqueue_dma source(%dma_start3A_658 : memref<8x4096xf32, #tpu.memory_space<hbm>>) target(%dma_start3A_656 : memref<8x4096xf32, #tpu.memory_space<vmem>>) target_semaphore(%dma_start3A_653 : memref<!tpu.dma_semaphore, #tpu.memory_space<semaphore_mem>>)
    %dma_wait3A_659 = arith.constant 2 : i32
    %dma_wait3A_660 = arith.constant 16 : i32
    %dma_wait3A_661 = arith.constant 0 : i32
    %dma_wait3A_662 = tpu.memref_slice %arg6[%dma_wait3A_660, %dma_wait3A_661] : memref<24x4096xf32, #tpu.memory_space<vmem>> -> memref<8x4096xf32, #tpu.memory_space<vmem>>
    %dma_wait3A_663 = arith.constant 0 : i32
    %dma_wait3A_664 = arith.constant 0 : i32
    %dma_wait3A_665 = tpu.memref_slice %arg2[%dma_wait3A_663, %dma_wait3A_664] : memref<8192x4096xf32, #tpu.memory_space<hbm>> -> memref<8x4096xf32, #tpu.memory_space<hbm>>
    %dma_wait3A_666 = tpu.memref_slice %arg8[%dma_wait3A_659] : memref<3x!tpu.dma_semaphore, #tpu.memory_space<semaphore_mem>> -> memref<1x!tpu.dma_semaphore, #tpu.memory_space<semaphore_mem>>
    %dma_wait3A_667 = tpu.memref_squeeze %dma_wait3A_666 : memref<1x!tpu.dma_semaphore, #tpu.memory_space<semaphore_mem>> -> memref<!tpu.dma_semaphore, #tpu.memory_space<semaphore_mem>>
    %dma_wait3A_668 = arith.constant 16 : i32
    %dma_wait3A_669 = arith.constant 0 : i32
    %dma_wait3A_670 = tpu.memref_slice %arg6[%dma_wait3A_668, %dma_wait3A_669] : memref<24x4096xf32, #tpu.memory_space<vmem>> -> memref<8x4096xf32, #tpu.memory_space<vmem>>
    %dma_wait3A_671 = arith.constant 0 : i32
    %dma_wait3A_672 = arith.constant 0 : i32
    %dma_wait3A_673 = tpu.memref_slice %arg2[%dma_wait3A_671, %dma_wait3A_672] : memref<8192x4096xf32, #tpu.memory_space<hbm>> -> memref<8x4096xf32, #tpu.memory_space<hbm>>
    tpu.wait_dma2 semaphore(%dma_wait3A_667 : memref<!tpu.dma_semaphore, #tpu.memory_space<semaphore_mem>>) src(%dma_wait3A_673 : memref<8x4096xf32, #tpu.memory_space<hbm>>) dst(%dma_wait3A_670 : memref<8x4096xf32, #tpu.memory_space<vmem>>)
    %add3A_674 = arith.constant 88 : i32
    %add3A_675 = arith.addi %mul3A_32, %add3A_674 : i32
    %lt3A_676 = arith.cmpi slt, %add3A_675, %squeeze3A : i32
    %convert_element_type3A_677 = arith.extui %lt3A_676 : i1 to i32
    %cond3A_678 = arith.constant 0 : i32
    %cond3A_679 = arith.cmpi ne, %convert_element_type3A_677, %cond3A_678 : i32
    scf.if %cond3A_679 {
      %add3A_1822 = arith.addi %mul3A_37, %add3A_675 : i32
      %multiple_of3A_1823 = tpu.assume_multiple %add3A_1822, 8 : i32
      %dma_start3A_1824 = arith.constant 2 : i32
      %dma_start3A_1825 = arith.constant 16 : i32
      %dma_start3A_1826 = arith.constant 0 : i32
      %dma_start3A_1827 = tpu.memref_slice %arg6[%dma_start3A_1825, %dma_start3A_1826] : memref<24x4096xf32, #tpu.memory_space<vmem>> -> memref<8x4096xf32, #tpu.memory_space<vmem>>
      %dma_start3A_1828 = arith.constant 0 : i32
      %dma_start3A_1829 = tpu.memref_slice %arg5[%multiple_of3A_1823, %dma_start3A_1828] : memref<8256x4096xf32, #tpu.memory_space<hbm>> -> memref<8x4096xf32, #tpu.memory_space<hbm>>
      %dma_start3A_1830 = tpu.memref_slice %arg9[%dma_start3A_1824] : memref<3x!tpu.dma_semaphore, #tpu.memory_space<semaphore_mem>> -> memref<1x!tpu.dma_semaphore, #tpu.memory_space<semaphore_mem>>
      %dma_start3A_1831 = tpu.memref_squeeze %dma_start3A_1830 : memref<1x!tpu.dma_semaphore, #tpu.memory_space<semaphore_mem>> -> memref<!tpu.dma_semaphore, #tpu.memory_space<semaphore_mem>>
      %dma_start3A_1832 = arith.constant 0 : i32
      %dma_start3A_1833 = tpu.memref_slice %arg5[%multiple_of3A_1823, %dma_start3A_1832] : memref<8256x4096xf32, #tpu.memory_space<hbm>> -> memref<8x4096xf32, #tpu.memory_space<hbm>>
      %dma_start3A_1834 = arith.constant 16 : i32
      %dma_start3A_1835 = arith.constant 0 : i32
      %dma_start3A_1836 = tpu.memref_slice %arg6[%dma_start3A_1834, %dma_start3A_1835] : memref<24x4096xf32, #tpu.memory_space<vmem>> -> memref<8x4096xf32, #tpu.memory_space<vmem>>
      tpu.enqueue_dma source(%dma_start3A_1836 : memref<8x4096xf32, #tpu.memory_space<vmem>>) target(%dma_start3A_1833 : memref<8x4096xf32, #tpu.memory_space<hbm>>) target_semaphore(%dma_start3A_1831 : memref<!tpu.dma_semaphore, #tpu.memory_space<semaphore_mem>>)
    } else {
    }
    %add3A_680 = arith.constant 8 : i32
    %add3A_681 = arith.addi %add3A_675, %add3A_680 : i32
    %gt3A_682 = arith.cmpi sgt, %add3A_681, %squeeze3A : i32
    %convert_element_type3A_683 = arith.extui %gt3A_682 : i1 to i32
    %cond3A_684 = arith.constant 0 : i32
    %cond3A_685 = arith.cmpi ne, %convert_element_type3A_683, %cond3A_684 : i32
    scf.if %cond3A_685 {
      %add3A_1822 = arith.addi %mul3A_37, %add3A_675 : i32
      %add3A_1823 = arith.constant 16 : i32
      %add3A_1824 = arith.addi %add3A_1822, %add3A_1823 : i32
      %multiple_of3A_1825 = tpu.assume_multiple %add3A_1824, 8 : i32
      %dma_start3A_1826 = arith.constant 2 : i32
      %dma_start3A_1827 = arith.constant 16 : i32
      %dma_start3A_1828 = arith.constant 0 : i32
      %dma_start3A_1829 = tpu.memref_slice %arg6[%dma_start3A_1827, %dma_start3A_1828] : memref<24x4096xf32, #tpu.memory_space<vmem>> -> memref<8x4096xf32, #tpu.memory_space<vmem>>
      %dma_start3A_1830 = arith.constant 0 : i32
      %dma_start3A_1831 = tpu.memref_slice %arg5[%multiple_of3A_1825, %dma_start3A_1830] : memref<8256x4096xf32, #tpu.memory_space<hbm>> -> memref<8x4096xf32, #tpu.memory_space<hbm>>
      %dma_start3A_1832 = tpu.memref_slice %arg9[%dma_start3A_1826] : memref<3x!tpu.dma_semaphore, #tpu.memory_space<semaphore_mem>> -> memref<1x!tpu.dma_semaphore, #tpu.memory_space<semaphore_mem>>
      %dma_start3A_1833 = tpu.memref_squeeze %dma_start3A_1832 : memref<1x!tpu.dma_semaphore, #tpu.memory_space<semaphore_mem>> -> memref<!tpu.dma_semaphore, #tpu.memory_space<semaphore_mem>>
      %dma_start3A_1834 = arith.constant 0 : i32
      %dma_start3A_1835 = tpu.memref_slice %arg5[%multiple_of3A_1825, %dma_start3A_1834] : memref<8256x4096xf32, #tpu.memory_space<hbm>> -> memref<8x4096xf32, #tpu.memory_space<hbm>>
      %dma_start3A_1836 = arith.constant 16 : i32
      %dma_start3A_1837 = arith.constant 0 : i32
      %dma_start3A_1838 = tpu.memref_slice %arg6[%dma_start3A_1836, %dma_start3A_1837] : memref<24x4096xf32, #tpu.memory_space<vmem>> -> memref<8x4096xf32, #tpu.memory_space<vmem>>
      tpu.enqueue_dma source(%dma_start3A_1838 : memref<8x4096xf32, #tpu.memory_space<vmem>>) target(%dma_start3A_1835 : memref<8x4096xf32, #tpu.memory_space<hbm>>) target_semaphore(%dma_start3A_1833 : memref<!tpu.dma_semaphore, #tpu.memory_space<semaphore_mem>>)
    } else {
    }
    %add3A_686 = arith.constant 80 : i32
    %add3A_687 = arith.addi %mul3A_32, %add3A_686 : i32
    %lt3A_688 = arith.cmpi slt, %add3A_687, %squeeze3A : i32
    %convert_element_type3A_689 = arith.extui %lt3A_688 : i1 to i32
    %cond3A_690 = arith.constant 0 : i32
    %cond3A_691 = arith.cmpi ne, %convert_element_type3A_689, %cond3A_690 : i32
    scf.if %cond3A_691 {
      %add3A_1822 = arith.addi %mul3A_37, %add3A_687 : i32
      %multiple_of3A_1823 = tpu.assume_multiple %add3A_1822, 8 : i32
      %dma_wait3A_1824 = arith.constant 1 : i32
      %dma_wait3A_1825 = arith.constant 8 : i32
      %dma_wait3A_1826 = arith.constant 0 : i32
      %dma_wait3A_1827 = tpu.memref_slice %arg6[%dma_wait3A_1825, %dma_wait3A_1826] : memref<24x4096xf32, #tpu.memory_space<vmem>> -> memref<8x4096xf32, #tpu.memory_space<vmem>>
      %dma_wait3A_1828 = arith.constant 0 : i32
      %dma_wait3A_1829 = tpu.memref_slice %arg5[%multiple_of3A_1823, %dma_wait3A_1828] : memref<8256x4096xf32, #tpu.memory_space<hbm>> -> memref<8x4096xf32, #tpu.memory_space<hbm>>
      %dma_wait3A_1830 = tpu.memref_slice %arg9[%dma_wait3A_1824] : memref<3x!tpu.dma_semaphore, #tpu.memory_space<semaphore_mem>> -> memref<1x!tpu.dma_semaphore, #tpu.memory_space<semaphore_mem>>
      %dma_wait3A_1831 = tpu.memref_squeeze %dma_wait3A_1830 : memref<1x!tpu.dma_semaphore, #tpu.memory_space<semaphore_mem>> -> memref<!tpu.dma_semaphore, #tpu.memory_space<semaphore_mem>>
      %dma_wait3A_1832 = arith.constant 0 : i32
      %dma_wait3A_1833 = tpu.memref_slice %arg5[%multiple_of3A_1823, %dma_wait3A_1832] : memref<8256x4096xf32, #tpu.memory_space<hbm>> -> memref<8x4096xf32, #tpu.memory_space<hbm>>
      %dma_wait3A_1834 = arith.constant 8 : i32
      %dma_wait3A_1835 = arith.constant 0 : i32
      %dma_wait3A_1836 = tpu.memref_slice %arg6[%dma_wait3A_1834, %dma_wait3A_1835] : memref<24x4096xf32, #tpu.memory_space<vmem>> -> memref<8x4096xf32, #tpu.memory_space<vmem>>
      tpu.wait_dma2 semaphore(%dma_wait3A_1831 : memref<!tpu.dma_semaphore, #tpu.memory_space<semaphore_mem>>) src(%dma_wait3A_1836 : memref<8x4096xf32, #tpu.memory_space<vmem>>) dst(%dma_wait3A_1833 : memref<8x4096xf32, #tpu.memory_space<hbm>>)
    } else {
    }
    %add3A_692 = arith.constant 8 : i32
    %add3A_693 = arith.addi %add3A_687, %add3A_692 : i32
    %gt3A_694 = arith.cmpi sgt, %add3A_693, %squeeze3A : i32
    %convert_element_type3A_695 = arith.extui %gt3A_694 : i1 to i32
    %cond3A_696 = arith.constant 0 : i32
    %cond3A_697 = arith.cmpi ne, %convert_element_type3A_695, %cond3A_696 : i32
    scf.if %cond3A_697 {
      %add3A_1822 = arith.addi %mul3A_37, %add3A_687 : i32
      %add3A_1823 = arith.constant 16 : i32
      %add3A_1824 = arith.addi %add3A_1822, %add3A_1823 : i32
      %multiple_of3A_1825 = tpu.assume_multiple %add3A_1824, 8 : i32
      %dma_wait3A_1826 = arith.constant 1 : i32
      %dma_wait3A_1827 = arith.constant 8 : i32
      %dma_wait3A_1828 = arith.constant 0 : i32
      %dma_wait3A_1829 = tpu.memref_slice %arg6[%dma_wait3A_1827, %dma_wait3A_1828] : memref<24x4096xf32, #tpu.memory_space<vmem>> -> memref<8x4096xf32, #tpu.memory_space<vmem>>
      %dma_wait3A_1830 = arith.constant 0 : i32
      %dma_wait3A_1831 = tpu.memref_slice %arg5[%multiple_of3A_1825, %dma_wait3A_1830] : memref<8256x4096xf32, #tpu.memory_space<hbm>> -> memref<8x4096xf32, #tpu.memory_space<hbm>>
      %dma_wait3A_1832 = tpu.memref_slice %arg9[%dma_wait3A_1826] : memref<3x!tpu.dma_semaphore, #tpu.memory_space<semaphore_mem>> -> memref<1x!tpu.dma_semaphore, #tpu.memory_space<semaphore_mem>>
      %dma_wait3A_1833 = tpu.memref_squeeze %dma_wait3A_1832 : memref<1x!tpu.dma_semaphore, #tpu.memory_space<semaphore_mem>> -> memref<!tpu.dma_semaphore, #tpu.memory_space<semaphore_mem>>
      %dma_wait3A_1834 = arith.constant 0 : i32
      %dma_wait3A_1835 = tpu.memref_slice %arg5[%multiple_of3A_1825, %dma_wait3A_1834] : memref<8256x4096xf32, #tpu.memory_space<hbm>> -> memref<8x4096xf32, #tpu.memory_space<hbm>>
      %dma_wait3A_1836 = arith.constant 8 : i32
      %dma_wait3A_1837 = arith.constant 0 : i32
      %dma_wait3A_1838 = tpu.memref_slice %arg6[%dma_wait3A_1836, %dma_wait3A_1837] : memref<24x4096xf32, #tpu.memory_space<vmem>> -> memref<8x4096xf32, #tpu.memory_space<vmem>>
      tpu.wait_dma2 semaphore(%dma_wait3A_1833 : memref<!tpu.dma_semaphore, #tpu.memory_space<semaphore_mem>>) src(%dma_wait3A_1838 : memref<8x4096xf32, #tpu.memory_space<vmem>>) dst(%dma_wait3A_1835 : memref<8x4096xf32, #tpu.memory_space<hbm>>)
    } else {
    }
    %add3A_698 = arith.constant 104 : i32
    %add3A_699 = arith.addi %add3A_35, %add3A_698 : i32
    %multiple_of3A_700 = tpu.assume_multiple %add3A_699, 8 : i32
    %dma_start3A_701 = arith.constant 1 : i32
    %dma_start3A_702 = arith.constant 8 : i32
    %dma_start3A_703 = arith.constant 0 : i32
    %dma_start3A_704 = tpu.memref_slice %arg6[%dma_start3A_702, %dma_start3A_703] : memref<24x4096xf32, #tpu.memory_space<vmem>> -> memref<8x4096xf32, #tpu.memory_space<vmem>>
    %dma_start3A_705 = arith.constant 0 : i32
    %dma_start3A_706 = tpu.memref_slice %arg2[%multiple_of3A_700, %dma_start3A_705] : memref<8192x4096xf32, #tpu.memory_space<hbm>> -> memref<8x4096xf32, #tpu.memory_space<hbm>>
    %dma_start3A_707 = tpu.memref_slice %arg8[%dma_start3A_701] : memref<3x!tpu.dma_semaphore, #tpu.memory_space<semaphore_mem>> -> memref<1x!tpu.dma_semaphore, #tpu.memory_space<semaphore_mem>>
    %dma_start3A_708 = tpu.memref_squeeze %dma_start3A_707 : memref<1x!tpu.dma_semaphore, #tpu.memory_space<semaphore_mem>> -> memref<!tpu.dma_semaphore, #tpu.memory_space<semaphore_mem>>
    %dma_start3A_709 = arith.constant 8 : i32
    %dma_start3A_710 = arith.constant 0 : i32
    %dma_start3A_711 = tpu.memref_slice %arg6[%dma_start3A_709, %dma_start3A_710] : memref<24x4096xf32, #tpu.memory_space<vmem>> -> memref<8x4096xf32, #tpu.memory_space<vmem>>
    %dma_start3A_712 = arith.constant 0 : i32
    %dma_start3A_713 = tpu.memref_slice %arg2[%multiple_of3A_700, %dma_start3A_712] : memref<8192x4096xf32, #tpu.memory_space<hbm>> -> memref<8x4096xf32, #tpu.memory_space<hbm>>
    tpu.enqueue_dma source(%dma_start3A_713 : memref<8x4096xf32, #tpu.memory_space<hbm>>) target(%dma_start3A_711 : memref<8x4096xf32, #tpu.memory_space<vmem>>) target_semaphore(%dma_start3A_708 : memref<!tpu.dma_semaphore, #tpu.memory_space<semaphore_mem>>)
    %dma_wait3A_714 = arith.constant 0 : i32
    %dma_wait3A_715 = arith.constant 0 : i32
    %dma_wait3A_716 = arith.constant 0 : i32
    %dma_wait3A_717 = tpu.memref_slice %arg6[%dma_wait3A_715, %dma_wait3A_716] : memref<24x4096xf32, #tpu.memory_space<vmem>> -> memref<8x4096xf32, #tpu.memory_space<vmem>>
    %dma_wait3A_718 = arith.constant 0 : i32
    %dma_wait3A_719 = arith.constant 0 : i32
    %dma_wait3A_720 = tpu.memref_slice %arg2[%dma_wait3A_718, %dma_wait3A_719] : memref<8192x4096xf32, #tpu.memory_space<hbm>> -> memref<8x4096xf32, #tpu.memory_space<hbm>>
    %dma_wait3A_721 = tpu.memref_slice %arg8[%dma_wait3A_714] : memref<3x!tpu.dma_semaphore, #tpu.memory_space<semaphore_mem>> -> memref<1x!tpu.dma_semaphore, #tpu.memory_space<semaphore_mem>>
    %dma_wait3A_722 = tpu.memref_squeeze %dma_wait3A_721 : memref<1x!tpu.dma_semaphore, #tpu.memory_space<semaphore_mem>> -> memref<!tpu.dma_semaphore, #tpu.memory_space<semaphore_mem>>
    %dma_wait3A_723 = arith.constant 0 : i32
    %dma_wait3A_724 = arith.constant 0 : i32
    %dma_wait3A_725 = tpu.memref_slice %arg6[%dma_wait3A_723, %dma_wait3A_724] : memref<24x4096xf32, #tpu.memory_space<vmem>> -> memref<8x4096xf32, #tpu.memory_space<vmem>>
    %dma_wait3A_726 = arith.constant 0 : i32
    %dma_wait3A_727 = arith.constant 0 : i32
    %dma_wait3A_728 = tpu.memref_slice %arg2[%dma_wait3A_726, %dma_wait3A_727] : memref<8192x4096xf32, #tpu.memory_space<hbm>> -> memref<8x4096xf32, #tpu.memory_space<hbm>>
    tpu.wait_dma2 semaphore(%dma_wait3A_722 : memref<!tpu.dma_semaphore, #tpu.memory_space<semaphore_mem>>) src(%dma_wait3A_728 : memref<8x4096xf32, #tpu.memory_space<hbm>>) dst(%dma_wait3A_725 : memref<8x4096xf32, #tpu.memory_space<vmem>>)
    %add3A_729 = arith.constant 96 : i32
    %add3A_730 = arith.addi %mul3A_32, %add3A_729 : i32
    %lt3A_731 = arith.cmpi slt, %add3A_730, %squeeze3A : i32
    %convert_element_type3A_732 = arith.extui %lt3A_731 : i1 to i32
    %cond3A_733 = arith.constant 0 : i32
    %cond3A_734 = arith.cmpi ne, %convert_element_type3A_732, %cond3A_733 : i32
    scf.if %cond3A_734 {
      %add3A_1822 = arith.addi %mul3A_37, %add3A_730 : i32
      %multiple_of3A_1823 = tpu.assume_multiple %add3A_1822, 8 : i32
      %dma_start3A_1824 = arith.constant 0 : i32
      %dma_start3A_1825 = arith.constant 0 : i32
      %dma_start3A_1826 = arith.constant 0 : i32
      %dma_start3A_1827 = tpu.memref_slice %arg6[%dma_start3A_1825, %dma_start3A_1826] : memref<24x4096xf32, #tpu.memory_space<vmem>> -> memref<8x4096xf32, #tpu.memory_space<vmem>>
      %dma_start3A_1828 = arith.constant 0 : i32
      %dma_start3A_1829 = tpu.memref_slice %arg5[%multiple_of3A_1823, %dma_start3A_1828] : memref<8256x4096xf32, #tpu.memory_space<hbm>> -> memref<8x4096xf32, #tpu.memory_space<hbm>>
      %dma_start3A_1830 = tpu.memref_slice %arg9[%dma_start3A_1824] : memref<3x!tpu.dma_semaphore, #tpu.memory_space<semaphore_mem>> -> memref<1x!tpu.dma_semaphore, #tpu.memory_space<semaphore_mem>>
      %dma_start3A_1831 = tpu.memref_squeeze %dma_start3A_1830 : memref<1x!tpu.dma_semaphore, #tpu.memory_space<semaphore_mem>> -> memref<!tpu.dma_semaphore, #tpu.memory_space<semaphore_mem>>
      %dma_start3A_1832 = arith.constant 0 : i32
      %dma_start3A_1833 = tpu.memref_slice %arg5[%multiple_of3A_1823, %dma_start3A_1832] : memref<8256x4096xf32, #tpu.memory_space<hbm>> -> memref<8x4096xf32, #tpu.memory_space<hbm>>
      %dma_start3A_1834 = arith.constant 0 : i32
      %dma_start3A_1835 = arith.constant 0 : i32
      %dma_start3A_1836 = tpu.memref_slice %arg6[%dma_start3A_1834, %dma_start3A_1835] : memref<24x4096xf32, #tpu.memory_space<vmem>> -> memref<8x4096xf32, #tpu.memory_space<vmem>>
      tpu.enqueue_dma source(%dma_start3A_1836 : memref<8x4096xf32, #tpu.memory_space<vmem>>) target(%dma_start3A_1833 : memref<8x4096xf32, #tpu.memory_space<hbm>>) target_semaphore(%dma_start3A_1831 : memref<!tpu.dma_semaphore, #tpu.memory_space<semaphore_mem>>)
    } else {
    }
    %add3A_735 = arith.constant 8 : i32
    %add3A_736 = arith.addi %add3A_730, %add3A_735 : i32
    %gt3A_737 = arith.cmpi sgt, %add3A_736, %squeeze3A : i32
    %convert_element_type3A_738 = arith.extui %gt3A_737 : i1 to i32
    %cond3A_739 = arith.constant 0 : i32
    %cond3A_740 = arith.cmpi ne, %convert_element_type3A_738, %cond3A_739 : i32
    scf.if %cond3A_740 {
      %add3A_1822 = arith.addi %mul3A_37, %add3A_730 : i32
      %add3A_1823 = arith.constant 16 : i32
      %add3A_1824 = arith.addi %add3A_1822, %add3A_1823 : i32
      %multiple_of3A_1825 = tpu.assume_multiple %add3A_1824, 8 : i32
      %dma_start3A_1826 = arith.constant 0 : i32
      %dma_start3A_1827 = arith.constant 0 : i32
      %dma_start3A_1828 = arith.constant 0 : i32
      %dma_start3A_1829 = tpu.memref_slice %arg6[%dma_start3A_1827, %dma_start3A_1828] : memref<24x4096xf32, #tpu.memory_space<vmem>> -> memref<8x4096xf32, #tpu.memory_space<vmem>>
      %dma_start3A_1830 = arith.constant 0 : i32
      %dma_start3A_1831 = tpu.memref_slice %arg5[%multiple_of3A_1825, %dma_start3A_1830] : memref<8256x4096xf32, #tpu.memory_space<hbm>> -> memref<8x4096xf32, #tpu.memory_space<hbm>>
      %dma_start3A_1832 = tpu.memref_slice %arg9[%dma_start3A_1826] : memref<3x!tpu.dma_semaphore, #tpu.memory_space<semaphore_mem>> -> memref<1x!tpu.dma_semaphore, #tpu.memory_space<semaphore_mem>>
      %dma_start3A_1833 = tpu.memref_squeeze %dma_start3A_1832 : memref<1x!tpu.dma_semaphore, #tpu.memory_space<semaphore_mem>> -> memref<!tpu.dma_semaphore, #tpu.memory_space<semaphore_mem>>
      %dma_start3A_1834 = arith.constant 0 : i32
      %dma_start3A_1835 = tpu.memref_slice %arg5[%multiple_of3A_1825, %dma_start3A_1834] : memref<8256x4096xf32, #tpu.memory_space<hbm>> -> memref<8x4096xf32, #tpu.memory_space<hbm>>
      %dma_start3A_1836 = arith.constant 0 : i32
      %dma_start3A_1837 = arith.constant 0 : i32
      %dma_start3A_1838 = tpu.memref_slice %arg6[%dma_start3A_1836, %dma_start3A_1837] : memref<24x4096xf32, #tpu.memory_space<vmem>> -> memref<8x4096xf32, #tpu.memory_space<vmem>>
      tpu.enqueue_dma source(%dma_start3A_1838 : memref<8x4096xf32, #tpu.memory_space<vmem>>) target(%dma_start3A_1835 : memref<8x4096xf32, #tpu.memory_space<hbm>>) target_semaphore(%dma_start3A_1833 : memref<!tpu.dma_semaphore, #tpu.memory_space<semaphore_mem>>)
    } else {
    }
    %add3A_741 = arith.constant 88 : i32
    %add3A_742 = arith.addi %mul3A_32, %add3A_741 : i32
    %lt3A_743 = arith.cmpi slt, %add3A_742, %squeeze3A : i32
    %convert_element_type3A_744 = arith.extui %lt3A_743 : i1 to i32
    %cond3A_745 = arith.constant 0 : i32
    %cond3A_746 = arith.cmpi ne, %convert_element_type3A_744, %cond3A_745 : i32
    scf.if %cond3A_746 {
      %add3A_1822 = arith.addi %mul3A_37, %add3A_742 : i32
      %multiple_of3A_1823 = tpu.assume_multiple %add3A_1822, 8 : i32
      %dma_wait3A_1824 = arith.constant 2 : i32
      %dma_wait3A_1825 = arith.constant 16 : i32
      %dma_wait3A_1826 = arith.constant 0 : i32
      %dma_wait3A_1827 = tpu.memref_slice %arg6[%dma_wait3A_1825, %dma_wait3A_1826] : memref<24x4096xf32, #tpu.memory_space<vmem>> -> memref<8x4096xf32, #tpu.memory_space<vmem>>
      %dma_wait3A_1828 = arith.constant 0 : i32
      %dma_wait3A_1829 = tpu.memref_slice %arg5[%multiple_of3A_1823, %dma_wait3A_1828] : memref<8256x4096xf32, #tpu.memory_space<hbm>> -> memref<8x4096xf32, #tpu.memory_space<hbm>>
      %dma_wait3A_1830 = tpu.memref_slice %arg9[%dma_wait3A_1824] : memref<3x!tpu.dma_semaphore, #tpu.memory_space<semaphore_mem>> -> memref<1x!tpu.dma_semaphore, #tpu.memory_space<semaphore_mem>>
      %dma_wait3A_1831 = tpu.memref_squeeze %dma_wait3A_1830 : memref<1x!tpu.dma_semaphore, #tpu.memory_space<semaphore_mem>> -> memref<!tpu.dma_semaphore, #tpu.memory_space<semaphore_mem>>
      %dma_wait3A_1832 = arith.constant 0 : i32
      %dma_wait3A_1833 = tpu.memref_slice %arg5[%multiple_of3A_1823, %dma_wait3A_1832] : memref<8256x4096xf32, #tpu.memory_space<hbm>> -> memref<8x4096xf32, #tpu.memory_space<hbm>>
      %dma_wait3A_1834 = arith.constant 16 : i32
      %dma_wait3A_1835 = arith.constant 0 : i32
      %dma_wait3A_1836 = tpu.memref_slice %arg6[%dma_wait3A_1834, %dma_wait3A_1835] : memref<24x4096xf32, #tpu.memory_space<vmem>> -> memref<8x4096xf32, #tpu.memory_space<vmem>>
      tpu.wait_dma2 semaphore(%dma_wait3A_1831 : memref<!tpu.dma_semaphore, #tpu.memory_space<semaphore_mem>>) src(%dma_wait3A_1836 : memref<8x4096xf32, #tpu.memory_space<vmem>>) dst(%dma_wait3A_1833 : memref<8x4096xf32, #tpu.memory_space<hbm>>)
    } else {
    }
    %add3A_747 = arith.constant 8 : i32
    %add3A_748 = arith.addi %add3A_742, %add3A_747 : i32
    %gt3A_749 = arith.cmpi sgt, %add3A_748, %squeeze3A : i32
    %convert_element_type3A_750 = arith.extui %gt3A_749 : i1 to i32
    %cond3A_751 = arith.constant 0 : i32
    %cond3A_752 = arith.cmpi ne, %convert_element_type3A_750, %cond3A_751 : i32
    scf.if %cond3A_752 {
      %add3A_1822 = arith.addi %mul3A_37, %add3A_742 : i32
      %add3A_1823 = arith.constant 16 : i32
      %add3A_1824 = arith.addi %add3A_1822, %add3A_1823 : i32
      %multiple_of3A_1825 = tpu.assume_multiple %add3A_1824, 8 : i32
      %dma_wait3A_1826 = arith.constant 2 : i32
      %dma_wait3A_1827 = arith.constant 16 : i32
      %dma_wait3A_1828 = arith.constant 0 : i32
      %dma_wait3A_1829 = tpu.memref_slice %arg6[%dma_wait3A_1827, %dma_wait3A_1828] : memref<24x4096xf32, #tpu.memory_space<vmem>> -> memref<8x4096xf32, #tpu.memory_space<vmem>>
      %dma_wait3A_1830 = arith.constant 0 : i32
      %dma_wait3A_1831 = tpu.memref_slice %arg5[%multiple_of3A_1825, %dma_wait3A_1830] : memref<8256x4096xf32, #tpu.memory_space<hbm>> -> memref<8x4096xf32, #tpu.memory_space<hbm>>
      %dma_wait3A_1832 = tpu.memref_slice %arg9[%dma_wait3A_1826] : memref<3x!tpu.dma_semaphore, #tpu.memory_space<semaphore_mem>> -> memref<1x!tpu.dma_semaphore, #tpu.memory_space<semaphore_mem>>
      %dma_wait3A_1833 = tpu.memref_squeeze %dma_wait3A_1832 : memref<1x!tpu.dma_semaphore, #tpu.memory_space<semaphore_mem>> -> memref<!tpu.dma_semaphore, #tpu.memory_space<semaphore_mem>>
      %dma_wait3A_1834 = arith.constant 0 : i32
      %dma_wait3A_1835 = tpu.memref_slice %arg5[%multiple_of3A_1825, %dma_wait3A_1834] : memref<8256x4096xf32, #tpu.memory_space<hbm>> -> memref<8x4096xf32, #tpu.memory_space<hbm>>
      %dma_wait3A_1836 = arith.constant 16 : i32
      %dma_wait3A_1837 = arith.constant 0 : i32
      %dma_wait3A_1838 = tpu.memref_slice %arg6[%dma_wait3A_1836, %dma_wait3A_1837] : memref<24x4096xf32, #tpu.memory_space<vmem>> -> memref<8x4096xf32, #tpu.memory_space<vmem>>
      tpu.wait_dma2 semaphore(%dma_wait3A_1833 : memref<!tpu.dma_semaphore, #tpu.memory_space<semaphore_mem>>) src(%dma_wait3A_1838 : memref<8x4096xf32, #tpu.memory_space<vmem>>) dst(%dma_wait3A_1835 : memref<8x4096xf32, #tpu.memory_space<hbm>>)
    } else {
    }
    %add3A_753 = arith.constant 112 : i32
    %add3A_754 = arith.addi %add3A_35, %add3A_753 : i32
    %multiple_of3A_755 = tpu.assume_multiple %add3A_754, 8 : i32
    %dma_start3A_756 = arith.constant 2 : i32
    %dma_start3A_757 = arith.constant 16 : i32
    %dma_start3A_758 = arith.constant 0 : i32
    %dma_start3A_759 = tpu.memref_slice %arg6[%dma_start3A_757, %dma_start3A_758] : memref<24x4096xf32, #tpu.memory_space<vmem>> -> memref<8x4096xf32, #tpu.memory_space<vmem>>
    %dma_start3A_760 = arith.constant 0 : i32
    %dma_start3A_761 = tpu.memref_slice %arg2[%multiple_of3A_755, %dma_start3A_760] : memref<8192x4096xf32, #tpu.memory_space<hbm>> -> memref<8x4096xf32, #tpu.memory_space<hbm>>
    %dma_start3A_762 = tpu.memref_slice %arg8[%dma_start3A_756] : memref<3x!tpu.dma_semaphore, #tpu.memory_space<semaphore_mem>> -> memref<1x!tpu.dma_semaphore, #tpu.memory_space<semaphore_mem>>
    %dma_start3A_763 = tpu.memref_squeeze %dma_start3A_762 : memref<1x!tpu.dma_semaphore, #tpu.memory_space<semaphore_mem>> -> memref<!tpu.dma_semaphore, #tpu.memory_space<semaphore_mem>>
    %dma_start3A_764 = arith.constant 16 : i32
    %dma_start3A_765 = arith.constant 0 : i32
    %dma_start3A_766 = tpu.memref_slice %arg6[%dma_start3A_764, %dma_start3A_765] : memref<24x4096xf32, #tpu.memory_space<vmem>> -> memref<8x4096xf32, #tpu.memory_space<vmem>>
    %dma_start3A_767 = arith.constant 0 : i32
    %dma_start3A_768 = tpu.memref_slice %arg2[%multiple_of3A_755, %dma_start3A_767] : memref<8192x4096xf32, #tpu.memory_space<hbm>> -> memref<8x4096xf32, #tpu.memory_space<hbm>>
    tpu.enqueue_dma source(%dma_start3A_768 : memref<8x4096xf32, #tpu.memory_space<hbm>>) target(%dma_start3A_766 : memref<8x4096xf32, #tpu.memory_space<vmem>>) target_semaphore(%dma_start3A_763 : memref<!tpu.dma_semaphore, #tpu.memory_space<semaphore_mem>>)
    %dma_wait3A_769 = arith.constant 1 : i32
    %dma_wait3A_770 = arith.constant 8 : i32
    %dma_wait3A_771 = arith.constant 0 : i32
    %dma_wait3A_772 = tpu.memref_slice %arg6[%dma_wait3A_770, %dma_wait3A_771] : memref<24x4096xf32, #tpu.memory_space<vmem>> -> memref<8x4096xf32, #tpu.memory_space<vmem>>
    %dma_wait3A_773 = arith.constant 0 : i32
    %dma_wait3A_774 = arith.constant 0 : i32
    %dma_wait3A_775 = tpu.memref_slice %arg2[%dma_wait3A_773, %dma_wait3A_774] : memref<8192x4096xf32, #tpu.memory_space<hbm>> -> memref<8x4096xf32, #tpu.memory_space<hbm>>
    %dma_wait3A_776 = tpu.memref_slice %arg8[%dma_wait3A_769] : memref<3x!tpu.dma_semaphore, #tpu.memory_space<semaphore_mem>> -> memref<1x!tpu.dma_semaphore, #tpu.memory_space<semaphore_mem>>
    %dma_wait3A_777 = tpu.memref_squeeze %dma_wait3A_776 : memref<1x!tpu.dma_semaphore, #tpu.memory_space<semaphore_mem>> -> memref<!tpu.dma_semaphore, #tpu.memory_space<semaphore_mem>>
    %dma_wait3A_778 = arith.constant 8 : i32
    %dma_wait3A_779 = arith.constant 0 : i32
    %dma_wait3A_780 = tpu.memref_slice %arg6[%dma_wait3A_778, %dma_wait3A_779] : memref<24x4096xf32, #tpu.memory_space<vmem>> -> memref<8x4096xf32, #tpu.memory_space<vmem>>
    %dma_wait3A_781 = arith.constant 0 : i32
    %dma_wait3A_782 = arith.constant 0 : i32
    %dma_wait3A_783 = tpu.memref_slice %arg2[%dma_wait3A_781, %dma_wait3A_782] : memref<8192x4096xf32, #tpu.memory_space<hbm>> -> memref<8x4096xf32, #tpu.memory_space<hbm>>
    tpu.wait_dma2 semaphore(%dma_wait3A_777 : memref<!tpu.dma_semaphore, #tpu.memory_space<semaphore_mem>>) src(%dma_wait3A_783 : memref<8x4096xf32, #tpu.memory_space<hbm>>) dst(%dma_wait3A_780 : memref<8x4096xf32, #tpu.memory_space<vmem>>)
    %add3A_784 = arith.constant 104 : i32
    %add3A_785 = arith.addi %mul3A_32, %add3A_784 : i32
    %lt3A_786 = arith.cmpi slt, %add3A_785, %squeeze3A : i32
    %convert_element_type3A_787 = arith.extui %lt3A_786 : i1 to i32
    %cond3A_788 = arith.constant 0 : i32
    %cond3A_789 = arith.cmpi ne, %convert_element_type3A_787, %cond3A_788 : i32
    scf.if %cond3A_789 {
      %add3A_1822 = arith.addi %mul3A_37, %add3A_785 : i32
      %multiple_of3A_1823 = tpu.assume_multiple %add3A_1822, 8 : i32
      %dma_start3A_1824 = arith.constant 1 : i32
      %dma_start3A_1825 = arith.constant 8 : i32
      %dma_start3A_1826 = arith.constant 0 : i32
      %dma_start3A_1827 = tpu.memref_slice %arg6[%dma_start3A_1825, %dma_start3A_1826] : memref<24x4096xf32, #tpu.memory_space<vmem>> -> memref<8x4096xf32, #tpu.memory_space<vmem>>
      %dma_start3A_1828 = arith.constant 0 : i32
      %dma_start3A_1829 = tpu.memref_slice %arg5[%multiple_of3A_1823, %dma_start3A_1828] : memref<8256x4096xf32, #tpu.memory_space<hbm>> -> memref<8x4096xf32, #tpu.memory_space<hbm>>
      %dma_start3A_1830 = tpu.memref_slice %arg9[%dma_start3A_1824] : memref<3x!tpu.dma_semaphore, #tpu.memory_space<semaphore_mem>> -> memref<1x!tpu.dma_semaphore, #tpu.memory_space<semaphore_mem>>
      %dma_start3A_1831 = tpu.memref_squeeze %dma_start3A_1830 : memref<1x!tpu.dma_semaphore, #tpu.memory_space<semaphore_mem>> -> memref<!tpu.dma_semaphore, #tpu.memory_space<semaphore_mem>>
      %dma_start3A_1832 = arith.constant 0 : i32
      %dma_start3A_1833 = tpu.memref_slice %arg5[%multiple_of3A_1823, %dma_start3A_1832] : memref<8256x4096xf32, #tpu.memory_space<hbm>> -> memref<8x4096xf32, #tpu.memory_space<hbm>>
      %dma_start3A_1834 = arith.constant 8 : i32
      %dma_start3A_1835 = arith.constant 0 : i32
      %dma_start3A_1836 = tpu.memref_slice %arg6[%dma_start3A_1834, %dma_start3A_1835] : memref<24x4096xf32, #tpu.memory_space<vmem>> -> memref<8x4096xf32, #tpu.memory_space<vmem>>
      tpu.enqueue_dma source(%dma_start3A_1836 : memref<8x4096xf32, #tpu.memory_space<vmem>>) target(%dma_start3A_1833 : memref<8x4096xf32, #tpu.memory_space<hbm>>) target_semaphore(%dma_start3A_1831 : memref<!tpu.dma_semaphore, #tpu.memory_space<semaphore_mem>>)
    } else {
    }
    %add3A_790 = arith.constant 8 : i32
    %add3A_791 = arith.addi %add3A_785, %add3A_790 : i32
    %gt3A_792 = arith.cmpi sgt, %add3A_791, %squeeze3A : i32
    %convert_element_type3A_793 = arith.extui %gt3A_792 : i1 to i32
    %cond3A_794 = arith.constant 0 : i32
    %cond3A_795 = arith.cmpi ne, %convert_element_type3A_793, %cond3A_794 : i32
    scf.if %cond3A_795 {
      %add3A_1822 = arith.addi %mul3A_37, %add3A_785 : i32
      %add3A_1823 = arith.constant 16 : i32
      %add3A_1824 = arith.addi %add3A_1822, %add3A_1823 : i32
      %multiple_of3A_1825 = tpu.assume_multiple %add3A_1824, 8 : i32
      %dma_start3A_1826 = arith.constant 1 : i32
      %dma_start3A_1827 = arith.constant 8 : i32
      %dma_start3A_1828 = arith.constant 0 : i32
      %dma_start3A_1829 = tpu.memref_slice %arg6[%dma_start3A_1827, %dma_start3A_1828] : memref<24x4096xf32, #tpu.memory_space<vmem>> -> memref<8x4096xf32, #tpu.memory_space<vmem>>
      %dma_start3A_1830 = arith.constant 0 : i32
      %dma_start3A_1831 = tpu.memref_slice %arg5[%multiple_of3A_1825, %dma_start3A_1830] : memref<8256x4096xf32, #tpu.memory_space<hbm>> -> memref<8x4096xf32, #tpu.memory_space<hbm>>
      %dma_start3A_1832 = tpu.memref_slice %arg9[%dma_start3A_1826] : memref<3x!tpu.dma_semaphore, #tpu.memory_space<semaphore_mem>> -> memref<1x!tpu.dma_semaphore, #tpu.memory_space<semaphore_mem>>
      %dma_start3A_1833 = tpu.memref_squeeze %dma_start3A_1832 : memref<1x!tpu.dma_semaphore, #tpu.memory_space<semaphore_mem>> -> memref<!tpu.dma_semaphore, #tpu.memory_space<semaphore_mem>>
      %dma_start3A_1834 = arith.constant 0 : i32
      %dma_start3A_1835 = tpu.memref_slice %arg5[%multiple_of3A_1825, %dma_start3A_1834] : memref<8256x4096xf32, #tpu.memory_space<hbm>> -> memref<8x4096xf32, #tpu.memory_space<hbm>>
      %dma_start3A_1836 = arith.constant 8 : i32
      %dma_start3A_1837 = arith.constant 0 : i32
      %dma_start3A_1838 = tpu.memref_slice %arg6[%dma_start3A_1836, %dma_start3A_1837] : memref<24x4096xf32, #tpu.memory_space<vmem>> -> memref<8x4096xf32, #tpu.memory_space<vmem>>
      tpu.enqueue_dma source(%dma_start3A_1838 : memref<8x4096xf32, #tpu.memory_space<vmem>>) target(%dma_start3A_1835 : memref<8x4096xf32, #tpu.memory_space<hbm>>) target_semaphore(%dma_start3A_1833 : memref<!tpu.dma_semaphore, #tpu.memory_space<semaphore_mem>>)
    } else {
    }
    %add3A_796 = arith.constant 96 : i32
    %add3A_797 = arith.addi %mul3A_32, %add3A_796 : i32
    %lt3A_798 = arith.cmpi slt, %add3A_797, %squeeze3A : i32
    %convert_element_type3A_799 = arith.extui %lt3A_798 : i1 to i32
    %cond3A_800 = arith.constant 0 : i32
    %cond3A_801 = arith.cmpi ne, %convert_element_type3A_799, %cond3A_800 : i32
    scf.if %cond3A_801 {
      %add3A_1822 = arith.addi %mul3A_37, %add3A_797 : i32
      %multiple_of3A_1823 = tpu.assume_multiple %add3A_1822, 8 : i32
      %dma_wait3A_1824 = arith.constant 0 : i32
      %dma_wait3A_1825 = arith.constant 0 : i32
      %dma_wait3A_1826 = arith.constant 0 : i32
      %dma_wait3A_1827 = tpu.memref_slice %arg6[%dma_wait3A_1825, %dma_wait3A_1826] : memref<24x4096xf32, #tpu.memory_space<vmem>> -> memref<8x4096xf32, #tpu.memory_space<vmem>>
      %dma_wait3A_1828 = arith.constant 0 : i32
      %dma_wait3A_1829 = tpu.memref_slice %arg5[%multiple_of3A_1823, %dma_wait3A_1828] : memref<8256x4096xf32, #tpu.memory_space<hbm>> -> memref<8x4096xf32, #tpu.memory_space<hbm>>
      %dma_wait3A_1830 = tpu.memref_slice %arg9[%dma_wait3A_1824] : memref<3x!tpu.dma_semaphore, #tpu.memory_space<semaphore_mem>> -> memref<1x!tpu.dma_semaphore, #tpu.memory_space<semaphore_mem>>
      %dma_wait3A_1831 = tpu.memref_squeeze %dma_wait3A_1830 : memref<1x!tpu.dma_semaphore, #tpu.memory_space<semaphore_mem>> -> memref<!tpu.dma_semaphore, #tpu.memory_space<semaphore_mem>>
      %dma_wait3A_1832 = arith.constant 0 : i32
      %dma_wait3A_1833 = tpu.memref_slice %arg5[%multiple_of3A_1823, %dma_wait3A_1832] : memref<8256x4096xf32, #tpu.memory_space<hbm>> -> memref<8x4096xf32, #tpu.memory_space<hbm>>
      %dma_wait3A_1834 = arith.constant 0 : i32
      %dma_wait3A_1835 = arith.constant 0 : i32
      %dma_wait3A_1836 = tpu.memref_slice %arg6[%dma_wait3A_1834, %dma_wait3A_1835] : memref<24x4096xf32, #tpu.memory_space<vmem>> -> memref<8x4096xf32, #tpu.memory_space<vmem>>
      tpu.wait_dma2 semaphore(%dma_wait3A_1831 : memref<!tpu.dma_semaphore, #tpu.memory_space<semaphore_mem>>) src(%dma_wait3A_1836 : memref<8x4096xf32, #tpu.memory_space<vmem>>) dst(%dma_wait3A_1833 : memref<8x4096xf32, #tpu.memory_space<hbm>>)
    } else {
    }
    %add3A_802 = arith.constant 8 : i32
    %add3A_803 = arith.addi %add3A_797, %add3A_802 : i32
    %gt3A_804 = arith.cmpi sgt, %add3A_803, %squeeze3A : i32
    %convert_element_type3A_805 = arith.extui %gt3A_804 : i1 to i32
    %cond3A_806 = arith.constant 0 : i32
    %cond3A_807 = arith.cmpi ne, %convert_element_type3A_805, %cond3A_806 : i32
    scf.if %cond3A_807 {
      %add3A_1822 = arith.addi %mul3A_37, %add3A_797 : i32
      %add3A_1823 = arith.constant 16 : i32
      %add3A_1824 = arith.addi %add3A_1822, %add3A_1823 : i32
      %multiple_of3A_1825 = tpu.assume_multiple %add3A_1824, 8 : i32
      %dma_wait3A_1826 = arith.constant 0 : i32
      %dma_wait3A_1827 = arith.constant 0 : i32
      %dma_wait3A_1828 = arith.constant 0 : i32
      %dma_wait3A_1829 = tpu.memref_slice %arg6[%dma_wait3A_1827, %dma_wait3A_1828] : memref<24x4096xf32, #tpu.memory_space<vmem>> -> memref<8x4096xf32, #tpu.memory_space<vmem>>
      %dma_wait3A_1830 = arith.constant 0 : i32
      %dma_wait3A_1831 = tpu.memref_slice %arg5[%multiple_of3A_1825, %dma_wait3A_1830] : memref<8256x4096xf32, #tpu.memory_space<hbm>> -> memref<8x4096xf32, #tpu.memory_space<hbm>>
      %dma_wait3A_1832 = tpu.memref_slice %arg9[%dma_wait3A_1826] : memref<3x!tpu.dma_semaphore, #tpu.memory_space<semaphore_mem>> -> memref<1x!tpu.dma_semaphore, #tpu.memory_space<semaphore_mem>>
      %dma_wait3A_1833 = tpu.memref_squeeze %dma_wait3A_1832 : memref<1x!tpu.dma_semaphore, #tpu.memory_space<semaphore_mem>> -> memref<!tpu.dma_semaphore, #tpu.memory_space<semaphore_mem>>
      %dma_wait3A_1834 = arith.constant 0 : i32
      %dma_wait3A_1835 = tpu.memref_slice %arg5[%multiple_of3A_1825, %dma_wait3A_1834] : memref<8256x4096xf32, #tpu.memory_space<hbm>> -> memref<8x4096xf32, #tpu.memory_space<hbm>>
      %dma_wait3A_1836 = arith.constant 0 : i32
      %dma_wait3A_1837 = arith.constant 0 : i32
      %dma_wait3A_1838 = tpu.memref_slice %arg6[%dma_wait3A_1836, %dma_wait3A_1837] : memref<24x4096xf32, #tpu.memory_space<vmem>> -> memref<8x4096xf32, #tpu.memory_space<vmem>>
      tpu.wait_dma2 semaphore(%dma_wait3A_1833 : memref<!tpu.dma_semaphore, #tpu.memory_space<semaphore_mem>>) src(%dma_wait3A_1838 : memref<8x4096xf32, #tpu.memory_space<vmem>>) dst(%dma_wait3A_1835 : memref<8x4096xf32, #tpu.memory_space<hbm>>)
    } else {
    }
    %add3A_808 = arith.constant 120 : i32
    %add3A_809 = arith.addi %add3A_35, %add3A_808 : i32
    %multiple_of3A_810 = tpu.assume_multiple %add3A_809, 8 : i32
    %dma_start3A_811 = arith.constant 0 : i32
    %dma_start3A_812 = arith.constant 0 : i32
    %dma_start3A_813 = arith.constant 0 : i32
    %dma_start3A_814 = tpu.memref_slice %arg6[%dma_start3A_812, %dma_start3A_813] : memref<24x4096xf32, #tpu.memory_space<vmem>> -> memref<8x4096xf32, #tpu.memory_space<vmem>>
    %dma_start3A_815 = arith.constant 0 : i32
    %dma_start3A_816 = tpu.memref_slice %arg2[%multiple_of3A_810, %dma_start3A_815] : memref<8192x4096xf32, #tpu.memory_space<hbm>> -> memref<8x4096xf32, #tpu.memory_space<hbm>>
    %dma_start3A_817 = tpu.memref_slice %arg8[%dma_start3A_811] : memref<3x!tpu.dma_semaphore, #tpu.memory_space<semaphore_mem>> -> memref<1x!tpu.dma_semaphore, #tpu.memory_space<semaphore_mem>>
    %dma_start3A_818 = tpu.memref_squeeze %dma_start3A_817 : memref<1x!tpu.dma_semaphore, #tpu.memory_space<semaphore_mem>> -> memref<!tpu.dma_semaphore, #tpu.memory_space<semaphore_mem>>
    %dma_start3A_819 = arith.constant 0 : i32
    %dma_start3A_820 = arith.constant 0 : i32
    %dma_start3A_821 = tpu.memref_slice %arg6[%dma_start3A_819, %dma_start3A_820] : memref<24x4096xf32, #tpu.memory_space<vmem>> -> memref<8x4096xf32, #tpu.memory_space<vmem>>
    %dma_start3A_822 = arith.constant 0 : i32
    %dma_start3A_823 = tpu.memref_slice %arg2[%multiple_of3A_810, %dma_start3A_822] : memref<8192x4096xf32, #tpu.memory_space<hbm>> -> memref<8x4096xf32, #tpu.memory_space<hbm>>
    tpu.enqueue_dma source(%dma_start3A_823 : memref<8x4096xf32, #tpu.memory_space<hbm>>) target(%dma_start3A_821 : memref<8x4096xf32, #tpu.memory_space<vmem>>) target_semaphore(%dma_start3A_818 : memref<!tpu.dma_semaphore, #tpu.memory_space<semaphore_mem>>)
    %dma_wait3A_824 = arith.constant 2 : i32
    %dma_wait3A_825 = arith.constant 16 : i32
    %dma_wait3A_826 = arith.constant 0 : i32
    %dma_wait3A_827 = tpu.memref_slice %arg6[%dma_wait3A_825, %dma_wait3A_826] : memref<24x4096xf32, #tpu.memory_space<vmem>> -> memref<8x4096xf32, #tpu.memory_space<vmem>>
    %dma_wait3A_828 = arith.constant 0 : i32
    %dma_wait3A_829 = arith.constant 0 : i32
    %dma_wait3A_830 = tpu.memref_slice %arg2[%dma_wait3A_828, %dma_wait3A_829] : memref<8192x4096xf32, #tpu.memory_space<hbm>> -> memref<8x4096xf32, #tpu.memory_space<hbm>>
    %dma_wait3A_831 = tpu.memref_slice %arg8[%dma_wait3A_824] : memref<3x!tpu.dma_semaphore, #tpu.memory_space<semaphore_mem>> -> memref<1x!tpu.dma_semaphore, #tpu.memory_space<semaphore_mem>>
    %dma_wait3A_832 = tpu.memref_squeeze %dma_wait3A_831 : memref<1x!tpu.dma_semaphore, #tpu.memory_space<semaphore_mem>> -> memref<!tpu.dma_semaphore, #tpu.memory_space<semaphore_mem>>
    %dma_wait3A_833 = arith.constant 16 : i32
    %dma_wait3A_834 = arith.constant 0 : i32
    %dma_wait3A_835 = tpu.memref_slice %arg6[%dma_wait3A_833, %dma_wait3A_834] : memref<24x4096xf32, #tpu.memory_space<vmem>> -> memref<8x4096xf32, #tpu.memory_space<vmem>>
    %dma_wait3A_836 = arith.constant 0 : i32
    %dma_wait3A_837 = arith.constant 0 : i32
    %dma_wait3A_838 = tpu.memref_slice %arg2[%dma_wait3A_836, %dma_wait3A_837] : memref<8192x4096xf32, #tpu.memory_space<hbm>> -> memref<8x4096xf32, #tpu.memory_space<hbm>>
    tpu.wait_dma2 semaphore(%dma_wait3A_832 : memref<!tpu.dma_semaphore, #tpu.memory_space<semaphore_mem>>) src(%dma_wait3A_838 : memref<8x4096xf32, #tpu.memory_space<hbm>>) dst(%dma_wait3A_835 : memref<8x4096xf32, #tpu.memory_space<vmem>>)
    %add3A_839 = arith.constant 112 : i32
    %add3A_840 = arith.addi %mul3A_32, %add3A_839 : i32
    %lt3A_841 = arith.cmpi slt, %add3A_840, %squeeze3A : i32
    %convert_element_type3A_842 = arith.extui %lt3A_841 : i1 to i32
    %cond3A_843 = arith.constant 0 : i32
    %cond3A_844 = arith.cmpi ne, %convert_element_type3A_842, %cond3A_843 : i32
    scf.if %cond3A_844 {
      %add3A_1822 = arith.addi %mul3A_37, %add3A_840 : i32
      %multiple_of3A_1823 = tpu.assume_multiple %add3A_1822, 8 : i32
      %dma_start3A_1824 = arith.constant 2 : i32
      %dma_start3A_1825 = arith.constant 16 : i32
      %dma_start3A_1826 = arith.constant 0 : i32
      %dma_start3A_1827 = tpu.memref_slice %arg6[%dma_start3A_1825, %dma_start3A_1826] : memref<24x4096xf32, #tpu.memory_space<vmem>> -> memref<8x4096xf32, #tpu.memory_space<vmem>>
      %dma_start3A_1828 = arith.constant 0 : i32
      %dma_start3A_1829 = tpu.memref_slice %arg5[%multiple_of3A_1823, %dma_start3A_1828] : memref<8256x4096xf32, #tpu.memory_space<hbm>> -> memref<8x4096xf32, #tpu.memory_space<hbm>>
      %dma_start3A_1830 = tpu.memref_slice %arg9[%dma_start3A_1824] : memref<3x!tpu.dma_semaphore, #tpu.memory_space<semaphore_mem>> -> memref<1x!tpu.dma_semaphore, #tpu.memory_space<semaphore_mem>>
      %dma_start3A_1831 = tpu.memref_squeeze %dma_start3A_1830 : memref<1x!tpu.dma_semaphore, #tpu.memory_space<semaphore_mem>> -> memref<!tpu.dma_semaphore, #tpu.memory_space<semaphore_mem>>
      %dma_start3A_1832 = arith.constant 0 : i32
      %dma_start3A_1833 = tpu.memref_slice %arg5[%multiple_of3A_1823, %dma_start3A_1832] : memref<8256x4096xf32, #tpu.memory_space<hbm>> -> memref<8x4096xf32, #tpu.memory_space<hbm>>
      %dma_start3A_1834 = arith.constant 16 : i32
      %dma_start3A_1835 = arith.constant 0 : i32
      %dma_start3A_1836 = tpu.memref_slice %arg6[%dma_start3A_1834, %dma_start3A_1835] : memref<24x4096xf32, #tpu.memory_space<vmem>> -> memref<8x4096xf32, #tpu.memory_space<vmem>>
      tpu.enqueue_dma source(%dma_start3A_1836 : memref<8x4096xf32, #tpu.memory_space<vmem>>) target(%dma_start3A_1833 : memref<8x4096xf32, #tpu.memory_space<hbm>>) target_semaphore(%dma_start3A_1831 : memref<!tpu.dma_semaphore, #tpu.memory_space<semaphore_mem>>)
    } else {
    }
    %add3A_845 = arith.constant 8 : i32
    %add3A_846 = arith.addi %add3A_840, %add3A_845 : i32
    %gt3A_847 = arith.cmpi sgt, %add3A_846, %squeeze3A : i32
    %convert_element_type3A_848 = arith.extui %gt3A_847 : i1 to i32
    %cond3A_849 = arith.constant 0 : i32
    %cond3A_850 = arith.cmpi ne, %convert_element_type3A_848, %cond3A_849 : i32
    scf.if %cond3A_850 {
      %add3A_1822 = arith.addi %mul3A_37, %add3A_840 : i32
      %add3A_1823 = arith.constant 16 : i32
      %add3A_1824 = arith.addi %add3A_1822, %add3A_1823 : i32
      %multiple_of3A_1825 = tpu.assume_multiple %add3A_1824, 8 : i32
      %dma_start3A_1826 = arith.constant 2 : i32
      %dma_start3A_1827 = arith.constant 16 : i32
      %dma_start3A_1828 = arith.constant 0 : i32
      %dma_start3A_1829 = tpu.memref_slice %arg6[%dma_start3A_1827, %dma_start3A_1828] : memref<24x4096xf32, #tpu.memory_space<vmem>> -> memref<8x4096xf32, #tpu.memory_space<vmem>>
      %dma_start3A_1830 = arith.constant 0 : i32
      %dma_start3A_1831 = tpu.memref_slice %arg5[%multiple_of3A_1825, %dma_start3A_1830] : memref<8256x4096xf32, #tpu.memory_space<hbm>> -> memref<8x4096xf32, #tpu.memory_space<hbm>>
      %dma_start3A_1832 = tpu.memref_slice %arg9[%dma_start3A_1826] : memref<3x!tpu.dma_semaphore, #tpu.memory_space<semaphore_mem>> -> memref<1x!tpu.dma_semaphore, #tpu.memory_space<semaphore_mem>>
      %dma_start3A_1833 = tpu.memref_squeeze %dma_start3A_1832 : memref<1x!tpu.dma_semaphore, #tpu.memory_space<semaphore_mem>> -> memref<!tpu.dma_semaphore, #tpu.memory_space<semaphore_mem>>
      %dma_start3A_1834 = arith.constant 0 : i32
      %dma_start3A_1835 = tpu.memref_slice %arg5[%multiple_of3A_1825, %dma_start3A_1834] : memref<8256x4096xf32, #tpu.memory_space<hbm>> -> memref<8x4096xf32, #tpu.memory_space<hbm>>
      %dma_start3A_1836 = arith.constant 16 : i32
      %dma_start3A_1837 = arith.constant 0 : i32
      %dma_start3A_1838 = tpu.memref_slice %arg6[%dma_start3A_1836, %dma_start3A_1837] : memref<24x4096xf32, #tpu.memory_space<vmem>> -> memref<8x4096xf32, #tpu.memory_space<vmem>>
      tpu.enqueue_dma source(%dma_start3A_1838 : memref<8x4096xf32, #tpu.memory_space<vmem>>) target(%dma_start3A_1835 : memref<8x4096xf32, #tpu.memory_space<hbm>>) target_semaphore(%dma_start3A_1833 : memref<!tpu.dma_semaphore, #tpu.memory_space<semaphore_mem>>)
    } else {
    }
    %add3A_851 = arith.constant 104 : i32
    %add3A_852 = arith.addi %mul3A_32, %add3A_851 : i32
    %lt3A_853 = arith.cmpi slt, %add3A_852, %squeeze3A : i32
    %convert_element_type3A_854 = arith.extui %lt3A_853 : i1 to i32
    %cond3A_855 = arith.constant 0 : i32
    %cond3A_856 = arith.cmpi ne, %convert_element_type3A_854, %cond3A_855 : i32
    scf.if %cond3A_856 {
      %add3A_1822 = arith.addi %mul3A_37, %add3A_852 : i32
      %multiple_of3A_1823 = tpu.assume_multiple %add3A_1822, 8 : i32
      %dma_wait3A_1824 = arith.constant 1 : i32
      %dma_wait3A_1825 = arith.constant 8 : i32
      %dma_wait3A_1826 = arith.constant 0 : i32
      %dma_wait3A_1827 = tpu.memref_slice %arg6[%dma_wait3A_1825, %dma_wait3A_1826] : memref<24x4096xf32, #tpu.memory_space<vmem>> -> memref<8x4096xf32, #tpu.memory_space<vmem>>
      %dma_wait3A_1828 = arith.constant 0 : i32
      %dma_wait3A_1829 = tpu.memref_slice %arg5[%multiple_of3A_1823, %dma_wait3A_1828] : memref<8256x4096xf32, #tpu.memory_space<hbm>> -> memref<8x4096xf32, #tpu.memory_space<hbm>>
      %dma_wait3A_1830 = tpu.memref_slice %arg9[%dma_wait3A_1824] : memref<3x!tpu.dma_semaphore, #tpu.memory_space<semaphore_mem>> -> memref<1x!tpu.dma_semaphore, #tpu.memory_space<semaphore_mem>>
      %dma_wait3A_1831 = tpu.memref_squeeze %dma_wait3A_1830 : memref<1x!tpu.dma_semaphore, #tpu.memory_space<semaphore_mem>> -> memref<!tpu.dma_semaphore, #tpu.memory_space<semaphore_mem>>
      %dma_wait3A_1832 = arith.constant 0 : i32
      %dma_wait3A_1833 = tpu.memref_slice %arg5[%multiple_of3A_1823, %dma_wait3A_1832] : memref<8256x4096xf32, #tpu.memory_space<hbm>> -> memref<8x4096xf32, #tpu.memory_space<hbm>>
      %dma_wait3A_1834 = arith.constant 8 : i32
      %dma_wait3A_1835 = arith.constant 0 : i32
      %dma_wait3A_1836 = tpu.memref_slice %arg6[%dma_wait3A_1834, %dma_wait3A_1835] : memref<24x4096xf32, #tpu.memory_space<vmem>> -> memref<8x4096xf32, #tpu.memory_space<vmem>>
      tpu.wait_dma2 semaphore(%dma_wait3A_1831 : memref<!tpu.dma_semaphore, #tpu.memory_space<semaphore_mem>>) src(%dma_wait3A_1836 : memref<8x4096xf32, #tpu.memory_space<vmem>>) dst(%dma_wait3A_1833 : memref<8x4096xf32, #tpu.memory_space<hbm>>)
    } else {
    }
    %add3A_857 = arith.constant 8 : i32
    %add3A_858 = arith.addi %add3A_852, %add3A_857 : i32
    %gt3A_859 = arith.cmpi sgt, %add3A_858, %squeeze3A : i32
    %convert_element_type3A_860 = arith.extui %gt3A_859 : i1 to i32
    %cond3A_861 = arith.constant 0 : i32
    %cond3A_862 = arith.cmpi ne, %convert_element_type3A_860, %cond3A_861 : i32
    scf.if %cond3A_862 {
      %add3A_1822 = arith.addi %mul3A_37, %add3A_852 : i32
      %add3A_1823 = arith.constant 16 : i32
      %add3A_1824 = arith.addi %add3A_1822, %add3A_1823 : i32
      %multiple_of3A_1825 = tpu.assume_multiple %add3A_1824, 8 : i32
      %dma_wait3A_1826 = arith.constant 1 : i32
      %dma_wait3A_1827 = arith.constant 8 : i32
      %dma_wait3A_1828 = arith.constant 0 : i32
      %dma_wait3A_1829 = tpu.memref_slice %arg6[%dma_wait3A_1827, %dma_wait3A_1828] : memref<24x4096xf32, #tpu.memory_space<vmem>> -> memref<8x4096xf32, #tpu.memory_space<vmem>>
      %dma_wait3A_1830 = arith.constant 0 : i32
      %dma_wait3A_1831 = tpu.memref_slice %arg5[%multiple_of3A_1825, %dma_wait3A_1830] : memref<8256x4096xf32, #tpu.memory_space<hbm>> -> memref<8x4096xf32, #tpu.memory_space<hbm>>
      %dma_wait3A_1832 = tpu.memref_slice %arg9[%dma_wait3A_1826] : memref<3x!tpu.dma_semaphore, #tpu.memory_space<semaphore_mem>> -> memref<1x!tpu.dma_semaphore, #tpu.memory_space<semaphore_mem>>
      %dma_wait3A_1833 = tpu.memref_squeeze %dma_wait3A_1832 : memref<1x!tpu.dma_semaphore, #tpu.memory_space<semaphore_mem>> -> memref<!tpu.dma_semaphore, #tpu.memory_space<semaphore_mem>>
      %dma_wait3A_1834 = arith.constant 0 : i32
      %dma_wait3A_1835 = tpu.memref_slice %arg5[%multiple_of3A_1825, %dma_wait3A_1834] : memref<8256x4096xf32, #tpu.memory_space<hbm>> -> memref<8x4096xf32, #tpu.memory_space<hbm>>
      %dma_wait3A_1836 = arith.constant 8 : i32
      %dma_wait3A_1837 = arith.constant 0 : i32
      %dma_wait3A_1838 = tpu.memref_slice %arg6[%dma_wait3A_1836, %dma_wait3A_1837] : memref<24x4096xf32, #tpu.memory_space<vmem>> -> memref<8x4096xf32, #tpu.memory_space<vmem>>
      tpu.wait_dma2 semaphore(%dma_wait3A_1833 : memref<!tpu.dma_semaphore, #tpu.memory_space<semaphore_mem>>) src(%dma_wait3A_1838 : memref<8x4096xf32, #tpu.memory_space<vmem>>) dst(%dma_wait3A_1835 : memref<8x4096xf32, #tpu.memory_space<hbm>>)
    } else {
    }
    %add3A_863 = arith.constant 128 : i32
    %add3A_864 = arith.addi %add3A_35, %add3A_863 : i32
    %multiple_of3A_865 = tpu.assume_multiple %add3A_864, 8 : i32
    %dma_start3A_866 = arith.constant 1 : i32
    %dma_start3A_867 = arith.constant 8 : i32
    %dma_start3A_868 = arith.constant 0 : i32
    %dma_start3A_869 = tpu.memref_slice %arg6[%dma_start3A_867, %dma_start3A_868] : memref<24x4096xf32, #tpu.memory_space<vmem>> -> memref<8x4096xf32, #tpu.memory_space<vmem>>
    %dma_start3A_870 = arith.constant 0 : i32
    %dma_start3A_871 = tpu.memref_slice %arg2[%multiple_of3A_865, %dma_start3A_870] : memref<8192x4096xf32, #tpu.memory_space<hbm>> -> memref<8x4096xf32, #tpu.memory_space<hbm>>
    %dma_start3A_872 = tpu.memref_slice %arg8[%dma_start3A_866] : memref<3x!tpu.dma_semaphore, #tpu.memory_space<semaphore_mem>> -> memref<1x!tpu.dma_semaphore, #tpu.memory_space<semaphore_mem>>
    %dma_start3A_873 = tpu.memref_squeeze %dma_start3A_872 : memref<1x!tpu.dma_semaphore, #tpu.memory_space<semaphore_mem>> -> memref<!tpu.dma_semaphore, #tpu.memory_space<semaphore_mem>>
    %dma_start3A_874 = arith.constant 8 : i32
    %dma_start3A_875 = arith.constant 0 : i32
    %dma_start3A_876 = tpu.memref_slice %arg6[%dma_start3A_874, %dma_start3A_875] : memref<24x4096xf32, #tpu.memory_space<vmem>> -> memref<8x4096xf32, #tpu.memory_space<vmem>>
    %dma_start3A_877 = arith.constant 0 : i32
    %dma_start3A_878 = tpu.memref_slice %arg2[%multiple_of3A_865, %dma_start3A_877] : memref<8192x4096xf32, #tpu.memory_space<hbm>> -> memref<8x4096xf32, #tpu.memory_space<hbm>>
    tpu.enqueue_dma source(%dma_start3A_878 : memref<8x4096xf32, #tpu.memory_space<hbm>>) target(%dma_start3A_876 : memref<8x4096xf32, #tpu.memory_space<vmem>>) target_semaphore(%dma_start3A_873 : memref<!tpu.dma_semaphore, #tpu.memory_space<semaphore_mem>>)
    %dma_wait3A_879 = arith.constant 0 : i32
    %dma_wait3A_880 = arith.constant 0 : i32
    %dma_wait3A_881 = arith.constant 0 : i32
    %dma_wait3A_882 = tpu.memref_slice %arg6[%dma_wait3A_880, %dma_wait3A_881] : memref<24x4096xf32, #tpu.memory_space<vmem>> -> memref<8x4096xf32, #tpu.memory_space<vmem>>
    %dma_wait3A_883 = arith.constant 0 : i32
    %dma_wait3A_884 = arith.constant 0 : i32
    %dma_wait3A_885 = tpu.memref_slice %arg2[%dma_wait3A_883, %dma_wait3A_884] : memref<8192x4096xf32, #tpu.memory_space<hbm>> -> memref<8x4096xf32, #tpu.memory_space<hbm>>
    %dma_wait3A_886 = tpu.memref_slice %arg8[%dma_wait3A_879] : memref<3x!tpu.dma_semaphore, #tpu.memory_space<semaphore_mem>> -> memref<1x!tpu.dma_semaphore, #tpu.memory_space<semaphore_mem>>
    %dma_wait3A_887 = tpu.memref_squeeze %dma_wait3A_886 : memref<1x!tpu.dma_semaphore, #tpu.memory_space<semaphore_mem>> -> memref<!tpu.dma_semaphore, #tpu.memory_space<semaphore_mem>>
    %dma_wait3A_888 = arith.constant 0 : i32
    %dma_wait3A_889 = arith.constant 0 : i32
    %dma_wait3A_890 = tpu.memref_slice %arg6[%dma_wait3A_888, %dma_wait3A_889] : memref<24x4096xf32, #tpu.memory_space<vmem>> -> memref<8x4096xf32, #tpu.memory_space<vmem>>
    %dma_wait3A_891 = arith.constant 0 : i32
    %dma_wait3A_892 = arith.constant 0 : i32
    %dma_wait3A_893 = tpu.memref_slice %arg2[%dma_wait3A_891, %dma_wait3A_892] : memref<8192x4096xf32, #tpu.memory_space<hbm>> -> memref<8x4096xf32, #tpu.memory_space<hbm>>
    tpu.wait_dma2 semaphore(%dma_wait3A_887 : memref<!tpu.dma_semaphore, #tpu.memory_space<semaphore_mem>>) src(%dma_wait3A_893 : memref<8x4096xf32, #tpu.memory_space<hbm>>) dst(%dma_wait3A_890 : memref<8x4096xf32, #tpu.memory_space<vmem>>)
    %add3A_894 = arith.constant 120 : i32
    %add3A_895 = arith.addi %mul3A_32, %add3A_894 : i32
    %lt3A_896 = arith.cmpi slt, %add3A_895, %squeeze3A : i32
    %convert_element_type3A_897 = arith.extui %lt3A_896 : i1 to i32
    %cond3A_898 = arith.constant 0 : i32
    %cond3A_899 = arith.cmpi ne, %convert_element_type3A_897, %cond3A_898 : i32
    scf.if %cond3A_899 {
      %add3A_1822 = arith.addi %mul3A_37, %add3A_895 : i32
      %multiple_of3A_1823 = tpu.assume_multiple %add3A_1822, 8 : i32
      %dma_start3A_1824 = arith.constant 0 : i32
      %dma_start3A_1825 = arith.constant 0 : i32
      %dma_start3A_1826 = arith.constant 0 : i32
      %dma_start3A_1827 = tpu.memref_slice %arg6[%dma_start3A_1825, %dma_start3A_1826] : memref<24x4096xf32, #tpu.memory_space<vmem>> -> memref<8x4096xf32, #tpu.memory_space<vmem>>
      %dma_start3A_1828 = arith.constant 0 : i32
      %dma_start3A_1829 = tpu.memref_slice %arg5[%multiple_of3A_1823, %dma_start3A_1828] : memref<8256x4096xf32, #tpu.memory_space<hbm>> -> memref<8x4096xf32, #tpu.memory_space<hbm>>
      %dma_start3A_1830 = tpu.memref_slice %arg9[%dma_start3A_1824] : memref<3x!tpu.dma_semaphore, #tpu.memory_space<semaphore_mem>> -> memref<1x!tpu.dma_semaphore, #tpu.memory_space<semaphore_mem>>
      %dma_start3A_1831 = tpu.memref_squeeze %dma_start3A_1830 : memref<1x!tpu.dma_semaphore, #tpu.memory_space<semaphore_mem>> -> memref<!tpu.dma_semaphore, #tpu.memory_space<semaphore_mem>>
      %dma_start3A_1832 = arith.constant 0 : i32
      %dma_start3A_1833 = tpu.memref_slice %arg5[%multiple_of3A_1823, %dma_start3A_1832] : memref<8256x4096xf32, #tpu.memory_space<hbm>> -> memref<8x4096xf32, #tpu.memory_space<hbm>>
      %dma_start3A_1834 = arith.constant 0 : i32
      %dma_start3A_1835 = arith.constant 0 : i32
      %dma_start3A_1836 = tpu.memref_slice %arg6[%dma_start3A_1834, %dma_start3A_1835] : memref<24x4096xf32, #tpu.memory_space<vmem>> -> memref<8x4096xf32, #tpu.memory_space<vmem>>
      tpu.enqueue_dma source(%dma_start3A_1836 : memref<8x4096xf32, #tpu.memory_space<vmem>>) target(%dma_start3A_1833 : memref<8x4096xf32, #tpu.memory_space<hbm>>) target_semaphore(%dma_start3A_1831 : memref<!tpu.dma_semaphore, #tpu.memory_space<semaphore_mem>>)
    } else {
    }
    %add3A_900 = arith.constant 8 : i32
    %add3A_901 = arith.addi %add3A_895, %add3A_900 : i32
    %gt3A_902 = arith.cmpi sgt, %add3A_901, %squeeze3A : i32
    %convert_element_type3A_903 = arith.extui %gt3A_902 : i1 to i32
    %cond3A_904 = arith.constant 0 : i32
    %cond3A_905 = arith.cmpi ne, %convert_element_type3A_903, %cond3A_904 : i32
    scf.if %cond3A_905 {
      %add3A_1822 = arith.addi %mul3A_37, %add3A_895 : i32
      %add3A_1823 = arith.constant 16 : i32
      %add3A_1824 = arith.addi %add3A_1822, %add3A_1823 : i32
      %multiple_of3A_1825 = tpu.assume_multiple %add3A_1824, 8 : i32
      %dma_start3A_1826 = arith.constant 0 : i32
      %dma_start3A_1827 = arith.constant 0 : i32
      %dma_start3A_1828 = arith.constant 0 : i32
      %dma_start3A_1829 = tpu.memref_slice %arg6[%dma_start3A_1827, %dma_start3A_1828] : memref<24x4096xf32, #tpu.memory_space<vmem>> -> memref<8x4096xf32, #tpu.memory_space<vmem>>
      %dma_start3A_1830 = arith.constant 0 : i32
      %dma_start3A_1831 = tpu.memref_slice %arg5[%multiple_of3A_1825, %dma_start3A_1830] : memref<8256x4096xf32, #tpu.memory_space<hbm>> -> memref<8x4096xf32, #tpu.memory_space<hbm>>
      %dma_start3A_1832 = tpu.memref_slice %arg9[%dma_start3A_1826] : memref<3x!tpu.dma_semaphore, #tpu.memory_space<semaphore_mem>> -> memref<1x!tpu.dma_semaphore, #tpu.memory_space<semaphore_mem>>
      %dma_start3A_1833 = tpu.memref_squeeze %dma_start3A_1832 : memref<1x!tpu.dma_semaphore, #tpu.memory_space<semaphore_mem>> -> memref<!tpu.dma_semaphore, #tpu.memory_space<semaphore_mem>>
      %dma_start3A_1834 = arith.constant 0 : i32
      %dma_start3A_1835 = tpu.memref_slice %arg5[%multiple_of3A_1825, %dma_start3A_1834] : memref<8256x4096xf32, #tpu.memory_space<hbm>> -> memref<8x4096xf32, #tpu.memory_space<hbm>>
      %dma_start3A_1836 = arith.constant 0 : i32
      %dma_start3A_1837 = arith.constant 0 : i32
      %dma_start3A_1838 = tpu.memref_slice %arg6[%dma_start3A_1836, %dma_start3A_1837] : memref<24x4096xf32, #tpu.memory_space<vmem>> -> memref<8x4096xf32, #tpu.memory_space<vmem>>
      tpu.enqueue_dma source(%dma_start3A_1838 : memref<8x4096xf32, #tpu.memory_space<vmem>>) target(%dma_start3A_1835 : memref<8x4096xf32, #tpu.memory_space<hbm>>) target_semaphore(%dma_start3A_1833 : memref<!tpu.dma_semaphore, #tpu.memory_space<semaphore_mem>>)
    } else {
    }
    %add3A_906 = arith.constant 112 : i32
    %add3A_907 = arith.addi %mul3A_32, %add3A_906 : i32
    %lt3A_908 = arith.cmpi slt, %add3A_907, %squeeze3A : i32
    %convert_element_type3A_909 = arith.extui %lt3A_908 : i1 to i32
    %cond3A_910 = arith.constant 0 : i32
    %cond3A_911 = arith.cmpi ne, %convert_element_type3A_909, %cond3A_910 : i32
    scf.if %cond3A_911 {
      %add3A_1822 = arith.addi %mul3A_37, %add3A_907 : i32
      %multiple_of3A_1823 = tpu.assume_multiple %add3A_1822, 8 : i32
      %dma_wait3A_1824 = arith.constant 2 : i32
      %dma_wait3A_1825 = arith.constant 16 : i32
      %dma_wait3A_1826 = arith.constant 0 : i32
      %dma_wait3A_1827 = tpu.memref_slice %arg6[%dma_wait3A_1825, %dma_wait3A_1826] : memref<24x4096xf32, #tpu.memory_space<vmem>> -> memref<8x4096xf32, #tpu.memory_space<vmem>>
      %dma_wait3A_1828 = arith.constant 0 : i32
      %dma_wait3A_1829 = tpu.memref_slice %arg5[%multiple_of3A_1823, %dma_wait3A_1828] : memref<8256x4096xf32, #tpu.memory_space<hbm>> -> memref<8x4096xf32, #tpu.memory_space<hbm>>
      %dma_wait3A_1830 = tpu.memref_slice %arg9[%dma_wait3A_1824] : memref<3x!tpu.dma_semaphore, #tpu.memory_space<semaphore_mem>> -> memref<1x!tpu.dma_semaphore, #tpu.memory_space<semaphore_mem>>
      %dma_wait3A_1831 = tpu.memref_squeeze %dma_wait3A_1830 : memref<1x!tpu.dma_semaphore, #tpu.memory_space<semaphore_mem>> -> memref<!tpu.dma_semaphore, #tpu.memory_space<semaphore_mem>>
      %dma_wait3A_1832 = arith.constant 0 : i32
      %dma_wait3A_1833 = tpu.memref_slice %arg5[%multiple_of3A_1823, %dma_wait3A_1832] : memref<8256x4096xf32, #tpu.memory_space<hbm>> -> memref<8x4096xf32, #tpu.memory_space<hbm>>
      %dma_wait3A_1834 = arith.constant 16 : i32
      %dma_wait3A_1835 = arith.constant 0 : i32
      %dma_wait3A_1836 = tpu.memref_slice %arg6[%dma_wait3A_1834, %dma_wait3A_1835] : memref<24x4096xf32, #tpu.memory_space<vmem>> -> memref<8x4096xf32, #tpu.memory_space<vmem>>
      tpu.wait_dma2 semaphore(%dma_wait3A_1831 : memref<!tpu.dma_semaphore, #tpu.memory_space<semaphore_mem>>) src(%dma_wait3A_1836 : memref<8x4096xf32, #tpu.memory_space<vmem>>) dst(%dma_wait3A_1833 : memref<8x4096xf32, #tpu.memory_space<hbm>>)
    } else {
    }
    %add3A_912 = arith.constant 8 : i32
    %add3A_913 = arith.addi %add3A_907, %add3A_912 : i32
    %gt3A_914 = arith.cmpi sgt, %add3A_913, %squeeze3A : i32
    %convert_element_type3A_915 = arith.extui %gt3A_914 : i1 to i32
    %cond3A_916 = arith.constant 0 : i32
    %cond3A_917 = arith.cmpi ne, %convert_element_type3A_915, %cond3A_916 : i32
    scf.if %cond3A_917 {
      %add3A_1822 = arith.addi %mul3A_37, %add3A_907 : i32
      %add3A_1823 = arith.constant 16 : i32
      %add3A_1824 = arith.addi %add3A_1822, %add3A_1823 : i32
      %multiple_of3A_1825 = tpu.assume_multiple %add3A_1824, 8 : i32
      %dma_wait3A_1826 = arith.constant 2 : i32
      %dma_wait3A_1827 = arith.constant 16 : i32
      %dma_wait3A_1828 = arith.constant 0 : i32
      %dma_wait3A_1829 = tpu.memref_slice %arg6[%dma_wait3A_1827, %dma_wait3A_1828] : memref<24x4096xf32, #tpu.memory_space<vmem>> -> memref<8x4096xf32, #tpu.memory_space<vmem>>
      %dma_wait3A_1830 = arith.constant 0 : i32
      %dma_wait3A_1831 = tpu.memref_slice %arg5[%multiple_of3A_1825, %dma_wait3A_1830] : memref<8256x4096xf32, #tpu.memory_space<hbm>> -> memref<8x4096xf32, #tpu.memory_space<hbm>>
      %dma_wait3A_1832 = tpu.memref_slice %arg9[%dma_wait3A_1826] : memref<3x!tpu.dma_semaphore, #tpu.memory_space<semaphore_mem>> -> memref<1x!tpu.dma_semaphore, #tpu.memory_space<semaphore_mem>>
      %dma_wait3A_1833 = tpu.memref_squeeze %dma_wait3A_1832 : memref<1x!tpu.dma_semaphore, #tpu.memory_space<semaphore_mem>> -> memref<!tpu.dma_semaphore, #tpu.memory_space<semaphore_mem>>
      %dma_wait3A_1834 = arith.constant 0 : i32
      %dma_wait3A_1835 = tpu.memref_slice %arg5[%multiple_of3A_1825, %dma_wait3A_1834] : memref<8256x4096xf32, #tpu.memory_space<hbm>> -> memref<8x4096xf32, #tpu.memory_space<hbm>>
      %dma_wait3A_1836 = arith.constant 16 : i32
      %dma_wait3A_1837 = arith.constant 0 : i32
      %dma_wait3A_1838 = tpu.memref_slice %arg6[%dma_wait3A_1836, %dma_wait3A_1837] : memref<24x4096xf32, #tpu.memory_space<vmem>> -> memref<8x4096xf32, #tpu.memory_space<vmem>>
      tpu.wait_dma2 semaphore(%dma_wait3A_1833 : memref<!tpu.dma_semaphore, #tpu.memory_space<semaphore_mem>>) src(%dma_wait3A_1838 : memref<8x4096xf32, #tpu.memory_space<vmem>>) dst(%dma_wait3A_1835 : memref<8x4096xf32, #tpu.memory_space<hbm>>)
    } else {
    }
    %add3A_918 = arith.constant 136 : i32
    %add3A_919 = arith.addi %add3A_35, %add3A_918 : i32
    %multiple_of3A_920 = tpu.assume_multiple %add3A_919, 8 : i32
    %dma_start3A_921 = arith.constant 2 : i32
    %dma_start3A_922 = arith.constant 16 : i32
    %dma_start3A_923 = arith.constant 0 : i32
    %dma_start3A_924 = tpu.memref_slice %arg6[%dma_start3A_922, %dma_start3A_923] : memref<24x4096xf32, #tpu.memory_space<vmem>> -> memref<8x4096xf32, #tpu.memory_space<vmem>>
    %dma_start3A_925 = arith.constant 0 : i32
    %dma_start3A_926 = tpu.memref_slice %arg2[%multiple_of3A_920, %dma_start3A_925] : memref<8192x4096xf32, #tpu.memory_space<hbm>> -> memref<8x4096xf32, #tpu.memory_space<hbm>>
    %dma_start3A_927 = tpu.memref_slice %arg8[%dma_start3A_921] : memref<3x!tpu.dma_semaphore, #tpu.memory_space<semaphore_mem>> -> memref<1x!tpu.dma_semaphore, #tpu.memory_space<semaphore_mem>>
    %dma_start3A_928 = tpu.memref_squeeze %dma_start3A_927 : memref<1x!tpu.dma_semaphore, #tpu.memory_space<semaphore_mem>> -> memref<!tpu.dma_semaphore, #tpu.memory_space<semaphore_mem>>
    %dma_start3A_929 = arith.constant 16 : i32
    %dma_start3A_930 = arith.constant 0 : i32
    %dma_start3A_931 = tpu.memref_slice %arg6[%dma_start3A_929, %dma_start3A_930] : memref<24x4096xf32, #tpu.memory_space<vmem>> -> memref<8x4096xf32, #tpu.memory_space<vmem>>
    %dma_start3A_932 = arith.constant 0 : i32
    %dma_start3A_933 = tpu.memref_slice %arg2[%multiple_of3A_920, %dma_start3A_932] : memref<8192x4096xf32, #tpu.memory_space<hbm>> -> memref<8x4096xf32, #tpu.memory_space<hbm>>
    tpu.enqueue_dma source(%dma_start3A_933 : memref<8x4096xf32, #tpu.memory_space<hbm>>) target(%dma_start3A_931 : memref<8x4096xf32, #tpu.memory_space<vmem>>) target_semaphore(%dma_start3A_928 : memref<!tpu.dma_semaphore, #tpu.memory_space<semaphore_mem>>)
    %dma_wait3A_934 = arith.constant 1 : i32
    %dma_wait3A_935 = arith.constant 8 : i32
    %dma_wait3A_936 = arith.constant 0 : i32
    %dma_wait3A_937 = tpu.memref_slice %arg6[%dma_wait3A_935, %dma_wait3A_936] : memref<24x4096xf32, #tpu.memory_space<vmem>> -> memref<8x4096xf32, #tpu.memory_space<vmem>>
    %dma_wait3A_938 = arith.constant 0 : i32
    %dma_wait3A_939 = arith.constant 0 : i32
    %dma_wait3A_940 = tpu.memref_slice %arg2[%dma_wait3A_938, %dma_wait3A_939] : memref<8192x4096xf32, #tpu.memory_space<hbm>> -> memref<8x4096xf32, #tpu.memory_space<hbm>>
    %dma_wait3A_941 = tpu.memref_slice %arg8[%dma_wait3A_934] : memref<3x!tpu.dma_semaphore, #tpu.memory_space<semaphore_mem>> -> memref<1x!tpu.dma_semaphore, #tpu.memory_space<semaphore_mem>>
    %dma_wait3A_942 = tpu.memref_squeeze %dma_wait3A_941 : memref<1x!tpu.dma_semaphore, #tpu.memory_space<semaphore_mem>> -> memref<!tpu.dma_semaphore, #tpu.memory_space<semaphore_mem>>
    %dma_wait3A_943 = arith.constant 8 : i32
    %dma_wait3A_944 = arith.constant 0 : i32
    %dma_wait3A_945 = tpu.memref_slice %arg6[%dma_wait3A_943, %dma_wait3A_944] : memref<24x4096xf32, #tpu.memory_space<vmem>> -> memref<8x4096xf32, #tpu.memory_space<vmem>>
    %dma_wait3A_946 = arith.constant 0 : i32
    %dma_wait3A_947 = arith.constant 0 : i32
    %dma_wait3A_948 = tpu.memref_slice %arg2[%dma_wait3A_946, %dma_wait3A_947] : memref<8192x4096xf32, #tpu.memory_space<hbm>> -> memref<8x4096xf32, #tpu.memory_space<hbm>>
    tpu.wait_dma2 semaphore(%dma_wait3A_942 : memref<!tpu.dma_semaphore, #tpu.memory_space<semaphore_mem>>) src(%dma_wait3A_948 : memref<8x4096xf32, #tpu.memory_space<hbm>>) dst(%dma_wait3A_945 : memref<8x4096xf32, #tpu.memory_space<vmem>>)
    %add3A_949 = arith.constant 128 : i32
    %add3A_950 = arith.addi %mul3A_32, %add3A_949 : i32
    %lt3A_951 = arith.cmpi slt, %add3A_950, %squeeze3A : i32
    %convert_element_type3A_952 = arith.extui %lt3A_951 : i1 to i32
    %cond3A_953 = arith.constant 0 : i32
    %cond3A_954 = arith.cmpi ne, %convert_element_type3A_952, %cond3A_953 : i32
    scf.if %cond3A_954 {
      %add3A_1822 = arith.addi %mul3A_37, %add3A_950 : i32
      %multiple_of3A_1823 = tpu.assume_multiple %add3A_1822, 8 : i32
      %dma_start3A_1824 = arith.constant 1 : i32
      %dma_start3A_1825 = arith.constant 8 : i32
      %dma_start3A_1826 = arith.constant 0 : i32
      %dma_start3A_1827 = tpu.memref_slice %arg6[%dma_start3A_1825, %dma_start3A_1826] : memref<24x4096xf32, #tpu.memory_space<vmem>> -> memref<8x4096xf32, #tpu.memory_space<vmem>>
      %dma_start3A_1828 = arith.constant 0 : i32
      %dma_start3A_1829 = tpu.memref_slice %arg5[%multiple_of3A_1823, %dma_start3A_1828] : memref<8256x4096xf32, #tpu.memory_space<hbm>> -> memref<8x4096xf32, #tpu.memory_space<hbm>>
      %dma_start3A_1830 = tpu.memref_slice %arg9[%dma_start3A_1824] : memref<3x!tpu.dma_semaphore, #tpu.memory_space<semaphore_mem>> -> memref<1x!tpu.dma_semaphore, #tpu.memory_space<semaphore_mem>>
      %dma_start3A_1831 = tpu.memref_squeeze %dma_start3A_1830 : memref<1x!tpu.dma_semaphore, #tpu.memory_space<semaphore_mem>> -> memref<!tpu.dma_semaphore, #tpu.memory_space<semaphore_mem>>
      %dma_start3A_1832 = arith.constant 0 : i32
      %dma_start3A_1833 = tpu.memref_slice %arg5[%multiple_of3A_1823, %dma_start3A_1832] : memref<8256x4096xf32, #tpu.memory_space<hbm>> -> memref<8x4096xf32, #tpu.memory_space<hbm>>
      %dma_start3A_1834 = arith.constant 8 : i32
      %dma_start3A_1835 = arith.constant 0 : i32
      %dma_start3A_1836 = tpu.memref_slice %arg6[%dma_start3A_1834, %dma_start3A_1835] : memref<24x4096xf32, #tpu.memory_space<vmem>> -> memref<8x4096xf32, #tpu.memory_space<vmem>>
      tpu.enqueue_dma source(%dma_start3A_1836 : memref<8x4096xf32, #tpu.memory_space<vmem>>) target(%dma_start3A_1833 : memref<8x4096xf32, #tpu.memory_space<hbm>>) target_semaphore(%dma_start3A_1831 : memref<!tpu.dma_semaphore, #tpu.memory_space<semaphore_mem>>)
    } else {
    }
    %add3A_955 = arith.constant 8 : i32
    %add3A_956 = arith.addi %add3A_950, %add3A_955 : i32
    %gt3A_957 = arith.cmpi sgt, %add3A_956, %squeeze3A : i32
    %convert_element_type3A_958 = arith.extui %gt3A_957 : i1 to i32
    %cond3A_959 = arith.constant 0 : i32
    %cond3A_960 = arith.cmpi ne, %convert_element_type3A_958, %cond3A_959 : i32
    scf.if %cond3A_960 {
      %add3A_1822 = arith.addi %mul3A_37, %add3A_950 : i32
      %add3A_1823 = arith.constant 16 : i32
      %add3A_1824 = arith.addi %add3A_1822, %add3A_1823 : i32
      %multiple_of3A_1825 = tpu.assume_multiple %add3A_1824, 8 : i32
      %dma_start3A_1826 = arith.constant 1 : i32
      %dma_start3A_1827 = arith.constant 8 : i32
      %dma_start3A_1828 = arith.constant 0 : i32
      %dma_start3A_1829 = tpu.memref_slice %arg6[%dma_start3A_1827, %dma_start3A_1828] : memref<24x4096xf32, #tpu.memory_space<vmem>> -> memref<8x4096xf32, #tpu.memory_space<vmem>>
      %dma_start3A_1830 = arith.constant 0 : i32
      %dma_start3A_1831 = tpu.memref_slice %arg5[%multiple_of3A_1825, %dma_start3A_1830] : memref<8256x4096xf32, #tpu.memory_space<hbm>> -> memref<8x4096xf32, #tpu.memory_space<hbm>>
      %dma_start3A_1832 = tpu.memref_slice %arg9[%dma_start3A_1826] : memref<3x!tpu.dma_semaphore, #tpu.memory_space<semaphore_mem>> -> memref<1x!tpu.dma_semaphore, #tpu.memory_space<semaphore_mem>>
      %dma_start3A_1833 = tpu.memref_squeeze %dma_start3A_1832 : memref<1x!tpu.dma_semaphore, #tpu.memory_space<semaphore_mem>> -> memref<!tpu.dma_semaphore, #tpu.memory_space<semaphore_mem>>
      %dma_start3A_1834 = arith.constant 0 : i32
      %dma_start3A_1835 = tpu.memref_slice %arg5[%multiple_of3A_1825, %dma_start3A_1834] : memref<8256x4096xf32, #tpu.memory_space<hbm>> -> memref<8x4096xf32, #tpu.memory_space<hbm>>
      %dma_start3A_1836 = arith.constant 8 : i32
      %dma_start3A_1837 = arith.constant 0 : i32
      %dma_start3A_1838 = tpu.memref_slice %arg6[%dma_start3A_1836, %dma_start3A_1837] : memref<24x4096xf32, #tpu.memory_space<vmem>> -> memref<8x4096xf32, #tpu.memory_space<vmem>>
      tpu.enqueue_dma source(%dma_start3A_1838 : memref<8x4096xf32, #tpu.memory_space<vmem>>) target(%dma_start3A_1835 : memref<8x4096xf32, #tpu.memory_space<hbm>>) target_semaphore(%dma_start3A_1833 : memref<!tpu.dma_semaphore, #tpu.memory_space<semaphore_mem>>)
    } else {
    }
    %add3A_961 = arith.constant 120 : i32
    %add3A_962 = arith.addi %mul3A_32, %add3A_961 : i32
    %lt3A_963 = arith.cmpi slt, %add3A_962, %squeeze3A : i32
    %convert_element_type3A_964 = arith.extui %lt3A_963 : i1 to i32
    %cond3A_965 = arith.constant 0 : i32
    %cond3A_966 = arith.cmpi ne, %convert_element_type3A_964, %cond3A_965 : i32
    scf.if %cond3A_966 {
      %add3A_1822 = arith.addi %mul3A_37, %add3A_962 : i32
      %multiple_of3A_1823 = tpu.assume_multiple %add3A_1822, 8 : i32
      %dma_wait3A_1824 = arith.constant 0 : i32
      %dma_wait3A_1825 = arith.constant 0 : i32
      %dma_wait3A_1826 = arith.constant 0 : i32
      %dma_wait3A_1827 = tpu.memref_slice %arg6[%dma_wait3A_1825, %dma_wait3A_1826] : memref<24x4096xf32, #tpu.memory_space<vmem>> -> memref<8x4096xf32, #tpu.memory_space<vmem>>
      %dma_wait3A_1828 = arith.constant 0 : i32
      %dma_wait3A_1829 = tpu.memref_slice %arg5[%multiple_of3A_1823, %dma_wait3A_1828] : memref<8256x4096xf32, #tpu.memory_space<hbm>> -> memref<8x4096xf32, #tpu.memory_space<hbm>>
      %dma_wait3A_1830 = tpu.memref_slice %arg9[%dma_wait3A_1824] : memref<3x!tpu.dma_semaphore, #tpu.memory_space<semaphore_mem>> -> memref<1x!tpu.dma_semaphore, #tpu.memory_space<semaphore_mem>>
      %dma_wait3A_1831 = tpu.memref_squeeze %dma_wait3A_1830 : memref<1x!tpu.dma_semaphore, #tpu.memory_space<semaphore_mem>> -> memref<!tpu.dma_semaphore, #tpu.memory_space<semaphore_mem>>
      %dma_wait3A_1832 = arith.constant 0 : i32
      %dma_wait3A_1833 = tpu.memref_slice %arg5[%multiple_of3A_1823, %dma_wait3A_1832] : memref<8256x4096xf32, #tpu.memory_space<hbm>> -> memref<8x4096xf32, #tpu.memory_space<hbm>>
      %dma_wait3A_1834 = arith.constant 0 : i32
      %dma_wait3A_1835 = arith.constant 0 : i32
      %dma_wait3A_1836 = tpu.memref_slice %arg6[%dma_wait3A_1834, %dma_wait3A_1835] : memref<24x4096xf32, #tpu.memory_space<vmem>> -> memref<8x4096xf32, #tpu.memory_space<vmem>>
      tpu.wait_dma2 semaphore(%dma_wait3A_1831 : memref<!tpu.dma_semaphore, #tpu.memory_space<semaphore_mem>>) src(%dma_wait3A_1836 : memref<8x4096xf32, #tpu.memory_space<vmem>>) dst(%dma_wait3A_1833 : memref<8x4096xf32, #tpu.memory_space<hbm>>)
    } else {
    }
    %add3A_967 = arith.constant 8 : i32
    %add3A_968 = arith.addi %add3A_962, %add3A_967 : i32
    %gt3A_969 = arith.cmpi sgt, %add3A_968, %squeeze3A : i32
    %convert_element_type3A_970 = arith.extui %gt3A_969 : i1 to i32
    %cond3A_971 = arith.constant 0 : i32
    %cond3A_972 = arith.cmpi ne, %convert_element_type3A_970, %cond3A_971 : i32
    scf.if %cond3A_972 {
      %add3A_1822 = arith.addi %mul3A_37, %add3A_962 : i32
      %add3A_1823 = arith.constant 16 : i32
      %add3A_1824 = arith.addi %add3A_1822, %add3A_1823 : i32
      %multiple_of3A_1825 = tpu.assume_multiple %add3A_1824, 8 : i32
      %dma_wait3A_1826 = arith.constant 0 : i32
      %dma_wait3A_1827 = arith.constant 0 : i32
      %dma_wait3A_1828 = arith.constant 0 : i32
      %dma_wait3A_1829 = tpu.memref_slice %arg6[%dma_wait3A_1827, %dma_wait3A_1828] : memref<24x4096xf32, #tpu.memory_space<vmem>> -> memref<8x4096xf32, #tpu.memory_space<vmem>>
      %dma_wait3A_1830 = arith.constant 0 : i32
      %dma_wait3A_1831 = tpu.memref_slice %arg5[%multiple_of3A_1825, %dma_wait3A_1830] : memref<8256x4096xf32, #tpu.memory_space<hbm>> -> memref<8x4096xf32, #tpu.memory_space<hbm>>
      %dma_wait3A_1832 = tpu.memref_slice %arg9[%dma_wait3A_1826] : memref<3x!tpu.dma_semaphore, #tpu.memory_space<semaphore_mem>> -> memref<1x!tpu.dma_semaphore, #tpu.memory_space<semaphore_mem>>
      %dma_wait3A_1833 = tpu.memref_squeeze %dma_wait3A_1832 : memref<1x!tpu.dma_semaphore, #tpu.memory_space<semaphore_mem>> -> memref<!tpu.dma_semaphore, #tpu.memory_space<semaphore_mem>>
      %dma_wait3A_1834 = arith.constant 0 : i32
      %dma_wait3A_1835 = tpu.memref_slice %arg5[%multiple_of3A_1825, %dma_wait3A_1834] : memref<8256x4096xf32, #tpu.memory_space<hbm>> -> memref<8x4096xf32, #tpu.memory_space<hbm>>
      %dma_wait3A_1836 = arith.constant 0 : i32
      %dma_wait3A_1837 = arith.constant 0 : i32
      %dma_wait3A_1838 = tpu.memref_slice %arg6[%dma_wait3A_1836, %dma_wait3A_1837] : memref<24x4096xf32, #tpu.memory_space<vmem>> -> memref<8x4096xf32, #tpu.memory_space<vmem>>
      tpu.wait_dma2 semaphore(%dma_wait3A_1833 : memref<!tpu.dma_semaphore, #tpu.memory_space<semaphore_mem>>) src(%dma_wait3A_1838 : memref<8x4096xf32, #tpu.memory_space<vmem>>) dst(%dma_wait3A_1835 : memref<8x4096xf32, #tpu.memory_space<hbm>>)
    } else {
    }
    %add3A_973 = arith.constant 144 : i32
    %add3A_974 = arith.addi %add3A_35, %add3A_973 : i32
    %multiple_of3A_975 = tpu.assume_multiple %add3A_974, 8 : i32
    %dma_start3A_976 = arith.constant 0 : i32
    %dma_start3A_977 = arith.constant 0 : i32
    %dma_start3A_978 = arith.constant 0 : i32
    %dma_start3A_979 = tpu.memref_slice %arg6[%dma_start3A_977, %dma_start3A_978] : memref<24x4096xf32, #tpu.memory_space<vmem>> -> memref<8x4096xf32, #tpu.memory_space<vmem>>
    %dma_start3A_980 = arith.constant 0 : i32
    %dma_start3A_981 = tpu.memref_slice %arg2[%multiple_of3A_975, %dma_start3A_980] : memref<8192x4096xf32, #tpu.memory_space<hbm>> -> memref<8x4096xf32, #tpu.memory_space<hbm>>
    %dma_start3A_982 = tpu.memref_slice %arg8[%dma_start3A_976] : memref<3x!tpu.dma_semaphore, #tpu.memory_space<semaphore_mem>> -> memref<1x!tpu.dma_semaphore, #tpu.memory_space<semaphore_mem>>
    %dma_start3A_983 = tpu.memref_squeeze %dma_start3A_982 : memref<1x!tpu.dma_semaphore, #tpu.memory_space<semaphore_mem>> -> memref<!tpu.dma_semaphore, #tpu.memory_space<semaphore_mem>>
    %dma_start3A_984 = arith.constant 0 : i32
    %dma_start3A_985 = arith.constant 0 : i32
    %dma_start3A_986 = tpu.memref_slice %arg6[%dma_start3A_984, %dma_start3A_985] : memref<24x4096xf32, #tpu.memory_space<vmem>> -> memref<8x4096xf32, #tpu.memory_space<vmem>>
    %dma_start3A_987 = arith.constant 0 : i32
    %dma_start3A_988 = tpu.memref_slice %arg2[%multiple_of3A_975, %dma_start3A_987] : memref<8192x4096xf32, #tpu.memory_space<hbm>> -> memref<8x4096xf32, #tpu.memory_space<hbm>>
    tpu.enqueue_dma source(%dma_start3A_988 : memref<8x4096xf32, #tpu.memory_space<hbm>>) target(%dma_start3A_986 : memref<8x4096xf32, #tpu.memory_space<vmem>>) target_semaphore(%dma_start3A_983 : memref<!tpu.dma_semaphore, #tpu.memory_space<semaphore_mem>>)
    %dma_wait3A_989 = arith.constant 2 : i32
    %dma_wait3A_990 = arith.constant 16 : i32
    %dma_wait3A_991 = arith.constant 0 : i32
    %dma_wait3A_992 = tpu.memref_slice %arg6[%dma_wait3A_990, %dma_wait3A_991] : memref<24x4096xf32, #tpu.memory_space<vmem>> -> memref<8x4096xf32, #tpu.memory_space<vmem>>
    %dma_wait3A_993 = arith.constant 0 : i32
    %dma_wait3A_994 = arith.constant 0 : i32
    %dma_wait3A_995 = tpu.memref_slice %arg2[%dma_wait3A_993, %dma_wait3A_994] : memref<8192x4096xf32, #tpu.memory_space<hbm>> -> memref<8x4096xf32, #tpu.memory_space<hbm>>
    %dma_wait3A_996 = tpu.memref_slice %arg8[%dma_wait3A_989] : memref<3x!tpu.dma_semaphore, #tpu.memory_space<semaphore_mem>> -> memref<1x!tpu.dma_semaphore, #tpu.memory_space<semaphore_mem>>
    %dma_wait3A_997 = tpu.memref_squeeze %dma_wait3A_996 : memref<1x!tpu.dma_semaphore, #tpu.memory_space<semaphore_mem>> -> memref<!tpu.dma_semaphore, #tpu.memory_space<semaphore_mem>>
    %dma_wait3A_998 = arith.constant 16 : i32
    %dma_wait3A_999 = arith.constant 0 : i32
    %dma_wait3A_1000 = tpu.memref_slice %arg6[%dma_wait3A_998, %dma_wait3A_999] : memref<24x4096xf32, #tpu.memory_space<vmem>> -> memref<8x4096xf32, #tpu.memory_space<vmem>>
    %dma_wait3A_1001 = arith.constant 0 : i32
    %dma_wait3A_1002 = arith.constant 0 : i32
    %dma_wait3A_1003 = tpu.memref_slice %arg2[%dma_wait3A_1001, %dma_wait3A_1002] : memref<8192x4096xf32, #tpu.memory_space<hbm>> -> memref<8x4096xf32, #tpu.memory_space<hbm>>
    tpu.wait_dma2 semaphore(%dma_wait3A_997 : memref<!tpu.dma_semaphore, #tpu.memory_space<semaphore_mem>>) src(%dma_wait3A_1003 : memref<8x4096xf32, #tpu.memory_space<hbm>>) dst(%dma_wait3A_1000 : memref<8x4096xf32, #tpu.memory_space<vmem>>)
    %add3A_1004 = arith.constant 136 : i32
    %add3A_1005 = arith.addi %mul3A_32, %add3A_1004 : i32
    %lt3A_1006 = arith.cmpi slt, %add3A_1005, %squeeze3A : i32
    %convert_element_type3A_1007 = arith.extui %lt3A_1006 : i1 to i32
    %cond3A_1008 = arith.constant 0 : i32
    %cond3A_1009 = arith.cmpi ne, %convert_element_type3A_1007, %cond3A_1008 : i32
    scf.if %cond3A_1009 {
      %add3A_1822 = arith.addi %mul3A_37, %add3A_1005 : i32
      %multiple_of3A_1823 = tpu.assume_multiple %add3A_1822, 8 : i32
      %dma_start3A_1824 = arith.constant 2 : i32
      %dma_start3A_1825 = arith.constant 16 : i32
      %dma_start3A_1826 = arith.constant 0 : i32
      %dma_start3A_1827 = tpu.memref_slice %arg6[%dma_start3A_1825, %dma_start3A_1826] : memref<24x4096xf32, #tpu.memory_space<vmem>> -> memref<8x4096xf32, #tpu.memory_space<vmem>>
      %dma_start3A_1828 = arith.constant 0 : i32
      %dma_start3A_1829 = tpu.memref_slice %arg5[%multiple_of3A_1823, %dma_start3A_1828] : memref<8256x4096xf32, #tpu.memory_space<hbm>> -> memref<8x4096xf32, #tpu.memory_space<hbm>>
      %dma_start3A_1830 = tpu.memref_slice %arg9[%dma_start3A_1824] : memref<3x!tpu.dma_semaphore, #tpu.memory_space<semaphore_mem>> -> memref<1x!tpu.dma_semaphore, #tpu.memory_space<semaphore_mem>>
      %dma_start3A_1831 = tpu.memref_squeeze %dma_start3A_1830 : memref<1x!tpu.dma_semaphore, #tpu.memory_space<semaphore_mem>> -> memref<!tpu.dma_semaphore, #tpu.memory_space<semaphore_mem>>
      %dma_start3A_1832 = arith.constant 0 : i32
      %dma_start3A_1833 = tpu.memref_slice %arg5[%multiple_of3A_1823, %dma_start3A_1832] : memref<8256x4096xf32, #tpu.memory_space<hbm>> -> memref<8x4096xf32, #tpu.memory_space<hbm>>
      %dma_start3A_1834 = arith.constant 16 : i32
      %dma_start3A_1835 = arith.constant 0 : i32
      %dma_start3A_1836 = tpu.memref_slice %arg6[%dma_start3A_1834, %dma_start3A_1835] : memref<24x4096xf32, #tpu.memory_space<vmem>> -> memref<8x4096xf32, #tpu.memory_space<vmem>>
      tpu.enqueue_dma source(%dma_start3A_1836 : memref<8x4096xf32, #tpu.memory_space<vmem>>) target(%dma_start3A_1833 : memref<8x4096xf32, #tpu.memory_space<hbm>>) target_semaphore(%dma_start3A_1831 : memref<!tpu.dma_semaphore, #tpu.memory_space<semaphore_mem>>)
    } else {
    }
    %add3A_1010 = arith.constant 8 : i32
    %add3A_1011 = arith.addi %add3A_1005, %add3A_1010 : i32
    %gt3A_1012 = arith.cmpi sgt, %add3A_1011, %squeeze3A : i32
    %convert_element_type3A_1013 = arith.extui %gt3A_1012 : i1 to i32
    %cond3A_1014 = arith.constant 0 : i32
    %cond3A_1015 = arith.cmpi ne, %convert_element_type3A_1013, %cond3A_1014 : i32
    scf.if %cond3A_1015 {
      %add3A_1822 = arith.addi %mul3A_37, %add3A_1005 : i32
      %add3A_1823 = arith.constant 16 : i32
      %add3A_1824 = arith.addi %add3A_1822, %add3A_1823 : i32
      %multiple_of3A_1825 = tpu.assume_multiple %add3A_1824, 8 : i32
      %dma_start3A_1826 = arith.constant 2 : i32
      %dma_start3A_1827 = arith.constant 16 : i32
      %dma_start3A_1828 = arith.constant 0 : i32
      %dma_start3A_1829 = tpu.memref_slice %arg6[%dma_start3A_1827, %dma_start3A_1828] : memref<24x4096xf32, #tpu.memory_space<vmem>> -> memref<8x4096xf32, #tpu.memory_space<vmem>>
      %dma_start3A_1830 = arith.constant 0 : i32
      %dma_start3A_1831 = tpu.memref_slice %arg5[%multiple_of3A_1825, %dma_start3A_1830] : memref<8256x4096xf32, #tpu.memory_space<hbm>> -> memref<8x4096xf32, #tpu.memory_space<hbm>>
      %dma_start3A_1832 = tpu.memref_slice %arg9[%dma_start3A_1826] : memref<3x!tpu.dma_semaphore, #tpu.memory_space<semaphore_mem>> -> memref<1x!tpu.dma_semaphore, #tpu.memory_space<semaphore_mem>>
      %dma_start3A_1833 = tpu.memref_squeeze %dma_start3A_1832 : memref<1x!tpu.dma_semaphore, #tpu.memory_space<semaphore_mem>> -> memref<!tpu.dma_semaphore, #tpu.memory_space<semaphore_mem>>
      %dma_start3A_1834 = arith.constant 0 : i32
      %dma_start3A_1835 = tpu.memref_slice %arg5[%multiple_of3A_1825, %dma_start3A_1834] : memref<8256x4096xf32, #tpu.memory_space<hbm>> -> memref<8x4096xf32, #tpu.memory_space<hbm>>
      %dma_start3A_1836 = arith.constant 16 : i32
      %dma_start3A_1837 = arith.constant 0 : i32
      %dma_start3A_1838 = tpu.memref_slice %arg6[%dma_start3A_1836, %dma_start3A_1837] : memref<24x4096xf32, #tpu.memory_space<vmem>> -> memref<8x4096xf32, #tpu.memory_space<vmem>>
      tpu.enqueue_dma source(%dma_start3A_1838 : memref<8x4096xf32, #tpu.memory_space<vmem>>) target(%dma_start3A_1835 : memref<8x4096xf32, #tpu.memory_space<hbm>>) target_semaphore(%dma_start3A_1833 : memref<!tpu.dma_semaphore, #tpu.memory_space<semaphore_mem>>)
    } else {
    }
    %add3A_1016 = arith.constant 128 : i32
    %add3A_1017 = arith.addi %mul3A_32, %add3A_1016 : i32
    %lt3A_1018 = arith.cmpi slt, %add3A_1017, %squeeze3A : i32
    %convert_element_type3A_1019 = arith.extui %lt3A_1018 : i1 to i32
    %cond3A_1020 = arith.constant 0 : i32
    %cond3A_1021 = arith.cmpi ne, %convert_element_type3A_1019, %cond3A_1020 : i32
    scf.if %cond3A_1021 {
      %add3A_1822 = arith.addi %mul3A_37, %add3A_1017 : i32
      %multiple_of3A_1823 = tpu.assume_multiple %add3A_1822, 8 : i32
      %dma_wait3A_1824 = arith.constant 1 : i32
      %dma_wait3A_1825 = arith.constant 8 : i32
      %dma_wait3A_1826 = arith.constant 0 : i32
      %dma_wait3A_1827 = tpu.memref_slice %arg6[%dma_wait3A_1825, %dma_wait3A_1826] : memref<24x4096xf32, #tpu.memory_space<vmem>> -> memref<8x4096xf32, #tpu.memory_space<vmem>>
      %dma_wait3A_1828 = arith.constant 0 : i32
      %dma_wait3A_1829 = tpu.memref_slice %arg5[%multiple_of3A_1823, %dma_wait3A_1828] : memref<8256x4096xf32, #tpu.memory_space<hbm>> -> memref<8x4096xf32, #tpu.memory_space<hbm>>
      %dma_wait3A_1830 = tpu.memref_slice %arg9[%dma_wait3A_1824] : memref<3x!tpu.dma_semaphore, #tpu.memory_space<semaphore_mem>> -> memref<1x!tpu.dma_semaphore, #tpu.memory_space<semaphore_mem>>
      %dma_wait3A_1831 = tpu.memref_squeeze %dma_wait3A_1830 : memref<1x!tpu.dma_semaphore, #tpu.memory_space<semaphore_mem>> -> memref<!tpu.dma_semaphore, #tpu.memory_space<semaphore_mem>>
      %dma_wait3A_1832 = arith.constant 0 : i32
      %dma_wait3A_1833 = tpu.memref_slice %arg5[%multiple_of3A_1823, %dma_wait3A_1832] : memref<8256x4096xf32, #tpu.memory_space<hbm>> -> memref<8x4096xf32, #tpu.memory_space<hbm>>
      %dma_wait3A_1834 = arith.constant 8 : i32
      %dma_wait3A_1835 = arith.constant 0 : i32
      %dma_wait3A_1836 = tpu.memref_slice %arg6[%dma_wait3A_1834, %dma_wait3A_1835] : memref<24x4096xf32, #tpu.memory_space<vmem>> -> memref<8x4096xf32, #tpu.memory_space<vmem>>
      tpu.wait_dma2 semaphore(%dma_wait3A_1831 : memref<!tpu.dma_semaphore, #tpu.memory_space<semaphore_mem>>) src(%dma_wait3A_1836 : memref<8x4096xf32, #tpu.memory_space<vmem>>) dst(%dma_wait3A_1833 : memref<8x4096xf32, #tpu.memory_space<hbm>>)
    } else {
    }
    %add3A_1022 = arith.constant 8 : i32
    %add3A_1023 = arith.addi %add3A_1017, %add3A_1022 : i32
    %gt3A_1024 = arith.cmpi sgt, %add3A_1023, %squeeze3A : i32
    %convert_element_type3A_1025 = arith.extui %gt3A_1024 : i1 to i32
    %cond3A_1026 = arith.constant 0 : i32
    %cond3A_1027 = arith.cmpi ne, %convert_element_type3A_1025, %cond3A_1026 : i32
    scf.if %cond3A_1027 {
      %add3A_1822 = arith.addi %mul3A_37, %add3A_1017 : i32
      %add3A_1823 = arith.constant 16 : i32
      %add3A_1824 = arith.addi %add3A_1822, %add3A_1823 : i32
      %multiple_of3A_1825 = tpu.assume_multiple %add3A_1824, 8 : i32
      %dma_wait3A_1826 = arith.constant 1 : i32
      %dma_wait3A_1827 = arith.constant 8 : i32
      %dma_wait3A_1828 = arith.constant 0 : i32
      %dma_wait3A_1829 = tpu.memref_slice %arg6[%dma_wait3A_1827, %dma_wait3A_1828] : memref<24x4096xf32, #tpu.memory_space<vmem>> -> memref<8x4096xf32, #tpu.memory_space<vmem>>
      %dma_wait3A_1830 = arith.constant 0 : i32
      %dma_wait3A_1831 = tpu.memref_slice %arg5[%multiple_of3A_1825, %dma_wait3A_1830] : memref<8256x4096xf32, #tpu.memory_space<hbm>> -> memref<8x4096xf32, #tpu.memory_space<hbm>>
      %dma_wait3A_1832 = tpu.memref_slice %arg9[%dma_wait3A_1826] : memref<3x!tpu.dma_semaphore, #tpu.memory_space<semaphore_mem>> -> memref<1x!tpu.dma_semaphore, #tpu.memory_space<semaphore_mem>>
      %dma_wait3A_1833 = tpu.memref_squeeze %dma_wait3A_1832 : memref<1x!tpu.dma_semaphore, #tpu.memory_space<semaphore_mem>> -> memref<!tpu.dma_semaphore, #tpu.memory_space<semaphore_mem>>
      %dma_wait3A_1834 = arith.constant 0 : i32
      %dma_wait3A_1835 = tpu.memref_slice %arg5[%multiple_of3A_1825, %dma_wait3A_1834] : memref<8256x4096xf32, #tpu.memory_space<hbm>> -> memref<8x4096xf32, #tpu.memory_space<hbm>>
      %dma_wait3A_1836 = arith.constant 8 : i32
      %dma_wait3A_1837 = arith.constant 0 : i32
      %dma_wait3A_1838 = tpu.memref_slice %arg6[%dma_wait3A_1836, %dma_wait3A_1837] : memref<24x4096xf32, #tpu.memory_space<vmem>> -> memref<8x4096xf32, #tpu.memory_space<vmem>>
      tpu.wait_dma2 semaphore(%dma_wait3A_1833 : memref<!tpu.dma_semaphore, #tpu.memory_space<semaphore_mem>>) src(%dma_wait3A_1838 : memref<8x4096xf32, #tpu.memory_space<vmem>>) dst(%dma_wait3A_1835 : memref<8x4096xf32, #tpu.memory_space<hbm>>)
    } else {
    }
    %add3A_1028 = arith.constant 152 : i32
    %add3A_1029 = arith.addi %add3A_35, %add3A_1028 : i32
    %multiple_of3A_1030 = tpu.assume_multiple %add3A_1029, 8 : i32
    %dma_start3A_1031 = arith.constant 1 : i32
    %dma_start3A_1032 = arith.constant 8 : i32
    %dma_start3A_1033 = arith.constant 0 : i32
    %dma_start3A_1034 = tpu.memref_slice %arg6[%dma_start3A_1032, %dma_start3A_1033] : memref<24x4096xf32, #tpu.memory_space<vmem>> -> memref<8x4096xf32, #tpu.memory_space<vmem>>
    %dma_start3A_1035 = arith.constant 0 : i32
    %dma_start3A_1036 = tpu.memref_slice %arg2[%multiple_of3A_1030, %dma_start3A_1035] : memref<8192x4096xf32, #tpu.memory_space<hbm>> -> memref<8x4096xf32, #tpu.memory_space<hbm>>
    %dma_start3A_1037 = tpu.memref_slice %arg8[%dma_start3A_1031] : memref<3x!tpu.dma_semaphore, #tpu.memory_space<semaphore_mem>> -> memref<1x!tpu.dma_semaphore, #tpu.memory_space<semaphore_mem>>
    %dma_start3A_1038 = tpu.memref_squeeze %dma_start3A_1037 : memref<1x!tpu.dma_semaphore, #tpu.memory_space<semaphore_mem>> -> memref<!tpu.dma_semaphore, #tpu.memory_space<semaphore_mem>>
    %dma_start3A_1039 = arith.constant 8 : i32
    %dma_start3A_1040 = arith.constant 0 : i32
    %dma_start3A_1041 = tpu.memref_slice %arg6[%dma_start3A_1039, %dma_start3A_1040] : memref<24x4096xf32, #tpu.memory_space<vmem>> -> memref<8x4096xf32, #tpu.memory_space<vmem>>
    %dma_start3A_1042 = arith.constant 0 : i32
    %dma_start3A_1043 = tpu.memref_slice %arg2[%multiple_of3A_1030, %dma_start3A_1042] : memref<8192x4096xf32, #tpu.memory_space<hbm>> -> memref<8x4096xf32, #tpu.memory_space<hbm>>
    tpu.enqueue_dma source(%dma_start3A_1043 : memref<8x4096xf32, #tpu.memory_space<hbm>>) target(%dma_start3A_1041 : memref<8x4096xf32, #tpu.memory_space<vmem>>) target_semaphore(%dma_start3A_1038 : memref<!tpu.dma_semaphore, #tpu.memory_space<semaphore_mem>>)
    %dma_wait3A_1044 = arith.constant 0 : i32
    %dma_wait3A_1045 = arith.constant 0 : i32
    %dma_wait3A_1046 = arith.constant 0 : i32
    %dma_wait3A_1047 = tpu.memref_slice %arg6[%dma_wait3A_1045, %dma_wait3A_1046] : memref<24x4096xf32, #tpu.memory_space<vmem>> -> memref<8x4096xf32, #tpu.memory_space<vmem>>
    %dma_wait3A_1048 = arith.constant 0 : i32
    %dma_wait3A_1049 = arith.constant 0 : i32
    %dma_wait3A_1050 = tpu.memref_slice %arg2[%dma_wait3A_1048, %dma_wait3A_1049] : memref<8192x4096xf32, #tpu.memory_space<hbm>> -> memref<8x4096xf32, #tpu.memory_space<hbm>>
    %dma_wait3A_1051 = tpu.memref_slice %arg8[%dma_wait3A_1044] : memref<3x!tpu.dma_semaphore, #tpu.memory_space<semaphore_mem>> -> memref<1x!tpu.dma_semaphore, #tpu.memory_space<semaphore_mem>>
    %dma_wait3A_1052 = tpu.memref_squeeze %dma_wait3A_1051 : memref<1x!tpu.dma_semaphore, #tpu.memory_space<semaphore_mem>> -> memref<!tpu.dma_semaphore, #tpu.memory_space<semaphore_mem>>
    %dma_wait3A_1053 = arith.constant 0 : i32
    %dma_wait3A_1054 = arith.constant 0 : i32
    %dma_wait3A_1055 = tpu.memref_slice %arg6[%dma_wait3A_1053, %dma_wait3A_1054] : memref<24x4096xf32, #tpu.memory_space<vmem>> -> memref<8x4096xf32, #tpu.memory_space<vmem>>
    %dma_wait3A_1056 = arith.constant 0 : i32
    %dma_wait3A_1057 = arith.constant 0 : i32
    %dma_wait3A_1058 = tpu.memref_slice %arg2[%dma_wait3A_1056, %dma_wait3A_1057] : memref<8192x4096xf32, #tpu.memory_space<hbm>> -> memref<8x4096xf32, #tpu.memory_space<hbm>>
    tpu.wait_dma2 semaphore(%dma_wait3A_1052 : memref<!tpu.dma_semaphore, #tpu.memory_space<semaphore_mem>>) src(%dma_wait3A_1058 : memref<8x4096xf32, #tpu.memory_space<hbm>>) dst(%dma_wait3A_1055 : memref<8x4096xf32, #tpu.memory_space<vmem>>)
    %add3A_1059 = arith.constant 144 : i32
    %add3A_1060 = arith.addi %mul3A_32, %add3A_1059 : i32
    %lt3A_1061 = arith.cmpi slt, %add3A_1060, %squeeze3A : i32
    %convert_element_type3A_1062 = arith.extui %lt3A_1061 : i1 to i32
    %cond3A_1063 = arith.constant 0 : i32
    %cond3A_1064 = arith.cmpi ne, %convert_element_type3A_1062, %cond3A_1063 : i32
    scf.if %cond3A_1064 {
      %add3A_1822 = arith.addi %mul3A_37, %add3A_1060 : i32
      %multiple_of3A_1823 = tpu.assume_multiple %add3A_1822, 8 : i32
      %dma_start3A_1824 = arith.constant 0 : i32
      %dma_start3A_1825 = arith.constant 0 : i32
      %dma_start3A_1826 = arith.constant 0 : i32
      %dma_start3A_1827 = tpu.memref_slice %arg6[%dma_start3A_1825, %dma_start3A_1826] : memref<24x4096xf32, #tpu.memory_space<vmem>> -> memref<8x4096xf32, #tpu.memory_space<vmem>>
      %dma_start3A_1828 = arith.constant 0 : i32
      %dma_start3A_1829 = tpu.memref_slice %arg5[%multiple_of3A_1823, %dma_start3A_1828] : memref<8256x4096xf32, #tpu.memory_space<hbm>> -> memref<8x4096xf32, #tpu.memory_space<hbm>>
      %dma_start3A_1830 = tpu.memref_slice %arg9[%dma_start3A_1824] : memref<3x!tpu.dma_semaphore, #tpu.memory_space<semaphore_mem>> -> memref<1x!tpu.dma_semaphore, #tpu.memory_space<semaphore_mem>>
      %dma_start3A_1831 = tpu.memref_squeeze %dma_start3A_1830 : memref<1x!tpu.dma_semaphore, #tpu.memory_space<semaphore_mem>> -> memref<!tpu.dma_semaphore, #tpu.memory_space<semaphore_mem>>
      %dma_start3A_1832 = arith.constant 0 : i32
      %dma_start3A_1833 = tpu.memref_slice %arg5[%multiple_of3A_1823, %dma_start3A_1832] : memref<8256x4096xf32, #tpu.memory_space<hbm>> -> memref<8x4096xf32, #tpu.memory_space<hbm>>
      %dma_start3A_1834 = arith.constant 0 : i32
      %dma_start3A_1835 = arith.constant 0 : i32
      %dma_start3A_1836 = tpu.memref_slice %arg6[%dma_start3A_1834, %dma_start3A_1835] : memref<24x4096xf32, #tpu.memory_space<vmem>> -> memref<8x4096xf32, #tpu.memory_space<vmem>>
      tpu.enqueue_dma source(%dma_start3A_1836 : memref<8x4096xf32, #tpu.memory_space<vmem>>) target(%dma_start3A_1833 : memref<8x4096xf32, #tpu.memory_space<hbm>>) target_semaphore(%dma_start3A_1831 : memref<!tpu.dma_semaphore, #tpu.memory_space<semaphore_mem>>)
    } else {
    }
    %add3A_1065 = arith.constant 8 : i32
    %add3A_1066 = arith.addi %add3A_1060, %add3A_1065 : i32
    %gt3A_1067 = arith.cmpi sgt, %add3A_1066, %squeeze3A : i32
    %convert_element_type3A_1068 = arith.extui %gt3A_1067 : i1 to i32
    %cond3A_1069 = arith.constant 0 : i32
    %cond3A_1070 = arith.cmpi ne, %convert_element_type3A_1068, %cond3A_1069 : i32
    scf.if %cond3A_1070 {
      %add3A_1822 = arith.addi %mul3A_37, %add3A_1060 : i32
      %add3A_1823 = arith.constant 16 : i32
      %add3A_1824 = arith.addi %add3A_1822, %add3A_1823 : i32
      %multiple_of3A_1825 = tpu.assume_multiple %add3A_1824, 8 : i32
      %dma_start3A_1826 = arith.constant 0 : i32
      %dma_start3A_1827 = arith.constant 0 : i32
      %dma_start3A_1828 = arith.constant 0 : i32
      %dma_start3A_1829 = tpu.memref_slice %arg6[%dma_start3A_1827, %dma_start3A_1828] : memref<24x4096xf32, #tpu.memory_space<vmem>> -> memref<8x4096xf32, #tpu.memory_space<vmem>>
      %dma_start3A_1830 = arith.constant 0 : i32
      %dma_start3A_1831 = tpu.memref_slice %arg5[%multiple_of3A_1825, %dma_start3A_1830] : memref<8256x4096xf32, #tpu.memory_space<hbm>> -> memref<8x4096xf32, #tpu.memory_space<hbm>>
      %dma_start3A_1832 = tpu.memref_slice %arg9[%dma_start3A_1826] : memref<3x!tpu.dma_semaphore, #tpu.memory_space<semaphore_mem>> -> memref<1x!tpu.dma_semaphore, #tpu.memory_space<semaphore_mem>>
      %dma_start3A_1833 = tpu.memref_squeeze %dma_start3A_1832 : memref<1x!tpu.dma_semaphore, #tpu.memory_space<semaphore_mem>> -> memref<!tpu.dma_semaphore, #tpu.memory_space<semaphore_mem>>
      %dma_start3A_1834 = arith.constant 0 : i32
      %dma_start3A_1835 = tpu.memref_slice %arg5[%multiple_of3A_1825, %dma_start3A_1834] : memref<8256x4096xf32, #tpu.memory_space<hbm>> -> memref<8x4096xf32, #tpu.memory_space<hbm>>
      %dma_start3A_1836 = arith.constant 0 : i32
      %dma_start3A_1837 = arith.constant 0 : i32
      %dma_start3A_1838 = tpu.memref_slice %arg6[%dma_start3A_1836, %dma_start3A_1837] : memref<24x4096xf32, #tpu.memory_space<vmem>> -> memref<8x4096xf32, #tpu.memory_space<vmem>>
      tpu.enqueue_dma source(%dma_start3A_1838 : memref<8x4096xf32, #tpu.memory_space<vmem>>) target(%dma_start3A_1835 : memref<8x4096xf32, #tpu.memory_space<hbm>>) target_semaphore(%dma_start3A_1833 : memref<!tpu.dma_semaphore, #tpu.memory_space<semaphore_mem>>)
    } else {
    }
    %add3A_1071 = arith.constant 136 : i32
    %add3A_1072 = arith.addi %mul3A_32, %add3A_1071 : i32
    %lt3A_1073 = arith.cmpi slt, %add3A_1072, %squeeze3A : i32
    %convert_element_type3A_1074 = arith.extui %lt3A_1073 : i1 to i32
    %cond3A_1075 = arith.constant 0 : i32
    %cond3A_1076 = arith.cmpi ne, %convert_element_type3A_1074, %cond3A_1075 : i32
    scf.if %cond3A_1076 {
      %add3A_1822 = arith.addi %mul3A_37, %add3A_1072 : i32
      %multiple_of3A_1823 = tpu.assume_multiple %add3A_1822, 8 : i32
      %dma_wait3A_1824 = arith.constant 2 : i32
      %dma_wait3A_1825 = arith.constant 16 : i32
      %dma_wait3A_1826 = arith.constant 0 : i32
      %dma_wait3A_1827 = tpu.memref_slice %arg6[%dma_wait3A_1825, %dma_wait3A_1826] : memref<24x4096xf32, #tpu.memory_space<vmem>> -> memref<8x4096xf32, #tpu.memory_space<vmem>>
      %dma_wait3A_1828 = arith.constant 0 : i32
      %dma_wait3A_1829 = tpu.memref_slice %arg5[%multiple_of3A_1823, %dma_wait3A_1828] : memref<8256x4096xf32, #tpu.memory_space<hbm>> -> memref<8x4096xf32, #tpu.memory_space<hbm>>
      %dma_wait3A_1830 = tpu.memref_slice %arg9[%dma_wait3A_1824] : memref<3x!tpu.dma_semaphore, #tpu.memory_space<semaphore_mem>> -> memref<1x!tpu.dma_semaphore, #tpu.memory_space<semaphore_mem>>
      %dma_wait3A_1831 = tpu.memref_squeeze %dma_wait3A_1830 : memref<1x!tpu.dma_semaphore, #tpu.memory_space<semaphore_mem>> -> memref<!tpu.dma_semaphore, #tpu.memory_space<semaphore_mem>>
      %dma_wait3A_1832 = arith.constant 0 : i32
      %dma_wait3A_1833 = tpu.memref_slice %arg5[%multiple_of3A_1823, %dma_wait3A_1832] : memref<8256x4096xf32, #tpu.memory_space<hbm>> -> memref<8x4096xf32, #tpu.memory_space<hbm>>
      %dma_wait3A_1834 = arith.constant 16 : i32
      %dma_wait3A_1835 = arith.constant 0 : i32
      %dma_wait3A_1836 = tpu.memref_slice %arg6[%dma_wait3A_1834, %dma_wait3A_1835] : memref<24x4096xf32, #tpu.memory_space<vmem>> -> memref<8x4096xf32, #tpu.memory_space<vmem>>
      tpu.wait_dma2 semaphore(%dma_wait3A_1831 : memref<!tpu.dma_semaphore, #tpu.memory_space<semaphore_mem>>) src(%dma_wait3A_1836 : memref<8x4096xf32, #tpu.memory_space<vmem>>) dst(%dma_wait3A_1833 : memref<8x4096xf32, #tpu.memory_space<hbm>>)
    } else {
    }
    %add3A_1077 = arith.constant 8 : i32
    %add3A_1078 = arith.addi %add3A_1072, %add3A_1077 : i32
    %gt3A_1079 = arith.cmpi sgt, %add3A_1078, %squeeze3A : i32
    %convert_element_type3A_1080 = arith.extui %gt3A_1079 : i1 to i32
    %cond3A_1081 = arith.constant 0 : i32
    %cond3A_1082 = arith.cmpi ne, %convert_element_type3A_1080, %cond3A_1081 : i32
    scf.if %cond3A_1082 {
      %add3A_1822 = arith.addi %mul3A_37, %add3A_1072 : i32
      %add3A_1823 = arith.constant 16 : i32
      %add3A_1824 = arith.addi %add3A_1822, %add3A_1823 : i32
      %multiple_of3A_1825 = tpu.assume_multiple %add3A_1824, 8 : i32
      %dma_wait3A_1826 = arith.constant 2 : i32
      %dma_wait3A_1827 = arith.constant 16 : i32
      %dma_wait3A_1828 = arith.constant 0 : i32
      %dma_wait3A_1829 = tpu.memref_slice %arg6[%dma_wait3A_1827, %dma_wait3A_1828] : memref<24x4096xf32, #tpu.memory_space<vmem>> -> memref<8x4096xf32, #tpu.memory_space<vmem>>
      %dma_wait3A_1830 = arith.constant 0 : i32
      %dma_wait3A_1831 = tpu.memref_slice %arg5[%multiple_of3A_1825, %dma_wait3A_1830] : memref<8256x4096xf32, #tpu.memory_space<hbm>> -> memref<8x4096xf32, #tpu.memory_space<hbm>>
      %dma_wait3A_1832 = tpu.memref_slice %arg9[%dma_wait3A_1826] : memref<3x!tpu.dma_semaphore, #tpu.memory_space<semaphore_mem>> -> memref<1x!tpu.dma_semaphore, #tpu.memory_space<semaphore_mem>>
      %dma_wait3A_1833 = tpu.memref_squeeze %dma_wait3A_1832 : memref<1x!tpu.dma_semaphore, #tpu.memory_space<semaphore_mem>> -> memref<!tpu.dma_semaphore, #tpu.memory_space<semaphore_mem>>
      %dma_wait3A_1834 = arith.constant 0 : i32
      %dma_wait3A_1835 = tpu.memref_slice %arg5[%multiple_of3A_1825, %dma_wait3A_1834] : memref<8256x4096xf32, #tpu.memory_space<hbm>> -> memref<8x4096xf32, #tpu.memory_space<hbm>>
      %dma_wait3A_1836 = arith.constant 16 : i32
      %dma_wait3A_1837 = arith.constant 0 : i32
      %dma_wait3A_1838 = tpu.memref_slice %arg6[%dma_wait3A_1836, %dma_wait3A_1837] : memref<24x4096xf32, #tpu.memory_space<vmem>> -> memref<8x4096xf32, #tpu.memory_space<vmem>>
      tpu.wait_dma2 semaphore(%dma_wait3A_1833 : memref<!tpu.dma_semaphore, #tpu.memory_space<semaphore_mem>>) src(%dma_wait3A_1838 : memref<8x4096xf32, #tpu.memory_space<vmem>>) dst(%dma_wait3A_1835 : memref<8x4096xf32, #tpu.memory_space<hbm>>)
    } else {
    }
    %add3A_1083 = arith.constant 160 : i32
    %add3A_1084 = arith.addi %add3A_35, %add3A_1083 : i32
    %multiple_of3A_1085 = tpu.assume_multiple %add3A_1084, 8 : i32
    %dma_start3A_1086 = arith.constant 2 : i32
    %dma_start3A_1087 = arith.constant 16 : i32
    %dma_start3A_1088 = arith.constant 0 : i32
    %dma_start3A_1089 = tpu.memref_slice %arg6[%dma_start3A_1087, %dma_start3A_1088] : memref<24x4096xf32, #tpu.memory_space<vmem>> -> memref<8x4096xf32, #tpu.memory_space<vmem>>
    %dma_start3A_1090 = arith.constant 0 : i32
    %dma_start3A_1091 = tpu.memref_slice %arg2[%multiple_of3A_1085, %dma_start3A_1090] : memref<8192x4096xf32, #tpu.memory_space<hbm>> -> memref<8x4096xf32, #tpu.memory_space<hbm>>
    %dma_start3A_1092 = tpu.memref_slice %arg8[%dma_start3A_1086] : memref<3x!tpu.dma_semaphore, #tpu.memory_space<semaphore_mem>> -> memref<1x!tpu.dma_semaphore, #tpu.memory_space<semaphore_mem>>
    %dma_start3A_1093 = tpu.memref_squeeze %dma_start3A_1092 : memref<1x!tpu.dma_semaphore, #tpu.memory_space<semaphore_mem>> -> memref<!tpu.dma_semaphore, #tpu.memory_space<semaphore_mem>>
    %dma_start3A_1094 = arith.constant 16 : i32
    %dma_start3A_1095 = arith.constant 0 : i32
    %dma_start3A_1096 = tpu.memref_slice %arg6[%dma_start3A_1094, %dma_start3A_1095] : memref<24x4096xf32, #tpu.memory_space<vmem>> -> memref<8x4096xf32, #tpu.memory_space<vmem>>
    %dma_start3A_1097 = arith.constant 0 : i32
    %dma_start3A_1098 = tpu.memref_slice %arg2[%multiple_of3A_1085, %dma_start3A_1097] : memref<8192x4096xf32, #tpu.memory_space<hbm>> -> memref<8x4096xf32, #tpu.memory_space<hbm>>
    tpu.enqueue_dma source(%dma_start3A_1098 : memref<8x4096xf32, #tpu.memory_space<hbm>>) target(%dma_start3A_1096 : memref<8x4096xf32, #tpu.memory_space<vmem>>) target_semaphore(%dma_start3A_1093 : memref<!tpu.dma_semaphore, #tpu.memory_space<semaphore_mem>>)
    %dma_wait3A_1099 = arith.constant 1 : i32
    %dma_wait3A_1100 = arith.constant 8 : i32
    %dma_wait3A_1101 = arith.constant 0 : i32
    %dma_wait3A_1102 = tpu.memref_slice %arg6[%dma_wait3A_1100, %dma_wait3A_1101] : memref<24x4096xf32, #tpu.memory_space<vmem>> -> memref<8x4096xf32, #tpu.memory_space<vmem>>
    %dma_wait3A_1103 = arith.constant 0 : i32
    %dma_wait3A_1104 = arith.constant 0 : i32
    %dma_wait3A_1105 = tpu.memref_slice %arg2[%dma_wait3A_1103, %dma_wait3A_1104] : memref<8192x4096xf32, #tpu.memory_space<hbm>> -> memref<8x4096xf32, #tpu.memory_space<hbm>>
    %dma_wait3A_1106 = tpu.memref_slice %arg8[%dma_wait3A_1099] : memref<3x!tpu.dma_semaphore, #tpu.memory_space<semaphore_mem>> -> memref<1x!tpu.dma_semaphore, #tpu.memory_space<semaphore_mem>>
    %dma_wait3A_1107 = tpu.memref_squeeze %dma_wait3A_1106 : memref<1x!tpu.dma_semaphore, #tpu.memory_space<semaphore_mem>> -> memref<!tpu.dma_semaphore, #tpu.memory_space<semaphore_mem>>
    %dma_wait3A_1108 = arith.constant 8 : i32
    %dma_wait3A_1109 = arith.constant 0 : i32
    %dma_wait3A_1110 = tpu.memref_slice %arg6[%dma_wait3A_1108, %dma_wait3A_1109] : memref<24x4096xf32, #tpu.memory_space<vmem>> -> memref<8x4096xf32, #tpu.memory_space<vmem>>
    %dma_wait3A_1111 = arith.constant 0 : i32
    %dma_wait3A_1112 = arith.constant 0 : i32
    %dma_wait3A_1113 = tpu.memref_slice %arg2[%dma_wait3A_1111, %dma_wait3A_1112] : memref<8192x4096xf32, #tpu.memory_space<hbm>> -> memref<8x4096xf32, #tpu.memory_space<hbm>>
    tpu.wait_dma2 semaphore(%dma_wait3A_1107 : memref<!tpu.dma_semaphore, #tpu.memory_space<semaphore_mem>>) src(%dma_wait3A_1113 : memref<8x4096xf32, #tpu.memory_space<hbm>>) dst(%dma_wait3A_1110 : memref<8x4096xf32, #tpu.memory_space<vmem>>)
    %add3A_1114 = arith.constant 152 : i32
    %add3A_1115 = arith.addi %mul3A_32, %add3A_1114 : i32
    %lt3A_1116 = arith.cmpi slt, %add3A_1115, %squeeze3A : i32
    %convert_element_type3A_1117 = arith.extui %lt3A_1116 : i1 to i32
    %cond3A_1118 = arith.constant 0 : i32
    %cond3A_1119 = arith.cmpi ne, %convert_element_type3A_1117, %cond3A_1118 : i32
    scf.if %cond3A_1119 {
      %add3A_1822 = arith.addi %mul3A_37, %add3A_1115 : i32
      %multiple_of3A_1823 = tpu.assume_multiple %add3A_1822, 8 : i32
      %dma_start3A_1824 = arith.constant 1 : i32
      %dma_start3A_1825 = arith.constant 8 : i32
      %dma_start3A_1826 = arith.constant 0 : i32
      %dma_start3A_1827 = tpu.memref_slice %arg6[%dma_start3A_1825, %dma_start3A_1826] : memref<24x4096xf32, #tpu.memory_space<vmem>> -> memref<8x4096xf32, #tpu.memory_space<vmem>>
      %dma_start3A_1828 = arith.constant 0 : i32
      %dma_start3A_1829 = tpu.memref_slice %arg5[%multiple_of3A_1823, %dma_start3A_1828] : memref<8256x4096xf32, #tpu.memory_space<hbm>> -> memref<8x4096xf32, #tpu.memory_space<hbm>>
      %dma_start3A_1830 = tpu.memref_slice %arg9[%dma_start3A_1824] : memref<3x!tpu.dma_semaphore, #tpu.memory_space<semaphore_mem>> -> memref<1x!tpu.dma_semaphore, #tpu.memory_space<semaphore_mem>>
      %dma_start3A_1831 = tpu.memref_squeeze %dma_start3A_1830 : memref<1x!tpu.dma_semaphore, #tpu.memory_space<semaphore_mem>> -> memref<!tpu.dma_semaphore, #tpu.memory_space<semaphore_mem>>
      %dma_start3A_1832 = arith.constant 0 : i32
      %dma_start3A_1833 = tpu.memref_slice %arg5[%multiple_of3A_1823, %dma_start3A_1832] : memref<8256x4096xf32, #tpu.memory_space<hbm>> -> memref<8x4096xf32, #tpu.memory_space<hbm>>
      %dma_start3A_1834 = arith.constant 8 : i32
      %dma_start3A_1835 = arith.constant 0 : i32
      %dma_start3A_1836 = tpu.memref_slice %arg6[%dma_start3A_1834, %dma_start3A_1835] : memref<24x4096xf32, #tpu.memory_space<vmem>> -> memref<8x4096xf32, #tpu.memory_space<vmem>>
      tpu.enqueue_dma source(%dma_start3A_1836 : memref<8x4096xf32, #tpu.memory_space<vmem>>) target(%dma_start3A_1833 : memref<8x4096xf32, #tpu.memory_space<hbm>>) target_semaphore(%dma_start3A_1831 : memref<!tpu.dma_semaphore, #tpu.memory_space<semaphore_mem>>)
    } else {
    }
    %add3A_1120 = arith.constant 8 : i32
    %add3A_1121 = arith.addi %add3A_1115, %add3A_1120 : i32
    %gt3A_1122 = arith.cmpi sgt, %add3A_1121, %squeeze3A : i32
    %convert_element_type3A_1123 = arith.extui %gt3A_1122 : i1 to i32
    %cond3A_1124 = arith.constant 0 : i32
    %cond3A_1125 = arith.cmpi ne, %convert_element_type3A_1123, %cond3A_1124 : i32
    scf.if %cond3A_1125 {
      %add3A_1822 = arith.addi %mul3A_37, %add3A_1115 : i32
      %add3A_1823 = arith.constant 16 : i32
      %add3A_1824 = arith.addi %add3A_1822, %add3A_1823 : i32
      %multiple_of3A_1825 = tpu.assume_multiple %add3A_1824, 8 : i32
      %dma_start3A_1826 = arith.constant 1 : i32
      %dma_start3A_1827 = arith.constant 8 : i32
      %dma_start3A_1828 = arith.constant 0 : i32
      %dma_start3A_1829 = tpu.memref_slice %arg6[%dma_start3A_1827, %dma_start3A_1828] : memref<24x4096xf32, #tpu.memory_space<vmem>> -> memref<8x4096xf32, #tpu.memory_space<vmem>>
      %dma_start3A_1830 = arith.constant 0 : i32
      %dma_start3A_1831 = tpu.memref_slice %arg5[%multiple_of3A_1825, %dma_start3A_1830] : memref<8256x4096xf32, #tpu.memory_space<hbm>> -> memref<8x4096xf32, #tpu.memory_space<hbm>>
      %dma_start3A_1832 = tpu.memref_slice %arg9[%dma_start3A_1826] : memref<3x!tpu.dma_semaphore, #tpu.memory_space<semaphore_mem>> -> memref<1x!tpu.dma_semaphore, #tpu.memory_space<semaphore_mem>>
      %dma_start3A_1833 = tpu.memref_squeeze %dma_start3A_1832 : memref<1x!tpu.dma_semaphore, #tpu.memory_space<semaphore_mem>> -> memref<!tpu.dma_semaphore, #tpu.memory_space<semaphore_mem>>
      %dma_start3A_1834 = arith.constant 0 : i32
      %dma_start3A_1835 = tpu.memref_slice %arg5[%multiple_of3A_1825, %dma_start3A_1834] : memref<8256x4096xf32, #tpu.memory_space<hbm>> -> memref<8x4096xf32, #tpu.memory_space<hbm>>
      %dma_start3A_1836 = arith.constant 8 : i32
      %dma_start3A_1837 = arith.constant 0 : i32
      %dma_start3A_1838 = tpu.memref_slice %arg6[%dma_start3A_1836, %dma_start3A_1837] : memref<24x4096xf32, #tpu.memory_space<vmem>> -> memref<8x4096xf32, #tpu.memory_space<vmem>>
      tpu.enqueue_dma source(%dma_start3A_1838 : memref<8x4096xf32, #tpu.memory_space<vmem>>) target(%dma_start3A_1835 : memref<8x4096xf32, #tpu.memory_space<hbm>>) target_semaphore(%dma_start3A_1833 : memref<!tpu.dma_semaphore, #tpu.memory_space<semaphore_mem>>)
    } else {
    }
    %add3A_1126 = arith.constant 144 : i32
    %add3A_1127 = arith.addi %mul3A_32, %add3A_1126 : i32
    %lt3A_1128 = arith.cmpi slt, %add3A_1127, %squeeze3A : i32
    %convert_element_type3A_1129 = arith.extui %lt3A_1128 : i1 to i32
    %cond3A_1130 = arith.constant 0 : i32
    %cond3A_1131 = arith.cmpi ne, %convert_element_type3A_1129, %cond3A_1130 : i32
    scf.if %cond3A_1131 {
      %add3A_1822 = arith.addi %mul3A_37, %add3A_1127 : i32
      %multiple_of3A_1823 = tpu.assume_multiple %add3A_1822, 8 : i32
      %dma_wait3A_1824 = arith.constant 0 : i32
      %dma_wait3A_1825 = arith.constant 0 : i32
      %dma_wait3A_1826 = arith.constant 0 : i32
      %dma_wait3A_1827 = tpu.memref_slice %arg6[%dma_wait3A_1825, %dma_wait3A_1826] : memref<24x4096xf32, #tpu.memory_space<vmem>> -> memref<8x4096xf32, #tpu.memory_space<vmem>>
      %dma_wait3A_1828 = arith.constant 0 : i32
      %dma_wait3A_1829 = tpu.memref_slice %arg5[%multiple_of3A_1823, %dma_wait3A_1828] : memref<8256x4096xf32, #tpu.memory_space<hbm>> -> memref<8x4096xf32, #tpu.memory_space<hbm>>
      %dma_wait3A_1830 = tpu.memref_slice %arg9[%dma_wait3A_1824] : memref<3x!tpu.dma_semaphore, #tpu.memory_space<semaphore_mem>> -> memref<1x!tpu.dma_semaphore, #tpu.memory_space<semaphore_mem>>
      %dma_wait3A_1831 = tpu.memref_squeeze %dma_wait3A_1830 : memref<1x!tpu.dma_semaphore, #tpu.memory_space<semaphore_mem>> -> memref<!tpu.dma_semaphore, #tpu.memory_space<semaphore_mem>>
      %dma_wait3A_1832 = arith.constant 0 : i32
      %dma_wait3A_1833 = tpu.memref_slice %arg5[%multiple_of3A_1823, %dma_wait3A_1832] : memref<8256x4096xf32, #tpu.memory_space<hbm>> -> memref<8x4096xf32, #tpu.memory_space<hbm>>
      %dma_wait3A_1834 = arith.constant 0 : i32
      %dma_wait3A_1835 = arith.constant 0 : i32
      %dma_wait3A_1836 = tpu.memref_slice %arg6[%dma_wait3A_1834, %dma_wait3A_1835] : memref<24x4096xf32, #tpu.memory_space<vmem>> -> memref<8x4096xf32, #tpu.memory_space<vmem>>
      tpu.wait_dma2 semaphore(%dma_wait3A_1831 : memref<!tpu.dma_semaphore, #tpu.memory_space<semaphore_mem>>) src(%dma_wait3A_1836 : memref<8x4096xf32, #tpu.memory_space<vmem>>) dst(%dma_wait3A_1833 : memref<8x4096xf32, #tpu.memory_space<hbm>>)
    } else {
    }
    %add3A_1132 = arith.constant 8 : i32
    %add3A_1133 = arith.addi %add3A_1127, %add3A_1132 : i32
    %gt3A_1134 = arith.cmpi sgt, %add3A_1133, %squeeze3A : i32
    %convert_element_type3A_1135 = arith.extui %gt3A_1134 : i1 to i32
    %cond3A_1136 = arith.constant 0 : i32
    %cond3A_1137 = arith.cmpi ne, %convert_element_type3A_1135, %cond3A_1136 : i32
    scf.if %cond3A_1137 {
      %add3A_1822 = arith.addi %mul3A_37, %add3A_1127 : i32
      %add3A_1823 = arith.constant 16 : i32
      %add3A_1824 = arith.addi %add3A_1822, %add3A_1823 : i32
      %multiple_of3A_1825 = tpu.assume_multiple %add3A_1824, 8 : i32
      %dma_wait3A_1826 = arith.constant 0 : i32
      %dma_wait3A_1827 = arith.constant 0 : i32
      %dma_wait3A_1828 = arith.constant 0 : i32
      %dma_wait3A_1829 = tpu.memref_slice %arg6[%dma_wait3A_1827, %dma_wait3A_1828] : memref<24x4096xf32, #tpu.memory_space<vmem>> -> memref<8x4096xf32, #tpu.memory_space<vmem>>
      %dma_wait3A_1830 = arith.constant 0 : i32
      %dma_wait3A_1831 = tpu.memref_slice %arg5[%multiple_of3A_1825, %dma_wait3A_1830] : memref<8256x4096xf32, #tpu.memory_space<hbm>> -> memref<8x4096xf32, #tpu.memory_space<hbm>>
      %dma_wait3A_1832 = tpu.memref_slice %arg9[%dma_wait3A_1826] : memref<3x!tpu.dma_semaphore, #tpu.memory_space<semaphore_mem>> -> memref<1x!tpu.dma_semaphore, #tpu.memory_space<semaphore_mem>>
      %dma_wait3A_1833 = tpu.memref_squeeze %dma_wait3A_1832 : memref<1x!tpu.dma_semaphore, #tpu.memory_space<semaphore_mem>> -> memref<!tpu.dma_semaphore, #tpu.memory_space<semaphore_mem>>
      %dma_wait3A_1834 = arith.constant 0 : i32
      %dma_wait3A_1835 = tpu.memref_slice %arg5[%multiple_of3A_1825, %dma_wait3A_1834] : memref<8256x4096xf32, #tpu.memory_space<hbm>> -> memref<8x4096xf32, #tpu.memory_space<hbm>>
      %dma_wait3A_1836 = arith.constant 0 : i32
      %dma_wait3A_1837 = arith.constant 0 : i32
      %dma_wait3A_1838 = tpu.memref_slice %arg6[%dma_wait3A_1836, %dma_wait3A_1837] : memref<24x4096xf32, #tpu.memory_space<vmem>> -> memref<8x4096xf32, #tpu.memory_space<vmem>>
      tpu.wait_dma2 semaphore(%dma_wait3A_1833 : memref<!tpu.dma_semaphore, #tpu.memory_space<semaphore_mem>>) src(%dma_wait3A_1838 : memref<8x4096xf32, #tpu.memory_space<vmem>>) dst(%dma_wait3A_1835 : memref<8x4096xf32, #tpu.memory_space<hbm>>)
    } else {
    }
    %add3A_1138 = arith.constant 168 : i32
    %add3A_1139 = arith.addi %add3A_35, %add3A_1138 : i32
    %multiple_of3A_1140 = tpu.assume_multiple %add3A_1139, 8 : i32
    %dma_start3A_1141 = arith.constant 0 : i32
    %dma_start3A_1142 = arith.constant 0 : i32
    %dma_start3A_1143 = arith.constant 0 : i32
    %dma_start3A_1144 = tpu.memref_slice %arg6[%dma_start3A_1142, %dma_start3A_1143] : memref<24x4096xf32, #tpu.memory_space<vmem>> -> memref<8x4096xf32, #tpu.memory_space<vmem>>
    %dma_start3A_1145 = arith.constant 0 : i32
    %dma_start3A_1146 = tpu.memref_slice %arg2[%multiple_of3A_1140, %dma_start3A_1145] : memref<8192x4096xf32, #tpu.memory_space<hbm>> -> memref<8x4096xf32, #tpu.memory_space<hbm>>
    %dma_start3A_1147 = tpu.memref_slice %arg8[%dma_start3A_1141] : memref<3x!tpu.dma_semaphore, #tpu.memory_space<semaphore_mem>> -> memref<1x!tpu.dma_semaphore, #tpu.memory_space<semaphore_mem>>
    %dma_start3A_1148 = tpu.memref_squeeze %dma_start3A_1147 : memref<1x!tpu.dma_semaphore, #tpu.memory_space<semaphore_mem>> -> memref<!tpu.dma_semaphore, #tpu.memory_space<semaphore_mem>>
    %dma_start3A_1149 = arith.constant 0 : i32
    %dma_start3A_1150 = arith.constant 0 : i32
    %dma_start3A_1151 = tpu.memref_slice %arg6[%dma_start3A_1149, %dma_start3A_1150] : memref<24x4096xf32, #tpu.memory_space<vmem>> -> memref<8x4096xf32, #tpu.memory_space<vmem>>
    %dma_start3A_1152 = arith.constant 0 : i32
    %dma_start3A_1153 = tpu.memref_slice %arg2[%multiple_of3A_1140, %dma_start3A_1152] : memref<8192x4096xf32, #tpu.memory_space<hbm>> -> memref<8x4096xf32, #tpu.memory_space<hbm>>
    tpu.enqueue_dma source(%dma_start3A_1153 : memref<8x4096xf32, #tpu.memory_space<hbm>>) target(%dma_start3A_1151 : memref<8x4096xf32, #tpu.memory_space<vmem>>) target_semaphore(%dma_start3A_1148 : memref<!tpu.dma_semaphore, #tpu.memory_space<semaphore_mem>>)
    %dma_wait3A_1154 = arith.constant 2 : i32
    %dma_wait3A_1155 = arith.constant 16 : i32
    %dma_wait3A_1156 = arith.constant 0 : i32
    %dma_wait3A_1157 = tpu.memref_slice %arg6[%dma_wait3A_1155, %dma_wait3A_1156] : memref<24x4096xf32, #tpu.memory_space<vmem>> -> memref<8x4096xf32, #tpu.memory_space<vmem>>
    %dma_wait3A_1158 = arith.constant 0 : i32
    %dma_wait3A_1159 = arith.constant 0 : i32
    %dma_wait3A_1160 = tpu.memref_slice %arg2[%dma_wait3A_1158, %dma_wait3A_1159] : memref<8192x4096xf32, #tpu.memory_space<hbm>> -> memref<8x4096xf32, #tpu.memory_space<hbm>>
    %dma_wait3A_1161 = tpu.memref_slice %arg8[%dma_wait3A_1154] : memref<3x!tpu.dma_semaphore, #tpu.memory_space<semaphore_mem>> -> memref<1x!tpu.dma_semaphore, #tpu.memory_space<semaphore_mem>>
    %dma_wait3A_1162 = tpu.memref_squeeze %dma_wait3A_1161 : memref<1x!tpu.dma_semaphore, #tpu.memory_space<semaphore_mem>> -> memref<!tpu.dma_semaphore, #tpu.memory_space<semaphore_mem>>
    %dma_wait3A_1163 = arith.constant 16 : i32
    %dma_wait3A_1164 = arith.constant 0 : i32
    %dma_wait3A_1165 = tpu.memref_slice %arg6[%dma_wait3A_1163, %dma_wait3A_1164] : memref<24x4096xf32, #tpu.memory_space<vmem>> -> memref<8x4096xf32, #tpu.memory_space<vmem>>
    %dma_wait3A_1166 = arith.constant 0 : i32
    %dma_wait3A_1167 = arith.constant 0 : i32
    %dma_wait3A_1168 = tpu.memref_slice %arg2[%dma_wait3A_1166, %dma_wait3A_1167] : memref<8192x4096xf32, #tpu.memory_space<hbm>> -> memref<8x4096xf32, #tpu.memory_space<hbm>>
    tpu.wait_dma2 semaphore(%dma_wait3A_1162 : memref<!tpu.dma_semaphore, #tpu.memory_space<semaphore_mem>>) src(%dma_wait3A_1168 : memref<8x4096xf32, #tpu.memory_space<hbm>>) dst(%dma_wait3A_1165 : memref<8x4096xf32, #tpu.memory_space<vmem>>)
    %add3A_1169 = arith.constant 160 : i32
    %add3A_1170 = arith.addi %mul3A_32, %add3A_1169 : i32
    %lt3A_1171 = arith.cmpi slt, %add3A_1170, %squeeze3A : i32
    %convert_element_type3A_1172 = arith.extui %lt3A_1171 : i1 to i32
    %cond3A_1173 = arith.constant 0 : i32
    %cond3A_1174 = arith.cmpi ne, %convert_element_type3A_1172, %cond3A_1173 : i32
    scf.if %cond3A_1174 {
      %add3A_1822 = arith.addi %mul3A_37, %add3A_1170 : i32
      %multiple_of3A_1823 = tpu.assume_multiple %add3A_1822, 8 : i32
      %dma_start3A_1824 = arith.constant 2 : i32
      %dma_start3A_1825 = arith.constant 16 : i32
      %dma_start3A_1826 = arith.constant 0 : i32
      %dma_start3A_1827 = tpu.memref_slice %arg6[%dma_start3A_1825, %dma_start3A_1826] : memref<24x4096xf32, #tpu.memory_space<vmem>> -> memref<8x4096xf32, #tpu.memory_space<vmem>>
      %dma_start3A_1828 = arith.constant 0 : i32
      %dma_start3A_1829 = tpu.memref_slice %arg5[%multiple_of3A_1823, %dma_start3A_1828] : memref<8256x4096xf32, #tpu.memory_space<hbm>> -> memref<8x4096xf32, #tpu.memory_space<hbm>>
      %dma_start3A_1830 = tpu.memref_slice %arg9[%dma_start3A_1824] : memref<3x!tpu.dma_semaphore, #tpu.memory_space<semaphore_mem>> -> memref<1x!tpu.dma_semaphore, #tpu.memory_space<semaphore_mem>>
      %dma_start3A_1831 = tpu.memref_squeeze %dma_start3A_1830 : memref<1x!tpu.dma_semaphore, #tpu.memory_space<semaphore_mem>> -> memref<!tpu.dma_semaphore, #tpu.memory_space<semaphore_mem>>
      %dma_start3A_1832 = arith.constant 0 : i32
      %dma_start3A_1833 = tpu.memref_slice %arg5[%multiple_of3A_1823, %dma_start3A_1832] : memref<8256x4096xf32, #tpu.memory_space<hbm>> -> memref<8x4096xf32, #tpu.memory_space<hbm>>
      %dma_start3A_1834 = arith.constant 16 : i32
      %dma_start3A_1835 = arith.constant 0 : i32
      %dma_start3A_1836 = tpu.memref_slice %arg6[%dma_start3A_1834, %dma_start3A_1835] : memref<24x4096xf32, #tpu.memory_space<vmem>> -> memref<8x4096xf32, #tpu.memory_space<vmem>>
      tpu.enqueue_dma source(%dma_start3A_1836 : memref<8x4096xf32, #tpu.memory_space<vmem>>) target(%dma_start3A_1833 : memref<8x4096xf32, #tpu.memory_space<hbm>>) target_semaphore(%dma_start3A_1831 : memref<!tpu.dma_semaphore, #tpu.memory_space<semaphore_mem>>)
    } else {
    }
    %add3A_1175 = arith.constant 8 : i32
    %add3A_1176 = arith.addi %add3A_1170, %add3A_1175 : i32
    %gt3A_1177 = arith.cmpi sgt, %add3A_1176, %squeeze3A : i32
    %convert_element_type3A_1178 = arith.extui %gt3A_1177 : i1 to i32
    %cond3A_1179 = arith.constant 0 : i32
    %cond3A_1180 = arith.cmpi ne, %convert_element_type3A_1178, %cond3A_1179 : i32
    scf.if %cond3A_1180 {
      %add3A_1822 = arith.addi %mul3A_37, %add3A_1170 : i32
      %add3A_1823 = arith.constant 16 : i32
      %add3A_1824 = arith.addi %add3A_1822, %add3A_1823 : i32
      %multiple_of3A_1825 = tpu.assume_multiple %add3A_1824, 8 : i32
      %dma_start3A_1826 = arith.constant 2 : i32
      %dma_start3A_1827 = arith.constant 16 : i32
      %dma_start3A_1828 = arith.constant 0 : i32
      %dma_start3A_1829 = tpu.memref_slice %arg6[%dma_start3A_1827, %dma_start3A_1828] : memref<24x4096xf32, #tpu.memory_space<vmem>> -> memref<8x4096xf32, #tpu.memory_space<vmem>>
      %dma_start3A_1830 = arith.constant 0 : i32
      %dma_start3A_1831 = tpu.memref_slice %arg5[%multiple_of3A_1825, %dma_start3A_1830] : memref<8256x4096xf32, #tpu.memory_space<hbm>> -> memref<8x4096xf32, #tpu.memory_space<hbm>>
      %dma_start3A_1832 = tpu.memref_slice %arg9[%dma_start3A_1826] : memref<3x!tpu.dma_semaphore, #tpu.memory_space<semaphore_mem>> -> memref<1x!tpu.dma_semaphore, #tpu.memory_space<semaphore_mem>>
      %dma_start3A_1833 = tpu.memref_squeeze %dma_start3A_1832 : memref<1x!tpu.dma_semaphore, #tpu.memory_space<semaphore_mem>> -> memref<!tpu.dma_semaphore, #tpu.memory_space<semaphore_mem>>
      %dma_start3A_1834 = arith.constant 0 : i32
      %dma_start3A_1835 = tpu.memref_slice %arg5[%multiple_of3A_1825, %dma_start3A_1834] : memref<8256x4096xf32, #tpu.memory_space<hbm>> -> memref<8x4096xf32, #tpu.memory_space<hbm>>
      %dma_start3A_1836 = arith.constant 16 : i32
      %dma_start3A_1837 = arith.constant 0 : i32
      %dma_start3A_1838 = tpu.memref_slice %arg6[%dma_start3A_1836, %dma_start3A_1837] : memref<24x4096xf32, #tpu.memory_space<vmem>> -> memref<8x4096xf32, #tpu.memory_space<vmem>>
      tpu.enqueue_dma source(%dma_start3A_1838 : memref<8x4096xf32, #tpu.memory_space<vmem>>) target(%dma_start3A_1835 : memref<8x4096xf32, #tpu.memory_space<hbm>>) target_semaphore(%dma_start3A_1833 : memref<!tpu.dma_semaphore, #tpu.memory_space<semaphore_mem>>)
    } else {
    }
    %add3A_1181 = arith.constant 152 : i32
    %add3A_1182 = arith.addi %mul3A_32, %add3A_1181 : i32
    %lt3A_1183 = arith.cmpi slt, %add3A_1182, %squeeze3A : i32
    %convert_element_type3A_1184 = arith.extui %lt3A_1183 : i1 to i32
    %cond3A_1185 = arith.constant 0 : i32
    %cond3A_1186 = arith.cmpi ne, %convert_element_type3A_1184, %cond3A_1185 : i32
    scf.if %cond3A_1186 {
      %add3A_1822 = arith.addi %mul3A_37, %add3A_1182 : i32
      %multiple_of3A_1823 = tpu.assume_multiple %add3A_1822, 8 : i32
      %dma_wait3A_1824 = arith.constant 1 : i32
      %dma_wait3A_1825 = arith.constant 8 : i32
      %dma_wait3A_1826 = arith.constant 0 : i32
      %dma_wait3A_1827 = tpu.memref_slice %arg6[%dma_wait3A_1825, %dma_wait3A_1826] : memref<24x4096xf32, #tpu.memory_space<vmem>> -> memref<8x4096xf32, #tpu.memory_space<vmem>>
      %dma_wait3A_1828 = arith.constant 0 : i32
      %dma_wait3A_1829 = tpu.memref_slice %arg5[%multiple_of3A_1823, %dma_wait3A_1828] : memref<8256x4096xf32, #tpu.memory_space<hbm>> -> memref<8x4096xf32, #tpu.memory_space<hbm>>
      %dma_wait3A_1830 = tpu.memref_slice %arg9[%dma_wait3A_1824] : memref<3x!tpu.dma_semaphore, #tpu.memory_space<semaphore_mem>> -> memref<1x!tpu.dma_semaphore, #tpu.memory_space<semaphore_mem>>
      %dma_wait3A_1831 = tpu.memref_squeeze %dma_wait3A_1830 : memref<1x!tpu.dma_semaphore, #tpu.memory_space<semaphore_mem>> -> memref<!tpu.dma_semaphore, #tpu.memory_space<semaphore_mem>>
      %dma_wait3A_1832 = arith.constant 0 : i32
      %dma_wait3A_1833 = tpu.memref_slice %arg5[%multiple_of3A_1823, %dma_wait3A_1832] : memref<8256x4096xf32, #tpu.memory_space<hbm>> -> memref<8x4096xf32, #tpu.memory_space<hbm>>
      %dma_wait3A_1834 = arith.constant 8 : i32
      %dma_wait3A_1835 = arith.constant 0 : i32
      %dma_wait3A_1836 = tpu.memref_slice %arg6[%dma_wait3A_1834, %dma_wait3A_1835] : memref<24x4096xf32, #tpu.memory_space<vmem>> -> memref<8x4096xf32, #tpu.memory_space<vmem>>
      tpu.wait_dma2 semaphore(%dma_wait3A_1831 : memref<!tpu.dma_semaphore, #tpu.memory_space<semaphore_mem>>) src(%dma_wait3A_1836 : memref<8x4096xf32, #tpu.memory_space<vmem>>) dst(%dma_wait3A_1833 : memref<8x4096xf32, #tpu.memory_space<hbm>>)
    } else {
    }
    %add3A_1187 = arith.constant 8 : i32
    %add3A_1188 = arith.addi %add3A_1182, %add3A_1187 : i32
    %gt3A_1189 = arith.cmpi sgt, %add3A_1188, %squeeze3A : i32
    %convert_element_type3A_1190 = arith.extui %gt3A_1189 : i1 to i32
    %cond3A_1191 = arith.constant 0 : i32
    %cond3A_1192 = arith.cmpi ne, %convert_element_type3A_1190, %cond3A_1191 : i32
    scf.if %cond3A_1192 {
      %add3A_1822 = arith.addi %mul3A_37, %add3A_1182 : i32
      %add3A_1823 = arith.constant 16 : i32
      %add3A_1824 = arith.addi %add3A_1822, %add3A_1823 : i32
      %multiple_of3A_1825 = tpu.assume_multiple %add3A_1824, 8 : i32
      %dma_wait3A_1826 = arith.constant 1 : i32
      %dma_wait3A_1827 = arith.constant 8 : i32
      %dma_wait3A_1828 = arith.constant 0 : i32
      %dma_wait3A_1829 = tpu.memref_slice %arg6[%dma_wait3A_1827, %dma_wait3A_1828] : memref<24x4096xf32, #tpu.memory_space<vmem>> -> memref<8x4096xf32, #tpu.memory_space<vmem>>
      %dma_wait3A_1830 = arith.constant 0 : i32
      %dma_wait3A_1831 = tpu.memref_slice %arg5[%multiple_of3A_1825, %dma_wait3A_1830] : memref<8256x4096xf32, #tpu.memory_space<hbm>> -> memref<8x4096xf32, #tpu.memory_space<hbm>>
      %dma_wait3A_1832 = tpu.memref_slice %arg9[%dma_wait3A_1826] : memref<3x!tpu.dma_semaphore, #tpu.memory_space<semaphore_mem>> -> memref<1x!tpu.dma_semaphore, #tpu.memory_space<semaphore_mem>>
      %dma_wait3A_1833 = tpu.memref_squeeze %dma_wait3A_1832 : memref<1x!tpu.dma_semaphore, #tpu.memory_space<semaphore_mem>> -> memref<!tpu.dma_semaphore, #tpu.memory_space<semaphore_mem>>
      %dma_wait3A_1834 = arith.constant 0 : i32
      %dma_wait3A_1835 = tpu.memref_slice %arg5[%multiple_of3A_1825, %dma_wait3A_1834] : memref<8256x4096xf32, #tpu.memory_space<hbm>> -> memref<8x4096xf32, #tpu.memory_space<hbm>>
      %dma_wait3A_1836 = arith.constant 8 : i32
      %dma_wait3A_1837 = arith.constant 0 : i32
      %dma_wait3A_1838 = tpu.memref_slice %arg6[%dma_wait3A_1836, %dma_wait3A_1837] : memref<24x4096xf32, #tpu.memory_space<vmem>> -> memref<8x4096xf32, #tpu.memory_space<vmem>>
      tpu.wait_dma2 semaphore(%dma_wait3A_1833 : memref<!tpu.dma_semaphore, #tpu.memory_space<semaphore_mem>>) src(%dma_wait3A_1838 : memref<8x4096xf32, #tpu.memory_space<vmem>>) dst(%dma_wait3A_1835 : memref<8x4096xf32, #tpu.memory_space<hbm>>)
    } else {
    }
    %add3A_1193 = arith.constant 176 : i32
    %add3A_1194 = arith.addi %add3A_35, %add3A_1193 : i32
    %multiple_of3A_1195 = tpu.assume_multiple %add3A_1194, 8 : i32
    %dma_start3A_1196 = arith.constant 1 : i32
    %dma_start3A_1197 = arith.constant 8 : i32
    %dma_start3A_1198 = arith.constant 0 : i32
    %dma_start3A_1199 = tpu.memref_slice %arg6[%dma_start3A_1197, %dma_start3A_1198] : memref<24x4096xf32, #tpu.memory_space<vmem>> -> memref<8x4096xf32, #tpu.memory_space<vmem>>
    %dma_start3A_1200 = arith.constant 0 : i32
    %dma_start3A_1201 = tpu.memref_slice %arg2[%multiple_of3A_1195, %dma_start3A_1200] : memref<8192x4096xf32, #tpu.memory_space<hbm>> -> memref<8x4096xf32, #tpu.memory_space<hbm>>
    %dma_start3A_1202 = tpu.memref_slice %arg8[%dma_start3A_1196] : memref<3x!tpu.dma_semaphore, #tpu.memory_space<semaphore_mem>> -> memref<1x!tpu.dma_semaphore, #tpu.memory_space<semaphore_mem>>
    %dma_start3A_1203 = tpu.memref_squeeze %dma_start3A_1202 : memref<1x!tpu.dma_semaphore, #tpu.memory_space<semaphore_mem>> -> memref<!tpu.dma_semaphore, #tpu.memory_space<semaphore_mem>>
    %dma_start3A_1204 = arith.constant 8 : i32
    %dma_start3A_1205 = arith.constant 0 : i32
    %dma_start3A_1206 = tpu.memref_slice %arg6[%dma_start3A_1204, %dma_start3A_1205] : memref<24x4096xf32, #tpu.memory_space<vmem>> -> memref<8x4096xf32, #tpu.memory_space<vmem>>
    %dma_start3A_1207 = arith.constant 0 : i32
    %dma_start3A_1208 = tpu.memref_slice %arg2[%multiple_of3A_1195, %dma_start3A_1207] : memref<8192x4096xf32, #tpu.memory_space<hbm>> -> memref<8x4096xf32, #tpu.memory_space<hbm>>
    tpu.enqueue_dma source(%dma_start3A_1208 : memref<8x4096xf32, #tpu.memory_space<hbm>>) target(%dma_start3A_1206 : memref<8x4096xf32, #tpu.memory_space<vmem>>) target_semaphore(%dma_start3A_1203 : memref<!tpu.dma_semaphore, #tpu.memory_space<semaphore_mem>>)
    %dma_wait3A_1209 = arith.constant 0 : i32
    %dma_wait3A_1210 = arith.constant 0 : i32
    %dma_wait3A_1211 = arith.constant 0 : i32
    %dma_wait3A_1212 = tpu.memref_slice %arg6[%dma_wait3A_1210, %dma_wait3A_1211] : memref<24x4096xf32, #tpu.memory_space<vmem>> -> memref<8x4096xf32, #tpu.memory_space<vmem>>
    %dma_wait3A_1213 = arith.constant 0 : i32
    %dma_wait3A_1214 = arith.constant 0 : i32
    %dma_wait3A_1215 = tpu.memref_slice %arg2[%dma_wait3A_1213, %dma_wait3A_1214] : memref<8192x4096xf32, #tpu.memory_space<hbm>> -> memref<8x4096xf32, #tpu.memory_space<hbm>>
    %dma_wait3A_1216 = tpu.memref_slice %arg8[%dma_wait3A_1209] : memref<3x!tpu.dma_semaphore, #tpu.memory_space<semaphore_mem>> -> memref<1x!tpu.dma_semaphore, #tpu.memory_space<semaphore_mem>>
    %dma_wait3A_1217 = tpu.memref_squeeze %dma_wait3A_1216 : memref<1x!tpu.dma_semaphore, #tpu.memory_space<semaphore_mem>> -> memref<!tpu.dma_semaphore, #tpu.memory_space<semaphore_mem>>
    %dma_wait3A_1218 = arith.constant 0 : i32
    %dma_wait3A_1219 = arith.constant 0 : i32
    %dma_wait3A_1220 = tpu.memref_slice %arg6[%dma_wait3A_1218, %dma_wait3A_1219] : memref<24x4096xf32, #tpu.memory_space<vmem>> -> memref<8x4096xf32, #tpu.memory_space<vmem>>
    %dma_wait3A_1221 = arith.constant 0 : i32
    %dma_wait3A_1222 = arith.constant 0 : i32
    %dma_wait3A_1223 = tpu.memref_slice %arg2[%dma_wait3A_1221, %dma_wait3A_1222] : memref<8192x4096xf32, #tpu.memory_space<hbm>> -> memref<8x4096xf32, #tpu.memory_space<hbm>>
    tpu.wait_dma2 semaphore(%dma_wait3A_1217 : memref<!tpu.dma_semaphore, #tpu.memory_space<semaphore_mem>>) src(%dma_wait3A_1223 : memref<8x4096xf32, #tpu.memory_space<hbm>>) dst(%dma_wait3A_1220 : memref<8x4096xf32, #tpu.memory_space<vmem>>)
    %add3A_1224 = arith.constant 168 : i32
    %add3A_1225 = arith.addi %mul3A_32, %add3A_1224 : i32
    %lt3A_1226 = arith.cmpi slt, %add3A_1225, %squeeze3A : i32
    %convert_element_type3A_1227 = arith.extui %lt3A_1226 : i1 to i32
    %cond3A_1228 = arith.constant 0 : i32
    %cond3A_1229 = arith.cmpi ne, %convert_element_type3A_1227, %cond3A_1228 : i32
    scf.if %cond3A_1229 {
      %add3A_1822 = arith.addi %mul3A_37, %add3A_1225 : i32
      %multiple_of3A_1823 = tpu.assume_multiple %add3A_1822, 8 : i32
      %dma_start3A_1824 = arith.constant 0 : i32
      %dma_start3A_1825 = arith.constant 0 : i32
      %dma_start3A_1826 = arith.constant 0 : i32
      %dma_start3A_1827 = tpu.memref_slice %arg6[%dma_start3A_1825, %dma_start3A_1826] : memref<24x4096xf32, #tpu.memory_space<vmem>> -> memref<8x4096xf32, #tpu.memory_space<vmem>>
      %dma_start3A_1828 = arith.constant 0 : i32
      %dma_start3A_1829 = tpu.memref_slice %arg5[%multiple_of3A_1823, %dma_start3A_1828] : memref<8256x4096xf32, #tpu.memory_space<hbm>> -> memref<8x4096xf32, #tpu.memory_space<hbm>>
      %dma_start3A_1830 = tpu.memref_slice %arg9[%dma_start3A_1824] : memref<3x!tpu.dma_semaphore, #tpu.memory_space<semaphore_mem>> -> memref<1x!tpu.dma_semaphore, #tpu.memory_space<semaphore_mem>>
      %dma_start3A_1831 = tpu.memref_squeeze %dma_start3A_1830 : memref<1x!tpu.dma_semaphore, #tpu.memory_space<semaphore_mem>> -> memref<!tpu.dma_semaphore, #tpu.memory_space<semaphore_mem>>
      %dma_start3A_1832 = arith.constant 0 : i32
      %dma_start3A_1833 = tpu.memref_slice %arg5[%multiple_of3A_1823, %dma_start3A_1832] : memref<8256x4096xf32, #tpu.memory_space<hbm>> -> memref<8x4096xf32, #tpu.memory_space<hbm>>
      %dma_start3A_1834 = arith.constant 0 : i32
      %dma_start3A_1835 = arith.constant 0 : i32
      %dma_start3A_1836 = tpu.memref_slice %arg6[%dma_start3A_1834, %dma_start3A_1835] : memref<24x4096xf32, #tpu.memory_space<vmem>> -> memref<8x4096xf32, #tpu.memory_space<vmem>>
      tpu.enqueue_dma source(%dma_start3A_1836 : memref<8x4096xf32, #tpu.memory_space<vmem>>) target(%dma_start3A_1833 : memref<8x4096xf32, #tpu.memory_space<hbm>>) target_semaphore(%dma_start3A_1831 : memref<!tpu.dma_semaphore, #tpu.memory_space<semaphore_mem>>)
    } else {
    }
    %add3A_1230 = arith.constant 8 : i32
    %add3A_1231 = arith.addi %add3A_1225, %add3A_1230 : i32
    %gt3A_1232 = arith.cmpi sgt, %add3A_1231, %squeeze3A : i32
    %convert_element_type3A_1233 = arith.extui %gt3A_1232 : i1 to i32
    %cond3A_1234 = arith.constant 0 : i32
    %cond3A_1235 = arith.cmpi ne, %convert_element_type3A_1233, %cond3A_1234 : i32
    scf.if %cond3A_1235 {
      %add3A_1822 = arith.addi %mul3A_37, %add3A_1225 : i32
      %add3A_1823 = arith.constant 16 : i32
      %add3A_1824 = arith.addi %add3A_1822, %add3A_1823 : i32
      %multiple_of3A_1825 = tpu.assume_multiple %add3A_1824, 8 : i32
      %dma_start3A_1826 = arith.constant 0 : i32
      %dma_start3A_1827 = arith.constant 0 : i32
      %dma_start3A_1828 = arith.constant 0 : i32
      %dma_start3A_1829 = tpu.memref_slice %arg6[%dma_start3A_1827, %dma_start3A_1828] : memref<24x4096xf32, #tpu.memory_space<vmem>> -> memref<8x4096xf32, #tpu.memory_space<vmem>>
      %dma_start3A_1830 = arith.constant 0 : i32
      %dma_start3A_1831 = tpu.memref_slice %arg5[%multiple_of3A_1825, %dma_start3A_1830] : memref<8256x4096xf32, #tpu.memory_space<hbm>> -> memref<8x4096xf32, #tpu.memory_space<hbm>>
      %dma_start3A_1832 = tpu.memref_slice %arg9[%dma_start3A_1826] : memref<3x!tpu.dma_semaphore, #tpu.memory_space<semaphore_mem>> -> memref<1x!tpu.dma_semaphore, #tpu.memory_space<semaphore_mem>>
      %dma_start3A_1833 = tpu.memref_squeeze %dma_start3A_1832 : memref<1x!tpu.dma_semaphore, #tpu.memory_space<semaphore_mem>> -> memref<!tpu.dma_semaphore, #tpu.memory_space<semaphore_mem>>
      %dma_start3A_1834 = arith.constant 0 : i32
      %dma_start3A_1835 = tpu.memref_slice %arg5[%multiple_of3A_1825, %dma_start3A_1834] : memref<8256x4096xf32, #tpu.memory_space<hbm>> -> memref<8x4096xf32, #tpu.memory_space<hbm>>
      %dma_start3A_1836 = arith.constant 0 : i32
      %dma_start3A_1837 = arith.constant 0 : i32
      %dma_start3A_1838 = tpu.memref_slice %arg6[%dma_start3A_1836, %dma_start3A_1837] : memref<24x4096xf32, #tpu.memory_space<vmem>> -> memref<8x4096xf32, #tpu.memory_space<vmem>>
      tpu.enqueue_dma source(%dma_start3A_1838 : memref<8x4096xf32, #tpu.memory_space<vmem>>) target(%dma_start3A_1835 : memref<8x4096xf32, #tpu.memory_space<hbm>>) target_semaphore(%dma_start3A_1833 : memref<!tpu.dma_semaphore, #tpu.memory_space<semaphore_mem>>)
    } else {
    }
    %add3A_1236 = arith.constant 160 : i32
    %add3A_1237 = arith.addi %mul3A_32, %add3A_1236 : i32
    %lt3A_1238 = arith.cmpi slt, %add3A_1237, %squeeze3A : i32
    %convert_element_type3A_1239 = arith.extui %lt3A_1238 : i1 to i32
    %cond3A_1240 = arith.constant 0 : i32
    %cond3A_1241 = arith.cmpi ne, %convert_element_type3A_1239, %cond3A_1240 : i32
    scf.if %cond3A_1241 {
      %add3A_1822 = arith.addi %mul3A_37, %add3A_1237 : i32
      %multiple_of3A_1823 = tpu.assume_multiple %add3A_1822, 8 : i32
      %dma_wait3A_1824 = arith.constant 2 : i32
      %dma_wait3A_1825 = arith.constant 16 : i32
      %dma_wait3A_1826 = arith.constant 0 : i32
      %dma_wait3A_1827 = tpu.memref_slice %arg6[%dma_wait3A_1825, %dma_wait3A_1826] : memref<24x4096xf32, #tpu.memory_space<vmem>> -> memref<8x4096xf32, #tpu.memory_space<vmem>>
      %dma_wait3A_1828 = arith.constant 0 : i32
      %dma_wait3A_1829 = tpu.memref_slice %arg5[%multiple_of3A_1823, %dma_wait3A_1828] : memref<8256x4096xf32, #tpu.memory_space<hbm>> -> memref<8x4096xf32, #tpu.memory_space<hbm>>
      %dma_wait3A_1830 = tpu.memref_slice %arg9[%dma_wait3A_1824] : memref<3x!tpu.dma_semaphore, #tpu.memory_space<semaphore_mem>> -> memref<1x!tpu.dma_semaphore, #tpu.memory_space<semaphore_mem>>
      %dma_wait3A_1831 = tpu.memref_squeeze %dma_wait3A_1830 : memref<1x!tpu.dma_semaphore, #tpu.memory_space<semaphore_mem>> -> memref<!tpu.dma_semaphore, #tpu.memory_space<semaphore_mem>>
      %dma_wait3A_1832 = arith.constant 0 : i32
      %dma_wait3A_1833 = tpu.memref_slice %arg5[%multiple_of3A_1823, %dma_wait3A_1832] : memref<8256x4096xf32, #tpu.memory_space<hbm>> -> memref<8x4096xf32, #tpu.memory_space<hbm>>
      %dma_wait3A_1834 = arith.constant 16 : i32
      %dma_wait3A_1835 = arith.constant 0 : i32
      %dma_wait3A_1836 = tpu.memref_slice %arg6[%dma_wait3A_1834, %dma_wait3A_1835] : memref<24x4096xf32, #tpu.memory_space<vmem>> -> memref<8x4096xf32, #tpu.memory_space<vmem>>
      tpu.wait_dma2 semaphore(%dma_wait3A_1831 : memref<!tpu.dma_semaphore, #tpu.memory_space<semaphore_mem>>) src(%dma_wait3A_1836 : memref<8x4096xf32, #tpu.memory_space<vmem>>) dst(%dma_wait3A_1833 : memref<8x4096xf32, #tpu.memory_space<hbm>>)
    } else {
    }
    %add3A_1242 = arith.constant 8 : i32
    %add3A_1243 = arith.addi %add3A_1237, %add3A_1242 : i32
    %gt3A_1244 = arith.cmpi sgt, %add3A_1243, %squeeze3A : i32
    %convert_element_type3A_1245 = arith.extui %gt3A_1244 : i1 to i32
    %cond3A_1246 = arith.constant 0 : i32
    %cond3A_1247 = arith.cmpi ne, %convert_element_type3A_1245, %cond3A_1246 : i32
    scf.if %cond3A_1247 {
      %add3A_1822 = arith.addi %mul3A_37, %add3A_1237 : i32
      %add3A_1823 = arith.constant 16 : i32
      %add3A_1824 = arith.addi %add3A_1822, %add3A_1823 : i32
      %multiple_of3A_1825 = tpu.assume_multiple %add3A_1824, 8 : i32
      %dma_wait3A_1826 = arith.constant 2 : i32
      %dma_wait3A_1827 = arith.constant 16 : i32
      %dma_wait3A_1828 = arith.constant 0 : i32
      %dma_wait3A_1829 = tpu.memref_slice %arg6[%dma_wait3A_1827, %dma_wait3A_1828] : memref<24x4096xf32, #tpu.memory_space<vmem>> -> memref<8x4096xf32, #tpu.memory_space<vmem>>
      %dma_wait3A_1830 = arith.constant 0 : i32
      %dma_wait3A_1831 = tpu.memref_slice %arg5[%multiple_of3A_1825, %dma_wait3A_1830] : memref<8256x4096xf32, #tpu.memory_space<hbm>> -> memref<8x4096xf32, #tpu.memory_space<hbm>>
      %dma_wait3A_1832 = tpu.memref_slice %arg9[%dma_wait3A_1826] : memref<3x!tpu.dma_semaphore, #tpu.memory_space<semaphore_mem>> -> memref<1x!tpu.dma_semaphore, #tpu.memory_space<semaphore_mem>>
      %dma_wait3A_1833 = tpu.memref_squeeze %dma_wait3A_1832 : memref<1x!tpu.dma_semaphore, #tpu.memory_space<semaphore_mem>> -> memref<!tpu.dma_semaphore, #tpu.memory_space<semaphore_mem>>
      %dma_wait3A_1834 = arith.constant 0 : i32
      %dma_wait3A_1835 = tpu.memref_slice %arg5[%multiple_of3A_1825, %dma_wait3A_1834] : memref<8256x4096xf32, #tpu.memory_space<hbm>> -> memref<8x4096xf32, #tpu.memory_space<hbm>>
      %dma_wait3A_1836 = arith.constant 16 : i32
      %dma_wait3A_1837 = arith.constant 0 : i32
      %dma_wait3A_1838 = tpu.memref_slice %arg6[%dma_wait3A_1836, %dma_wait3A_1837] : memref<24x4096xf32, #tpu.memory_space<vmem>> -> memref<8x4096xf32, #tpu.memory_space<vmem>>
      tpu.wait_dma2 semaphore(%dma_wait3A_1833 : memref<!tpu.dma_semaphore, #tpu.memory_space<semaphore_mem>>) src(%dma_wait3A_1838 : memref<8x4096xf32, #tpu.memory_space<vmem>>) dst(%dma_wait3A_1835 : memref<8x4096xf32, #tpu.memory_space<hbm>>)
    } else {
    }
    %add3A_1248 = arith.constant 184 : i32
    %add3A_1249 = arith.addi %add3A_35, %add3A_1248 : i32
    %multiple_of3A_1250 = tpu.assume_multiple %add3A_1249, 8 : i32
    %dma_start3A_1251 = arith.constant 2 : i32
    %dma_start3A_1252 = arith.constant 16 : i32
    %dma_start3A_1253 = arith.constant 0 : i32
    %dma_start3A_1254 = tpu.memref_slice %arg6[%dma_start3A_1252, %dma_start3A_1253] : memref<24x4096xf32, #tpu.memory_space<vmem>> -> memref<8x4096xf32, #tpu.memory_space<vmem>>
    %dma_start3A_1255 = arith.constant 0 : i32
    %dma_start3A_1256 = tpu.memref_slice %arg2[%multiple_of3A_1250, %dma_start3A_1255] : memref<8192x4096xf32, #tpu.memory_space<hbm>> -> memref<8x4096xf32, #tpu.memory_space<hbm>>
    %dma_start3A_1257 = tpu.memref_slice %arg8[%dma_start3A_1251] : memref<3x!tpu.dma_semaphore, #tpu.memory_space<semaphore_mem>> -> memref<1x!tpu.dma_semaphore, #tpu.memory_space<semaphore_mem>>
    %dma_start3A_1258 = tpu.memref_squeeze %dma_start3A_1257 : memref<1x!tpu.dma_semaphore, #tpu.memory_space<semaphore_mem>> -> memref<!tpu.dma_semaphore, #tpu.memory_space<semaphore_mem>>
    %dma_start3A_1259 = arith.constant 16 : i32
    %dma_start3A_1260 = arith.constant 0 : i32
    %dma_start3A_1261 = tpu.memref_slice %arg6[%dma_start3A_1259, %dma_start3A_1260] : memref<24x4096xf32, #tpu.memory_space<vmem>> -> memref<8x4096xf32, #tpu.memory_space<vmem>>
    %dma_start3A_1262 = arith.constant 0 : i32
    %dma_start3A_1263 = tpu.memref_slice %arg2[%multiple_of3A_1250, %dma_start3A_1262] : memref<8192x4096xf32, #tpu.memory_space<hbm>> -> memref<8x4096xf32, #tpu.memory_space<hbm>>
    tpu.enqueue_dma source(%dma_start3A_1263 : memref<8x4096xf32, #tpu.memory_space<hbm>>) target(%dma_start3A_1261 : memref<8x4096xf32, #tpu.memory_space<vmem>>) target_semaphore(%dma_start3A_1258 : memref<!tpu.dma_semaphore, #tpu.memory_space<semaphore_mem>>)
    %dma_wait3A_1264 = arith.constant 1 : i32
    %dma_wait3A_1265 = arith.constant 8 : i32
    %dma_wait3A_1266 = arith.constant 0 : i32
    %dma_wait3A_1267 = tpu.memref_slice %arg6[%dma_wait3A_1265, %dma_wait3A_1266] : memref<24x4096xf32, #tpu.memory_space<vmem>> -> memref<8x4096xf32, #tpu.memory_space<vmem>>
    %dma_wait3A_1268 = arith.constant 0 : i32
    %dma_wait3A_1269 = arith.constant 0 : i32
    %dma_wait3A_1270 = tpu.memref_slice %arg2[%dma_wait3A_1268, %dma_wait3A_1269] : memref<8192x4096xf32, #tpu.memory_space<hbm>> -> memref<8x4096xf32, #tpu.memory_space<hbm>>
    %dma_wait3A_1271 = tpu.memref_slice %arg8[%dma_wait3A_1264] : memref<3x!tpu.dma_semaphore, #tpu.memory_space<semaphore_mem>> -> memref<1x!tpu.dma_semaphore, #tpu.memory_space<semaphore_mem>>
    %dma_wait3A_1272 = tpu.memref_squeeze %dma_wait3A_1271 : memref<1x!tpu.dma_semaphore, #tpu.memory_space<semaphore_mem>> -> memref<!tpu.dma_semaphore, #tpu.memory_space<semaphore_mem>>
    %dma_wait3A_1273 = arith.constant 8 : i32
    %dma_wait3A_1274 = arith.constant 0 : i32
    %dma_wait3A_1275 = tpu.memref_slice %arg6[%dma_wait3A_1273, %dma_wait3A_1274] : memref<24x4096xf32, #tpu.memory_space<vmem>> -> memref<8x4096xf32, #tpu.memory_space<vmem>>
    %dma_wait3A_1276 = arith.constant 0 : i32
    %dma_wait3A_1277 = arith.constant 0 : i32
    %dma_wait3A_1278 = tpu.memref_slice %arg2[%dma_wait3A_1276, %dma_wait3A_1277] : memref<8192x4096xf32, #tpu.memory_space<hbm>> -> memref<8x4096xf32, #tpu.memory_space<hbm>>
    tpu.wait_dma2 semaphore(%dma_wait3A_1272 : memref<!tpu.dma_semaphore, #tpu.memory_space<semaphore_mem>>) src(%dma_wait3A_1278 : memref<8x4096xf32, #tpu.memory_space<hbm>>) dst(%dma_wait3A_1275 : memref<8x4096xf32, #tpu.memory_space<vmem>>)
    %add3A_1279 = arith.constant 176 : i32
    %add3A_1280 = arith.addi %mul3A_32, %add3A_1279 : i32
    %lt3A_1281 = arith.cmpi slt, %add3A_1280, %squeeze3A : i32
    %convert_element_type3A_1282 = arith.extui %lt3A_1281 : i1 to i32
    %cond3A_1283 = arith.constant 0 : i32
    %cond3A_1284 = arith.cmpi ne, %convert_element_type3A_1282, %cond3A_1283 : i32
    scf.if %cond3A_1284 {
      %add3A_1822 = arith.addi %mul3A_37, %add3A_1280 : i32
      %multiple_of3A_1823 = tpu.assume_multiple %add3A_1822, 8 : i32
      %dma_start3A_1824 = arith.constant 1 : i32
      %dma_start3A_1825 = arith.constant 8 : i32
      %dma_start3A_1826 = arith.constant 0 : i32
      %dma_start3A_1827 = tpu.memref_slice %arg6[%dma_start3A_1825, %dma_start3A_1826] : memref<24x4096xf32, #tpu.memory_space<vmem>> -> memref<8x4096xf32, #tpu.memory_space<vmem>>
      %dma_start3A_1828 = arith.constant 0 : i32
      %dma_start3A_1829 = tpu.memref_slice %arg5[%multiple_of3A_1823, %dma_start3A_1828] : memref<8256x4096xf32, #tpu.memory_space<hbm>> -> memref<8x4096xf32, #tpu.memory_space<hbm>>
      %dma_start3A_1830 = tpu.memref_slice %arg9[%dma_start3A_1824] : memref<3x!tpu.dma_semaphore, #tpu.memory_space<semaphore_mem>> -> memref<1x!tpu.dma_semaphore, #tpu.memory_space<semaphore_mem>>
      %dma_start3A_1831 = tpu.memref_squeeze %dma_start3A_1830 : memref<1x!tpu.dma_semaphore, #tpu.memory_space<semaphore_mem>> -> memref<!tpu.dma_semaphore, #tpu.memory_space<semaphore_mem>>
      %dma_start3A_1832 = arith.constant 0 : i32
      %dma_start3A_1833 = tpu.memref_slice %arg5[%multiple_of3A_1823, %dma_start3A_1832] : memref<8256x4096xf32, #tpu.memory_space<hbm>> -> memref<8x4096xf32, #tpu.memory_space<hbm>>
      %dma_start3A_1834 = arith.constant 8 : i32
      %dma_start3A_1835 = arith.constant 0 : i32
      %dma_start3A_1836 = tpu.memref_slice %arg6[%dma_start3A_1834, %dma_start3A_1835] : memref<24x4096xf32, #tpu.memory_space<vmem>> -> memref<8x4096xf32, #tpu.memory_space<vmem>>
      tpu.enqueue_dma source(%dma_start3A_1836 : memref<8x4096xf32, #tpu.memory_space<vmem>>) target(%dma_start3A_1833 : memref<8x4096xf32, #tpu.memory_space<hbm>>) target_semaphore(%dma_start3A_1831 : memref<!tpu.dma_semaphore, #tpu.memory_space<semaphore_mem>>)
    } else {
    }
    %add3A_1285 = arith.constant 8 : i32
    %add3A_1286 = arith.addi %add3A_1280, %add3A_1285 : i32
    %gt3A_1287 = arith.cmpi sgt, %add3A_1286, %squeeze3A : i32
    %convert_element_type3A_1288 = arith.extui %gt3A_1287 : i1 to i32
    %cond3A_1289 = arith.constant 0 : i32
    %cond3A_1290 = arith.cmpi ne, %convert_element_type3A_1288, %cond3A_1289 : i32
    scf.if %cond3A_1290 {
      %add3A_1822 = arith.addi %mul3A_37, %add3A_1280 : i32
      %add3A_1823 = arith.constant 16 : i32
      %add3A_1824 = arith.addi %add3A_1822, %add3A_1823 : i32
      %multiple_of3A_1825 = tpu.assume_multiple %add3A_1824, 8 : i32
      %dma_start3A_1826 = arith.constant 1 : i32
      %dma_start3A_1827 = arith.constant 8 : i32
      %dma_start3A_1828 = arith.constant 0 : i32
      %dma_start3A_1829 = tpu.memref_slice %arg6[%dma_start3A_1827, %dma_start3A_1828] : memref<24x4096xf32, #tpu.memory_space<vmem>> -> memref<8x4096xf32, #tpu.memory_space<vmem>>
      %dma_start3A_1830 = arith.constant 0 : i32
      %dma_start3A_1831 = tpu.memref_slice %arg5[%multiple_of3A_1825, %dma_start3A_1830] : memref<8256x4096xf32, #tpu.memory_space<hbm>> -> memref<8x4096xf32, #tpu.memory_space<hbm>>
      %dma_start3A_1832 = tpu.memref_slice %arg9[%dma_start3A_1826] : memref<3x!tpu.dma_semaphore, #tpu.memory_space<semaphore_mem>> -> memref<1x!tpu.dma_semaphore, #tpu.memory_space<semaphore_mem>>
      %dma_start3A_1833 = tpu.memref_squeeze %dma_start3A_1832 : memref<1x!tpu.dma_semaphore, #tpu.memory_space<semaphore_mem>> -> memref<!tpu.dma_semaphore, #tpu.memory_space<semaphore_mem>>
      %dma_start3A_1834 = arith.constant 0 : i32
      %dma_start3A_1835 = tpu.memref_slice %arg5[%multiple_of3A_1825, %dma_start3A_1834] : memref<8256x4096xf32, #tpu.memory_space<hbm>> -> memref<8x4096xf32, #tpu.memory_space<hbm>>
      %dma_start3A_1836 = arith.constant 8 : i32
      %dma_start3A_1837 = arith.constant 0 : i32
      %dma_start3A_1838 = tpu.memref_slice %arg6[%dma_start3A_1836, %dma_start3A_1837] : memref<24x4096xf32, #tpu.memory_space<vmem>> -> memref<8x4096xf32, #tpu.memory_space<vmem>>
      tpu.enqueue_dma source(%dma_start3A_1838 : memref<8x4096xf32, #tpu.memory_space<vmem>>) target(%dma_start3A_1835 : memref<8x4096xf32, #tpu.memory_space<hbm>>) target_semaphore(%dma_start3A_1833 : memref<!tpu.dma_semaphore, #tpu.memory_space<semaphore_mem>>)
    } else {
    }
    %add3A_1291 = arith.constant 168 : i32
    %add3A_1292 = arith.addi %mul3A_32, %add3A_1291 : i32
    %lt3A_1293 = arith.cmpi slt, %add3A_1292, %squeeze3A : i32
    %convert_element_type3A_1294 = arith.extui %lt3A_1293 : i1 to i32
    %cond3A_1295 = arith.constant 0 : i32
    %cond3A_1296 = arith.cmpi ne, %convert_element_type3A_1294, %cond3A_1295 : i32
    scf.if %cond3A_1296 {
      %add3A_1822 = arith.addi %mul3A_37, %add3A_1292 : i32
      %multiple_of3A_1823 = tpu.assume_multiple %add3A_1822, 8 : i32
      %dma_wait3A_1824 = arith.constant 0 : i32
      %dma_wait3A_1825 = arith.constant 0 : i32
      %dma_wait3A_1826 = arith.constant 0 : i32
      %dma_wait3A_1827 = tpu.memref_slice %arg6[%dma_wait3A_1825, %dma_wait3A_1826] : memref<24x4096xf32, #tpu.memory_space<vmem>> -> memref<8x4096xf32, #tpu.memory_space<vmem>>
      %dma_wait3A_1828 = arith.constant 0 : i32
      %dma_wait3A_1829 = tpu.memref_slice %arg5[%multiple_of3A_1823, %dma_wait3A_1828] : memref<8256x4096xf32, #tpu.memory_space<hbm>> -> memref<8x4096xf32, #tpu.memory_space<hbm>>
      %dma_wait3A_1830 = tpu.memref_slice %arg9[%dma_wait3A_1824] : memref<3x!tpu.dma_semaphore, #tpu.memory_space<semaphore_mem>> -> memref<1x!tpu.dma_semaphore, #tpu.memory_space<semaphore_mem>>
      %dma_wait3A_1831 = tpu.memref_squeeze %dma_wait3A_1830 : memref<1x!tpu.dma_semaphore, #tpu.memory_space<semaphore_mem>> -> memref<!tpu.dma_semaphore, #tpu.memory_space<semaphore_mem>>
      %dma_wait3A_1832 = arith.constant 0 : i32
      %dma_wait3A_1833 = tpu.memref_slice %arg5[%multiple_of3A_1823, %dma_wait3A_1832] : memref<8256x4096xf32, #tpu.memory_space<hbm>> -> memref<8x4096xf32, #tpu.memory_space<hbm>>
      %dma_wait3A_1834 = arith.constant 0 : i32
      %dma_wait3A_1835 = arith.constant 0 : i32
      %dma_wait3A_1836 = tpu.memref_slice %arg6[%dma_wait3A_1834, %dma_wait3A_1835] : memref<24x4096xf32, #tpu.memory_space<vmem>> -> memref<8x4096xf32, #tpu.memory_space<vmem>>
      tpu.wait_dma2 semaphore(%dma_wait3A_1831 : memref<!tpu.dma_semaphore, #tpu.memory_space<semaphore_mem>>) src(%dma_wait3A_1836 : memref<8x4096xf32, #tpu.memory_space<vmem>>) dst(%dma_wait3A_1833 : memref<8x4096xf32, #tpu.memory_space<hbm>>)
    } else {
    }
    %add3A_1297 = arith.constant 8 : i32
    %add3A_1298 = arith.addi %add3A_1292, %add3A_1297 : i32
    %gt3A_1299 = arith.cmpi sgt, %add3A_1298, %squeeze3A : i32
    %convert_element_type3A_1300 = arith.extui %gt3A_1299 : i1 to i32
    %cond3A_1301 = arith.constant 0 : i32
    %cond3A_1302 = arith.cmpi ne, %convert_element_type3A_1300, %cond3A_1301 : i32
    scf.if %cond3A_1302 {
      %add3A_1822 = arith.addi %mul3A_37, %add3A_1292 : i32
      %add3A_1823 = arith.constant 16 : i32
      %add3A_1824 = arith.addi %add3A_1822, %add3A_1823 : i32
      %multiple_of3A_1825 = tpu.assume_multiple %add3A_1824, 8 : i32
      %dma_wait3A_1826 = arith.constant 0 : i32
      %dma_wait3A_1827 = arith.constant 0 : i32
      %dma_wait3A_1828 = arith.constant 0 : i32
      %dma_wait3A_1829 = tpu.memref_slice %arg6[%dma_wait3A_1827, %dma_wait3A_1828] : memref<24x4096xf32, #tpu.memory_space<vmem>> -> memref<8x4096xf32, #tpu.memory_space<vmem>>
      %dma_wait3A_1830 = arith.constant 0 : i32
      %dma_wait3A_1831 = tpu.memref_slice %arg5[%multiple_of3A_1825, %dma_wait3A_1830] : memref<8256x4096xf32, #tpu.memory_space<hbm>> -> memref<8x4096xf32, #tpu.memory_space<hbm>>
      %dma_wait3A_1832 = tpu.memref_slice %arg9[%dma_wait3A_1826] : memref<3x!tpu.dma_semaphore, #tpu.memory_space<semaphore_mem>> -> memref<1x!tpu.dma_semaphore, #tpu.memory_space<semaphore_mem>>
      %dma_wait3A_1833 = tpu.memref_squeeze %dma_wait3A_1832 : memref<1x!tpu.dma_semaphore, #tpu.memory_space<semaphore_mem>> -> memref<!tpu.dma_semaphore, #tpu.memory_space<semaphore_mem>>
      %dma_wait3A_1834 = arith.constant 0 : i32
      %dma_wait3A_1835 = tpu.memref_slice %arg5[%multiple_of3A_1825, %dma_wait3A_1834] : memref<8256x4096xf32, #tpu.memory_space<hbm>> -> memref<8x4096xf32, #tpu.memory_space<hbm>>
      %dma_wait3A_1836 = arith.constant 0 : i32
      %dma_wait3A_1837 = arith.constant 0 : i32
      %dma_wait3A_1838 = tpu.memref_slice %arg6[%dma_wait3A_1836, %dma_wait3A_1837] : memref<24x4096xf32, #tpu.memory_space<vmem>> -> memref<8x4096xf32, #tpu.memory_space<vmem>>
      tpu.wait_dma2 semaphore(%dma_wait3A_1833 : memref<!tpu.dma_semaphore, #tpu.memory_space<semaphore_mem>>) src(%dma_wait3A_1838 : memref<8x4096xf32, #tpu.memory_space<vmem>>) dst(%dma_wait3A_1835 : memref<8x4096xf32, #tpu.memory_space<hbm>>)
    } else {
    }
    %add3A_1303 = arith.constant 192 : i32
    %add3A_1304 = arith.addi %add3A_35, %add3A_1303 : i32
    %multiple_of3A_1305 = tpu.assume_multiple %add3A_1304, 8 : i32
    %dma_start3A_1306 = arith.constant 0 : i32
    %dma_start3A_1307 = arith.constant 0 : i32
    %dma_start3A_1308 = arith.constant 0 : i32
    %dma_start3A_1309 = tpu.memref_slice %arg6[%dma_start3A_1307, %dma_start3A_1308] : memref<24x4096xf32, #tpu.memory_space<vmem>> -> memref<8x4096xf32, #tpu.memory_space<vmem>>
    %dma_start3A_1310 = arith.constant 0 : i32
    %dma_start3A_1311 = tpu.memref_slice %arg2[%multiple_of3A_1305, %dma_start3A_1310] : memref<8192x4096xf32, #tpu.memory_space<hbm>> -> memref<8x4096xf32, #tpu.memory_space<hbm>>
    %dma_start3A_1312 = tpu.memref_slice %arg8[%dma_start3A_1306] : memref<3x!tpu.dma_semaphore, #tpu.memory_space<semaphore_mem>> -> memref<1x!tpu.dma_semaphore, #tpu.memory_space<semaphore_mem>>
    %dma_start3A_1313 = tpu.memref_squeeze %dma_start3A_1312 : memref<1x!tpu.dma_semaphore, #tpu.memory_space<semaphore_mem>> -> memref<!tpu.dma_semaphore, #tpu.memory_space<semaphore_mem>>
    %dma_start3A_1314 = arith.constant 0 : i32
    %dma_start3A_1315 = arith.constant 0 : i32
    %dma_start3A_1316 = tpu.memref_slice %arg6[%dma_start3A_1314, %dma_start3A_1315] : memref<24x4096xf32, #tpu.memory_space<vmem>> -> memref<8x4096xf32, #tpu.memory_space<vmem>>
    %dma_start3A_1317 = arith.constant 0 : i32
    %dma_start3A_1318 = tpu.memref_slice %arg2[%multiple_of3A_1305, %dma_start3A_1317] : memref<8192x4096xf32, #tpu.memory_space<hbm>> -> memref<8x4096xf32, #tpu.memory_space<hbm>>
    tpu.enqueue_dma source(%dma_start3A_1318 : memref<8x4096xf32, #tpu.memory_space<hbm>>) target(%dma_start3A_1316 : memref<8x4096xf32, #tpu.memory_space<vmem>>) target_semaphore(%dma_start3A_1313 : memref<!tpu.dma_semaphore, #tpu.memory_space<semaphore_mem>>)
    %dma_wait3A_1319 = arith.constant 2 : i32
    %dma_wait3A_1320 = arith.constant 16 : i32
    %dma_wait3A_1321 = arith.constant 0 : i32
    %dma_wait3A_1322 = tpu.memref_slice %arg6[%dma_wait3A_1320, %dma_wait3A_1321] : memref<24x4096xf32, #tpu.memory_space<vmem>> -> memref<8x4096xf32, #tpu.memory_space<vmem>>
    %dma_wait3A_1323 = arith.constant 0 : i32
    %dma_wait3A_1324 = arith.constant 0 : i32
    %dma_wait3A_1325 = tpu.memref_slice %arg2[%dma_wait3A_1323, %dma_wait3A_1324] : memref<8192x4096xf32, #tpu.memory_space<hbm>> -> memref<8x4096xf32, #tpu.memory_space<hbm>>
    %dma_wait3A_1326 = tpu.memref_slice %arg8[%dma_wait3A_1319] : memref<3x!tpu.dma_semaphore, #tpu.memory_space<semaphore_mem>> -> memref<1x!tpu.dma_semaphore, #tpu.memory_space<semaphore_mem>>
    %dma_wait3A_1327 = tpu.memref_squeeze %dma_wait3A_1326 : memref<1x!tpu.dma_semaphore, #tpu.memory_space<semaphore_mem>> -> memref<!tpu.dma_semaphore, #tpu.memory_space<semaphore_mem>>
    %dma_wait3A_1328 = arith.constant 16 : i32
    %dma_wait3A_1329 = arith.constant 0 : i32
    %dma_wait3A_1330 = tpu.memref_slice %arg6[%dma_wait3A_1328, %dma_wait3A_1329] : memref<24x4096xf32, #tpu.memory_space<vmem>> -> memref<8x4096xf32, #tpu.memory_space<vmem>>
    %dma_wait3A_1331 = arith.constant 0 : i32
    %dma_wait3A_1332 = arith.constant 0 : i32
    %dma_wait3A_1333 = tpu.memref_slice %arg2[%dma_wait3A_1331, %dma_wait3A_1332] : memref<8192x4096xf32, #tpu.memory_space<hbm>> -> memref<8x4096xf32, #tpu.memory_space<hbm>>
    tpu.wait_dma2 semaphore(%dma_wait3A_1327 : memref<!tpu.dma_semaphore, #tpu.memory_space<semaphore_mem>>) src(%dma_wait3A_1333 : memref<8x4096xf32, #tpu.memory_space<hbm>>) dst(%dma_wait3A_1330 : memref<8x4096xf32, #tpu.memory_space<vmem>>)
    %add3A_1334 = arith.constant 184 : i32
    %add3A_1335 = arith.addi %mul3A_32, %add3A_1334 : i32
    %lt3A_1336 = arith.cmpi slt, %add3A_1335, %squeeze3A : i32
    %convert_element_type3A_1337 = arith.extui %lt3A_1336 : i1 to i32
    %cond3A_1338 = arith.constant 0 : i32
    %cond3A_1339 = arith.cmpi ne, %convert_element_type3A_1337, %cond3A_1338 : i32
    scf.if %cond3A_1339 {
      %add3A_1822 = arith.addi %mul3A_37, %add3A_1335 : i32
      %multiple_of3A_1823 = tpu.assume_multiple %add3A_1822, 8 : i32
      %dma_start3A_1824 = arith.constant 2 : i32
      %dma_start3A_1825 = arith.constant 16 : i32
      %dma_start3A_1826 = arith.constant 0 : i32
      %dma_start3A_1827 = tpu.memref_slice %arg6[%dma_start3A_1825, %dma_start3A_1826] : memref<24x4096xf32, #tpu.memory_space<vmem>> -> memref<8x4096xf32, #tpu.memory_space<vmem>>
      %dma_start3A_1828 = arith.constant 0 : i32
      %dma_start3A_1829 = tpu.memref_slice %arg5[%multiple_of3A_1823, %dma_start3A_1828] : memref<8256x4096xf32, #tpu.memory_space<hbm>> -> memref<8x4096xf32, #tpu.memory_space<hbm>>
      %dma_start3A_1830 = tpu.memref_slice %arg9[%dma_start3A_1824] : memref<3x!tpu.dma_semaphore, #tpu.memory_space<semaphore_mem>> -> memref<1x!tpu.dma_semaphore, #tpu.memory_space<semaphore_mem>>
      %dma_start3A_1831 = tpu.memref_squeeze %dma_start3A_1830 : memref<1x!tpu.dma_semaphore, #tpu.memory_space<semaphore_mem>> -> memref<!tpu.dma_semaphore, #tpu.memory_space<semaphore_mem>>
      %dma_start3A_1832 = arith.constant 0 : i32
      %dma_start3A_1833 = tpu.memref_slice %arg5[%multiple_of3A_1823, %dma_start3A_1832] : memref<8256x4096xf32, #tpu.memory_space<hbm>> -> memref<8x4096xf32, #tpu.memory_space<hbm>>
      %dma_start3A_1834 = arith.constant 16 : i32
      %dma_start3A_1835 = arith.constant 0 : i32
      %dma_start3A_1836 = tpu.memref_slice %arg6[%dma_start3A_1834, %dma_start3A_1835] : memref<24x4096xf32, #tpu.memory_space<vmem>> -> memref<8x4096xf32, #tpu.memory_space<vmem>>
      tpu.enqueue_dma source(%dma_start3A_1836 : memref<8x4096xf32, #tpu.memory_space<vmem>>) target(%dma_start3A_1833 : memref<8x4096xf32, #tpu.memory_space<hbm>>) target_semaphore(%dma_start3A_1831 : memref<!tpu.dma_semaphore, #tpu.memory_space<semaphore_mem>>)
    } else {
    }
    %add3A_1340 = arith.constant 8 : i32
    %add3A_1341 = arith.addi %add3A_1335, %add3A_1340 : i32
    %gt3A_1342 = arith.cmpi sgt, %add3A_1341, %squeeze3A : i32
    %convert_element_type3A_1343 = arith.extui %gt3A_1342 : i1 to i32
    %cond3A_1344 = arith.constant 0 : i32
    %cond3A_1345 = arith.cmpi ne, %convert_element_type3A_1343, %cond3A_1344 : i32
    scf.if %cond3A_1345 {
      %add3A_1822 = arith.addi %mul3A_37, %add3A_1335 : i32
      %add3A_1823 = arith.constant 16 : i32
      %add3A_1824 = arith.addi %add3A_1822, %add3A_1823 : i32
      %multiple_of3A_1825 = tpu.assume_multiple %add3A_1824, 8 : i32
      %dma_start3A_1826 = arith.constant 2 : i32
      %dma_start3A_1827 = arith.constant 16 : i32
      %dma_start3A_1828 = arith.constant 0 : i32
      %dma_start3A_1829 = tpu.memref_slice %arg6[%dma_start3A_1827, %dma_start3A_1828] : memref<24x4096xf32, #tpu.memory_space<vmem>> -> memref<8x4096xf32, #tpu.memory_space<vmem>>
      %dma_start3A_1830 = arith.constant 0 : i32
      %dma_start3A_1831 = tpu.memref_slice %arg5[%multiple_of3A_1825, %dma_start3A_1830] : memref<8256x4096xf32, #tpu.memory_space<hbm>> -> memref<8x4096xf32, #tpu.memory_space<hbm>>
      %dma_start3A_1832 = tpu.memref_slice %arg9[%dma_start3A_1826] : memref<3x!tpu.dma_semaphore, #tpu.memory_space<semaphore_mem>> -> memref<1x!tpu.dma_semaphore, #tpu.memory_space<semaphore_mem>>
      %dma_start3A_1833 = tpu.memref_squeeze %dma_start3A_1832 : memref<1x!tpu.dma_semaphore, #tpu.memory_space<semaphore_mem>> -> memref<!tpu.dma_semaphore, #tpu.memory_space<semaphore_mem>>
      %dma_start3A_1834 = arith.constant 0 : i32
      %dma_start3A_1835 = tpu.memref_slice %arg5[%multiple_of3A_1825, %dma_start3A_1834] : memref<8256x4096xf32, #tpu.memory_space<hbm>> -> memref<8x4096xf32, #tpu.memory_space<hbm>>
      %dma_start3A_1836 = arith.constant 16 : i32
      %dma_start3A_1837 = arith.constant 0 : i32
      %dma_start3A_1838 = tpu.memref_slice %arg6[%dma_start3A_1836, %dma_start3A_1837] : memref<24x4096xf32, #tpu.memory_space<vmem>> -> memref<8x4096xf32, #tpu.memory_space<vmem>>
      tpu.enqueue_dma source(%dma_start3A_1838 : memref<8x4096xf32, #tpu.memory_space<vmem>>) target(%dma_start3A_1835 : memref<8x4096xf32, #tpu.memory_space<hbm>>) target_semaphore(%dma_start3A_1833 : memref<!tpu.dma_semaphore, #tpu.memory_space<semaphore_mem>>)
    } else {
    }
    %add3A_1346 = arith.constant 176 : i32
    %add3A_1347 = arith.addi %mul3A_32, %add3A_1346 : i32
    %lt3A_1348 = arith.cmpi slt, %add3A_1347, %squeeze3A : i32
    %convert_element_type3A_1349 = arith.extui %lt3A_1348 : i1 to i32
    %cond3A_1350 = arith.constant 0 : i32
    %cond3A_1351 = arith.cmpi ne, %convert_element_type3A_1349, %cond3A_1350 : i32
    scf.if %cond3A_1351 {
      %add3A_1822 = arith.addi %mul3A_37, %add3A_1347 : i32
      %multiple_of3A_1823 = tpu.assume_multiple %add3A_1822, 8 : i32
      %dma_wait3A_1824 = arith.constant 1 : i32
      %dma_wait3A_1825 = arith.constant 8 : i32
      %dma_wait3A_1826 = arith.constant 0 : i32
      %dma_wait3A_1827 = tpu.memref_slice %arg6[%dma_wait3A_1825, %dma_wait3A_1826] : memref<24x4096xf32, #tpu.memory_space<vmem>> -> memref<8x4096xf32, #tpu.memory_space<vmem>>
      %dma_wait3A_1828 = arith.constant 0 : i32
      %dma_wait3A_1829 = tpu.memref_slice %arg5[%multiple_of3A_1823, %dma_wait3A_1828] : memref<8256x4096xf32, #tpu.memory_space<hbm>> -> memref<8x4096xf32, #tpu.memory_space<hbm>>
      %dma_wait3A_1830 = tpu.memref_slice %arg9[%dma_wait3A_1824] : memref<3x!tpu.dma_semaphore, #tpu.memory_space<semaphore_mem>> -> memref<1x!tpu.dma_semaphore, #tpu.memory_space<semaphore_mem>>
      %dma_wait3A_1831 = tpu.memref_squeeze %dma_wait3A_1830 : memref<1x!tpu.dma_semaphore, #tpu.memory_space<semaphore_mem>> -> memref<!tpu.dma_semaphore, #tpu.memory_space<semaphore_mem>>
      %dma_wait3A_1832 = arith.constant 0 : i32
      %dma_wait3A_1833 = tpu.memref_slice %arg5[%multiple_of3A_1823, %dma_wait3A_1832] : memref<8256x4096xf32, #tpu.memory_space<hbm>> -> memref<8x4096xf32, #tpu.memory_space<hbm>>
      %dma_wait3A_1834 = arith.constant 8 : i32
      %dma_wait3A_1835 = arith.constant 0 : i32
      %dma_wait3A_1836 = tpu.memref_slice %arg6[%dma_wait3A_1834, %dma_wait3A_1835] : memref<24x4096xf32, #tpu.memory_space<vmem>> -> memref<8x4096xf32, #tpu.memory_space<vmem>>
      tpu.wait_dma2 semaphore(%dma_wait3A_1831 : memref<!tpu.dma_semaphore, #tpu.memory_space<semaphore_mem>>) src(%dma_wait3A_1836 : memref<8x4096xf32, #tpu.memory_space<vmem>>) dst(%dma_wait3A_1833 : memref<8x4096xf32, #tpu.memory_space<hbm>>)
    } else {
    }
    %add3A_1352 = arith.constant 8 : i32
    %add3A_1353 = arith.addi %add3A_1347, %add3A_1352 : i32
    %gt3A_1354 = arith.cmpi sgt, %add3A_1353, %squeeze3A : i32
    %convert_element_type3A_1355 = arith.extui %gt3A_1354 : i1 to i32
    %cond3A_1356 = arith.constant 0 : i32
    %cond3A_1357 = arith.cmpi ne, %convert_element_type3A_1355, %cond3A_1356 : i32
    scf.if %cond3A_1357 {
      %add3A_1822 = arith.addi %mul3A_37, %add3A_1347 : i32
      %add3A_1823 = arith.constant 16 : i32
      %add3A_1824 = arith.addi %add3A_1822, %add3A_1823 : i32
      %multiple_of3A_1825 = tpu.assume_multiple %add3A_1824, 8 : i32
      %dma_wait3A_1826 = arith.constant 1 : i32
      %dma_wait3A_1827 = arith.constant 8 : i32
      %dma_wait3A_1828 = arith.constant 0 : i32
      %dma_wait3A_1829 = tpu.memref_slice %arg6[%dma_wait3A_1827, %dma_wait3A_1828] : memref<24x4096xf32, #tpu.memory_space<vmem>> -> memref<8x4096xf32, #tpu.memory_space<vmem>>
      %dma_wait3A_1830 = arith.constant 0 : i32
      %dma_wait3A_1831 = tpu.memref_slice %arg5[%multiple_of3A_1825, %dma_wait3A_1830] : memref<8256x4096xf32, #tpu.memory_space<hbm>> -> memref<8x4096xf32, #tpu.memory_space<hbm>>
      %dma_wait3A_1832 = tpu.memref_slice %arg9[%dma_wait3A_1826] : memref<3x!tpu.dma_semaphore, #tpu.memory_space<semaphore_mem>> -> memref<1x!tpu.dma_semaphore, #tpu.memory_space<semaphore_mem>>
      %dma_wait3A_1833 = tpu.memref_squeeze %dma_wait3A_1832 : memref<1x!tpu.dma_semaphore, #tpu.memory_space<semaphore_mem>> -> memref<!tpu.dma_semaphore, #tpu.memory_space<semaphore_mem>>
      %dma_wait3A_1834 = arith.constant 0 : i32
      %dma_wait3A_1835 = tpu.memref_slice %arg5[%multiple_of3A_1825, %dma_wait3A_1834] : memref<8256x4096xf32, #tpu.memory_space<hbm>> -> memref<8x4096xf32, #tpu.memory_space<hbm>>
      %dma_wait3A_1836 = arith.constant 8 : i32
      %dma_wait3A_1837 = arith.constant 0 : i32
      %dma_wait3A_1838 = tpu.memref_slice %arg6[%dma_wait3A_1836, %dma_wait3A_1837] : memref<24x4096xf32, #tpu.memory_space<vmem>> -> memref<8x4096xf32, #tpu.memory_space<vmem>>
      tpu.wait_dma2 semaphore(%dma_wait3A_1833 : memref<!tpu.dma_semaphore, #tpu.memory_space<semaphore_mem>>) src(%dma_wait3A_1838 : memref<8x4096xf32, #tpu.memory_space<vmem>>) dst(%dma_wait3A_1835 : memref<8x4096xf32, #tpu.memory_space<hbm>>)
    } else {
    }
    %add3A_1358 = arith.constant 200 : i32
    %add3A_1359 = arith.addi %add3A_35, %add3A_1358 : i32
    %multiple_of3A_1360 = tpu.assume_multiple %add3A_1359, 8 : i32
    %dma_start3A_1361 = arith.constant 1 : i32
    %dma_start3A_1362 = arith.constant 8 : i32
    %dma_start3A_1363 = arith.constant 0 : i32
    %dma_start3A_1364 = tpu.memref_slice %arg6[%dma_start3A_1362, %dma_start3A_1363] : memref<24x4096xf32, #tpu.memory_space<vmem>> -> memref<8x4096xf32, #tpu.memory_space<vmem>>
    %dma_start3A_1365 = arith.constant 0 : i32
    %dma_start3A_1366 = tpu.memref_slice %arg2[%multiple_of3A_1360, %dma_start3A_1365] : memref<8192x4096xf32, #tpu.memory_space<hbm>> -> memref<8x4096xf32, #tpu.memory_space<hbm>>
    %dma_start3A_1367 = tpu.memref_slice %arg8[%dma_start3A_1361] : memref<3x!tpu.dma_semaphore, #tpu.memory_space<semaphore_mem>> -> memref<1x!tpu.dma_semaphore, #tpu.memory_space<semaphore_mem>>
    %dma_start3A_1368 = tpu.memref_squeeze %dma_start3A_1367 : memref<1x!tpu.dma_semaphore, #tpu.memory_space<semaphore_mem>> -> memref<!tpu.dma_semaphore, #tpu.memory_space<semaphore_mem>>
    %dma_start3A_1369 = arith.constant 8 : i32
    %dma_start3A_1370 = arith.constant 0 : i32
    %dma_start3A_1371 = tpu.memref_slice %arg6[%dma_start3A_1369, %dma_start3A_1370] : memref<24x4096xf32, #tpu.memory_space<vmem>> -> memref<8x4096xf32, #tpu.memory_space<vmem>>
    %dma_start3A_1372 = arith.constant 0 : i32
    %dma_start3A_1373 = tpu.memref_slice %arg2[%multiple_of3A_1360, %dma_start3A_1372] : memref<8192x4096xf32, #tpu.memory_space<hbm>> -> memref<8x4096xf32, #tpu.memory_space<hbm>>
    tpu.enqueue_dma source(%dma_start3A_1373 : memref<8x4096xf32, #tpu.memory_space<hbm>>) target(%dma_start3A_1371 : memref<8x4096xf32, #tpu.memory_space<vmem>>) target_semaphore(%dma_start3A_1368 : memref<!tpu.dma_semaphore, #tpu.memory_space<semaphore_mem>>)
    %dma_wait3A_1374 = arith.constant 0 : i32
    %dma_wait3A_1375 = arith.constant 0 : i32
    %dma_wait3A_1376 = arith.constant 0 : i32
    %dma_wait3A_1377 = tpu.memref_slice %arg6[%dma_wait3A_1375, %dma_wait3A_1376] : memref<24x4096xf32, #tpu.memory_space<vmem>> -> memref<8x4096xf32, #tpu.memory_space<vmem>>
    %dma_wait3A_1378 = arith.constant 0 : i32
    %dma_wait3A_1379 = arith.constant 0 : i32
    %dma_wait3A_1380 = tpu.memref_slice %arg2[%dma_wait3A_1378, %dma_wait3A_1379] : memref<8192x4096xf32, #tpu.memory_space<hbm>> -> memref<8x4096xf32, #tpu.memory_space<hbm>>
    %dma_wait3A_1381 = tpu.memref_slice %arg8[%dma_wait3A_1374] : memref<3x!tpu.dma_semaphore, #tpu.memory_space<semaphore_mem>> -> memref<1x!tpu.dma_semaphore, #tpu.memory_space<semaphore_mem>>
    %dma_wait3A_1382 = tpu.memref_squeeze %dma_wait3A_1381 : memref<1x!tpu.dma_semaphore, #tpu.memory_space<semaphore_mem>> -> memref<!tpu.dma_semaphore, #tpu.memory_space<semaphore_mem>>
    %dma_wait3A_1383 = arith.constant 0 : i32
    %dma_wait3A_1384 = arith.constant 0 : i32
    %dma_wait3A_1385 = tpu.memref_slice %arg6[%dma_wait3A_1383, %dma_wait3A_1384] : memref<24x4096xf32, #tpu.memory_space<vmem>> -> memref<8x4096xf32, #tpu.memory_space<vmem>>
    %dma_wait3A_1386 = arith.constant 0 : i32
    %dma_wait3A_1387 = arith.constant 0 : i32
    %dma_wait3A_1388 = tpu.memref_slice %arg2[%dma_wait3A_1386, %dma_wait3A_1387] : memref<8192x4096xf32, #tpu.memory_space<hbm>> -> memref<8x4096xf32, #tpu.memory_space<hbm>>
    tpu.wait_dma2 semaphore(%dma_wait3A_1382 : memref<!tpu.dma_semaphore, #tpu.memory_space<semaphore_mem>>) src(%dma_wait3A_1388 : memref<8x4096xf32, #tpu.memory_space<hbm>>) dst(%dma_wait3A_1385 : memref<8x4096xf32, #tpu.memory_space<vmem>>)
    %add3A_1389 = arith.constant 192 : i32
    %add3A_1390 = arith.addi %mul3A_32, %add3A_1389 : i32
    %lt3A_1391 = arith.cmpi slt, %add3A_1390, %squeeze3A : i32
    %convert_element_type3A_1392 = arith.extui %lt3A_1391 : i1 to i32
    %cond3A_1393 = arith.constant 0 : i32
    %cond3A_1394 = arith.cmpi ne, %convert_element_type3A_1392, %cond3A_1393 : i32
    scf.if %cond3A_1394 {
      %add3A_1822 = arith.addi %mul3A_37, %add3A_1390 : i32
      %multiple_of3A_1823 = tpu.assume_multiple %add3A_1822, 8 : i32
      %dma_start3A_1824 = arith.constant 0 : i32
      %dma_start3A_1825 = arith.constant 0 : i32
      %dma_start3A_1826 = arith.constant 0 : i32
      %dma_start3A_1827 = tpu.memref_slice %arg6[%dma_start3A_1825, %dma_start3A_1826] : memref<24x4096xf32, #tpu.memory_space<vmem>> -> memref<8x4096xf32, #tpu.memory_space<vmem>>
      %dma_start3A_1828 = arith.constant 0 : i32
      %dma_start3A_1829 = tpu.memref_slice %arg5[%multiple_of3A_1823, %dma_start3A_1828] : memref<8256x4096xf32, #tpu.memory_space<hbm>> -> memref<8x4096xf32, #tpu.memory_space<hbm>>
      %dma_start3A_1830 = tpu.memref_slice %arg9[%dma_start3A_1824] : memref<3x!tpu.dma_semaphore, #tpu.memory_space<semaphore_mem>> -> memref<1x!tpu.dma_semaphore, #tpu.memory_space<semaphore_mem>>
      %dma_start3A_1831 = tpu.memref_squeeze %dma_start3A_1830 : memref<1x!tpu.dma_semaphore, #tpu.memory_space<semaphore_mem>> -> memref<!tpu.dma_semaphore, #tpu.memory_space<semaphore_mem>>
      %dma_start3A_1832 = arith.constant 0 : i32
      %dma_start3A_1833 = tpu.memref_slice %arg5[%multiple_of3A_1823, %dma_start3A_1832] : memref<8256x4096xf32, #tpu.memory_space<hbm>> -> memref<8x4096xf32, #tpu.memory_space<hbm>>
      %dma_start3A_1834 = arith.constant 0 : i32
      %dma_start3A_1835 = arith.constant 0 : i32
      %dma_start3A_1836 = tpu.memref_slice %arg6[%dma_start3A_1834, %dma_start3A_1835] : memref<24x4096xf32, #tpu.memory_space<vmem>> -> memref<8x4096xf32, #tpu.memory_space<vmem>>
      tpu.enqueue_dma source(%dma_start3A_1836 : memref<8x4096xf32, #tpu.memory_space<vmem>>) target(%dma_start3A_1833 : memref<8x4096xf32, #tpu.memory_space<hbm>>) target_semaphore(%dma_start3A_1831 : memref<!tpu.dma_semaphore, #tpu.memory_space<semaphore_mem>>)
    } else {
    }
    %add3A_1395 = arith.constant 8 : i32
    %add3A_1396 = arith.addi %add3A_1390, %add3A_1395 : i32
    %gt3A_1397 = arith.cmpi sgt, %add3A_1396, %squeeze3A : i32
    %convert_element_type3A_1398 = arith.extui %gt3A_1397 : i1 to i32
    %cond3A_1399 = arith.constant 0 : i32
    %cond3A_1400 = arith.cmpi ne, %convert_element_type3A_1398, %cond3A_1399 : i32
    scf.if %cond3A_1400 {
      %add3A_1822 = arith.addi %mul3A_37, %add3A_1390 : i32
      %add3A_1823 = arith.constant 16 : i32
      %add3A_1824 = arith.addi %add3A_1822, %add3A_1823 : i32
      %multiple_of3A_1825 = tpu.assume_multiple %add3A_1824, 8 : i32
      %dma_start3A_1826 = arith.constant 0 : i32
      %dma_start3A_1827 = arith.constant 0 : i32
      %dma_start3A_1828 = arith.constant 0 : i32
      %dma_start3A_1829 = tpu.memref_slice %arg6[%dma_start3A_1827, %dma_start3A_1828] : memref<24x4096xf32, #tpu.memory_space<vmem>> -> memref<8x4096xf32, #tpu.memory_space<vmem>>
      %dma_start3A_1830 = arith.constant 0 : i32
      %dma_start3A_1831 = tpu.memref_slice %arg5[%multiple_of3A_1825, %dma_start3A_1830] : memref<8256x4096xf32, #tpu.memory_space<hbm>> -> memref<8x4096xf32, #tpu.memory_space<hbm>>
      %dma_start3A_1832 = tpu.memref_slice %arg9[%dma_start3A_1826] : memref<3x!tpu.dma_semaphore, #tpu.memory_space<semaphore_mem>> -> memref<1x!tpu.dma_semaphore, #tpu.memory_space<semaphore_mem>>
      %dma_start3A_1833 = tpu.memref_squeeze %dma_start3A_1832 : memref<1x!tpu.dma_semaphore, #tpu.memory_space<semaphore_mem>> -> memref<!tpu.dma_semaphore, #tpu.memory_space<semaphore_mem>>
      %dma_start3A_1834 = arith.constant 0 : i32
      %dma_start3A_1835 = tpu.memref_slice %arg5[%multiple_of3A_1825, %dma_start3A_1834] : memref<8256x4096xf32, #tpu.memory_space<hbm>> -> memref<8x4096xf32, #tpu.memory_space<hbm>>
      %dma_start3A_1836 = arith.constant 0 : i32
      %dma_start3A_1837 = arith.constant 0 : i32
      %dma_start3A_1838 = tpu.memref_slice %arg6[%dma_start3A_1836, %dma_start3A_1837] : memref<24x4096xf32, #tpu.memory_space<vmem>> -> memref<8x4096xf32, #tpu.memory_space<vmem>>
      tpu.enqueue_dma source(%dma_start3A_1838 : memref<8x4096xf32, #tpu.memory_space<vmem>>) target(%dma_start3A_1835 : memref<8x4096xf32, #tpu.memory_space<hbm>>) target_semaphore(%dma_start3A_1833 : memref<!tpu.dma_semaphore, #tpu.memory_space<semaphore_mem>>)
    } else {
    }
    %add3A_1401 = arith.constant 184 : i32
    %add3A_1402 = arith.addi %mul3A_32, %add3A_1401 : i32
    %lt3A_1403 = arith.cmpi slt, %add3A_1402, %squeeze3A : i32
    %convert_element_type3A_1404 = arith.extui %lt3A_1403 : i1 to i32
    %cond3A_1405 = arith.constant 0 : i32
    %cond3A_1406 = arith.cmpi ne, %convert_element_type3A_1404, %cond3A_1405 : i32
    scf.if %cond3A_1406 {
      %add3A_1822 = arith.addi %mul3A_37, %add3A_1402 : i32
      %multiple_of3A_1823 = tpu.assume_multiple %add3A_1822, 8 : i32
      %dma_wait3A_1824 = arith.constant 2 : i32
      %dma_wait3A_1825 = arith.constant 16 : i32
      %dma_wait3A_1826 = arith.constant 0 : i32
      %dma_wait3A_1827 = tpu.memref_slice %arg6[%dma_wait3A_1825, %dma_wait3A_1826] : memref<24x4096xf32, #tpu.memory_space<vmem>> -> memref<8x4096xf32, #tpu.memory_space<vmem>>
      %dma_wait3A_1828 = arith.constant 0 : i32
      %dma_wait3A_1829 = tpu.memref_slice %arg5[%multiple_of3A_1823, %dma_wait3A_1828] : memref<8256x4096xf32, #tpu.memory_space<hbm>> -> memref<8x4096xf32, #tpu.memory_space<hbm>>
      %dma_wait3A_1830 = tpu.memref_slice %arg9[%dma_wait3A_1824] : memref<3x!tpu.dma_semaphore, #tpu.memory_space<semaphore_mem>> -> memref<1x!tpu.dma_semaphore, #tpu.memory_space<semaphore_mem>>
      %dma_wait3A_1831 = tpu.memref_squeeze %dma_wait3A_1830 : memref<1x!tpu.dma_semaphore, #tpu.memory_space<semaphore_mem>> -> memref<!tpu.dma_semaphore, #tpu.memory_space<semaphore_mem>>
      %dma_wait3A_1832 = arith.constant 0 : i32
      %dma_wait3A_1833 = tpu.memref_slice %arg5[%multiple_of3A_1823, %dma_wait3A_1832] : memref<8256x4096xf32, #tpu.memory_space<hbm>> -> memref<8x4096xf32, #tpu.memory_space<hbm>>
      %dma_wait3A_1834 = arith.constant 16 : i32
      %dma_wait3A_1835 = arith.constant 0 : i32
      %dma_wait3A_1836 = tpu.memref_slice %arg6[%dma_wait3A_1834, %dma_wait3A_1835] : memref<24x4096xf32, #tpu.memory_space<vmem>> -> memref<8x4096xf32, #tpu.memory_space<vmem>>
      tpu.wait_dma2 semaphore(%dma_wait3A_1831 : memref<!tpu.dma_semaphore, #tpu.memory_space<semaphore_mem>>) src(%dma_wait3A_1836 : memref<8x4096xf32, #tpu.memory_space<vmem>>) dst(%dma_wait3A_1833 : memref<8x4096xf32, #tpu.memory_space<hbm>>)
    } else {
    }
    %add3A_1407 = arith.constant 8 : i32
    %add3A_1408 = arith.addi %add3A_1402, %add3A_1407 : i32
    %gt3A_1409 = arith.cmpi sgt, %add3A_1408, %squeeze3A : i32
    %convert_element_type3A_1410 = arith.extui %gt3A_1409 : i1 to i32
    %cond3A_1411 = arith.constant 0 : i32
    %cond3A_1412 = arith.cmpi ne, %convert_element_type3A_1410, %cond3A_1411 : i32
    scf.if %cond3A_1412 {
      %add3A_1822 = arith.addi %mul3A_37, %add3A_1402 : i32
      %add3A_1823 = arith.constant 16 : i32
      %add3A_1824 = arith.addi %add3A_1822, %add3A_1823 : i32
      %multiple_of3A_1825 = tpu.assume_multiple %add3A_1824, 8 : i32
      %dma_wait3A_1826 = arith.constant 2 : i32
      %dma_wait3A_1827 = arith.constant 16 : i32
      %dma_wait3A_1828 = arith.constant 0 : i32
      %dma_wait3A_1829 = tpu.memref_slice %arg6[%dma_wait3A_1827, %dma_wait3A_1828] : memref<24x4096xf32, #tpu.memory_space<vmem>> -> memref<8x4096xf32, #tpu.memory_space<vmem>>
      %dma_wait3A_1830 = arith.constant 0 : i32
      %dma_wait3A_1831 = tpu.memref_slice %arg5[%multiple_of3A_1825, %dma_wait3A_1830] : memref<8256x4096xf32, #tpu.memory_space<hbm>> -> memref<8x4096xf32, #tpu.memory_space<hbm>>
      %dma_wait3A_1832 = tpu.memref_slice %arg9[%dma_wait3A_1826] : memref<3x!tpu.dma_semaphore, #tpu.memory_space<semaphore_mem>> -> memref<1x!tpu.dma_semaphore, #tpu.memory_space<semaphore_mem>>
      %dma_wait3A_1833 = tpu.memref_squeeze %dma_wait3A_1832 : memref<1x!tpu.dma_semaphore, #tpu.memory_space<semaphore_mem>> -> memref<!tpu.dma_semaphore, #tpu.memory_space<semaphore_mem>>
      %dma_wait3A_1834 = arith.constant 0 : i32
      %dma_wait3A_1835 = tpu.memref_slice %arg5[%multiple_of3A_1825, %dma_wait3A_1834] : memref<8256x4096xf32, #tpu.memory_space<hbm>> -> memref<8x4096xf32, #tpu.memory_space<hbm>>
      %dma_wait3A_1836 = arith.constant 16 : i32
      %dma_wait3A_1837 = arith.constant 0 : i32
      %dma_wait3A_1838 = tpu.memref_slice %arg6[%dma_wait3A_1836, %dma_wait3A_1837] : memref<24x4096xf32, #tpu.memory_space<vmem>> -> memref<8x4096xf32, #tpu.memory_space<vmem>>
      tpu.wait_dma2 semaphore(%dma_wait3A_1833 : memref<!tpu.dma_semaphore, #tpu.memory_space<semaphore_mem>>) src(%dma_wait3A_1838 : memref<8x4096xf32, #tpu.memory_space<vmem>>) dst(%dma_wait3A_1835 : memref<8x4096xf32, #tpu.memory_space<hbm>>)
    } else {
    }
    %add3A_1413 = arith.constant 208 : i32
    %add3A_1414 = arith.addi %add3A_35, %add3A_1413 : i32
    %multiple_of3A_1415 = tpu.assume_multiple %add3A_1414, 8 : i32
    %dma_start3A_1416 = arith.constant 2 : i32
    %dma_start3A_1417 = arith.constant 16 : i32
    %dma_start3A_1418 = arith.constant 0 : i32
    %dma_start3A_1419 = tpu.memref_slice %arg6[%dma_start3A_1417, %dma_start3A_1418] : memref<24x4096xf32, #tpu.memory_space<vmem>> -> memref<8x4096xf32, #tpu.memory_space<vmem>>
    %dma_start3A_1420 = arith.constant 0 : i32
    %dma_start3A_1421 = tpu.memref_slice %arg2[%multiple_of3A_1415, %dma_start3A_1420] : memref<8192x4096xf32, #tpu.memory_space<hbm>> -> memref<8x4096xf32, #tpu.memory_space<hbm>>
    %dma_start3A_1422 = tpu.memref_slice %arg8[%dma_start3A_1416] : memref<3x!tpu.dma_semaphore, #tpu.memory_space<semaphore_mem>> -> memref<1x!tpu.dma_semaphore, #tpu.memory_space<semaphore_mem>>
    %dma_start3A_1423 = tpu.memref_squeeze %dma_start3A_1422 : memref<1x!tpu.dma_semaphore, #tpu.memory_space<semaphore_mem>> -> memref<!tpu.dma_semaphore, #tpu.memory_space<semaphore_mem>>
    %dma_start3A_1424 = arith.constant 16 : i32
    %dma_start3A_1425 = arith.constant 0 : i32
    %dma_start3A_1426 = tpu.memref_slice %arg6[%dma_start3A_1424, %dma_start3A_1425] : memref<24x4096xf32, #tpu.memory_space<vmem>> -> memref<8x4096xf32, #tpu.memory_space<vmem>>
    %dma_start3A_1427 = arith.constant 0 : i32
    %dma_start3A_1428 = tpu.memref_slice %arg2[%multiple_of3A_1415, %dma_start3A_1427] : memref<8192x4096xf32, #tpu.memory_space<hbm>> -> memref<8x4096xf32, #tpu.memory_space<hbm>>
    tpu.enqueue_dma source(%dma_start3A_1428 : memref<8x4096xf32, #tpu.memory_space<hbm>>) target(%dma_start3A_1426 : memref<8x4096xf32, #tpu.memory_space<vmem>>) target_semaphore(%dma_start3A_1423 : memref<!tpu.dma_semaphore, #tpu.memory_space<semaphore_mem>>)
    %dma_wait3A_1429 = arith.constant 1 : i32
    %dma_wait3A_1430 = arith.constant 8 : i32
    %dma_wait3A_1431 = arith.constant 0 : i32
    %dma_wait3A_1432 = tpu.memref_slice %arg6[%dma_wait3A_1430, %dma_wait3A_1431] : memref<24x4096xf32, #tpu.memory_space<vmem>> -> memref<8x4096xf32, #tpu.memory_space<vmem>>
    %dma_wait3A_1433 = arith.constant 0 : i32
    %dma_wait3A_1434 = arith.constant 0 : i32
    %dma_wait3A_1435 = tpu.memref_slice %arg2[%dma_wait3A_1433, %dma_wait3A_1434] : memref<8192x4096xf32, #tpu.memory_space<hbm>> -> memref<8x4096xf32, #tpu.memory_space<hbm>>
    %dma_wait3A_1436 = tpu.memref_slice %arg8[%dma_wait3A_1429] : memref<3x!tpu.dma_semaphore, #tpu.memory_space<semaphore_mem>> -> memref<1x!tpu.dma_semaphore, #tpu.memory_space<semaphore_mem>>
    %dma_wait3A_1437 = tpu.memref_squeeze %dma_wait3A_1436 : memref<1x!tpu.dma_semaphore, #tpu.memory_space<semaphore_mem>> -> memref<!tpu.dma_semaphore, #tpu.memory_space<semaphore_mem>>
    %dma_wait3A_1438 = arith.constant 8 : i32
    %dma_wait3A_1439 = arith.constant 0 : i32
    %dma_wait3A_1440 = tpu.memref_slice %arg6[%dma_wait3A_1438, %dma_wait3A_1439] : memref<24x4096xf32, #tpu.memory_space<vmem>> -> memref<8x4096xf32, #tpu.memory_space<vmem>>
    %dma_wait3A_1441 = arith.constant 0 : i32
    %dma_wait3A_1442 = arith.constant 0 : i32
    %dma_wait3A_1443 = tpu.memref_slice %arg2[%dma_wait3A_1441, %dma_wait3A_1442] : memref<8192x4096xf32, #tpu.memory_space<hbm>> -> memref<8x4096xf32, #tpu.memory_space<hbm>>
    tpu.wait_dma2 semaphore(%dma_wait3A_1437 : memref<!tpu.dma_semaphore, #tpu.memory_space<semaphore_mem>>) src(%dma_wait3A_1443 : memref<8x4096xf32, #tpu.memory_space<hbm>>) dst(%dma_wait3A_1440 : memref<8x4096xf32, #tpu.memory_space<vmem>>)
    %add3A_1444 = arith.constant 200 : i32
    %add3A_1445 = arith.addi %mul3A_32, %add3A_1444 : i32
    %lt3A_1446 = arith.cmpi slt, %add3A_1445, %squeeze3A : i32
    %convert_element_type3A_1447 = arith.extui %lt3A_1446 : i1 to i32
    %cond3A_1448 = arith.constant 0 : i32
    %cond3A_1449 = arith.cmpi ne, %convert_element_type3A_1447, %cond3A_1448 : i32
    scf.if %cond3A_1449 {
      %add3A_1822 = arith.addi %mul3A_37, %add3A_1445 : i32
      %multiple_of3A_1823 = tpu.assume_multiple %add3A_1822, 8 : i32
      %dma_start3A_1824 = arith.constant 1 : i32
      %dma_start3A_1825 = arith.constant 8 : i32
      %dma_start3A_1826 = arith.constant 0 : i32
      %dma_start3A_1827 = tpu.memref_slice %arg6[%dma_start3A_1825, %dma_start3A_1826] : memref<24x4096xf32, #tpu.memory_space<vmem>> -> memref<8x4096xf32, #tpu.memory_space<vmem>>
      %dma_start3A_1828 = arith.constant 0 : i32
      %dma_start3A_1829 = tpu.memref_slice %arg5[%multiple_of3A_1823, %dma_start3A_1828] : memref<8256x4096xf32, #tpu.memory_space<hbm>> -> memref<8x4096xf32, #tpu.memory_space<hbm>>
      %dma_start3A_1830 = tpu.memref_slice %arg9[%dma_start3A_1824] : memref<3x!tpu.dma_semaphore, #tpu.memory_space<semaphore_mem>> -> memref<1x!tpu.dma_semaphore, #tpu.memory_space<semaphore_mem>>
      %dma_start3A_1831 = tpu.memref_squeeze %dma_start3A_1830 : memref<1x!tpu.dma_semaphore, #tpu.memory_space<semaphore_mem>> -> memref<!tpu.dma_semaphore, #tpu.memory_space<semaphore_mem>>
      %dma_start3A_1832 = arith.constant 0 : i32
      %dma_start3A_1833 = tpu.memref_slice %arg5[%multiple_of3A_1823, %dma_start3A_1832] : memref<8256x4096xf32, #tpu.memory_space<hbm>> -> memref<8x4096xf32, #tpu.memory_space<hbm>>
      %dma_start3A_1834 = arith.constant 8 : i32
      %dma_start3A_1835 = arith.constant 0 : i32
      %dma_start3A_1836 = tpu.memref_slice %arg6[%dma_start3A_1834, %dma_start3A_1835] : memref<24x4096xf32, #tpu.memory_space<vmem>> -> memref<8x4096xf32, #tpu.memory_space<vmem>>
      tpu.enqueue_dma source(%dma_start3A_1836 : memref<8x4096xf32, #tpu.memory_space<vmem>>) target(%dma_start3A_1833 : memref<8x4096xf32, #tpu.memory_space<hbm>>) target_semaphore(%dma_start3A_1831 : memref<!tpu.dma_semaphore, #tpu.memory_space<semaphore_mem>>)
    } else {
    }
    %add3A_1450 = arith.constant 8 : i32
    %add3A_1451 = arith.addi %add3A_1445, %add3A_1450 : i32
    %gt3A_1452 = arith.cmpi sgt, %add3A_1451, %squeeze3A : i32
    %convert_element_type3A_1453 = arith.extui %gt3A_1452 : i1 to i32
    %cond3A_1454 = arith.constant 0 : i32
    %cond3A_1455 = arith.cmpi ne, %convert_element_type3A_1453, %cond3A_1454 : i32
    scf.if %cond3A_1455 {
      %add3A_1822 = arith.addi %mul3A_37, %add3A_1445 : i32
      %add3A_1823 = arith.constant 16 : i32
      %add3A_1824 = arith.addi %add3A_1822, %add3A_1823 : i32
      %multiple_of3A_1825 = tpu.assume_multiple %add3A_1824, 8 : i32
      %dma_start3A_1826 = arith.constant 1 : i32
      %dma_start3A_1827 = arith.constant 8 : i32
      %dma_start3A_1828 = arith.constant 0 : i32
      %dma_start3A_1829 = tpu.memref_slice %arg6[%dma_start3A_1827, %dma_start3A_1828] : memref<24x4096xf32, #tpu.memory_space<vmem>> -> memref<8x4096xf32, #tpu.memory_space<vmem>>
      %dma_start3A_1830 = arith.constant 0 : i32
      %dma_start3A_1831 = tpu.memref_slice %arg5[%multiple_of3A_1825, %dma_start3A_1830] : memref<8256x4096xf32, #tpu.memory_space<hbm>> -> memref<8x4096xf32, #tpu.memory_space<hbm>>
      %dma_start3A_1832 = tpu.memref_slice %arg9[%dma_start3A_1826] : memref<3x!tpu.dma_semaphore, #tpu.memory_space<semaphore_mem>> -> memref<1x!tpu.dma_semaphore, #tpu.memory_space<semaphore_mem>>
      %dma_start3A_1833 = tpu.memref_squeeze %dma_start3A_1832 : memref<1x!tpu.dma_semaphore, #tpu.memory_space<semaphore_mem>> -> memref<!tpu.dma_semaphore, #tpu.memory_space<semaphore_mem>>
      %dma_start3A_1834 = arith.constant 0 : i32
      %dma_start3A_1835 = tpu.memref_slice %arg5[%multiple_of3A_1825, %dma_start3A_1834] : memref<8256x4096xf32, #tpu.memory_space<hbm>> -> memref<8x4096xf32, #tpu.memory_space<hbm>>
      %dma_start3A_1836 = arith.constant 8 : i32
      %dma_start3A_1837 = arith.constant 0 : i32
      %dma_start3A_1838 = tpu.memref_slice %arg6[%dma_start3A_1836, %dma_start3A_1837] : memref<24x4096xf32, #tpu.memory_space<vmem>> -> memref<8x4096xf32, #tpu.memory_space<vmem>>
      tpu.enqueue_dma source(%dma_start3A_1838 : memref<8x4096xf32, #tpu.memory_space<vmem>>) target(%dma_start3A_1835 : memref<8x4096xf32, #tpu.memory_space<hbm>>) target_semaphore(%dma_start3A_1833 : memref<!tpu.dma_semaphore, #tpu.memory_space<semaphore_mem>>)
    } else {
    }
    %add3A_1456 = arith.constant 192 : i32
    %add3A_1457 = arith.addi %mul3A_32, %add3A_1456 : i32
    %lt3A_1458 = arith.cmpi slt, %add3A_1457, %squeeze3A : i32
    %convert_element_type3A_1459 = arith.extui %lt3A_1458 : i1 to i32
    %cond3A_1460 = arith.constant 0 : i32
    %cond3A_1461 = arith.cmpi ne, %convert_element_type3A_1459, %cond3A_1460 : i32
    scf.if %cond3A_1461 {
      %add3A_1822 = arith.addi %mul3A_37, %add3A_1457 : i32
      %multiple_of3A_1823 = tpu.assume_multiple %add3A_1822, 8 : i32
      %dma_wait3A_1824 = arith.constant 0 : i32
      %dma_wait3A_1825 = arith.constant 0 : i32
      %dma_wait3A_1826 = arith.constant 0 : i32
      %dma_wait3A_1827 = tpu.memref_slice %arg6[%dma_wait3A_1825, %dma_wait3A_1826] : memref<24x4096xf32, #tpu.memory_space<vmem>> -> memref<8x4096xf32, #tpu.memory_space<vmem>>
      %dma_wait3A_1828 = arith.constant 0 : i32
      %dma_wait3A_1829 = tpu.memref_slice %arg5[%multiple_of3A_1823, %dma_wait3A_1828] : memref<8256x4096xf32, #tpu.memory_space<hbm>> -> memref<8x4096xf32, #tpu.memory_space<hbm>>
      %dma_wait3A_1830 = tpu.memref_slice %arg9[%dma_wait3A_1824] : memref<3x!tpu.dma_semaphore, #tpu.memory_space<semaphore_mem>> -> memref<1x!tpu.dma_semaphore, #tpu.memory_space<semaphore_mem>>
      %dma_wait3A_1831 = tpu.memref_squeeze %dma_wait3A_1830 : memref<1x!tpu.dma_semaphore, #tpu.memory_space<semaphore_mem>> -> memref<!tpu.dma_semaphore, #tpu.memory_space<semaphore_mem>>
      %dma_wait3A_1832 = arith.constant 0 : i32
      %dma_wait3A_1833 = tpu.memref_slice %arg5[%multiple_of3A_1823, %dma_wait3A_1832] : memref<8256x4096xf32, #tpu.memory_space<hbm>> -> memref<8x4096xf32, #tpu.memory_space<hbm>>
      %dma_wait3A_1834 = arith.constant 0 : i32
      %dma_wait3A_1835 = arith.constant 0 : i32
      %dma_wait3A_1836 = tpu.memref_slice %arg6[%dma_wait3A_1834, %dma_wait3A_1835] : memref<24x4096xf32, #tpu.memory_space<vmem>> -> memref<8x4096xf32, #tpu.memory_space<vmem>>
      tpu.wait_dma2 semaphore(%dma_wait3A_1831 : memref<!tpu.dma_semaphore, #tpu.memory_space<semaphore_mem>>) src(%dma_wait3A_1836 : memref<8x4096xf32, #tpu.memory_space<vmem>>) dst(%dma_wait3A_1833 : memref<8x4096xf32, #tpu.memory_space<hbm>>)
    } else {
    }
    %add3A_1462 = arith.constant 8 : i32
    %add3A_1463 = arith.addi %add3A_1457, %add3A_1462 : i32
    %gt3A_1464 = arith.cmpi sgt, %add3A_1463, %squeeze3A : i32
    %convert_element_type3A_1465 = arith.extui %gt3A_1464 : i1 to i32
    %cond3A_1466 = arith.constant 0 : i32
    %cond3A_1467 = arith.cmpi ne, %convert_element_type3A_1465, %cond3A_1466 : i32
    scf.if %cond3A_1467 {
      %add3A_1822 = arith.addi %mul3A_37, %add3A_1457 : i32
      %add3A_1823 = arith.constant 16 : i32
      %add3A_1824 = arith.addi %add3A_1822, %add3A_1823 : i32
      %multiple_of3A_1825 = tpu.assume_multiple %add3A_1824, 8 : i32
      %dma_wait3A_1826 = arith.constant 0 : i32
      %dma_wait3A_1827 = arith.constant 0 : i32
      %dma_wait3A_1828 = arith.constant 0 : i32
      %dma_wait3A_1829 = tpu.memref_slice %arg6[%dma_wait3A_1827, %dma_wait3A_1828] : memref<24x4096xf32, #tpu.memory_space<vmem>> -> memref<8x4096xf32, #tpu.memory_space<vmem>>
      %dma_wait3A_1830 = arith.constant 0 : i32
      %dma_wait3A_1831 = tpu.memref_slice %arg5[%multiple_of3A_1825, %dma_wait3A_1830] : memref<8256x4096xf32, #tpu.memory_space<hbm>> -> memref<8x4096xf32, #tpu.memory_space<hbm>>
      %dma_wait3A_1832 = tpu.memref_slice %arg9[%dma_wait3A_1826] : memref<3x!tpu.dma_semaphore, #tpu.memory_space<semaphore_mem>> -> memref<1x!tpu.dma_semaphore, #tpu.memory_space<semaphore_mem>>
      %dma_wait3A_1833 = tpu.memref_squeeze %dma_wait3A_1832 : memref<1x!tpu.dma_semaphore, #tpu.memory_space<semaphore_mem>> -> memref<!tpu.dma_semaphore, #tpu.memory_space<semaphore_mem>>
      %dma_wait3A_1834 = arith.constant 0 : i32
      %dma_wait3A_1835 = tpu.memref_slice %arg5[%multiple_of3A_1825, %dma_wait3A_1834] : memref<8256x4096xf32, #tpu.memory_space<hbm>> -> memref<8x4096xf32, #tpu.memory_space<hbm>>
      %dma_wait3A_1836 = arith.constant 0 : i32
      %dma_wait3A_1837 = arith.constant 0 : i32
      %dma_wait3A_1838 = tpu.memref_slice %arg6[%dma_wait3A_1836, %dma_wait3A_1837] : memref<24x4096xf32, #tpu.memory_space<vmem>> -> memref<8x4096xf32, #tpu.memory_space<vmem>>
      tpu.wait_dma2 semaphore(%dma_wait3A_1833 : memref<!tpu.dma_semaphore, #tpu.memory_space<semaphore_mem>>) src(%dma_wait3A_1838 : memref<8x4096xf32, #tpu.memory_space<vmem>>) dst(%dma_wait3A_1835 : memref<8x4096xf32, #tpu.memory_space<hbm>>)
    } else {
    }
    %add3A_1468 = arith.constant 216 : i32
    %add3A_1469 = arith.addi %add3A_35, %add3A_1468 : i32
    %multiple_of3A_1470 = tpu.assume_multiple %add3A_1469, 8 : i32
    %dma_start3A_1471 = arith.constant 0 : i32
    %dma_start3A_1472 = arith.constant 0 : i32
    %dma_start3A_1473 = arith.constant 0 : i32
    %dma_start3A_1474 = tpu.memref_slice %arg6[%dma_start3A_1472, %dma_start3A_1473] : memref<24x4096xf32, #tpu.memory_space<vmem>> -> memref<8x4096xf32, #tpu.memory_space<vmem>>
    %dma_start3A_1475 = arith.constant 0 : i32
    %dma_start3A_1476 = tpu.memref_slice %arg2[%multiple_of3A_1470, %dma_start3A_1475] : memref<8192x4096xf32, #tpu.memory_space<hbm>> -> memref<8x4096xf32, #tpu.memory_space<hbm>>
    %dma_start3A_1477 = tpu.memref_slice %arg8[%dma_start3A_1471] : memref<3x!tpu.dma_semaphore, #tpu.memory_space<semaphore_mem>> -> memref<1x!tpu.dma_semaphore, #tpu.memory_space<semaphore_mem>>
    %dma_start3A_1478 = tpu.memref_squeeze %dma_start3A_1477 : memref<1x!tpu.dma_semaphore, #tpu.memory_space<semaphore_mem>> -> memref<!tpu.dma_semaphore, #tpu.memory_space<semaphore_mem>>
    %dma_start3A_1479 = arith.constant 0 : i32
    %dma_start3A_1480 = arith.constant 0 : i32
    %dma_start3A_1481 = tpu.memref_slice %arg6[%dma_start3A_1479, %dma_start3A_1480] : memref<24x4096xf32, #tpu.memory_space<vmem>> -> memref<8x4096xf32, #tpu.memory_space<vmem>>
    %dma_start3A_1482 = arith.constant 0 : i32
    %dma_start3A_1483 = tpu.memref_slice %arg2[%multiple_of3A_1470, %dma_start3A_1482] : memref<8192x4096xf32, #tpu.memory_space<hbm>> -> memref<8x4096xf32, #tpu.memory_space<hbm>>
    tpu.enqueue_dma source(%dma_start3A_1483 : memref<8x4096xf32, #tpu.memory_space<hbm>>) target(%dma_start3A_1481 : memref<8x4096xf32, #tpu.memory_space<vmem>>) target_semaphore(%dma_start3A_1478 : memref<!tpu.dma_semaphore, #tpu.memory_space<semaphore_mem>>)
    %dma_wait3A_1484 = arith.constant 2 : i32
    %dma_wait3A_1485 = arith.constant 16 : i32
    %dma_wait3A_1486 = arith.constant 0 : i32
    %dma_wait3A_1487 = tpu.memref_slice %arg6[%dma_wait3A_1485, %dma_wait3A_1486] : memref<24x4096xf32, #tpu.memory_space<vmem>> -> memref<8x4096xf32, #tpu.memory_space<vmem>>
    %dma_wait3A_1488 = arith.constant 0 : i32
    %dma_wait3A_1489 = arith.constant 0 : i32
    %dma_wait3A_1490 = tpu.memref_slice %arg2[%dma_wait3A_1488, %dma_wait3A_1489] : memref<8192x4096xf32, #tpu.memory_space<hbm>> -> memref<8x4096xf32, #tpu.memory_space<hbm>>
    %dma_wait3A_1491 = tpu.memref_slice %arg8[%dma_wait3A_1484] : memref<3x!tpu.dma_semaphore, #tpu.memory_space<semaphore_mem>> -> memref<1x!tpu.dma_semaphore, #tpu.memory_space<semaphore_mem>>
    %dma_wait3A_1492 = tpu.memref_squeeze %dma_wait3A_1491 : memref<1x!tpu.dma_semaphore, #tpu.memory_space<semaphore_mem>> -> memref<!tpu.dma_semaphore, #tpu.memory_space<semaphore_mem>>
    %dma_wait3A_1493 = arith.constant 16 : i32
    %dma_wait3A_1494 = arith.constant 0 : i32
    %dma_wait3A_1495 = tpu.memref_slice %arg6[%dma_wait3A_1493, %dma_wait3A_1494] : memref<24x4096xf32, #tpu.memory_space<vmem>> -> memref<8x4096xf32, #tpu.memory_space<vmem>>
    %dma_wait3A_1496 = arith.constant 0 : i32
    %dma_wait3A_1497 = arith.constant 0 : i32
    %dma_wait3A_1498 = tpu.memref_slice %arg2[%dma_wait3A_1496, %dma_wait3A_1497] : memref<8192x4096xf32, #tpu.memory_space<hbm>> -> memref<8x4096xf32, #tpu.memory_space<hbm>>
    tpu.wait_dma2 semaphore(%dma_wait3A_1492 : memref<!tpu.dma_semaphore, #tpu.memory_space<semaphore_mem>>) src(%dma_wait3A_1498 : memref<8x4096xf32, #tpu.memory_space<hbm>>) dst(%dma_wait3A_1495 : memref<8x4096xf32, #tpu.memory_space<vmem>>)
    %add3A_1499 = arith.constant 208 : i32
    %add3A_1500 = arith.addi %mul3A_32, %add3A_1499 : i32
    %lt3A_1501 = arith.cmpi slt, %add3A_1500, %squeeze3A : i32
    %convert_element_type3A_1502 = arith.extui %lt3A_1501 : i1 to i32
    %cond3A_1503 = arith.constant 0 : i32
    %cond3A_1504 = arith.cmpi ne, %convert_element_type3A_1502, %cond3A_1503 : i32
    scf.if %cond3A_1504 {
      %add3A_1822 = arith.addi %mul3A_37, %add3A_1500 : i32
      %multiple_of3A_1823 = tpu.assume_multiple %add3A_1822, 8 : i32
      %dma_start3A_1824 = arith.constant 2 : i32
      %dma_start3A_1825 = arith.constant 16 : i32
      %dma_start3A_1826 = arith.constant 0 : i32
      %dma_start3A_1827 = tpu.memref_slice %arg6[%dma_start3A_1825, %dma_start3A_1826] : memref<24x4096xf32, #tpu.memory_space<vmem>> -> memref<8x4096xf32, #tpu.memory_space<vmem>>
      %dma_start3A_1828 = arith.constant 0 : i32
      %dma_start3A_1829 = tpu.memref_slice %arg5[%multiple_of3A_1823, %dma_start3A_1828] : memref<8256x4096xf32, #tpu.memory_space<hbm>> -> memref<8x4096xf32, #tpu.memory_space<hbm>>
      %dma_start3A_1830 = tpu.memref_slice %arg9[%dma_start3A_1824] : memref<3x!tpu.dma_semaphore, #tpu.memory_space<semaphore_mem>> -> memref<1x!tpu.dma_semaphore, #tpu.memory_space<semaphore_mem>>
      %dma_start3A_1831 = tpu.memref_squeeze %dma_start3A_1830 : memref<1x!tpu.dma_semaphore, #tpu.memory_space<semaphore_mem>> -> memref<!tpu.dma_semaphore, #tpu.memory_space<semaphore_mem>>
      %dma_start3A_1832 = arith.constant 0 : i32
      %dma_start3A_1833 = tpu.memref_slice %arg5[%multiple_of3A_1823, %dma_start3A_1832] : memref<8256x4096xf32, #tpu.memory_space<hbm>> -> memref<8x4096xf32, #tpu.memory_space<hbm>>
      %dma_start3A_1834 = arith.constant 16 : i32
      %dma_start3A_1835 = arith.constant 0 : i32
      %dma_start3A_1836 = tpu.memref_slice %arg6[%dma_start3A_1834, %dma_start3A_1835] : memref<24x4096xf32, #tpu.memory_space<vmem>> -> memref<8x4096xf32, #tpu.memory_space<vmem>>
      tpu.enqueue_dma source(%dma_start3A_1836 : memref<8x4096xf32, #tpu.memory_space<vmem>>) target(%dma_start3A_1833 : memref<8x4096xf32, #tpu.memory_space<hbm>>) target_semaphore(%dma_start3A_1831 : memref<!tpu.dma_semaphore, #tpu.memory_space<semaphore_mem>>)
    } else {
    }
    %add3A_1505 = arith.constant 8 : i32
    %add3A_1506 = arith.addi %add3A_1500, %add3A_1505 : i32
    %gt3A_1507 = arith.cmpi sgt, %add3A_1506, %squeeze3A : i32
    %convert_element_type3A_1508 = arith.extui %gt3A_1507 : i1 to i32
    %cond3A_1509 = arith.constant 0 : i32
    %cond3A_1510 = arith.cmpi ne, %convert_element_type3A_1508, %cond3A_1509 : i32
    scf.if %cond3A_1510 {
      %add3A_1822 = arith.addi %mul3A_37, %add3A_1500 : i32
      %add3A_1823 = arith.constant 16 : i32
      %add3A_1824 = arith.addi %add3A_1822, %add3A_1823 : i32
      %multiple_of3A_1825 = tpu.assume_multiple %add3A_1824, 8 : i32
      %dma_start3A_1826 = arith.constant 2 : i32
      %dma_start3A_1827 = arith.constant 16 : i32
      %dma_start3A_1828 = arith.constant 0 : i32
      %dma_start3A_1829 = tpu.memref_slice %arg6[%dma_start3A_1827, %dma_start3A_1828] : memref<24x4096xf32, #tpu.memory_space<vmem>> -> memref<8x4096xf32, #tpu.memory_space<vmem>>
      %dma_start3A_1830 = arith.constant 0 : i32
      %dma_start3A_1831 = tpu.memref_slice %arg5[%multiple_of3A_1825, %dma_start3A_1830] : memref<8256x4096xf32, #tpu.memory_space<hbm>> -> memref<8x4096xf32, #tpu.memory_space<hbm>>
      %dma_start3A_1832 = tpu.memref_slice %arg9[%dma_start3A_1826] : memref<3x!tpu.dma_semaphore, #tpu.memory_space<semaphore_mem>> -> memref<1x!tpu.dma_semaphore, #tpu.memory_space<semaphore_mem>>
      %dma_start3A_1833 = tpu.memref_squeeze %dma_start3A_1832 : memref<1x!tpu.dma_semaphore, #tpu.memory_space<semaphore_mem>> -> memref<!tpu.dma_semaphore, #tpu.memory_space<semaphore_mem>>
      %dma_start3A_1834 = arith.constant 0 : i32
      %dma_start3A_1835 = tpu.memref_slice %arg5[%multiple_of3A_1825, %dma_start3A_1834] : memref<8256x4096xf32, #tpu.memory_space<hbm>> -> memref<8x4096xf32, #tpu.memory_space<hbm>>
      %dma_start3A_1836 = arith.constant 16 : i32
      %dma_start3A_1837 = arith.constant 0 : i32
      %dma_start3A_1838 = tpu.memref_slice %arg6[%dma_start3A_1836, %dma_start3A_1837] : memref<24x4096xf32, #tpu.memory_space<vmem>> -> memref<8x4096xf32, #tpu.memory_space<vmem>>
      tpu.enqueue_dma source(%dma_start3A_1838 : memref<8x4096xf32, #tpu.memory_space<vmem>>) target(%dma_start3A_1835 : memref<8x4096xf32, #tpu.memory_space<hbm>>) target_semaphore(%dma_start3A_1833 : memref<!tpu.dma_semaphore, #tpu.memory_space<semaphore_mem>>)
    } else {
    }
    %add3A_1511 = arith.constant 200 : i32
    %add3A_1512 = arith.addi %mul3A_32, %add3A_1511 : i32
    %lt3A_1513 = arith.cmpi slt, %add3A_1512, %squeeze3A : i32
    %convert_element_type3A_1514 = arith.extui %lt3A_1513 : i1 to i32
    %cond3A_1515 = arith.constant 0 : i32
    %cond3A_1516 = arith.cmpi ne, %convert_element_type3A_1514, %cond3A_1515 : i32
    scf.if %cond3A_1516 {
      %add3A_1822 = arith.addi %mul3A_37, %add3A_1512 : i32
      %multiple_of3A_1823 = tpu.assume_multiple %add3A_1822, 8 : i32
      %dma_wait3A_1824 = arith.constant 1 : i32
      %dma_wait3A_1825 = arith.constant 8 : i32
      %dma_wait3A_1826 = arith.constant 0 : i32
      %dma_wait3A_1827 = tpu.memref_slice %arg6[%dma_wait3A_1825, %dma_wait3A_1826] : memref<24x4096xf32, #tpu.memory_space<vmem>> -> memref<8x4096xf32, #tpu.memory_space<vmem>>
      %dma_wait3A_1828 = arith.constant 0 : i32
      %dma_wait3A_1829 = tpu.memref_slice %arg5[%multiple_of3A_1823, %dma_wait3A_1828] : memref<8256x4096xf32, #tpu.memory_space<hbm>> -> memref<8x4096xf32, #tpu.memory_space<hbm>>
      %dma_wait3A_1830 = tpu.memref_slice %arg9[%dma_wait3A_1824] : memref<3x!tpu.dma_semaphore, #tpu.memory_space<semaphore_mem>> -> memref<1x!tpu.dma_semaphore, #tpu.memory_space<semaphore_mem>>
      %dma_wait3A_1831 = tpu.memref_squeeze %dma_wait3A_1830 : memref<1x!tpu.dma_semaphore, #tpu.memory_space<semaphore_mem>> -> memref<!tpu.dma_semaphore, #tpu.memory_space<semaphore_mem>>
      %dma_wait3A_1832 = arith.constant 0 : i32
      %dma_wait3A_1833 = tpu.memref_slice %arg5[%multiple_of3A_1823, %dma_wait3A_1832] : memref<8256x4096xf32, #tpu.memory_space<hbm>> -> memref<8x4096xf32, #tpu.memory_space<hbm>>
      %dma_wait3A_1834 = arith.constant 8 : i32
      %dma_wait3A_1835 = arith.constant 0 : i32
      %dma_wait3A_1836 = tpu.memref_slice %arg6[%dma_wait3A_1834, %dma_wait3A_1835] : memref<24x4096xf32, #tpu.memory_space<vmem>> -> memref<8x4096xf32, #tpu.memory_space<vmem>>
      tpu.wait_dma2 semaphore(%dma_wait3A_1831 : memref<!tpu.dma_semaphore, #tpu.memory_space<semaphore_mem>>) src(%dma_wait3A_1836 : memref<8x4096xf32, #tpu.memory_space<vmem>>) dst(%dma_wait3A_1833 : memref<8x4096xf32, #tpu.memory_space<hbm>>)
    } else {
    }
    %add3A_1517 = arith.constant 8 : i32
    %add3A_1518 = arith.addi %add3A_1512, %add3A_1517 : i32
    %gt3A_1519 = arith.cmpi sgt, %add3A_1518, %squeeze3A : i32
    %convert_element_type3A_1520 = arith.extui %gt3A_1519 : i1 to i32
    %cond3A_1521 = arith.constant 0 : i32
    %cond3A_1522 = arith.cmpi ne, %convert_element_type3A_1520, %cond3A_1521 : i32
    scf.if %cond3A_1522 {
      %add3A_1822 = arith.addi %mul3A_37, %add3A_1512 : i32
      %add3A_1823 = arith.constant 16 : i32
      %add3A_1824 = arith.addi %add3A_1822, %add3A_1823 : i32
      %multiple_of3A_1825 = tpu.assume_multiple %add3A_1824, 8 : i32
      %dma_wait3A_1826 = arith.constant 1 : i32
      %dma_wait3A_1827 = arith.constant 8 : i32
      %dma_wait3A_1828 = arith.constant 0 : i32
      %dma_wait3A_1829 = tpu.memref_slice %arg6[%dma_wait3A_1827, %dma_wait3A_1828] : memref<24x4096xf32, #tpu.memory_space<vmem>> -> memref<8x4096xf32, #tpu.memory_space<vmem>>
      %dma_wait3A_1830 = arith.constant 0 : i32
      %dma_wait3A_1831 = tpu.memref_slice %arg5[%multiple_of3A_1825, %dma_wait3A_1830] : memref<8256x4096xf32, #tpu.memory_space<hbm>> -> memref<8x4096xf32, #tpu.memory_space<hbm>>
      %dma_wait3A_1832 = tpu.memref_slice %arg9[%dma_wait3A_1826] : memref<3x!tpu.dma_semaphore, #tpu.memory_space<semaphore_mem>> -> memref<1x!tpu.dma_semaphore, #tpu.memory_space<semaphore_mem>>
      %dma_wait3A_1833 = tpu.memref_squeeze %dma_wait3A_1832 : memref<1x!tpu.dma_semaphore, #tpu.memory_space<semaphore_mem>> -> memref<!tpu.dma_semaphore, #tpu.memory_space<semaphore_mem>>
      %dma_wait3A_1834 = arith.constant 0 : i32
      %dma_wait3A_1835 = tpu.memref_slice %arg5[%multiple_of3A_1825, %dma_wait3A_1834] : memref<8256x4096xf32, #tpu.memory_space<hbm>> -> memref<8x4096xf32, #tpu.memory_space<hbm>>
      %dma_wait3A_1836 = arith.constant 8 : i32
      %dma_wait3A_1837 = arith.constant 0 : i32
      %dma_wait3A_1838 = tpu.memref_slice %arg6[%dma_wait3A_1836, %dma_wait3A_1837] : memref<24x4096xf32, #tpu.memory_space<vmem>> -> memref<8x4096xf32, #tpu.memory_space<vmem>>
      tpu.wait_dma2 semaphore(%dma_wait3A_1833 : memref<!tpu.dma_semaphore, #tpu.memory_space<semaphore_mem>>) src(%dma_wait3A_1838 : memref<8x4096xf32, #tpu.memory_space<vmem>>) dst(%dma_wait3A_1835 : memref<8x4096xf32, #tpu.memory_space<hbm>>)
    } else {
    }
    %add3A_1523 = arith.constant 224 : i32
    %add3A_1524 = arith.addi %add3A_35, %add3A_1523 : i32
    %multiple_of3A_1525 = tpu.assume_multiple %add3A_1524, 8 : i32
    %dma_start3A_1526 = arith.constant 1 : i32
    %dma_start3A_1527 = arith.constant 8 : i32
    %dma_start3A_1528 = arith.constant 0 : i32
    %dma_start3A_1529 = tpu.memref_slice %arg6[%dma_start3A_1527, %dma_start3A_1528] : memref<24x4096xf32, #tpu.memory_space<vmem>> -> memref<8x4096xf32, #tpu.memory_space<vmem>>
    %dma_start3A_1530 = arith.constant 0 : i32
    %dma_start3A_1531 = tpu.memref_slice %arg2[%multiple_of3A_1525, %dma_start3A_1530] : memref<8192x4096xf32, #tpu.memory_space<hbm>> -> memref<8x4096xf32, #tpu.memory_space<hbm>>
    %dma_start3A_1532 = tpu.memref_slice %arg8[%dma_start3A_1526] : memref<3x!tpu.dma_semaphore, #tpu.memory_space<semaphore_mem>> -> memref<1x!tpu.dma_semaphore, #tpu.memory_space<semaphore_mem>>
    %dma_start3A_1533 = tpu.memref_squeeze %dma_start3A_1532 : memref<1x!tpu.dma_semaphore, #tpu.memory_space<semaphore_mem>> -> memref<!tpu.dma_semaphore, #tpu.memory_space<semaphore_mem>>
    %dma_start3A_1534 = arith.constant 8 : i32
    %dma_start3A_1535 = arith.constant 0 : i32
    %dma_start3A_1536 = tpu.memref_slice %arg6[%dma_start3A_1534, %dma_start3A_1535] : memref<24x4096xf32, #tpu.memory_space<vmem>> -> memref<8x4096xf32, #tpu.memory_space<vmem>>
    %dma_start3A_1537 = arith.constant 0 : i32
    %dma_start3A_1538 = tpu.memref_slice %arg2[%multiple_of3A_1525, %dma_start3A_1537] : memref<8192x4096xf32, #tpu.memory_space<hbm>> -> memref<8x4096xf32, #tpu.memory_space<hbm>>
    tpu.enqueue_dma source(%dma_start3A_1538 : memref<8x4096xf32, #tpu.memory_space<hbm>>) target(%dma_start3A_1536 : memref<8x4096xf32, #tpu.memory_space<vmem>>) target_semaphore(%dma_start3A_1533 : memref<!tpu.dma_semaphore, #tpu.memory_space<semaphore_mem>>)
    %dma_wait3A_1539 = arith.constant 0 : i32
    %dma_wait3A_1540 = arith.constant 0 : i32
    %dma_wait3A_1541 = arith.constant 0 : i32
    %dma_wait3A_1542 = tpu.memref_slice %arg6[%dma_wait3A_1540, %dma_wait3A_1541] : memref<24x4096xf32, #tpu.memory_space<vmem>> -> memref<8x4096xf32, #tpu.memory_space<vmem>>
    %dma_wait3A_1543 = arith.constant 0 : i32
    %dma_wait3A_1544 = arith.constant 0 : i32
    %dma_wait3A_1545 = tpu.memref_slice %arg2[%dma_wait3A_1543, %dma_wait3A_1544] : memref<8192x4096xf32, #tpu.memory_space<hbm>> -> memref<8x4096xf32, #tpu.memory_space<hbm>>
    %dma_wait3A_1546 = tpu.memref_slice %arg8[%dma_wait3A_1539] : memref<3x!tpu.dma_semaphore, #tpu.memory_space<semaphore_mem>> -> memref<1x!tpu.dma_semaphore, #tpu.memory_space<semaphore_mem>>
    %dma_wait3A_1547 = tpu.memref_squeeze %dma_wait3A_1546 : memref<1x!tpu.dma_semaphore, #tpu.memory_space<semaphore_mem>> -> memref<!tpu.dma_semaphore, #tpu.memory_space<semaphore_mem>>
    %dma_wait3A_1548 = arith.constant 0 : i32
    %dma_wait3A_1549 = arith.constant 0 : i32
    %dma_wait3A_1550 = tpu.memref_slice %arg6[%dma_wait3A_1548, %dma_wait3A_1549] : memref<24x4096xf32, #tpu.memory_space<vmem>> -> memref<8x4096xf32, #tpu.memory_space<vmem>>
    %dma_wait3A_1551 = arith.constant 0 : i32
    %dma_wait3A_1552 = arith.constant 0 : i32
    %dma_wait3A_1553 = tpu.memref_slice %arg2[%dma_wait3A_1551, %dma_wait3A_1552] : memref<8192x4096xf32, #tpu.memory_space<hbm>> -> memref<8x4096xf32, #tpu.memory_space<hbm>>
    tpu.wait_dma2 semaphore(%dma_wait3A_1547 : memref<!tpu.dma_semaphore, #tpu.memory_space<semaphore_mem>>) src(%dma_wait3A_1553 : memref<8x4096xf32, #tpu.memory_space<hbm>>) dst(%dma_wait3A_1550 : memref<8x4096xf32, #tpu.memory_space<vmem>>)
    %add3A_1554 = arith.constant 216 : i32
    %add3A_1555 = arith.addi %mul3A_32, %add3A_1554 : i32
    %lt3A_1556 = arith.cmpi slt, %add3A_1555, %squeeze3A : i32
    %convert_element_type3A_1557 = arith.extui %lt3A_1556 : i1 to i32
    %cond3A_1558 = arith.constant 0 : i32
    %cond3A_1559 = arith.cmpi ne, %convert_element_type3A_1557, %cond3A_1558 : i32
    scf.if %cond3A_1559 {
      %add3A_1822 = arith.addi %mul3A_37, %add3A_1555 : i32
      %multiple_of3A_1823 = tpu.assume_multiple %add3A_1822, 8 : i32
      %dma_start3A_1824 = arith.constant 0 : i32
      %dma_start3A_1825 = arith.constant 0 : i32
      %dma_start3A_1826 = arith.constant 0 : i32
      %dma_start3A_1827 = tpu.memref_slice %arg6[%dma_start3A_1825, %dma_start3A_1826] : memref<24x4096xf32, #tpu.memory_space<vmem>> -> memref<8x4096xf32, #tpu.memory_space<vmem>>
      %dma_start3A_1828 = arith.constant 0 : i32
      %dma_start3A_1829 = tpu.memref_slice %arg5[%multiple_of3A_1823, %dma_start3A_1828] : memref<8256x4096xf32, #tpu.memory_space<hbm>> -> memref<8x4096xf32, #tpu.memory_space<hbm>>
      %dma_start3A_1830 = tpu.memref_slice %arg9[%dma_start3A_1824] : memref<3x!tpu.dma_semaphore, #tpu.memory_space<semaphore_mem>> -> memref<1x!tpu.dma_semaphore, #tpu.memory_space<semaphore_mem>>
      %dma_start3A_1831 = tpu.memref_squeeze %dma_start3A_1830 : memref<1x!tpu.dma_semaphore, #tpu.memory_space<semaphore_mem>> -> memref<!tpu.dma_semaphore, #tpu.memory_space<semaphore_mem>>
      %dma_start3A_1832 = arith.constant 0 : i32
      %dma_start3A_1833 = tpu.memref_slice %arg5[%multiple_of3A_1823, %dma_start3A_1832] : memref<8256x4096xf32, #tpu.memory_space<hbm>> -> memref<8x4096xf32, #tpu.memory_space<hbm>>
      %dma_start3A_1834 = arith.constant 0 : i32
      %dma_start3A_1835 = arith.constant 0 : i32
      %dma_start3A_1836 = tpu.memref_slice %arg6[%dma_start3A_1834, %dma_start3A_1835] : memref<24x4096xf32, #tpu.memory_space<vmem>> -> memref<8x4096xf32, #tpu.memory_space<vmem>>
      tpu.enqueue_dma source(%dma_start3A_1836 : memref<8x4096xf32, #tpu.memory_space<vmem>>) target(%dma_start3A_1833 : memref<8x4096xf32, #tpu.memory_space<hbm>>) target_semaphore(%dma_start3A_1831 : memref<!tpu.dma_semaphore, #tpu.memory_space<semaphore_mem>>)
    } else {
    }
    %add3A_1560 = arith.constant 8 : i32
    %add3A_1561 = arith.addi %add3A_1555, %add3A_1560 : i32
    %gt3A_1562 = arith.cmpi sgt, %add3A_1561, %squeeze3A : i32
    %convert_element_type3A_1563 = arith.extui %gt3A_1562 : i1 to i32
    %cond3A_1564 = arith.constant 0 : i32
    %cond3A_1565 = arith.cmpi ne, %convert_element_type3A_1563, %cond3A_1564 : i32
    scf.if %cond3A_1565 {
      %add3A_1822 = arith.addi %mul3A_37, %add3A_1555 : i32
      %add3A_1823 = arith.constant 16 : i32
      %add3A_1824 = arith.addi %add3A_1822, %add3A_1823 : i32
      %multiple_of3A_1825 = tpu.assume_multiple %add3A_1824, 8 : i32
      %dma_start3A_1826 = arith.constant 0 : i32
      %dma_start3A_1827 = arith.constant 0 : i32
      %dma_start3A_1828 = arith.constant 0 : i32
      %dma_start3A_1829 = tpu.memref_slice %arg6[%dma_start3A_1827, %dma_start3A_1828] : memref<24x4096xf32, #tpu.memory_space<vmem>> -> memref<8x4096xf32, #tpu.memory_space<vmem>>
      %dma_start3A_1830 = arith.constant 0 : i32
      %dma_start3A_1831 = tpu.memref_slice %arg5[%multiple_of3A_1825, %dma_start3A_1830] : memref<8256x4096xf32, #tpu.memory_space<hbm>> -> memref<8x4096xf32, #tpu.memory_space<hbm>>
      %dma_start3A_1832 = tpu.memref_slice %arg9[%dma_start3A_1826] : memref<3x!tpu.dma_semaphore, #tpu.memory_space<semaphore_mem>> -> memref<1x!tpu.dma_semaphore, #tpu.memory_space<semaphore_mem>>
      %dma_start3A_1833 = tpu.memref_squeeze %dma_start3A_1832 : memref<1x!tpu.dma_semaphore, #tpu.memory_space<semaphore_mem>> -> memref<!tpu.dma_semaphore, #tpu.memory_space<semaphore_mem>>
      %dma_start3A_1834 = arith.constant 0 : i32
      %dma_start3A_1835 = tpu.memref_slice %arg5[%multiple_of3A_1825, %dma_start3A_1834] : memref<8256x4096xf32, #tpu.memory_space<hbm>> -> memref<8x4096xf32, #tpu.memory_space<hbm>>
      %dma_start3A_1836 = arith.constant 0 : i32
      %dma_start3A_1837 = arith.constant 0 : i32
      %dma_start3A_1838 = tpu.memref_slice %arg6[%dma_start3A_1836, %dma_start3A_1837] : memref<24x4096xf32, #tpu.memory_space<vmem>> -> memref<8x4096xf32, #tpu.memory_space<vmem>>
      tpu.enqueue_dma source(%dma_start3A_1838 : memref<8x4096xf32, #tpu.memory_space<vmem>>) target(%dma_start3A_1835 : memref<8x4096xf32, #tpu.memory_space<hbm>>) target_semaphore(%dma_start3A_1833 : memref<!tpu.dma_semaphore, #tpu.memory_space<semaphore_mem>>)
    } else {
    }
    %add3A_1566 = arith.constant 208 : i32
    %add3A_1567 = arith.addi %mul3A_32, %add3A_1566 : i32
    %lt3A_1568 = arith.cmpi slt, %add3A_1567, %squeeze3A : i32
    %convert_element_type3A_1569 = arith.extui %lt3A_1568 : i1 to i32
    %cond3A_1570 = arith.constant 0 : i32
    %cond3A_1571 = arith.cmpi ne, %convert_element_type3A_1569, %cond3A_1570 : i32
    scf.if %cond3A_1571 {
      %add3A_1822 = arith.addi %mul3A_37, %add3A_1567 : i32
      %multiple_of3A_1823 = tpu.assume_multiple %add3A_1822, 8 : i32
      %dma_wait3A_1824 = arith.constant 2 : i32
      %dma_wait3A_1825 = arith.constant 16 : i32
      %dma_wait3A_1826 = arith.constant 0 : i32
      %dma_wait3A_1827 = tpu.memref_slice %arg6[%dma_wait3A_1825, %dma_wait3A_1826] : memref<24x4096xf32, #tpu.memory_space<vmem>> -> memref<8x4096xf32, #tpu.memory_space<vmem>>
      %dma_wait3A_1828 = arith.constant 0 : i32
      %dma_wait3A_1829 = tpu.memref_slice %arg5[%multiple_of3A_1823, %dma_wait3A_1828] : memref<8256x4096xf32, #tpu.memory_space<hbm>> -> memref<8x4096xf32, #tpu.memory_space<hbm>>
      %dma_wait3A_1830 = tpu.memref_slice %arg9[%dma_wait3A_1824] : memref<3x!tpu.dma_semaphore, #tpu.memory_space<semaphore_mem>> -> memref<1x!tpu.dma_semaphore, #tpu.memory_space<semaphore_mem>>
      %dma_wait3A_1831 = tpu.memref_squeeze %dma_wait3A_1830 : memref<1x!tpu.dma_semaphore, #tpu.memory_space<semaphore_mem>> -> memref<!tpu.dma_semaphore, #tpu.memory_space<semaphore_mem>>
      %dma_wait3A_1832 = arith.constant 0 : i32
      %dma_wait3A_1833 = tpu.memref_slice %arg5[%multiple_of3A_1823, %dma_wait3A_1832] : memref<8256x4096xf32, #tpu.memory_space<hbm>> -> memref<8x4096xf32, #tpu.memory_space<hbm>>
      %dma_wait3A_1834 = arith.constant 16 : i32
      %dma_wait3A_1835 = arith.constant 0 : i32
      %dma_wait3A_1836 = tpu.memref_slice %arg6[%dma_wait3A_1834, %dma_wait3A_1835] : memref<24x4096xf32, #tpu.memory_space<vmem>> -> memref<8x4096xf32, #tpu.memory_space<vmem>>
      tpu.wait_dma2 semaphore(%dma_wait3A_1831 : memref<!tpu.dma_semaphore, #tpu.memory_space<semaphore_mem>>) src(%dma_wait3A_1836 : memref<8x4096xf32, #tpu.memory_space<vmem>>) dst(%dma_wait3A_1833 : memref<8x4096xf32, #tpu.memory_space<hbm>>)
    } else {
    }
    %add3A_1572 = arith.constant 8 : i32
    %add3A_1573 = arith.addi %add3A_1567, %add3A_1572 : i32
    %gt3A_1574 = arith.cmpi sgt, %add3A_1573, %squeeze3A : i32
    %convert_element_type3A_1575 = arith.extui %gt3A_1574 : i1 to i32
    %cond3A_1576 = arith.constant 0 : i32
    %cond3A_1577 = arith.cmpi ne, %convert_element_type3A_1575, %cond3A_1576 : i32
    scf.if %cond3A_1577 {
      %add3A_1822 = arith.addi %mul3A_37, %add3A_1567 : i32
      %add3A_1823 = arith.constant 16 : i32
      %add3A_1824 = arith.addi %add3A_1822, %add3A_1823 : i32
      %multiple_of3A_1825 = tpu.assume_multiple %add3A_1824, 8 : i32
      %dma_wait3A_1826 = arith.constant 2 : i32
      %dma_wait3A_1827 = arith.constant 16 : i32
      %dma_wait3A_1828 = arith.constant 0 : i32
      %dma_wait3A_1829 = tpu.memref_slice %arg6[%dma_wait3A_1827, %dma_wait3A_1828] : memref<24x4096xf32, #tpu.memory_space<vmem>> -> memref<8x4096xf32, #tpu.memory_space<vmem>>
      %dma_wait3A_1830 = arith.constant 0 : i32
      %dma_wait3A_1831 = tpu.memref_slice %arg5[%multiple_of3A_1825, %dma_wait3A_1830] : memref<8256x4096xf32, #tpu.memory_space<hbm>> -> memref<8x4096xf32, #tpu.memory_space<hbm>>
      %dma_wait3A_1832 = tpu.memref_slice %arg9[%dma_wait3A_1826] : memref<3x!tpu.dma_semaphore, #tpu.memory_space<semaphore_mem>> -> memref<1x!tpu.dma_semaphore, #tpu.memory_space<semaphore_mem>>
      %dma_wait3A_1833 = tpu.memref_squeeze %dma_wait3A_1832 : memref<1x!tpu.dma_semaphore, #tpu.memory_space<semaphore_mem>> -> memref<!tpu.dma_semaphore, #tpu.memory_space<semaphore_mem>>
      %dma_wait3A_1834 = arith.constant 0 : i32
      %dma_wait3A_1835 = tpu.memref_slice %arg5[%multiple_of3A_1825, %dma_wait3A_1834] : memref<8256x4096xf32, #tpu.memory_space<hbm>> -> memref<8x4096xf32, #tpu.memory_space<hbm>>
      %dma_wait3A_1836 = arith.constant 16 : i32
      %dma_wait3A_1837 = arith.constant 0 : i32
      %dma_wait3A_1838 = tpu.memref_slice %arg6[%dma_wait3A_1836, %dma_wait3A_1837] : memref<24x4096xf32, #tpu.memory_space<vmem>> -> memref<8x4096xf32, #tpu.memory_space<vmem>>
      tpu.wait_dma2 semaphore(%dma_wait3A_1833 : memref<!tpu.dma_semaphore, #tpu.memory_space<semaphore_mem>>) src(%dma_wait3A_1838 : memref<8x4096xf32, #tpu.memory_space<vmem>>) dst(%dma_wait3A_1835 : memref<8x4096xf32, #tpu.memory_space<hbm>>)
    } else {
    }
    %add3A_1578 = arith.constant 232 : i32
    %add3A_1579 = arith.addi %add3A_35, %add3A_1578 : i32
    %multiple_of3A_1580 = tpu.assume_multiple %add3A_1579, 8 : i32
    %dma_start3A_1581 = arith.constant 2 : i32
    %dma_start3A_1582 = arith.constant 16 : i32
    %dma_start3A_1583 = arith.constant 0 : i32
    %dma_start3A_1584 = tpu.memref_slice %arg6[%dma_start3A_1582, %dma_start3A_1583] : memref<24x4096xf32, #tpu.memory_space<vmem>> -> memref<8x4096xf32, #tpu.memory_space<vmem>>
    %dma_start3A_1585 = arith.constant 0 : i32
    %dma_start3A_1586 = tpu.memref_slice %arg2[%multiple_of3A_1580, %dma_start3A_1585] : memref<8192x4096xf32, #tpu.memory_space<hbm>> -> memref<8x4096xf32, #tpu.memory_space<hbm>>
    %dma_start3A_1587 = tpu.memref_slice %arg8[%dma_start3A_1581] : memref<3x!tpu.dma_semaphore, #tpu.memory_space<semaphore_mem>> -> memref<1x!tpu.dma_semaphore, #tpu.memory_space<semaphore_mem>>
    %dma_start3A_1588 = tpu.memref_squeeze %dma_start3A_1587 : memref<1x!tpu.dma_semaphore, #tpu.memory_space<semaphore_mem>> -> memref<!tpu.dma_semaphore, #tpu.memory_space<semaphore_mem>>
    %dma_start3A_1589 = arith.constant 16 : i32
    %dma_start3A_1590 = arith.constant 0 : i32
    %dma_start3A_1591 = tpu.memref_slice %arg6[%dma_start3A_1589, %dma_start3A_1590] : memref<24x4096xf32, #tpu.memory_space<vmem>> -> memref<8x4096xf32, #tpu.memory_space<vmem>>
    %dma_start3A_1592 = arith.constant 0 : i32
    %dma_start3A_1593 = tpu.memref_slice %arg2[%multiple_of3A_1580, %dma_start3A_1592] : memref<8192x4096xf32, #tpu.memory_space<hbm>> -> memref<8x4096xf32, #tpu.memory_space<hbm>>
    tpu.enqueue_dma source(%dma_start3A_1593 : memref<8x4096xf32, #tpu.memory_space<hbm>>) target(%dma_start3A_1591 : memref<8x4096xf32, #tpu.memory_space<vmem>>) target_semaphore(%dma_start3A_1588 : memref<!tpu.dma_semaphore, #tpu.memory_space<semaphore_mem>>)
    %dma_wait3A_1594 = arith.constant 1 : i32
    %dma_wait3A_1595 = arith.constant 8 : i32
    %dma_wait3A_1596 = arith.constant 0 : i32
    %dma_wait3A_1597 = tpu.memref_slice %arg6[%dma_wait3A_1595, %dma_wait3A_1596] : memref<24x4096xf32, #tpu.memory_space<vmem>> -> memref<8x4096xf32, #tpu.memory_space<vmem>>
    %dma_wait3A_1598 = arith.constant 0 : i32
    %dma_wait3A_1599 = arith.constant 0 : i32
    %dma_wait3A_1600 = tpu.memref_slice %arg2[%dma_wait3A_1598, %dma_wait3A_1599] : memref<8192x4096xf32, #tpu.memory_space<hbm>> -> memref<8x4096xf32, #tpu.memory_space<hbm>>
    %dma_wait3A_1601 = tpu.memref_slice %arg8[%dma_wait3A_1594] : memref<3x!tpu.dma_semaphore, #tpu.memory_space<semaphore_mem>> -> memref<1x!tpu.dma_semaphore, #tpu.memory_space<semaphore_mem>>
    %dma_wait3A_1602 = tpu.memref_squeeze %dma_wait3A_1601 : memref<1x!tpu.dma_semaphore, #tpu.memory_space<semaphore_mem>> -> memref<!tpu.dma_semaphore, #tpu.memory_space<semaphore_mem>>
    %dma_wait3A_1603 = arith.constant 8 : i32
    %dma_wait3A_1604 = arith.constant 0 : i32
    %dma_wait3A_1605 = tpu.memref_slice %arg6[%dma_wait3A_1603, %dma_wait3A_1604] : memref<24x4096xf32, #tpu.memory_space<vmem>> -> memref<8x4096xf32, #tpu.memory_space<vmem>>
    %dma_wait3A_1606 = arith.constant 0 : i32
    %dma_wait3A_1607 = arith.constant 0 : i32
    %dma_wait3A_1608 = tpu.memref_slice %arg2[%dma_wait3A_1606, %dma_wait3A_1607] : memref<8192x4096xf32, #tpu.memory_space<hbm>> -> memref<8x4096xf32, #tpu.memory_space<hbm>>
    tpu.wait_dma2 semaphore(%dma_wait3A_1602 : memref<!tpu.dma_semaphore, #tpu.memory_space<semaphore_mem>>) src(%dma_wait3A_1608 : memref<8x4096xf32, #tpu.memory_space<hbm>>) dst(%dma_wait3A_1605 : memref<8x4096xf32, #tpu.memory_space<vmem>>)
    %add3A_1609 = arith.constant 224 : i32
    %add3A_1610 = arith.addi %mul3A_32, %add3A_1609 : i32
    %lt3A_1611 = arith.cmpi slt, %add3A_1610, %squeeze3A : i32
    %convert_element_type3A_1612 = arith.extui %lt3A_1611 : i1 to i32
    %cond3A_1613 = arith.constant 0 : i32
    %cond3A_1614 = arith.cmpi ne, %convert_element_type3A_1612, %cond3A_1613 : i32
    scf.if %cond3A_1614 {
      %add3A_1822 = arith.addi %mul3A_37, %add3A_1610 : i32
      %multiple_of3A_1823 = tpu.assume_multiple %add3A_1822, 8 : i32
      %dma_start3A_1824 = arith.constant 1 : i32
      %dma_start3A_1825 = arith.constant 8 : i32
      %dma_start3A_1826 = arith.constant 0 : i32
      %dma_start3A_1827 = tpu.memref_slice %arg6[%dma_start3A_1825, %dma_start3A_1826] : memref<24x4096xf32, #tpu.memory_space<vmem>> -> memref<8x4096xf32, #tpu.memory_space<vmem>>
      %dma_start3A_1828 = arith.constant 0 : i32
      %dma_start3A_1829 = tpu.memref_slice %arg5[%multiple_of3A_1823, %dma_start3A_1828] : memref<8256x4096xf32, #tpu.memory_space<hbm>> -> memref<8x4096xf32, #tpu.memory_space<hbm>>
      %dma_start3A_1830 = tpu.memref_slice %arg9[%dma_start3A_1824] : memref<3x!tpu.dma_semaphore, #tpu.memory_space<semaphore_mem>> -> memref<1x!tpu.dma_semaphore, #tpu.memory_space<semaphore_mem>>
      %dma_start3A_1831 = tpu.memref_squeeze %dma_start3A_1830 : memref<1x!tpu.dma_semaphore, #tpu.memory_space<semaphore_mem>> -> memref<!tpu.dma_semaphore, #tpu.memory_space<semaphore_mem>>
      %dma_start3A_1832 = arith.constant 0 : i32
      %dma_start3A_1833 = tpu.memref_slice %arg5[%multiple_of3A_1823, %dma_start3A_1832] : memref<8256x4096xf32, #tpu.memory_space<hbm>> -> memref<8x4096xf32, #tpu.memory_space<hbm>>
      %dma_start3A_1834 = arith.constant 8 : i32
      %dma_start3A_1835 = arith.constant 0 : i32
      %dma_start3A_1836 = tpu.memref_slice %arg6[%dma_start3A_1834, %dma_start3A_1835] : memref<24x4096xf32, #tpu.memory_space<vmem>> -> memref<8x4096xf32, #tpu.memory_space<vmem>>
      tpu.enqueue_dma source(%dma_start3A_1836 : memref<8x4096xf32, #tpu.memory_space<vmem>>) target(%dma_start3A_1833 : memref<8x4096xf32, #tpu.memory_space<hbm>>) target_semaphore(%dma_start3A_1831 : memref<!tpu.dma_semaphore, #tpu.memory_space<semaphore_mem>>)
    } else {
    }
    %add3A_1615 = arith.constant 8 : i32
    %add3A_1616 = arith.addi %add3A_1610, %add3A_1615 : i32
    %gt3A_1617 = arith.cmpi sgt, %add3A_1616, %squeeze3A : i32
    %convert_element_type3A_1618 = arith.extui %gt3A_1617 : i1 to i32
    %cond3A_1619 = arith.constant 0 : i32
    %cond3A_1620 = arith.cmpi ne, %convert_element_type3A_1618, %cond3A_1619 : i32
    scf.if %cond3A_1620 {
      %add3A_1822 = arith.addi %mul3A_37, %add3A_1610 : i32
      %add3A_1823 = arith.constant 16 : i32
      %add3A_1824 = arith.addi %add3A_1822, %add3A_1823 : i32
      %multiple_of3A_1825 = tpu.assume_multiple %add3A_1824, 8 : i32
      %dma_start3A_1826 = arith.constant 1 : i32
      %dma_start3A_1827 = arith.constant 8 : i32
      %dma_start3A_1828 = arith.constant 0 : i32
      %dma_start3A_1829 = tpu.memref_slice %arg6[%dma_start3A_1827, %dma_start3A_1828] : memref<24x4096xf32, #tpu.memory_space<vmem>> -> memref<8x4096xf32, #tpu.memory_space<vmem>>
      %dma_start3A_1830 = arith.constant 0 : i32
      %dma_start3A_1831 = tpu.memref_slice %arg5[%multiple_of3A_1825, %dma_start3A_1830] : memref<8256x4096xf32, #tpu.memory_space<hbm>> -> memref<8x4096xf32, #tpu.memory_space<hbm>>
      %dma_start3A_1832 = tpu.memref_slice %arg9[%dma_start3A_1826] : memref<3x!tpu.dma_semaphore, #tpu.memory_space<semaphore_mem>> -> memref<1x!tpu.dma_semaphore, #tpu.memory_space<semaphore_mem>>
      %dma_start3A_1833 = tpu.memref_squeeze %dma_start3A_1832 : memref<1x!tpu.dma_semaphore, #tpu.memory_space<semaphore_mem>> -> memref<!tpu.dma_semaphore, #tpu.memory_space<semaphore_mem>>
      %dma_start3A_1834 = arith.constant 0 : i32
      %dma_start3A_1835 = tpu.memref_slice %arg5[%multiple_of3A_1825, %dma_start3A_1834] : memref<8256x4096xf32, #tpu.memory_space<hbm>> -> memref<8x4096xf32, #tpu.memory_space<hbm>>
      %dma_start3A_1836 = arith.constant 8 : i32
      %dma_start3A_1837 = arith.constant 0 : i32
      %dma_start3A_1838 = tpu.memref_slice %arg6[%dma_start3A_1836, %dma_start3A_1837] : memref<24x4096xf32, #tpu.memory_space<vmem>> -> memref<8x4096xf32, #tpu.memory_space<vmem>>
      tpu.enqueue_dma source(%dma_start3A_1838 : memref<8x4096xf32, #tpu.memory_space<vmem>>) target(%dma_start3A_1835 : memref<8x4096xf32, #tpu.memory_space<hbm>>) target_semaphore(%dma_start3A_1833 : memref<!tpu.dma_semaphore, #tpu.memory_space<semaphore_mem>>)
    } else {
    }
    %add3A_1621 = arith.constant 216 : i32
    %add3A_1622 = arith.addi %mul3A_32, %add3A_1621 : i32
    %lt3A_1623 = arith.cmpi slt, %add3A_1622, %squeeze3A : i32
    %convert_element_type3A_1624 = arith.extui %lt3A_1623 : i1 to i32
    %cond3A_1625 = arith.constant 0 : i32
    %cond3A_1626 = arith.cmpi ne, %convert_element_type3A_1624, %cond3A_1625 : i32
    scf.if %cond3A_1626 {
      %add3A_1822 = arith.addi %mul3A_37, %add3A_1622 : i32
      %multiple_of3A_1823 = tpu.assume_multiple %add3A_1822, 8 : i32
      %dma_wait3A_1824 = arith.constant 0 : i32
      %dma_wait3A_1825 = arith.constant 0 : i32
      %dma_wait3A_1826 = arith.constant 0 : i32
      %dma_wait3A_1827 = tpu.memref_slice %arg6[%dma_wait3A_1825, %dma_wait3A_1826] : memref<24x4096xf32, #tpu.memory_space<vmem>> -> memref<8x4096xf32, #tpu.memory_space<vmem>>
      %dma_wait3A_1828 = arith.constant 0 : i32
      %dma_wait3A_1829 = tpu.memref_slice %arg5[%multiple_of3A_1823, %dma_wait3A_1828] : memref<8256x4096xf32, #tpu.memory_space<hbm>> -> memref<8x4096xf32, #tpu.memory_space<hbm>>
      %dma_wait3A_1830 = tpu.memref_slice %arg9[%dma_wait3A_1824] : memref<3x!tpu.dma_semaphore, #tpu.memory_space<semaphore_mem>> -> memref<1x!tpu.dma_semaphore, #tpu.memory_space<semaphore_mem>>
      %dma_wait3A_1831 = tpu.memref_squeeze %dma_wait3A_1830 : memref<1x!tpu.dma_semaphore, #tpu.memory_space<semaphore_mem>> -> memref<!tpu.dma_semaphore, #tpu.memory_space<semaphore_mem>>
      %dma_wait3A_1832 = arith.constant 0 : i32
      %dma_wait3A_1833 = tpu.memref_slice %arg5[%multiple_of3A_1823, %dma_wait3A_1832] : memref<8256x4096xf32, #tpu.memory_space<hbm>> -> memref<8x4096xf32, #tpu.memory_space<hbm>>
      %dma_wait3A_1834 = arith.constant 0 : i32
      %dma_wait3A_1835 = arith.constant 0 : i32
      %dma_wait3A_1836 = tpu.memref_slice %arg6[%dma_wait3A_1834, %dma_wait3A_1835] : memref<24x4096xf32, #tpu.memory_space<vmem>> -> memref<8x4096xf32, #tpu.memory_space<vmem>>
      tpu.wait_dma2 semaphore(%dma_wait3A_1831 : memref<!tpu.dma_semaphore, #tpu.memory_space<semaphore_mem>>) src(%dma_wait3A_1836 : memref<8x4096xf32, #tpu.memory_space<vmem>>) dst(%dma_wait3A_1833 : memref<8x4096xf32, #tpu.memory_space<hbm>>)
    } else {
    }
    %add3A_1627 = arith.constant 8 : i32
    %add3A_1628 = arith.addi %add3A_1622, %add3A_1627 : i32
    %gt3A_1629 = arith.cmpi sgt, %add3A_1628, %squeeze3A : i32
    %convert_element_type3A_1630 = arith.extui %gt3A_1629 : i1 to i32
    %cond3A_1631 = arith.constant 0 : i32
    %cond3A_1632 = arith.cmpi ne, %convert_element_type3A_1630, %cond3A_1631 : i32
    scf.if %cond3A_1632 {
      %add3A_1822 = arith.addi %mul3A_37, %add3A_1622 : i32
      %add3A_1823 = arith.constant 16 : i32
      %add3A_1824 = arith.addi %add3A_1822, %add3A_1823 : i32
      %multiple_of3A_1825 = tpu.assume_multiple %add3A_1824, 8 : i32
      %dma_wait3A_1826 = arith.constant 0 : i32
      %dma_wait3A_1827 = arith.constant 0 : i32
      %dma_wait3A_1828 = arith.constant 0 : i32
      %dma_wait3A_1829 = tpu.memref_slice %arg6[%dma_wait3A_1827, %dma_wait3A_1828] : memref<24x4096xf32, #tpu.memory_space<vmem>> -> memref<8x4096xf32, #tpu.memory_space<vmem>>
      %dma_wait3A_1830 = arith.constant 0 : i32
      %dma_wait3A_1831 = tpu.memref_slice %arg5[%multiple_of3A_1825, %dma_wait3A_1830] : memref<8256x4096xf32, #tpu.memory_space<hbm>> -> memref<8x4096xf32, #tpu.memory_space<hbm>>
      %dma_wait3A_1832 = tpu.memref_slice %arg9[%dma_wait3A_1826] : memref<3x!tpu.dma_semaphore, #tpu.memory_space<semaphore_mem>> -> memref<1x!tpu.dma_semaphore, #tpu.memory_space<semaphore_mem>>
      %dma_wait3A_1833 = tpu.memref_squeeze %dma_wait3A_1832 : memref<1x!tpu.dma_semaphore, #tpu.memory_space<semaphore_mem>> -> memref<!tpu.dma_semaphore, #tpu.memory_space<semaphore_mem>>
      %dma_wait3A_1834 = arith.constant 0 : i32
      %dma_wait3A_1835 = tpu.memref_slice %arg5[%multiple_of3A_1825, %dma_wait3A_1834] : memref<8256x4096xf32, #tpu.memory_space<hbm>> -> memref<8x4096xf32, #tpu.memory_space<hbm>>
      %dma_wait3A_1836 = arith.constant 0 : i32
      %dma_wait3A_1837 = arith.constant 0 : i32
      %dma_wait3A_1838 = tpu.memref_slice %arg6[%dma_wait3A_1836, %dma_wait3A_1837] : memref<24x4096xf32, #tpu.memory_space<vmem>> -> memref<8x4096xf32, #tpu.memory_space<vmem>>
      tpu.wait_dma2 semaphore(%dma_wait3A_1833 : memref<!tpu.dma_semaphore, #tpu.memory_space<semaphore_mem>>) src(%dma_wait3A_1838 : memref<8x4096xf32, #tpu.memory_space<vmem>>) dst(%dma_wait3A_1835 : memref<8x4096xf32, #tpu.memory_space<hbm>>)
    } else {
    }
    %add3A_1633 = arith.constant 240 : i32
    %add3A_1634 = arith.addi %add3A_35, %add3A_1633 : i32
    %multiple_of3A_1635 = tpu.assume_multiple %add3A_1634, 8 : i32
    %dma_start3A_1636 = arith.constant 0 : i32
    %dma_start3A_1637 = arith.constant 0 : i32
    %dma_start3A_1638 = arith.constant 0 : i32
    %dma_start3A_1639 = tpu.memref_slice %arg6[%dma_start3A_1637, %dma_start3A_1638] : memref<24x4096xf32, #tpu.memory_space<vmem>> -> memref<8x4096xf32, #tpu.memory_space<vmem>>
    %dma_start3A_1640 = arith.constant 0 : i32
    %dma_start3A_1641 = tpu.memref_slice %arg2[%multiple_of3A_1635, %dma_start3A_1640] : memref<8192x4096xf32, #tpu.memory_space<hbm>> -> memref<8x4096xf32, #tpu.memory_space<hbm>>
    %dma_start3A_1642 = tpu.memref_slice %arg8[%dma_start3A_1636] : memref<3x!tpu.dma_semaphore, #tpu.memory_space<semaphore_mem>> -> memref<1x!tpu.dma_semaphore, #tpu.memory_space<semaphore_mem>>
    %dma_start3A_1643 = tpu.memref_squeeze %dma_start3A_1642 : memref<1x!tpu.dma_semaphore, #tpu.memory_space<semaphore_mem>> -> memref<!tpu.dma_semaphore, #tpu.memory_space<semaphore_mem>>
    %dma_start3A_1644 = arith.constant 0 : i32
    %dma_start3A_1645 = arith.constant 0 : i32
    %dma_start3A_1646 = tpu.memref_slice %arg6[%dma_start3A_1644, %dma_start3A_1645] : memref<24x4096xf32, #tpu.memory_space<vmem>> -> memref<8x4096xf32, #tpu.memory_space<vmem>>
    %dma_start3A_1647 = arith.constant 0 : i32
    %dma_start3A_1648 = tpu.memref_slice %arg2[%multiple_of3A_1635, %dma_start3A_1647] : memref<8192x4096xf32, #tpu.memory_space<hbm>> -> memref<8x4096xf32, #tpu.memory_space<hbm>>
    tpu.enqueue_dma source(%dma_start3A_1648 : memref<8x4096xf32, #tpu.memory_space<hbm>>) target(%dma_start3A_1646 : memref<8x4096xf32, #tpu.memory_space<vmem>>) target_semaphore(%dma_start3A_1643 : memref<!tpu.dma_semaphore, #tpu.memory_space<semaphore_mem>>)
    %dma_wait3A_1649 = arith.constant 2 : i32
    %dma_wait3A_1650 = arith.constant 16 : i32
    %dma_wait3A_1651 = arith.constant 0 : i32
    %dma_wait3A_1652 = tpu.memref_slice %arg6[%dma_wait3A_1650, %dma_wait3A_1651] : memref<24x4096xf32, #tpu.memory_space<vmem>> -> memref<8x4096xf32, #tpu.memory_space<vmem>>
    %dma_wait3A_1653 = arith.constant 0 : i32
    %dma_wait3A_1654 = arith.constant 0 : i32
    %dma_wait3A_1655 = tpu.memref_slice %arg2[%dma_wait3A_1653, %dma_wait3A_1654] : memref<8192x4096xf32, #tpu.memory_space<hbm>> -> memref<8x4096xf32, #tpu.memory_space<hbm>>
    %dma_wait3A_1656 = tpu.memref_slice %arg8[%dma_wait3A_1649] : memref<3x!tpu.dma_semaphore, #tpu.memory_space<semaphore_mem>> -> memref<1x!tpu.dma_semaphore, #tpu.memory_space<semaphore_mem>>
    %dma_wait3A_1657 = tpu.memref_squeeze %dma_wait3A_1656 : memref<1x!tpu.dma_semaphore, #tpu.memory_space<semaphore_mem>> -> memref<!tpu.dma_semaphore, #tpu.memory_space<semaphore_mem>>
    %dma_wait3A_1658 = arith.constant 16 : i32
    %dma_wait3A_1659 = arith.constant 0 : i32
    %dma_wait3A_1660 = tpu.memref_slice %arg6[%dma_wait3A_1658, %dma_wait3A_1659] : memref<24x4096xf32, #tpu.memory_space<vmem>> -> memref<8x4096xf32, #tpu.memory_space<vmem>>
    %dma_wait3A_1661 = arith.constant 0 : i32
    %dma_wait3A_1662 = arith.constant 0 : i32
    %dma_wait3A_1663 = tpu.memref_slice %arg2[%dma_wait3A_1661, %dma_wait3A_1662] : memref<8192x4096xf32, #tpu.memory_space<hbm>> -> memref<8x4096xf32, #tpu.memory_space<hbm>>
    tpu.wait_dma2 semaphore(%dma_wait3A_1657 : memref<!tpu.dma_semaphore, #tpu.memory_space<semaphore_mem>>) src(%dma_wait3A_1663 : memref<8x4096xf32, #tpu.memory_space<hbm>>) dst(%dma_wait3A_1660 : memref<8x4096xf32, #tpu.memory_space<vmem>>)
    %add3A_1664 = arith.constant 232 : i32
    %add3A_1665 = arith.addi %mul3A_32, %add3A_1664 : i32
    %lt3A_1666 = arith.cmpi slt, %add3A_1665, %squeeze3A : i32
    %convert_element_type3A_1667 = arith.extui %lt3A_1666 : i1 to i32
    %cond3A_1668 = arith.constant 0 : i32
    %cond3A_1669 = arith.cmpi ne, %convert_element_type3A_1667, %cond3A_1668 : i32
    scf.if %cond3A_1669 {
      %add3A_1822 = arith.addi %mul3A_37, %add3A_1665 : i32
      %multiple_of3A_1823 = tpu.assume_multiple %add3A_1822, 8 : i32
      %dma_start3A_1824 = arith.constant 2 : i32
      %dma_start3A_1825 = arith.constant 16 : i32
      %dma_start3A_1826 = arith.constant 0 : i32
      %dma_start3A_1827 = tpu.memref_slice %arg6[%dma_start3A_1825, %dma_start3A_1826] : memref<24x4096xf32, #tpu.memory_space<vmem>> -> memref<8x4096xf32, #tpu.memory_space<vmem>>
      %dma_start3A_1828 = arith.constant 0 : i32
      %dma_start3A_1829 = tpu.memref_slice %arg5[%multiple_of3A_1823, %dma_start3A_1828] : memref<8256x4096xf32, #tpu.memory_space<hbm>> -> memref<8x4096xf32, #tpu.memory_space<hbm>>
      %dma_start3A_1830 = tpu.memref_slice %arg9[%dma_start3A_1824] : memref<3x!tpu.dma_semaphore, #tpu.memory_space<semaphore_mem>> -> memref<1x!tpu.dma_semaphore, #tpu.memory_space<semaphore_mem>>
      %dma_start3A_1831 = tpu.memref_squeeze %dma_start3A_1830 : memref<1x!tpu.dma_semaphore, #tpu.memory_space<semaphore_mem>> -> memref<!tpu.dma_semaphore, #tpu.memory_space<semaphore_mem>>
      %dma_start3A_1832 = arith.constant 0 : i32
      %dma_start3A_1833 = tpu.memref_slice %arg5[%multiple_of3A_1823, %dma_start3A_1832] : memref<8256x4096xf32, #tpu.memory_space<hbm>> -> memref<8x4096xf32, #tpu.memory_space<hbm>>
      %dma_start3A_1834 = arith.constant 16 : i32
      %dma_start3A_1835 = arith.constant 0 : i32
      %dma_start3A_1836 = tpu.memref_slice %arg6[%dma_start3A_1834, %dma_start3A_1835] : memref<24x4096xf32, #tpu.memory_space<vmem>> -> memref<8x4096xf32, #tpu.memory_space<vmem>>
      tpu.enqueue_dma source(%dma_start3A_1836 : memref<8x4096xf32, #tpu.memory_space<vmem>>) target(%dma_start3A_1833 : memref<8x4096xf32, #tpu.memory_space<hbm>>) target_semaphore(%dma_start3A_1831 : memref<!tpu.dma_semaphore, #tpu.memory_space<semaphore_mem>>)
    } else {
    }
    %add3A_1670 = arith.constant 8 : i32
    %add3A_1671 = arith.addi %add3A_1665, %add3A_1670 : i32
    %gt3A_1672 = arith.cmpi sgt, %add3A_1671, %squeeze3A : i32
    %convert_element_type3A_1673 = arith.extui %gt3A_1672 : i1 to i32
    %cond3A_1674 = arith.constant 0 : i32
    %cond3A_1675 = arith.cmpi ne, %convert_element_type3A_1673, %cond3A_1674 : i32
    scf.if %cond3A_1675 {
      %add3A_1822 = arith.addi %mul3A_37, %add3A_1665 : i32
      %add3A_1823 = arith.constant 16 : i32
      %add3A_1824 = arith.addi %add3A_1822, %add3A_1823 : i32
      %multiple_of3A_1825 = tpu.assume_multiple %add3A_1824, 8 : i32
      %dma_start3A_1826 = arith.constant 2 : i32
      %dma_start3A_1827 = arith.constant 16 : i32
      %dma_start3A_1828 = arith.constant 0 : i32
      %dma_start3A_1829 = tpu.memref_slice %arg6[%dma_start3A_1827, %dma_start3A_1828] : memref<24x4096xf32, #tpu.memory_space<vmem>> -> memref<8x4096xf32, #tpu.memory_space<vmem>>
      %dma_start3A_1830 = arith.constant 0 : i32
      %dma_start3A_1831 = tpu.memref_slice %arg5[%multiple_of3A_1825, %dma_start3A_1830] : memref<8256x4096xf32, #tpu.memory_space<hbm>> -> memref<8x4096xf32, #tpu.memory_space<hbm>>
      %dma_start3A_1832 = tpu.memref_slice %arg9[%dma_start3A_1826] : memref<3x!tpu.dma_semaphore, #tpu.memory_space<semaphore_mem>> -> memref<1x!tpu.dma_semaphore, #tpu.memory_space<semaphore_mem>>
      %dma_start3A_1833 = tpu.memref_squeeze %dma_start3A_1832 : memref<1x!tpu.dma_semaphore, #tpu.memory_space<semaphore_mem>> -> memref<!tpu.dma_semaphore, #tpu.memory_space<semaphore_mem>>
      %dma_start3A_1834 = arith.constant 0 : i32
      %dma_start3A_1835 = tpu.memref_slice %arg5[%multiple_of3A_1825, %dma_start3A_1834] : memref<8256x4096xf32, #tpu.memory_space<hbm>> -> memref<8x4096xf32, #tpu.memory_space<hbm>>
      %dma_start3A_1836 = arith.constant 16 : i32
      %dma_start3A_1837 = arith.constant 0 : i32
      %dma_start3A_1838 = tpu.memref_slice %arg6[%dma_start3A_1836, %dma_start3A_1837] : memref<24x4096xf32, #tpu.memory_space<vmem>> -> memref<8x4096xf32, #tpu.memory_space<vmem>>
      tpu.enqueue_dma source(%dma_start3A_1838 : memref<8x4096xf32, #tpu.memory_space<vmem>>) target(%dma_start3A_1835 : memref<8x4096xf32, #tpu.memory_space<hbm>>) target_semaphore(%dma_start3A_1833 : memref<!tpu.dma_semaphore, #tpu.memory_space<semaphore_mem>>)
    } else {
    }
    %add3A_1676 = arith.constant 224 : i32
    %add3A_1677 = arith.addi %mul3A_32, %add3A_1676 : i32
    %lt3A_1678 = arith.cmpi slt, %add3A_1677, %squeeze3A : i32
    %convert_element_type3A_1679 = arith.extui %lt3A_1678 : i1 to i32
    %cond3A_1680 = arith.constant 0 : i32
    %cond3A_1681 = arith.cmpi ne, %convert_element_type3A_1679, %cond3A_1680 : i32
    scf.if %cond3A_1681 {
      %add3A_1822 = arith.addi %mul3A_37, %add3A_1677 : i32
      %multiple_of3A_1823 = tpu.assume_multiple %add3A_1822, 8 : i32
      %dma_wait3A_1824 = arith.constant 1 : i32
      %dma_wait3A_1825 = arith.constant 8 : i32
      %dma_wait3A_1826 = arith.constant 0 : i32
      %dma_wait3A_1827 = tpu.memref_slice %arg6[%dma_wait3A_1825, %dma_wait3A_1826] : memref<24x4096xf32, #tpu.memory_space<vmem>> -> memref<8x4096xf32, #tpu.memory_space<vmem>>
      %dma_wait3A_1828 = arith.constant 0 : i32
      %dma_wait3A_1829 = tpu.memref_slice %arg5[%multiple_of3A_1823, %dma_wait3A_1828] : memref<8256x4096xf32, #tpu.memory_space<hbm>> -> memref<8x4096xf32, #tpu.memory_space<hbm>>
      %dma_wait3A_1830 = tpu.memref_slice %arg9[%dma_wait3A_1824] : memref<3x!tpu.dma_semaphore, #tpu.memory_space<semaphore_mem>> -> memref<1x!tpu.dma_semaphore, #tpu.memory_space<semaphore_mem>>
      %dma_wait3A_1831 = tpu.memref_squeeze %dma_wait3A_1830 : memref<1x!tpu.dma_semaphore, #tpu.memory_space<semaphore_mem>> -> memref<!tpu.dma_semaphore, #tpu.memory_space<semaphore_mem>>
      %dma_wait3A_1832 = arith.constant 0 : i32
      %dma_wait3A_1833 = tpu.memref_slice %arg5[%multiple_of3A_1823, %dma_wait3A_1832] : memref<8256x4096xf32, #tpu.memory_space<hbm>> -> memref<8x4096xf32, #tpu.memory_space<hbm>>
      %dma_wait3A_1834 = arith.constant 8 : i32
      %dma_wait3A_1835 = arith.constant 0 : i32
      %dma_wait3A_1836 = tpu.memref_slice %arg6[%dma_wait3A_1834, %dma_wait3A_1835] : memref<24x4096xf32, #tpu.memory_space<vmem>> -> memref<8x4096xf32, #tpu.memory_space<vmem>>
      tpu.wait_dma2 semaphore(%dma_wait3A_1831 : memref<!tpu.dma_semaphore, #tpu.memory_space<semaphore_mem>>) src(%dma_wait3A_1836 : memref<8x4096xf32, #tpu.memory_space<vmem>>) dst(%dma_wait3A_1833 : memref<8x4096xf32, #tpu.memory_space<hbm>>)
    } else {
    }
    %add3A_1682 = arith.constant 8 : i32
    %add3A_1683 = arith.addi %add3A_1677, %add3A_1682 : i32
    %gt3A_1684 = arith.cmpi sgt, %add3A_1683, %squeeze3A : i32
    %convert_element_type3A_1685 = arith.extui %gt3A_1684 : i1 to i32
    %cond3A_1686 = arith.constant 0 : i32
    %cond3A_1687 = arith.cmpi ne, %convert_element_type3A_1685, %cond3A_1686 : i32
    scf.if %cond3A_1687 {
      %add3A_1822 = arith.addi %mul3A_37, %add3A_1677 : i32
      %add3A_1823 = arith.constant 16 : i32
      %add3A_1824 = arith.addi %add3A_1822, %add3A_1823 : i32
      %multiple_of3A_1825 = tpu.assume_multiple %add3A_1824, 8 : i32
      %dma_wait3A_1826 = arith.constant 1 : i32
      %dma_wait3A_1827 = arith.constant 8 : i32
      %dma_wait3A_1828 = arith.constant 0 : i32
      %dma_wait3A_1829 = tpu.memref_slice %arg6[%dma_wait3A_1827, %dma_wait3A_1828] : memref<24x4096xf32, #tpu.memory_space<vmem>> -> memref<8x4096xf32, #tpu.memory_space<vmem>>
      %dma_wait3A_1830 = arith.constant 0 : i32
      %dma_wait3A_1831 = tpu.memref_slice %arg5[%multiple_of3A_1825, %dma_wait3A_1830] : memref<8256x4096xf32, #tpu.memory_space<hbm>> -> memref<8x4096xf32, #tpu.memory_space<hbm>>
      %dma_wait3A_1832 = tpu.memref_slice %arg9[%dma_wait3A_1826] : memref<3x!tpu.dma_semaphore, #tpu.memory_space<semaphore_mem>> -> memref<1x!tpu.dma_semaphore, #tpu.memory_space<semaphore_mem>>
      %dma_wait3A_1833 = tpu.memref_squeeze %dma_wait3A_1832 : memref<1x!tpu.dma_semaphore, #tpu.memory_space<semaphore_mem>> -> memref<!tpu.dma_semaphore, #tpu.memory_space<semaphore_mem>>
      %dma_wait3A_1834 = arith.constant 0 : i32
      %dma_wait3A_1835 = tpu.memref_slice %arg5[%multiple_of3A_1825, %dma_wait3A_1834] : memref<8256x4096xf32, #tpu.memory_space<hbm>> -> memref<8x4096xf32, #tpu.memory_space<hbm>>
      %dma_wait3A_1836 = arith.constant 8 : i32
      %dma_wait3A_1837 = arith.constant 0 : i32
      %dma_wait3A_1838 = tpu.memref_slice %arg6[%dma_wait3A_1836, %dma_wait3A_1837] : memref<24x4096xf32, #tpu.memory_space<vmem>> -> memref<8x4096xf32, #tpu.memory_space<vmem>>
      tpu.wait_dma2 semaphore(%dma_wait3A_1833 : memref<!tpu.dma_semaphore, #tpu.memory_space<semaphore_mem>>) src(%dma_wait3A_1838 : memref<8x4096xf32, #tpu.memory_space<vmem>>) dst(%dma_wait3A_1835 : memref<8x4096xf32, #tpu.memory_space<hbm>>)
    } else {
    }
    %add3A_1688 = arith.constant 248 : i32
    %add3A_1689 = arith.addi %add3A_35, %add3A_1688 : i32
    %multiple_of3A_1690 = tpu.assume_multiple %add3A_1689, 8 : i32
    %dma_start3A_1691 = arith.constant 1 : i32
    %dma_start3A_1692 = arith.constant 8 : i32
    %dma_start3A_1693 = arith.constant 0 : i32
    %dma_start3A_1694 = tpu.memref_slice %arg6[%dma_start3A_1692, %dma_start3A_1693] : memref<24x4096xf32, #tpu.memory_space<vmem>> -> memref<8x4096xf32, #tpu.memory_space<vmem>>
    %dma_start3A_1695 = arith.constant 0 : i32
    %dma_start3A_1696 = tpu.memref_slice %arg2[%multiple_of3A_1690, %dma_start3A_1695] : memref<8192x4096xf32, #tpu.memory_space<hbm>> -> memref<8x4096xf32, #tpu.memory_space<hbm>>
    %dma_start3A_1697 = tpu.memref_slice %arg8[%dma_start3A_1691] : memref<3x!tpu.dma_semaphore, #tpu.memory_space<semaphore_mem>> -> memref<1x!tpu.dma_semaphore, #tpu.memory_space<semaphore_mem>>
    %dma_start3A_1698 = tpu.memref_squeeze %dma_start3A_1697 : memref<1x!tpu.dma_semaphore, #tpu.memory_space<semaphore_mem>> -> memref<!tpu.dma_semaphore, #tpu.memory_space<semaphore_mem>>
    %dma_start3A_1699 = arith.constant 8 : i32
    %dma_start3A_1700 = arith.constant 0 : i32
    %dma_start3A_1701 = tpu.memref_slice %arg6[%dma_start3A_1699, %dma_start3A_1700] : memref<24x4096xf32, #tpu.memory_space<vmem>> -> memref<8x4096xf32, #tpu.memory_space<vmem>>
    %dma_start3A_1702 = arith.constant 0 : i32
    %dma_start3A_1703 = tpu.memref_slice %arg2[%multiple_of3A_1690, %dma_start3A_1702] : memref<8192x4096xf32, #tpu.memory_space<hbm>> -> memref<8x4096xf32, #tpu.memory_space<hbm>>
    tpu.enqueue_dma source(%dma_start3A_1703 : memref<8x4096xf32, #tpu.memory_space<hbm>>) target(%dma_start3A_1701 : memref<8x4096xf32, #tpu.memory_space<vmem>>) target_semaphore(%dma_start3A_1698 : memref<!tpu.dma_semaphore, #tpu.memory_space<semaphore_mem>>)
    %dma_wait3A_1704 = arith.constant 0 : i32
    %dma_wait3A_1705 = arith.constant 0 : i32
    %dma_wait3A_1706 = arith.constant 0 : i32
    %dma_wait3A_1707 = tpu.memref_slice %arg6[%dma_wait3A_1705, %dma_wait3A_1706] : memref<24x4096xf32, #tpu.memory_space<vmem>> -> memref<8x4096xf32, #tpu.memory_space<vmem>>
    %dma_wait3A_1708 = arith.constant 0 : i32
    %dma_wait3A_1709 = arith.constant 0 : i32
    %dma_wait3A_1710 = tpu.memref_slice %arg2[%dma_wait3A_1708, %dma_wait3A_1709] : memref<8192x4096xf32, #tpu.memory_space<hbm>> -> memref<8x4096xf32, #tpu.memory_space<hbm>>
    %dma_wait3A_1711 = tpu.memref_slice %arg8[%dma_wait3A_1704] : memref<3x!tpu.dma_semaphore, #tpu.memory_space<semaphore_mem>> -> memref<1x!tpu.dma_semaphore, #tpu.memory_space<semaphore_mem>>
    %dma_wait3A_1712 = tpu.memref_squeeze %dma_wait3A_1711 : memref<1x!tpu.dma_semaphore, #tpu.memory_space<semaphore_mem>> -> memref<!tpu.dma_semaphore, #tpu.memory_space<semaphore_mem>>
    %dma_wait3A_1713 = arith.constant 0 : i32
    %dma_wait3A_1714 = arith.constant 0 : i32
    %dma_wait3A_1715 = tpu.memref_slice %arg6[%dma_wait3A_1713, %dma_wait3A_1714] : memref<24x4096xf32, #tpu.memory_space<vmem>> -> memref<8x4096xf32, #tpu.memory_space<vmem>>
    %dma_wait3A_1716 = arith.constant 0 : i32
    %dma_wait3A_1717 = arith.constant 0 : i32
    %dma_wait3A_1718 = tpu.memref_slice %arg2[%dma_wait3A_1716, %dma_wait3A_1717] : memref<8192x4096xf32, #tpu.memory_space<hbm>> -> memref<8x4096xf32, #tpu.memory_space<hbm>>
    tpu.wait_dma2 semaphore(%dma_wait3A_1712 : memref<!tpu.dma_semaphore, #tpu.memory_space<semaphore_mem>>) src(%dma_wait3A_1718 : memref<8x4096xf32, #tpu.memory_space<hbm>>) dst(%dma_wait3A_1715 : memref<8x4096xf32, #tpu.memory_space<vmem>>)
    %add3A_1719 = arith.constant 240 : i32
    %add3A_1720 = arith.addi %mul3A_32, %add3A_1719 : i32
    %lt3A_1721 = arith.cmpi slt, %add3A_1720, %squeeze3A : i32
    %convert_element_type3A_1722 = arith.extui %lt3A_1721 : i1 to i32
    %cond3A_1723 = arith.constant 0 : i32
    %cond3A_1724 = arith.cmpi ne, %convert_element_type3A_1722, %cond3A_1723 : i32
    scf.if %cond3A_1724 {
      %add3A_1822 = arith.addi %mul3A_37, %add3A_1720 : i32
      %multiple_of3A_1823 = tpu.assume_multiple %add3A_1822, 8 : i32
      %dma_start3A_1824 = arith.constant 0 : i32
      %dma_start3A_1825 = arith.constant 0 : i32
      %dma_start3A_1826 = arith.constant 0 : i32
      %dma_start3A_1827 = tpu.memref_slice %arg6[%dma_start3A_1825, %dma_start3A_1826] : memref<24x4096xf32, #tpu.memory_space<vmem>> -> memref<8x4096xf32, #tpu.memory_space<vmem>>
      %dma_start3A_1828 = arith.constant 0 : i32
      %dma_start3A_1829 = tpu.memref_slice %arg5[%multiple_of3A_1823, %dma_start3A_1828] : memref<8256x4096xf32, #tpu.memory_space<hbm>> -> memref<8x4096xf32, #tpu.memory_space<hbm>>
      %dma_start3A_1830 = tpu.memref_slice %arg9[%dma_start3A_1824] : memref<3x!tpu.dma_semaphore, #tpu.memory_space<semaphore_mem>> -> memref<1x!tpu.dma_semaphore, #tpu.memory_space<semaphore_mem>>
      %dma_start3A_1831 = tpu.memref_squeeze %dma_start3A_1830 : memref<1x!tpu.dma_semaphore, #tpu.memory_space<semaphore_mem>> -> memref<!tpu.dma_semaphore, #tpu.memory_space<semaphore_mem>>
      %dma_start3A_1832 = arith.constant 0 : i32
      %dma_start3A_1833 = tpu.memref_slice %arg5[%multiple_of3A_1823, %dma_start3A_1832] : memref<8256x4096xf32, #tpu.memory_space<hbm>> -> memref<8x4096xf32, #tpu.memory_space<hbm>>
      %dma_start3A_1834 = arith.constant 0 : i32
      %dma_start3A_1835 = arith.constant 0 : i32
      %dma_start3A_1836 = tpu.memref_slice %arg6[%dma_start3A_1834, %dma_start3A_1835] : memref<24x4096xf32, #tpu.memory_space<vmem>> -> memref<8x4096xf32, #tpu.memory_space<vmem>>
      tpu.enqueue_dma source(%dma_start3A_1836 : memref<8x4096xf32, #tpu.memory_space<vmem>>) target(%dma_start3A_1833 : memref<8x4096xf32, #tpu.memory_space<hbm>>) target_semaphore(%dma_start3A_1831 : memref<!tpu.dma_semaphore, #tpu.memory_space<semaphore_mem>>)
    } else {
    }
    %add3A_1725 = arith.constant 8 : i32
    %add3A_1726 = arith.addi %add3A_1720, %add3A_1725 : i32
    %gt3A_1727 = arith.cmpi sgt, %add3A_1726, %squeeze3A : i32
    %convert_element_type3A_1728 = arith.extui %gt3A_1727 : i1 to i32
    %cond3A_1729 = arith.constant 0 : i32
    %cond3A_1730 = arith.cmpi ne, %convert_element_type3A_1728, %cond3A_1729 : i32
    scf.if %cond3A_1730 {
      %add3A_1822 = arith.addi %mul3A_37, %add3A_1720 : i32
      %add3A_1823 = arith.constant 16 : i32
      %add3A_1824 = arith.addi %add3A_1822, %add3A_1823 : i32
      %multiple_of3A_1825 = tpu.assume_multiple %add3A_1824, 8 : i32
      %dma_start3A_1826 = arith.constant 0 : i32
      %dma_start3A_1827 = arith.constant 0 : i32
      %dma_start3A_1828 = arith.constant 0 : i32
      %dma_start3A_1829 = tpu.memref_slice %arg6[%dma_start3A_1827, %dma_start3A_1828] : memref<24x4096xf32, #tpu.memory_space<vmem>> -> memref<8x4096xf32, #tpu.memory_space<vmem>>
      %dma_start3A_1830 = arith.constant 0 : i32
      %dma_start3A_1831 = tpu.memref_slice %arg5[%multiple_of3A_1825, %dma_start3A_1830] : memref<8256x4096xf32, #tpu.memory_space<hbm>> -> memref<8x4096xf32, #tpu.memory_space<hbm>>
      %dma_start3A_1832 = tpu.memref_slice %arg9[%dma_start3A_1826] : memref<3x!tpu.dma_semaphore, #tpu.memory_space<semaphore_mem>> -> memref<1x!tpu.dma_semaphore, #tpu.memory_space<semaphore_mem>>
      %dma_start3A_1833 = tpu.memref_squeeze %dma_start3A_1832 : memref<1x!tpu.dma_semaphore, #tpu.memory_space<semaphore_mem>> -> memref<!tpu.dma_semaphore, #tpu.memory_space<semaphore_mem>>
      %dma_start3A_1834 = arith.constant 0 : i32
      %dma_start3A_1835 = tpu.memref_slice %arg5[%multiple_of3A_1825, %dma_start3A_1834] : memref<8256x4096xf32, #tpu.memory_space<hbm>> -> memref<8x4096xf32, #tpu.memory_space<hbm>>
      %dma_start3A_1836 = arith.constant 0 : i32
      %dma_start3A_1837 = arith.constant 0 : i32
      %dma_start3A_1838 = tpu.memref_slice %arg6[%dma_start3A_1836, %dma_start3A_1837] : memref<24x4096xf32, #tpu.memory_space<vmem>> -> memref<8x4096xf32, #tpu.memory_space<vmem>>
      tpu.enqueue_dma source(%dma_start3A_1838 : memref<8x4096xf32, #tpu.memory_space<vmem>>) target(%dma_start3A_1835 : memref<8x4096xf32, #tpu.memory_space<hbm>>) target_semaphore(%dma_start3A_1833 : memref<!tpu.dma_semaphore, #tpu.memory_space<semaphore_mem>>)
    } else {
    }
    %add3A_1731 = arith.constant 232 : i32
    %add3A_1732 = arith.addi %mul3A_32, %add3A_1731 : i32
    %lt3A_1733 = arith.cmpi slt, %add3A_1732, %squeeze3A : i32
    %convert_element_type3A_1734 = arith.extui %lt3A_1733 : i1 to i32
    %cond3A_1735 = arith.constant 0 : i32
    %cond3A_1736 = arith.cmpi ne, %convert_element_type3A_1734, %cond3A_1735 : i32
    scf.if %cond3A_1736 {
      %add3A_1822 = arith.addi %mul3A_37, %add3A_1732 : i32
      %multiple_of3A_1823 = tpu.assume_multiple %add3A_1822, 8 : i32
      %dma_wait3A_1824 = arith.constant 2 : i32
      %dma_wait3A_1825 = arith.constant 16 : i32
      %dma_wait3A_1826 = arith.constant 0 : i32
      %dma_wait3A_1827 = tpu.memref_slice %arg6[%dma_wait3A_1825, %dma_wait3A_1826] : memref<24x4096xf32, #tpu.memory_space<vmem>> -> memref<8x4096xf32, #tpu.memory_space<vmem>>
      %dma_wait3A_1828 = arith.constant 0 : i32
      %dma_wait3A_1829 = tpu.memref_slice %arg5[%multiple_of3A_1823, %dma_wait3A_1828] : memref<8256x4096xf32, #tpu.memory_space<hbm>> -> memref<8x4096xf32, #tpu.memory_space<hbm>>
      %dma_wait3A_1830 = tpu.memref_slice %arg9[%dma_wait3A_1824] : memref<3x!tpu.dma_semaphore, #tpu.memory_space<semaphore_mem>> -> memref<1x!tpu.dma_semaphore, #tpu.memory_space<semaphore_mem>>
      %dma_wait3A_1831 = tpu.memref_squeeze %dma_wait3A_1830 : memref<1x!tpu.dma_semaphore, #tpu.memory_space<semaphore_mem>> -> memref<!tpu.dma_semaphore, #tpu.memory_space<semaphore_mem>>
      %dma_wait3A_1832 = arith.constant 0 : i32
      %dma_wait3A_1833 = tpu.memref_slice %arg5[%multiple_of3A_1823, %dma_wait3A_1832] : memref<8256x4096xf32, #tpu.memory_space<hbm>> -> memref<8x4096xf32, #tpu.memory_space<hbm>>
      %dma_wait3A_1834 = arith.constant 16 : i32
      %dma_wait3A_1835 = arith.constant 0 : i32
      %dma_wait3A_1836 = tpu.memref_slice %arg6[%dma_wait3A_1834, %dma_wait3A_1835] : memref<24x4096xf32, #tpu.memory_space<vmem>> -> memref<8x4096xf32, #tpu.memory_space<vmem>>
      tpu.wait_dma2 semaphore(%dma_wait3A_1831 : memref<!tpu.dma_semaphore, #tpu.memory_space<semaphore_mem>>) src(%dma_wait3A_1836 : memref<8x4096xf32, #tpu.memory_space<vmem>>) dst(%dma_wait3A_1833 : memref<8x4096xf32, #tpu.memory_space<hbm>>)
    } else {
    }
    %add3A_1737 = arith.constant 8 : i32
    %add3A_1738 = arith.addi %add3A_1732, %add3A_1737 : i32
    %gt3A_1739 = arith.cmpi sgt, %add3A_1738, %squeeze3A : i32
    %convert_element_type3A_1740 = arith.extui %gt3A_1739 : i1 to i32
    %cond3A_1741 = arith.constant 0 : i32
    %cond3A_1742 = arith.cmpi ne, %convert_element_type3A_1740, %cond3A_1741 : i32
    scf.if %cond3A_1742 {
      %add3A_1822 = arith.addi %mul3A_37, %add3A_1732 : i32
      %add3A_1823 = arith.constant 16 : i32
      %add3A_1824 = arith.addi %add3A_1822, %add3A_1823 : i32
      %multiple_of3A_1825 = tpu.assume_multiple %add3A_1824, 8 : i32
      %dma_wait3A_1826 = arith.constant 2 : i32
      %dma_wait3A_1827 = arith.constant 16 : i32
      %dma_wait3A_1828 = arith.constant 0 : i32
      %dma_wait3A_1829 = tpu.memref_slice %arg6[%dma_wait3A_1827, %dma_wait3A_1828] : memref<24x4096xf32, #tpu.memory_space<vmem>> -> memref<8x4096xf32, #tpu.memory_space<vmem>>
      %dma_wait3A_1830 = arith.constant 0 : i32
      %dma_wait3A_1831 = tpu.memref_slice %arg5[%multiple_of3A_1825, %dma_wait3A_1830] : memref<8256x4096xf32, #tpu.memory_space<hbm>> -> memref<8x4096xf32, #tpu.memory_space<hbm>>
      %dma_wait3A_1832 = tpu.memref_slice %arg9[%dma_wait3A_1826] : memref<3x!tpu.dma_semaphore, #tpu.memory_space<semaphore_mem>> -> memref<1x!tpu.dma_semaphore, #tpu.memory_space<semaphore_mem>>
      %dma_wait3A_1833 = tpu.memref_squeeze %dma_wait3A_1832 : memref<1x!tpu.dma_semaphore, #tpu.memory_space<semaphore_mem>> -> memref<!tpu.dma_semaphore, #tpu.memory_space<semaphore_mem>>
      %dma_wait3A_1834 = arith.constant 0 : i32
      %dma_wait3A_1835 = tpu.memref_slice %arg5[%multiple_of3A_1825, %dma_wait3A_1834] : memref<8256x4096xf32, #tpu.memory_space<hbm>> -> memref<8x4096xf32, #tpu.memory_space<hbm>>
      %dma_wait3A_1836 = arith.constant 16 : i32
      %dma_wait3A_1837 = arith.constant 0 : i32
      %dma_wait3A_1838 = tpu.memref_slice %arg6[%dma_wait3A_1836, %dma_wait3A_1837] : memref<24x4096xf32, #tpu.memory_space<vmem>> -> memref<8x4096xf32, #tpu.memory_space<vmem>>
      tpu.wait_dma2 semaphore(%dma_wait3A_1833 : memref<!tpu.dma_semaphore, #tpu.memory_space<semaphore_mem>>) src(%dma_wait3A_1838 : memref<8x4096xf32, #tpu.memory_space<vmem>>) dst(%dma_wait3A_1835 : memref<8x4096xf32, #tpu.memory_space<hbm>>)
    } else {
    }
    %dma_wait3A_1743 = arith.constant 1 : i32
    %dma_wait3A_1744 = arith.constant 8 : i32
    %dma_wait3A_1745 = arith.constant 0 : i32
    %dma_wait3A_1746 = tpu.memref_slice %arg6[%dma_wait3A_1744, %dma_wait3A_1745] : memref<24x4096xf32, #tpu.memory_space<vmem>> -> memref<8x4096xf32, #tpu.memory_space<vmem>>
    %dma_wait3A_1747 = arith.constant 0 : i32
    %dma_wait3A_1748 = arith.constant 0 : i32
    %dma_wait3A_1749 = tpu.memref_slice %arg2[%dma_wait3A_1747, %dma_wait3A_1748] : memref<8192x4096xf32, #tpu.memory_space<hbm>> -> memref<8x4096xf32, #tpu.memory_space<hbm>>
    %dma_wait3A_1750 = tpu.memref_slice %arg8[%dma_wait3A_1743] : memref<3x!tpu.dma_semaphore, #tpu.memory_space<semaphore_mem>> -> memref<1x!tpu.dma_semaphore, #tpu.memory_space<semaphore_mem>>
    %dma_wait3A_1751 = tpu.memref_squeeze %dma_wait3A_1750 : memref<1x!tpu.dma_semaphore, #tpu.memory_space<semaphore_mem>> -> memref<!tpu.dma_semaphore, #tpu.memory_space<semaphore_mem>>
    %dma_wait3A_1752 = arith.constant 8 : i32
    %dma_wait3A_1753 = arith.constant 0 : i32
    %dma_wait3A_1754 = tpu.memref_slice %arg6[%dma_wait3A_1752, %dma_wait3A_1753] : memref<24x4096xf32, #tpu.memory_space<vmem>> -> memref<8x4096xf32, #tpu.memory_space<vmem>>
    %dma_wait3A_1755 = arith.constant 0 : i32
    %dma_wait3A_1756 = arith.constant 0 : i32
    %dma_wait3A_1757 = tpu.memref_slice %arg2[%dma_wait3A_1755, %dma_wait3A_1756] : memref<8192x4096xf32, #tpu.memory_space<hbm>> -> memref<8x4096xf32, #tpu.memory_space<hbm>>
    tpu.wait_dma2 semaphore(%dma_wait3A_1751 : memref<!tpu.dma_semaphore, #tpu.memory_space<semaphore_mem>>) src(%dma_wait3A_1757 : memref<8x4096xf32, #tpu.memory_space<hbm>>) dst(%dma_wait3A_1754 : memref<8x4096xf32, #tpu.memory_space<vmem>>)
    %add3A_1758 = arith.constant 248 : i32
    %add3A_1759 = arith.addi %mul3A_32, %add3A_1758 : i32
    %lt3A_1760 = arith.cmpi slt, %add3A_1759, %squeeze3A : i32
    %convert_element_type3A_1761 = arith.extui %lt3A_1760 : i1 to i32
    %cond3A_1762 = arith.constant 0 : i32
    %cond3A_1763 = arith.cmpi ne, %convert_element_type3A_1761, %cond3A_1762 : i32
    scf.if %cond3A_1763 {
      %add3A_1822 = arith.addi %mul3A_37, %add3A_1759 : i32
      %multiple_of3A_1823 = tpu.assume_multiple %add3A_1822, 8 : i32
      %dma_start3A_1824 = arith.constant 1 : i32
      %dma_start3A_1825 = arith.constant 8 : i32
      %dma_start3A_1826 = arith.constant 0 : i32
      %dma_start3A_1827 = tpu.memref_slice %arg6[%dma_start3A_1825, %dma_start3A_1826] : memref<24x4096xf32, #tpu.memory_space<vmem>> -> memref<8x4096xf32, #tpu.memory_space<vmem>>
      %dma_start3A_1828 = arith.constant 0 : i32
      %dma_start3A_1829 = tpu.memref_slice %arg5[%multiple_of3A_1823, %dma_start3A_1828] : memref<8256x4096xf32, #tpu.memory_space<hbm>> -> memref<8x4096xf32, #tpu.memory_space<hbm>>
      %dma_start3A_1830 = tpu.memref_slice %arg9[%dma_start3A_1824] : memref<3x!tpu.dma_semaphore, #tpu.memory_space<semaphore_mem>> -> memref<1x!tpu.dma_semaphore, #tpu.memory_space<semaphore_mem>>
      %dma_start3A_1831 = tpu.memref_squeeze %dma_start3A_1830 : memref<1x!tpu.dma_semaphore, #tpu.memory_space<semaphore_mem>> -> memref<!tpu.dma_semaphore, #tpu.memory_space<semaphore_mem>>
      %dma_start3A_1832 = arith.constant 0 : i32
      %dma_start3A_1833 = tpu.memref_slice %arg5[%multiple_of3A_1823, %dma_start3A_1832] : memref<8256x4096xf32, #tpu.memory_space<hbm>> -> memref<8x4096xf32, #tpu.memory_space<hbm>>
      %dma_start3A_1834 = arith.constant 8 : i32
      %dma_start3A_1835 = arith.constant 0 : i32
      %dma_start3A_1836 = tpu.memref_slice %arg6[%dma_start3A_1834, %dma_start3A_1835] : memref<24x4096xf32, #tpu.memory_space<vmem>> -> memref<8x4096xf32, #tpu.memory_space<vmem>>
      tpu.enqueue_dma source(%dma_start3A_1836 : memref<8x4096xf32, #tpu.memory_space<vmem>>) target(%dma_start3A_1833 : memref<8x4096xf32, #tpu.memory_space<hbm>>) target_semaphore(%dma_start3A_1831 : memref<!tpu.dma_semaphore, #tpu.memory_space<semaphore_mem>>)
    } else {
    }
    %add3A_1764 = arith.constant 8 : i32
    %add3A_1765 = arith.addi %add3A_1759, %add3A_1764 : i32
    %gt3A_1766 = arith.cmpi sgt, %add3A_1765, %squeeze3A : i32
    %convert_element_type3A_1767 = arith.extui %gt3A_1766 : i1 to i32
    %cond3A_1768 = arith.constant 0 : i32
    %cond3A_1769 = arith.cmpi ne, %convert_element_type3A_1767, %cond3A_1768 : i32
    scf.if %cond3A_1769 {
      %add3A_1822 = arith.addi %mul3A_37, %add3A_1759 : i32
      %add3A_1823 = arith.constant 16 : i32
      %add3A_1824 = arith.addi %add3A_1822, %add3A_1823 : i32
      %multiple_of3A_1825 = tpu.assume_multiple %add3A_1824, 8 : i32
      %dma_start3A_1826 = arith.constant 1 : i32
      %dma_start3A_1827 = arith.constant 8 : i32
      %dma_start3A_1828 = arith.constant 0 : i32
      %dma_start3A_1829 = tpu.memref_slice %arg6[%dma_start3A_1827, %dma_start3A_1828] : memref<24x4096xf32, #tpu.memory_space<vmem>> -> memref<8x4096xf32, #tpu.memory_space<vmem>>
      %dma_start3A_1830 = arith.constant 0 : i32
      %dma_start3A_1831 = tpu.memref_slice %arg5[%multiple_of3A_1825, %dma_start3A_1830] : memref<8256x4096xf32, #tpu.memory_space<hbm>> -> memref<8x4096xf32, #tpu.memory_space<hbm>>
      %dma_start3A_1832 = tpu.memref_slice %arg9[%dma_start3A_1826] : memref<3x!tpu.dma_semaphore, #tpu.memory_space<semaphore_mem>> -> memref<1x!tpu.dma_semaphore, #tpu.memory_space<semaphore_mem>>
      %dma_start3A_1833 = tpu.memref_squeeze %dma_start3A_1832 : memref<1x!tpu.dma_semaphore, #tpu.memory_space<semaphore_mem>> -> memref<!tpu.dma_semaphore, #tpu.memory_space<semaphore_mem>>
      %dma_start3A_1834 = arith.constant 0 : i32
      %dma_start3A_1835 = tpu.memref_slice %arg5[%multiple_of3A_1825, %dma_start3A_1834] : memref<8256x4096xf32, #tpu.memory_space<hbm>> -> memref<8x4096xf32, #tpu.memory_space<hbm>>
      %dma_start3A_1836 = arith.constant 8 : i32
      %dma_start3A_1837 = arith.constant 0 : i32
      %dma_start3A_1838 = tpu.memref_slice %arg6[%dma_start3A_1836, %dma_start3A_1837] : memref<24x4096xf32, #tpu.memory_space<vmem>> -> memref<8x4096xf32, #tpu.memory_space<vmem>>
      tpu.enqueue_dma source(%dma_start3A_1838 : memref<8x4096xf32, #tpu.memory_space<vmem>>) target(%dma_start3A_1835 : memref<8x4096xf32, #tpu.memory_space<hbm>>) target_semaphore(%dma_start3A_1833 : memref<!tpu.dma_semaphore, #tpu.memory_space<semaphore_mem>>)
    } else {
    }
    %add3A_1770 = arith.constant 240 : i32
    %add3A_1771 = arith.addi %mul3A_32, %add3A_1770 : i32
    %lt3A_1772 = arith.cmpi slt, %add3A_1771, %squeeze3A : i32
    %convert_element_type3A_1773 = arith.extui %lt3A_1772 : i1 to i32
    %cond3A_1774 = arith.constant 0 : i32
    %cond3A_1775 = arith.cmpi ne, %convert_element_type3A_1773, %cond3A_1774 : i32
    scf.if %cond3A_1775 {
      %add3A_1822 = arith.addi %mul3A_37, %add3A_1771 : i32
      %multiple_of3A_1823 = tpu.assume_multiple %add3A_1822, 8 : i32
      %dma_wait3A_1824 = arith.constant 0 : i32
      %dma_wait3A_1825 = arith.constant 0 : i32
      %dma_wait3A_1826 = arith.constant 0 : i32
      %dma_wait3A_1827 = tpu.memref_slice %arg6[%dma_wait3A_1825, %dma_wait3A_1826] : memref<24x4096xf32, #tpu.memory_space<vmem>> -> memref<8x4096xf32, #tpu.memory_space<vmem>>
      %dma_wait3A_1828 = arith.constant 0 : i32
      %dma_wait3A_1829 = tpu.memref_slice %arg5[%multiple_of3A_1823, %dma_wait3A_1828] : memref<8256x4096xf32, #tpu.memory_space<hbm>> -> memref<8x4096xf32, #tpu.memory_space<hbm>>
      %dma_wait3A_1830 = tpu.memref_slice %arg9[%dma_wait3A_1824] : memref<3x!tpu.dma_semaphore, #tpu.memory_space<semaphore_mem>> -> memref<1x!tpu.dma_semaphore, #tpu.memory_space<semaphore_mem>>
      %dma_wait3A_1831 = tpu.memref_squeeze %dma_wait3A_1830 : memref<1x!tpu.dma_semaphore, #tpu.memory_space<semaphore_mem>> -> memref<!tpu.dma_semaphore, #tpu.memory_space<semaphore_mem>>
      %dma_wait3A_1832 = arith.constant 0 : i32
      %dma_wait3A_1833 = tpu.memref_slice %arg5[%multiple_of3A_1823, %dma_wait3A_1832] : memref<8256x4096xf32, #tpu.memory_space<hbm>> -> memref<8x4096xf32, #tpu.memory_space<hbm>>
      %dma_wait3A_1834 = arith.constant 0 : i32
      %dma_wait3A_1835 = arith.constant 0 : i32
      %dma_wait3A_1836 = tpu.memref_slice %arg6[%dma_wait3A_1834, %dma_wait3A_1835] : memref<24x4096xf32, #tpu.memory_space<vmem>> -> memref<8x4096xf32, #tpu.memory_space<vmem>>
      tpu.wait_dma2 semaphore(%dma_wait3A_1831 : memref<!tpu.dma_semaphore, #tpu.memory_space<semaphore_mem>>) src(%dma_wait3A_1836 : memref<8x4096xf32, #tpu.memory_space<vmem>>) dst(%dma_wait3A_1833 : memref<8x4096xf32, #tpu.memory_space<hbm>>)
    } else {
    }
    %add3A_1776 = arith.constant 8 : i32
    %add3A_1777 = arith.addi %add3A_1771, %add3A_1776 : i32
    %gt3A_1778 = arith.cmpi sgt, %add3A_1777, %squeeze3A : i32
    %convert_element_type3A_1779 = arith.extui %gt3A_1778 : i1 to i32
    %cond3A_1780 = arith.constant 0 : i32
    %cond3A_1781 = arith.cmpi ne, %convert_element_type3A_1779, %cond3A_1780 : i32
    scf.if %cond3A_1781 {
      %add3A_1822 = arith.addi %mul3A_37, %add3A_1771 : i32
      %add3A_1823 = arith.constant 16 : i32
      %add3A_1824 = arith.addi %add3A_1822, %add3A_1823 : i32
      %multiple_of3A_1825 = tpu.assume_multiple %add3A_1824, 8 : i32
      %dma_wait3A_1826 = arith.constant 0 : i32
      %dma_wait3A_1827 = arith.constant 0 : i32
      %dma_wait3A_1828 = arith.constant 0 : i32
      %dma_wait3A_1829 = tpu.memref_slice %arg6[%dma_wait3A_1827, %dma_wait3A_1828] : memref<24x4096xf32, #tpu.memory_space<vmem>> -> memref<8x4096xf32, #tpu.memory_space<vmem>>
      %dma_wait3A_1830 = arith.constant 0 : i32
      %dma_wait3A_1831 = tpu.memref_slice %arg5[%multiple_of3A_1825, %dma_wait3A_1830] : memref<8256x4096xf32, #tpu.memory_space<hbm>> -> memref<8x4096xf32, #tpu.memory_space<hbm>>
      %dma_wait3A_1832 = tpu.memref_slice %arg9[%dma_wait3A_1826] : memref<3x!tpu.dma_semaphore, #tpu.memory_space<semaphore_mem>> -> memref<1x!tpu.dma_semaphore, #tpu.memory_space<semaphore_mem>>
      %dma_wait3A_1833 = tpu.memref_squeeze %dma_wait3A_1832 : memref<1x!tpu.dma_semaphore, #tpu.memory_space<semaphore_mem>> -> memref<!tpu.dma_semaphore, #tpu.memory_space<semaphore_mem>>
      %dma_wait3A_1834 = arith.constant 0 : i32
      %dma_wait3A_1835 = tpu.memref_slice %arg5[%multiple_of3A_1825, %dma_wait3A_1834] : memref<8256x4096xf32, #tpu.memory_space<hbm>> -> memref<8x4096xf32, #tpu.memory_space<hbm>>
      %dma_wait3A_1836 = arith.constant 0 : i32
      %dma_wait3A_1837 = arith.constant 0 : i32
      %dma_wait3A_1838 = tpu.memref_slice %arg6[%dma_wait3A_1836, %dma_wait3A_1837] : memref<24x4096xf32, #tpu.memory_space<vmem>> -> memref<8x4096xf32, #tpu.memory_space<vmem>>
      tpu.wait_dma2 semaphore(%dma_wait3A_1833 : memref<!tpu.dma_semaphore, #tpu.memory_space<semaphore_mem>>) src(%dma_wait3A_1838 : memref<8x4096xf32, #tpu.memory_space<vmem>>) dst(%dma_wait3A_1835 : memref<8x4096xf32, #tpu.memory_space<hbm>>)
    } else {
    }
    %add3A_1782 = arith.constant 248 : i32
    %add3A_1783 = arith.addi %mul3A_32, %add3A_1782 : i32
    %lt3A_1784 = arith.cmpi slt, %add3A_1783, %squeeze3A : i32
    %convert_element_type3A_1785 = arith.extui %lt3A_1784 : i1 to i32
    %cond3A_1786 = arith.constant 0 : i32
    %cond3A_1787 = arith.cmpi ne, %convert_element_type3A_1785, %cond3A_1786 : i32
    scf.if %cond3A_1787 {
      %add3A_1822 = arith.addi %mul3A_37, %add3A_1783 : i32
      %multiple_of3A_1823 = tpu.assume_multiple %add3A_1822, 8 : i32
      %dma_wait3A_1824 = arith.constant 1 : i32
      %dma_wait3A_1825 = arith.constant 8 : i32
      %dma_wait3A_1826 = arith.constant 0 : i32
      %dma_wait3A_1827 = tpu.memref_slice %arg6[%dma_wait3A_1825, %dma_wait3A_1826] : memref<24x4096xf32, #tpu.memory_space<vmem>> -> memref<8x4096xf32, #tpu.memory_space<vmem>>
      %dma_wait3A_1828 = arith.constant 0 : i32
      %dma_wait3A_1829 = tpu.memref_slice %arg5[%multiple_of3A_1823, %dma_wait3A_1828] : memref<8256x4096xf32, #tpu.memory_space<hbm>> -> memref<8x4096xf32, #tpu.memory_space<hbm>>
      %dma_wait3A_1830 = tpu.memref_slice %arg9[%dma_wait3A_1824] : memref<3x!tpu.dma_semaphore, #tpu.memory_space<semaphore_mem>> -> memref<1x!tpu.dma_semaphore, #tpu.memory_space<semaphore_mem>>
      %dma_wait3A_1831 = tpu.memref_squeeze %dma_wait3A_1830 : memref<1x!tpu.dma_semaphore, #tpu.memory_space<semaphore_mem>> -> memref<!tpu.dma_semaphore, #tpu.memory_space<semaphore_mem>>
      %dma_wait3A_1832 = arith.constant 0 : i32
      %dma_wait3A_1833 = tpu.memref_slice %arg5[%multiple_of3A_1823, %dma_wait3A_1832] : memref<8256x4096xf32, #tpu.memory_space<hbm>> -> memref<8x4096xf32, #tpu.memory_space<hbm>>
      %dma_wait3A_1834 = arith.constant 8 : i32
      %dma_wait3A_1835 = arith.constant 0 : i32
      %dma_wait3A_1836 = tpu.memref_slice %arg6[%dma_wait3A_1834, %dma_wait3A_1835] : memref<24x4096xf32, #tpu.memory_space<vmem>> -> memref<8x4096xf32, #tpu.memory_space<vmem>>
      tpu.wait_dma2 semaphore(%dma_wait3A_1831 : memref<!tpu.dma_semaphore, #tpu.memory_space<semaphore_mem>>) src(%dma_wait3A_1836 : memref<8x4096xf32, #tpu.memory_space<vmem>>) dst(%dma_wait3A_1833 : memref<8x4096xf32, #tpu.memory_space<hbm>>)
    } else {
    }
    %add3A_1788 = arith.constant 8 : i32
    %add3A_1789 = arith.addi %add3A_1783, %add3A_1788 : i32
    %gt3A_1790 = arith.cmpi sgt, %add3A_1789, %squeeze3A : i32
    %convert_element_type3A_1791 = arith.extui %gt3A_1790 : i1 to i32
    %cond3A_1792 = arith.constant 0 : i32
    %cond3A_1793 = arith.cmpi ne, %convert_element_type3A_1791, %cond3A_1792 : i32
    scf.if %cond3A_1793 {
      %add3A_1822 = arith.addi %mul3A_37, %add3A_1783 : i32
      %add3A_1823 = arith.constant 16 : i32
      %add3A_1824 = arith.addi %add3A_1822, %add3A_1823 : i32
      %multiple_of3A_1825 = tpu.assume_multiple %add3A_1824, 8 : i32
      %dma_wait3A_1826 = arith.constant 1 : i32
      %dma_wait3A_1827 = arith.constant 8 : i32
      %dma_wait3A_1828 = arith.constant 0 : i32
      %dma_wait3A_1829 = tpu.memref_slice %arg6[%dma_wait3A_1827, %dma_wait3A_1828] : memref<24x4096xf32, #tpu.memory_space<vmem>> -> memref<8x4096xf32, #tpu.memory_space<vmem>>
      %dma_wait3A_1830 = arith.constant 0 : i32
      %dma_wait3A_1831 = tpu.memref_slice %arg5[%multiple_of3A_1825, %dma_wait3A_1830] : memref<8256x4096xf32, #tpu.memory_space<hbm>> -> memref<8x4096xf32, #tpu.memory_space<hbm>>
      %dma_wait3A_1832 = tpu.memref_slice %arg9[%dma_wait3A_1826] : memref<3x!tpu.dma_semaphore, #tpu.memory_space<semaphore_mem>> -> memref<1x!tpu.dma_semaphore, #tpu.memory_space<semaphore_mem>>
      %dma_wait3A_1833 = tpu.memref_squeeze %dma_wait3A_1832 : memref<1x!tpu.dma_semaphore, #tpu.memory_space<semaphore_mem>> -> memref<!tpu.dma_semaphore, #tpu.memory_space<semaphore_mem>>
      %dma_wait3A_1834 = arith.constant 0 : i32
      %dma_wait3A_1835 = tpu.memref_slice %arg5[%multiple_of3A_1825, %dma_wait3A_1834] : memref<8256x4096xf32, #tpu.memory_space<hbm>> -> memref<8x4096xf32, #tpu.memory_space<hbm>>
      %dma_wait3A_1836 = arith.constant 8 : i32
      %dma_wait3A_1837 = arith.constant 0 : i32
      %dma_wait3A_1838 = tpu.memref_slice %arg6[%dma_wait3A_1836, %dma_wait3A_1837] : memref<24x4096xf32, #tpu.memory_space<vmem>> -> memref<8x4096xf32, #tpu.memory_space<vmem>>
      tpu.wait_dma2 semaphore(%dma_wait3A_1833 : memref<!tpu.dma_semaphore, #tpu.memory_space<semaphore_mem>>) src(%dma_wait3A_1838 : memref<8x4096xf32, #tpu.memory_space<vmem>>) dst(%dma_wait3A_1835 : memref<8x4096xf32, #tpu.memory_space<hbm>>)
    } else {
    }
    %jit3A_1794 = arith.constant 256 : i32
    %div3A_1795 = arith.divsi %squeeze3A, %jit3A_1794 : i32
    %sign3A_1796 = arith.constant 0 : i32
    %sign3A_1797 = arith.cmpi sgt, %squeeze3A, %sign3A_1796 : i32
    %sign3A_1798 = arith.extui %sign3A_1797 : i1 to i32
    %sign3A_1799 = arith.constant 0 : i32
    %sign3A_1800 = arith.cmpi slt, %squeeze3A, %sign3A_1799 : i32
    %sign3A_1801 = arith.extui %sign3A_1800 : i1 to i32
    %sign3A_1802 = arith.subi %sign3A_1798, %sign3A_1801 : i32
    %sign3A_1803 = arith.constant 0 : i32
    %sign3A_1804 = arith.cmpi sgt, %jit3A_1794, %sign3A_1803 : i32
    %sign3A_1805 = arith.extui %sign3A_1804 : i1 to i32
    %sign3A_1806 = arith.constant 0 : i32
    %sign3A_1807 = arith.cmpi slt, %jit3A_1794, %sign3A_1806 : i32
    %sign3A_1808 = arith.extui %sign3A_1807 : i1 to i32
    %sign3A_1809 = arith.subi %sign3A_1805, %sign3A_1808 : i32
    %ne3A_1810 = arith.cmpi ne, %sign3A_1802, %sign3A_1809 : i32
    %rem3A_1811 = arith.remsi %squeeze3A, %jit3A_1794 : i32
    %ne3A_1812 = arith.constant 0 : i32
    %ne3A_1813 = arith.cmpi ne, %rem3A_1811, %ne3A_1812 : i32
    %and3A_1814 = arith.andi %ne3A_1810, %ne3A_1813 : i1
    %sub3A_1815 = arith.constant 1 : i32
    %sub3A_1816 = arith.subi %div3A_1795, %sub3A_1815 : i32
    %select_n3A_1817 = arith.select %and3A_1814, %sub3A_1816, %div3A_1795 : i32
    %eq3A_1818 = arith.cmpi eq, %select_n3A_30, %select_n3A_1817 : i32
    %convert_element_type3A_1819 = arith.extui %eq3A_1818 : i1 to i32
    %cond3A_1820 = arith.constant 0 : i32
    %cond3A_1821 = arith.cmpi ne, %convert_element_type3A_1819, %cond3A_1820 : i32
    scf.if %cond3A_1821 {
      %mul3A_1822 = arith.constant 16 : i32
      %mul3A_1823 = arith.muli %select_n3A, %mul3A_1822 : i32
      %multiple_of3A_1824 = tpu.assume_multiple %mul3A_1823, 16 : i32
      "tpu.region"() ({
        %run_scoped3A = tpu.sem_alloc : memref<!tpu.dma_semaphore, #tpu.memory_space<semaphore_mem>>
        %dma_start3A_1828 = arith.constant 0 : i32
        %dma_start3A_1829 = arith.constant 0 : i32
        %dma_start3A_1830 = tpu.memref_slice %arg6[%dma_start3A_1828, %dma_start3A_1829] : memref<24x4096xf32, #tpu.memory_space<vmem>> -> memref<16x4096xf32, #tpu.memory_space<vmem>>
        %dma_start3A_1831 = arith.constant 0 : i32
        %dma_start3A_1832 = tpu.memref_slice %arg3[%multiple_of3A_1824, %dma_start3A_1831] : memref<64x4096xf32, #tpu.memory_space<hbm>> -> memref<16x4096xf32, #tpu.memory_space<hbm>>
        %dma_start3A_1833 = arith.constant 0 : i32
        %dma_start3A_1834 = arith.constant 0 : i32
        %dma_start3A_1835 = tpu.memref_slice %arg6[%dma_start3A_1833, %dma_start3A_1834] : memref<24x4096xf32, #tpu.memory_space<vmem>> -> memref<16x4096xf32, #tpu.memory_space<vmem>>
        %dma_start3A_1836 = arith.constant 0 : i32
        %dma_start3A_1837 = tpu.memref_slice %arg3[%multiple_of3A_1824, %dma_start3A_1836] : memref<64x4096xf32, #tpu.memory_space<hbm>> -> memref<16x4096xf32, #tpu.memory_space<hbm>>
        tpu.enqueue_dma source(%dma_start3A_1837 : memref<16x4096xf32, #tpu.memory_space<hbm>>) target(%dma_start3A_1835 : memref<16x4096xf32, #tpu.memory_space<vmem>>) target_semaphore(%run_scoped3A : memref<!tpu.dma_semaphore, #tpu.memory_space<semaphore_mem>>)
        %dma_wait3A_1838 = arith.constant 0 : i32
        %dma_wait3A_1839 = arith.constant 0 : i32
        %dma_wait3A_1840 = tpu.memref_slice %arg6[%dma_wait3A_1838, %dma_wait3A_1839] : memref<24x4096xf32, #tpu.memory_space<vmem>> -> memref<16x4096xf32, #tpu.memory_space<vmem>>
        %dma_wait3A_1841 = arith.constant 0 : i32
        %dma_wait3A_1842 = tpu.memref_slice %arg3[%multiple_of3A_1824, %dma_wait3A_1841] : memref<64x4096xf32, #tpu.memory_space<hbm>> -> memref<16x4096xf32, #tpu.memory_space<hbm>>
        %dma_wait3A_1843 = arith.constant 0 : i32
        %dma_wait3A_1844 = arith.constant 0 : i32
        %dma_wait3A_1845 = tpu.memref_slice %arg6[%dma_wait3A_1843, %dma_wait3A_1844] : memref<24x4096xf32, #tpu.memory_space<vmem>> -> memref<16x4096xf32, #tpu.memory_space<vmem>>
        %dma_wait3A_1846 = arith.constant 0 : i32
        %dma_wait3A_1847 = tpu.memref_slice %arg3[%multiple_of3A_1824, %dma_wait3A_1846] : memref<64x4096xf32, #tpu.memory_space<hbm>> -> memref<16x4096xf32, #tpu.memory_space<hbm>>
        tpu.wait_dma2 semaphore(%run_scoped3A : memref<!tpu.dma_semaphore, #tpu.memory_space<semaphore_mem>>) src(%dma_wait3A_1847 : memref<16x4096xf32, #tpu.memory_space<hbm>>) dst(%dma_wait3A_1845 : memref<16x4096xf32, #tpu.memory_space<vmem>>)
        tpu.yield
      }) : () -> ()
      %add3A_1825 = vector.broadcast %mul3A_37 : i32 to vector<16xi32>
      %add3A_1826 = arith.addi %add3A_1825, %broadcast_in_dim3A : vector<16xi32>
      %add3A_1827 = arith.addi %add3A_1826, %iota3A : vector<16xi32>
      "tpu.region"() ({
        %run_scoped3A = tpu.sem_alloc : memref<!tpu.dma_semaphore, #tpu.memory_space<semaphore_mem>>
        %dma_start3A_1828 = arith.constant 0 : i32
        %dma_start3A_1829 = arith.constant 0 : i32
        %dma_start3A_1830 = tpu.memref_slice %arg6[%dma_start3A_1828, %dma_start3A_1829] : memref<24x4096xf32, #tpu.memory_space<vmem>> -> memref<16x4096xf32, #tpu.memory_space<vmem>>
        %dma_start3A_1831 = arith.constant 0 : i32
        %dma_start3A_1832 = arith.constant 0 : i32
        %dma_start3A_1833 = tpu.memref_slice %arg5[%dma_start3A_1831, %dma_start3A_1832] : memref<8256x4096xf32, #tpu.memory_space<hbm>> -> memref<8256x4096xf32, #tpu.memory_space<hbm>>
        tpu.enqueue_indirect_dma source(%dma_start3A_1830 : memref<16x4096xf32, #tpu.memory_space<vmem>>) target(%dma_start3A_1833 : memref<8256x4096xf32, #tpu.memory_space<hbm>>) offsets(%add3A_1827 : vector<16xi32>) semaphore(%run_scoped3A : memref<!tpu.dma_semaphore, #tpu.memory_space<semaphore_mem>>)
        %dma_wait3A_1834 = arith.constant 0 : i32
        %dma_wait3A_1835 = arith.constant 0 : i32
        %dma_wait3A_1836 = tpu.memref_slice %arg6[%dma_wait3A_1834, %dma_wait3A_1835] : memref<24x4096xf32, #tpu.memory_space<vmem>> -> memref<16x4096xf32, #tpu.memory_space<vmem>>
        %dma_wait3A_1837 = arith.constant 0 : i32
        %dma_wait3A_1838 = arith.constant 0 : i32
        %dma_wait3A_1839 = tpu.memref_slice %arg5[%dma_wait3A_1837, %dma_wait3A_1838] : memref<8256x4096xf32, #tpu.memory_space<hbm>> -> memref<8256x4096xf32, #tpu.memory_space<hbm>>
        tpu.wait_indirect_dma semaphore(%run_scoped3A : memref<!tpu.dma_semaphore, #tpu.memory_space<semaphore_mem>>) src(%dma_wait3A_1836 : memref<16x4096xf32, #tpu.memory_space<vmem>>) dst(%dma_wait3A_1839 : memref<8256x4096xf32, #tpu.memory_space<hbm>>)
        tpu.yield
      }) : () -> ()
    } else {
    }
    return
  }
}

module attributes {stable_mosaic.version = 14 : i64} {
  func.func @_mask_body(%arg0: memref<4x2048xf32, #tpu.memory_space<vmem>>, %arg1: memref<4xi32, #tpu.memory_space<vmem>>, %arg2: memref<4x2064xf32, #tpu.memory_space<vmem>>) attributes {dimension_semantics = [], scalar_prefetch = 0 : i64, scratch_operands = 0 : i64, tpu.core_type = #tpu.core_type<tc>} {
    %iota3A = tpu.iota {dimensions = array<i32: 1>} : vector<4x2064xi32>
    %get3A = arith.constant 0 : index
    %get3A_0 = vector.load %arg1[%get3A] : memref<4xi32, #tpu.memory_space<vmem>>, vector<4xi32>
    %reshape3A = vector.shape_cast %get3A_0 : vector<4xi32> to vector<4x1xi32>
    %get3A_1 = arith.constant 0 : index
    %get3A_2 = arith.constant 0 : index
    %get3A_3 = vector.load %arg0[%get3A_1, %get3A_2] : memref<4x2048xf32, #tpu.memory_space<vmem>>, vector<4x2048xf32>
    %broadcast_in_dim3A = arith.constant 0.000000e+00 : f32
    %broadcast_in_dim3A_4 = vector.broadcast %broadcast_in_dim3A : f32 to vector<4x16xf32>
    %concatenate3A = tpu.concatenate %get3A_3, %broadcast_in_dim3A_4 in 1 : vector<4x2048xf32>, vector<4x16xf32> -> vector<4x2064xf32>
    %concatenate3A_5 = tpu.concatenate %broadcast_in_dim3A_4, %get3A_3 in 1 : vector<4x16xf32>, vector<4x2048xf32> -> vector<4x2064xf32>
    %lt3A = vector.broadcast %reshape3A : vector<4x1xi32> to vector<4x2064xi32>
    %lt3A_6 = arith.cmpi slt, %iota3A, %lt3A : vector<4x2064xi32>
    %add3A = arith.constant 16 : i32
    %add3A_7 = vector.broadcast %add3A : i32 to vector<4x1xi32>
    %add3A_8 = arith.addi %reshape3A, %add3A_7 : vector<4x1xi32>
    %ge3A = vector.broadcast %add3A_8 : vector<4x1xi32> to vector<4x2064xi32>
    %ge3A_9 = arith.cmpi sge, %iota3A, %ge3A : vector<4x2064xi32>
    %broadcast_in_dim3A_10 = arith.constant 1.000000e+00 : f32
    %broadcast_in_dim3A_11 = vector.broadcast %broadcast_in_dim3A_10 : f32 to vector<4x2064xf32>
    %select_n3A = arith.select %ge3A_9, %concatenate3A_5, %broadcast_in_dim3A_11 : vector<4x2064xi1>, vector<4x2064xf32>
    %select_n3A_12 = arith.select %lt3A_6, %concatenate3A, %select_n3A : vector<4x2064xi1>, vector<4x2064xf32>
    %swap3A = arith.constant 0 : index
    %swap3A_13 = arith.constant 0 : index
    %swap3A_14 = vector.load %arg2[%swap3A, %swap3A_13] : memref<4x2064xf32, #tpu.memory_space<vmem>>, vector<4x2064xf32>
    tpu.vector_store %arg2[%swap3A, %swap3A_13], %select_n3A_12 {strides = array<i32>} : memref<4x2064xf32, #tpu.memory_space<vmem>>, vector<4x2064xf32>,
    return
  }
}

</mosaic_0001>

<sc_bundles>
// kernel: kernel.4.cloned.1.call-start
scs
__scs_entry_jumppad:
0x0: {  	(pc) =	sbr.rel $0x88, $3  }
0x1: {  	(tag) =	ssettag $0x0;
	lr =	simm.s32 $0x1  }
0x2: {  	[smem:$0x3F9D] =	sst lr;
	_ =	strace $0xD0000000  }
0x3: {  	_ = 	snop  }
0x4: {  	_ = 	snop  }
0x5: {  	_ = 	snop  }
0x6: {  	_ = 	snop  }
0x7: {  	_ = 	snop  }
__scs_overlays_trampoline_lowered:
0x8: {  	[smem:$0x3FAC] =	sst s0  }
0x9: {  	[smem:$0x3FAD] =	sst s1  }
0xa: {  	[smem:$0x3FAE] =	sst s2  }
0xb: {  	[smem:$0x3FAF] =	sst s3  }
0xc: {  	[smem:$0x3FB0] =	sst s4  }
0xd: {  	[smem:$0x3FB1] =	sst s5  }
0xe: {  	[smem:$0x3FB2] =	sst s6  }
0xf: {  	[smem:$0x3FB3] =	sst s7  }
0x10: {  	[smem:$0x3FB4] =	sst s8  }
0x11: {  	[smem:$0x3FB5] =	sst s9;
	s0 =	simm.s32 @!p0 $0x0  }
0x12: {  	s1 =	sld [smem:$0x3F9B];
	s0 =	simm.s32 @p0 $0x1  }
0x13: {  	[smem:$0x3FB6] =	sst s0;
	s0 =	simm.s32 @!p1 $0x0  }
0x14: {  	s2 =	sld [smem:$0x3F9A];
	s0 =	simm.s32 @p1 $0x1  }
0x15: {  	[smem:$0x3FB7] =	sst s0;
	s0 =	simm.s32 @!p2 $0x0  }
0x16: {  	s3 =	sld [smem:$0x3FDB];
	s0 =	simm.s32 @p2 $0x1  }
0x17: {  	s4 =	simm.s32 $0x1BF5;
	[smem:$0x3FB9] =	sst s0  }
0x18: {  	s0 =	sld [smem:$0x3F9C];
	_ =	swait.ge [sflag:s4], $0x0  }
0x19: {  	s7 =	sld [smem:$0x3F9D]  }
0x1a: {  	s8 =	sadd.s32 $0xFFFFE003, lr  }
0x1b: {  	s9 =	sadd.s32 $0xFFFFFEF7, lr;
	s5 =	simm.s32 $0xFFFFFFFF;
	p2 =	slt.u32 s8, $0xFFFFF086  }
0x1c: {  	p1 =	slt.u32 s9, $0xF7A;
	s5 =	simm.s32 @!p2 $0x0  }
0x1d: {  	s5 =	simm.s32 @p1 $0x1;
	p0 =	seq.s32 s7, s2  }
0x1e: {  	s7 =	smul.u32 @!p0 $0xF7A, s2;
	p2 =	seq.s32 @!p0 s5, $0x0  }
0x1f: {  	s9 =	smul.u32 $0xF7A, s1;
	s8 =	simm.s32 @!p0 $0x1BF5;
	p2 =	por !p2, p0  }
0x20: {  	[sflag:s8] =	ssyncset.s32 @!p0 $0xFFFFF086;
	s6 =	sadd.s32 @!p0 s3, s7;
	s7 =	simm.s32 @!p0 $0x108  }
0x21: {  	s3 =	sadd.s32 s3, s9;
	s6 =	sadd.s32 @!p0 $0x88, s6;
	s7 =	simm.s32 @p2 $0x1082  }
0x22: {  	[simem:s7], [sflag:s8] =	dma.local @!p0 [hbm:s6], $0xF7A  }
0x23: {  	s9 =	sor.u32 $0xD0000000, s2;
	s6 =	simm.s32 $0x108;
	_ =	swait.ge @!p0 [sflag:s8], $0x0  }
0x24: {  	s3 =	sadd.s32 $0x88, s3;
	s6 =	simm.s32 @!p1 $0x1082;
	[sflag:s4] =	ssyncset.s32 $0xFFFFF086  }
0x25: {  	[simem:s6], [sflag:s4] =	dma.local [hbm:s3], $0xF7A  }
0x26: {  	[smem:$0x3F9D] =	sst s1;
	(tag) =	ssettag s2;
	_ =	strace s9  }
0x27: {  	s1 =	sld [smem:$0x3FAD]  }
0x28: {  	s2 =	sld [smem:$0x3FAE]  }
0x29: {  	s4 =	sld [smem:$0x3FB0]  }
0x2a: {  	p0 =	seq.s32 s5, $0x0;
	s5 =	sld [smem:$0x3FB1]  }
0x2b: {  	s6 =	sld [smem:$0x3FB2]  }
0x2c: {  	s7 =	sld [smem:$0x3FB3]  }
0x2d: {  	s3 =	simm.s32 $0x108;
	s8 =	sld [smem:$0x3FB4]  }
0x2e: {  	s3 =	simm.s32 @!p0 $0x1082;
	s9 =	sld [smem:$0x3FB5]  }
0x2f: {  	lr =	sadd.s32 s0, s3;
	s0 =	sld [smem:$0x3FAC]  }
0x30: {  	s3 =	sld [smem:$0x3FAF]  }
0x31: {  	[smem:$0x3FB8] =	sst s10  }
0x32: {  	s10 =	sld [smem:$0x3FB6];
	_ =	sdelay $0x3  }
0x33: {  	p0 =	seq.s32 s10, $0x1;
	s10 =	sld [smem:$0x3FB8];
	_ =	sdelay $0x3  }
0x34: {  	[smem:$0x3FB8] =	sst s10  }
0x35: {  	s10 =	sld [smem:$0x3FB7];
	_ =	sdelay $0x3  }
0x36: {  	p1 =	seq.s32 s10, $0x1;
	s10 =	sld [smem:$0x3FB8];
	_ =	sdelay $0x3  }
0x37: {  	[smem:$0x3FB8] =	sst s10  }
0x38: {  	s10 =	sld [smem:$0x3FB9]  }
0x39: {  	_ = 	snop;
	(pc) =	sbr.ind lr, $3  }
0x3a: {  	_ = 	snop  }
0x3b: {  	_ = 	snop  }
0x3c: {  	p2 =	seq.s32 s10, $0x1;
	s10 =	sld [smem:$0x3FB8]  }
0x3d: {  	_ =	shalt  }
0x3e: {  	_ =	shalt  }
0x3f: {  	_ =	shalt  }
0x40: {  	_ =	shalt  }
0x41: {  	_ =	shalt  }
0x42: {  	_ =	shalt  }
0x43: {  	_ =	shalt  }
0x44: {  	_ =	shalt  }
0x45: {  	_ =	shalt  }
0x46: {  	_ =	shalt  }
0x47: {  	_ =	shalt  }
0x48: {  	_ =	shalt  }
0x49: {  	_ =	shalt  }
0x4a: {  	_ =	shalt  }
0x4b: {  	_ =	shalt  }
0x4c: {  	_ =	shalt  }
0x4d: {  	_ =	shalt  }
0x4e: {  	_ =	shalt  }
0x4f: {  	_ =	shalt  }
0x50: {  	_ =	shalt  }
0x51: {  	_ =	shalt  }
0x52: {  	_ =	shalt  }
0x53: {  	_ =	shalt  }
0x54: {  	_ =	shalt  }
0x55: {  	_ =	shalt  }
0x56: {  	_ =	shalt  }
0x57: {  	_ =	shalt  }
0x58: {  	_ =	shalt  }
0x59: {  	_ =	shalt  }
0x5a: {  	_ =	shalt  }
0x5b: {  	_ =	shalt  }
0x5c: {  	_ =	shalt  }
0x5d: {  	_ =	shalt  }
0x5e: {  	_ =	shalt  }
0x5f: {  	_ =	shalt  }
0x60: {  	_ =	shalt  }
0x61: {  	_ =	shalt  }
0x62: {  	_ =	shalt  }
0x63: {  	_ =	shalt  }
0x64: {  	_ =	shalt  }
0x65: {  	_ =	shalt  }
0x66: {  	_ =	shalt  }
0x67: {  	_ =	shalt  }
0x68: {  	_ =	shalt  }
0x69: {  	_ =	shalt  }
0x6a: {  	_ =	shalt  }
0x6b: {  	_ =	shalt  }
0x6c: {  	_ =	shalt  }
0x6d: {  	_ =	shalt  }
0x6e: {  	_ =	shalt  }
0x6f: {  	_ =	shalt  }
0x70: {  	_ =	shalt  }
0x71: {  	_ =	shalt  }
0x72: {  	_ =	shalt  }
0x73: {  	_ =	shalt  }
0x74: {  	_ =	shalt  }
0x75: {  	_ =	shalt  }
0x76: {  	_ =	shalt  }
0x77: {  	_ =	shalt  }
0x78: {  	_ =	shalt  }
0x79: {  	_ =	shalt  }
0x7a: {  	_ =	shalt  }
0x7b: {  	_ =	shalt  }
0x7c: {  	_ =	shalt  }
0x7d: {  	_ =	shalt  }
0x7e: {  	_ =	shalt  }
0x7f: {  	_ =	shalt  }
0x80: {  	_ =	shalt  }
0x81: {  	_ =	shalt  }
0x82: {  	_ =	shalt  }
0x83: {  	_ =	shalt  }
0x84: {  	_ =	shalt  }
0x85: {  	_ =	shalt  }
0x86: {  	_ =	shalt  }
0x87: {  	_ =	shalt  }
.Lfunc_end0:
.L_simem_size_0:
called_computation_lowered:
.L_overlay_start_0:
0x88: {  	s2 =	sld [smem:$0x3FD9]  }
0x89: {  	s3 =	sld [smem:$0x3FFE];
	_ =	sdelay $0x1  }
0x8a: {  	s1 =	srdreg.scid  }
0x8b: {  	s0 =	sand.u32 $0x1, s1  }
0x8c: {  	s14 =	sshll.u32 s0, $0xA;
	s2 =	sadd.s32 s3, s2  }
0x8d: {  	s2 =	sadd.s32 s2, s14  }
0x8e: {  	[smem:$0x3FC4] =	sst s2  }
0x8f: {  	_ = 	snop  }
0x90: {  	s2 =	sld [smem:$0x3FD0];
	_ =	sdelay $0x1  }
0x91: {  	s15 =	sld [smem:$0x3FC9]  }
0x92: {  	s5 =	simm.s32 $0xA;
	s6 =	simm.s32 $0x10;
	s4 =	sld [smem:$0x3FC8]  }
0x93: {  	[smem:s6], [sflag:s5] =	dma.local [hbm:s2], $0x1  }
0x94: {  	_ =	swait.eq [sflag:s5], $0x1  }
0x95: {  	[sflag:s5] =	ssyncset.done $0x0  }
0x96: {  	[sflag:s5] =	ssyncadd.s32 $0xFFFFFFFF  }
0x97: {  	s16 =	sld [smem:$0x10];
	(tm) =	ssettm $0x1  }
0x98: {  	s17 =	sld [smem:$0x3FFB];
	_ =	sdelay $0x3  }
0x99: {  	_ =	strace s17  }
0x9a: {  	s5 =	sld [smem:$0x3FFC];
	_ =	sdelay $0x3  }
0x9b: {  	_ =	strace s5  }
0x9c: {  	s5 =	sld [smem:$0x3FFD];
	_ =	sdelay $0x3  }
0x9d: {  	_ =	strace s5  }
0x9e: {  	_ =	strace $0x8FFFFFFF  }
0x9f: {  	s18 =	sld [smem:$0x3FDB];
	_ =	sdelay $0x1  }
0xa0: {  	s19 =	simm.s32 $_scs_section_size  }
0xa1: {  	s7 =	simm.s32 $_size__tile_overlayer_lowered;
	s8 =	simm.s32 $_tile_overlayer_lowered  }
0xa2: {  	s22 =	simm.s32 $0x1BFF;
	s21 =	sshll.u32 s8, $0x1;
	s5 =	sadd.s32 s19, s18  }
0xa3: {  	s9 =	simm.s32 $0x0;
	s20 =	sshll.u32 s7, $0x1;
	s7 =	sadd.s32 s21, s5  }
0xa4: {  	[timem:s9], [sflag:s22] =	dma.local [hbm:s7], s20  }
0xa5: {  	_ =	swait.ge [sflag:s22], s20  }
0xa6: {  	s6 =	ssub.s32 $0x0, s20;
	[sflag:s22] =	ssyncset.done $0x0  }
0xa7: {  	[sflag:s22] =	ssyncadd.s32 s6;
	_ =	sdelay $0x1  }
0xa8: {  	s23 =	simm.s32 $0x1B8B  }
0xa9: {  	_ =	swait.ge [sflag:s23], $0x1  }
0xaa: {  	[sflag:s23] =	ssyncset.done $0x0  }
0xab: {  	s25 =	simm.s32 $0x1B8E;
	s24 =	sld [smem:$0x3FFE];
	[sflag:s23] =	ssyncadd.s32 $0xFFFFFFFF  }
0xac: {  	s26 =	simm.s32 $execute0_lowered;
	[smem:$0x3FD2] =	sst s25  }
0xad: {  	s7 =	sshll.u32 s26, $0x1;
	_ =	strace $0x80000046;
	[dreg:$0x1] =	wrdreg $0xFFFFFFFF  }
0xae: {  	s28 =	simm.s32 $_size_execute0_lowered;
	s5 =	sadd.s32 s5, s7;
	[dreg:$0x0] =	wrdreg $0x0  }
0xaf: {  	s7 =	sshll.u32 s28, $0x1;
	[dreg:$0x2] =	wrdreg s5  }
0xb0: {  	[dreg:$0x3] =	wrdreg s7  }
0xb1: {  	[dreg:$0x4] =	wrdreg $0xC0  }
0xb2: {  	_ =	task [dreg:s9], $0x5FFFF  }
0xb3: {  	[dreg:$0x1] =	wrdreg $0xFFFFFFFF  }
0xb4: {  	[dreg:$0x0] =	wrdreg $0x60  }
0xb5: {  	[dreg:$0x2] =	wrdreg s15  }
0xb6: {  	[dreg:$0x3] =	wrdreg s4  }
0xb7: {  	[dreg:$0x4] =	wrdreg s24  }
0xb8: {  	[dreg:$0x5] =	wrdreg s16  }
0xb9: {  	[dreg:$0x6] =	wrdreg $0x9  }
0xba: {  	_ =	task.clear_ibuf [dreg:s9], $0x7FFFF;
	_ =	strace $0x90000046  }
0xbb: {  	s29 =	simm.s32 $0x9;
	_ =	strace $0x80000048  }
0xbc: {  	_ =	swait.ge [sflag:s29], $0x1  }
0xbd: {  	[sflag:s29] =	ssyncadd.s32 $0xFFFFFFFF  }
0xbe: {  	_ =	strace $0x90000048  }
0xbf: {  	_ =	sfence  }
0xc0: {  	s30 =	sld [smem:$0x0];
	_ =	sdelay $0x2  }
0xc1: {  	s31 =	sshll.u32 s1, $0xD;
	s1 =	sshrl.u32 s1, $0x2  }
0xc2: {  	s3 =	sand.u32 $0x4000, s31;
	s1 =	sadd.s32 s1, s30  }
0xc3: {  	s0 =	sor.u32 s3, s0;
	s1 =	sshll.u32 s1, $0x11  }
0xc4: {  	s0 =	sor.u32 s1, s0  }
0xc5: {  	s0 =	sadd.s32 $0x8F2B, s0  }
0xc6: {  	[sflag:s0] =	ssyncadd.remote.s32 $0x1  }
0xc7: {  	_ =	sfence.sel $0xFFFF  }
0xc8: {  	[dreg:$0x0] =	wrdreg $0xFFFFFFFF;
	(pc) =	sbr.abs _section_cstart, $3  }
0xc9: {  	[dreg:$0x1] =	wrdreg $0xFFFFFFFF  }
0xca: {  	_ =	task.clear_ibuf [dreg:s9], $0x2FFFF;
	_ =	strace $0x9FFFFFFF  }
0xcb: {  	(tm) =	ssettm $0x7FFFFFFF  }
tec
execute0_lowered:
.L_overlay_start_1:
0x0: {  	(tag) =	ssettag $0x1  }
0x1: {  	s0 =	srdreg.scid;
	s2 =	rddreg [dreg:$0x0]  }
0x2: {  	s4 =	stileid.u32;
	s5 =	rddreg [dreg:$0x2]  }
0x3: {  	s12 =	rddreg [dreg:$0x3];
	s6 =	simm.s32 $0x1;
	s1 =	sand.u32 $0x1, s0  }
0x4: {  	s0 =	rddreg [dreg:$0x1];
	s8 =	sand.u32 $0x7, s4;
	s5 =	sadd.s32 $0x800, s5  }
0x5: {  	s3 =	sshll.u32 s1, $0x4;
	p1 =	sne.s32 s8, $0x0;
	s1 =	ssub.s32 $0x2, s1  }
0x6: {  	s30 =	sshll.u32 s8, $0x11;
	s3 =	sor.u32 s4, s3;
	s4 =	simm.s32 $0x0  }
0x7: {  	s16 =	sshll.u32 s8, $0x8;
	s7 =	sshrl.u32 s1, $0x1;
	[smem:$0x7FF] =	sst s4  }
0x8: {  	s14 =	sor.u32 $0x8, s16;
	_ =	strace $0x80000047;
	[dreg:$0x6] =	wrdreg s5  }
0x9: {  	s17 =	sor.u32 $0x10, s16;
	p0 =	seq.s32 s3, $0x0;
	[dreg:$0x5] =	wrdreg s8  }
0xa: {  	s22 =	sor.u32 $0x18, s16;
	p0 =	por !p1, !p0;
	[dreg:$0xa] =	wrdreg s14  }
0xb: {  	s26 =	sor.u32 $0x20, s16;
	[dreg:$0xc] =	wrdreg s17;
	p0 =	por !p0, !p0  }
0xc: {  	s3 =	sshrl.u32 s3, $0x3;
	[dreg:$0x10] =	wrdreg s22;
	s6 =	simm.s32 @!p0 $0x0  }
0xd: {  	s28 =	sor.u32 $0xC0, s16;
	[dreg:$0x13] =	wrdreg s26;
	s9 =	ssub.s32 s3, s6  }
0xe: {  	s1 =	ssub.s32 s1, s7;
	[dreg:$0x8] =	wrdreg s16;
	s3 =	sshll.u32 s9, $0x14  }
0xf: {  	s5 =	smul.u32 $0x810, s9;
	[dreg:$0x7] =	wrdreg s9;
	s3 =	sor.u32 s30, s3  }
0x10: {  	s25 =	sshll.u32 s9, $0xD;
	s6 =	sand.u32 $0x1FFE0000, s3;
	s3 =	sadd.s32 s2, s3  }
0x11: {  	s10 =	sadd.s32 s16, s5;
	s15 =	sadd.s32 s14, s5;
	s19 =	sadd.s32 s17, s5  }
0x12: {  	s23 =	sadd.s32 s22, s5;
	s30 =	sadd.s32 s26, s5;
	s17 =	sor.u32 $0x38, s16  }
0x13: {  	s22 =	sor.u32 $0x40, s16;
	[dreg:$0x9] =	wrdreg s3;
	s11 =	sadd.s32 s6, s2  }
0x14: {  	s13 =	sshll.u32 s10, $0x9;
	s2 =	sshll.u32 s10, $0xC;
	s6 =	sshll.u32 s15, $0xC  }
0x15: {  	s7 =	sshll.u32 s19, $0xC;
	s21 =	sshll.u32 s19, $0x9;
	s24 =	sshll.u32 s23, $0x9  }
0x16: {  	s10 =	sor.u32 $0x30, s16;
	[dreg:$0x1d] =	wrdreg s17;
	s19 =	sadd.s32 s17, s5  }
0x17: {  	[smem:$0x78F] =	sst s22;
	s3 =	sadd.s32 s12, s13;
	s2 =	sadd.s32 $0x10000, s2  }
0x18: {  	s18 =	sadd.s32 $0x10000, s6;
	s20 =	sadd.s32 $0x10000, s7;
	[dreg:$0x1a] =	wrdreg s10  }
0x19: {  	s6 =	sand.u32 $0x1FFFE000, s25;
	s7 =	sor.u32 $0x28, s16;
	[dreg:$0xb] =	wrdreg s3  }
0x1a: {  	s2 =	sshrl.u32 s2, $0x3;
	s3 =	sshll.u32 s15, $0x9;
	s0 =	sadd.s32 s0, s6  }
0x1b: {  	s6 =	sshll.u32 s30, $0xC;
	[dreg:$0x17] =	wrdreg s7;
	s9 =	sadd.s32 s7, s5  }
0x1c: {  	s2 =	sadd.s32 s12, s2;
	s3 =	sadd.s32 s12, s3;
	[dreg:$0x14] =	wrdreg s0  }
0x1d: {  	s0 =	sshll.u32 s30, $0x9;
	s13 =	sshll.u32 s9, $0xC;
	[dreg:$0xd] =	wrdreg s2  }
0x1e: {  	s2 =	sshrl.u32 s18, $0x3;
	[dreg:$0xe] =	wrdreg s3;
	s3 =	sadd.s32 s12, s21  }
0x1f: {  	s0 =	sadd.s32 s12, s0;
	s21 =	sshll.u32 s19, $0x9;
	[dreg:$0x11] =	wrdreg s3  }
0x20: {  	s2 =	sadd.s32 s12, s2;
	s3 =	sadd.s32 s12, s24;
	[dreg:$0x18] =	wrdreg s0  }
0x21: {  	s24 =	sor.u32 $0x48, s16;
	[dreg:$0xf] =	wrdreg s2;
	s2 =	sshrl.u32 s20, $0x3  }
0x22: {  	[dreg:$0x15] =	wrdreg s3;
	s3 =	sadd.s32 s10, s5;
	s2 =	sadd.s32 s12, s2  }
0x23: {  	s20 =	sshll.u32 s19, $0xC;
	[dreg:$0x12] =	wrdreg s2;
	s2 =	sshll.u32 s23, $0xC  }
0x24: {  	[smem:$0x791] =	sst s24;
	s14 =	sshll.u32 s3, $0xC;
	s2 =	sadd.s32 $0x10000, s2  }
0x25: {  	s18 =	sshll.u32 s3, $0x9;
	s3 =	sadd.s32 s24, s5;
	s2 =	sshrl.u32 s2, $0x3  }
0x26: {  	s15 =	sadd.s32 $0x10000, s14;
	s23 =	sadd.s32 s22, s5;
	s2 =	sadd.s32 s12, s2  }
0x27: {  	s26 =	sshll.u32 s3, $0xC;
	[dreg:$0x16] =	wrdreg s2;
	s2 =	sadd.s32 $0x10000, s6  }
0x28: {  	s8 =	sshrl.u32 s2, $0x3;
	s2 =	sshll.u32 s9, $0x9;
	s9 =	sor.u32 $0x58, s16  }
0x29: {  	s3 =	sshll.u32 s3, $0x9;
	s0 =	sadd.s32 s12, s8;
	[smem:$0x798] =	sst s9  }
0x2a: {  	s25 =	sshll.u32 s23, $0xC;
	s2 =	sadd.s32 s12, s2;
	[dreg:$0x19] =	wrdreg s0  }
0x2b: {  	s30 =	sadd.s32 $0x10000, s26;
	[dreg:$0x1b] =	wrdreg s2;
	s2 =	sadd.s32 s12, s18  }
0x2c: {  	s0 =	sadd.s32 $0x10000, s13;
	s13 =	sor.u32 $0x60, s16;
	[dreg:$0x1e] =	wrdreg s2  }
0x2d: {  	s10 =	sadd.s32 s9, s5;
	s18 =	sor.u32 $0x68, s16;
	[smem:$0x79A] =	sst s13  }
0x2e: {  	s0 =	sshrl.u32 s0, $0x3;
	s2 =	sadd.s32 s12, s21;
	[smem:$0x79D] =	sst s18  }
0x2f: {  	s14 =	sshll.u32 s10, $0xC;
	s0 =	sadd.s32 s12, s0;
	[smem:$0x78E] =	sst s2  }
0x30: {  	s2 =	sshll.u32 s23, $0x9;
	s23 =	sor.u32 $0x70, s16;
	[dreg:$0x1c] =	wrdreg s0  }
0x31: {  	s0 =	sshrl.u32 s15, $0x3;
	s2 =	sadd.s32 s12, s2;
	[smem:$0x7A1] =	sst s23  }
0x32: {  	s24 =	sadd.s32 s23, s5;
	s0 =	sadd.s32 s12, s0;
	[smem:$0x792] =	sst s2  }
0x33: {  	s2 =	sor.u32 $0x50, s16;
	s26 =	sshll.u32 s24, $0xC;
	[dreg:$0x1f] =	wrdreg s0  }
0x34: {  	s0 =	sadd.s32 $0x10000, s20;
	[smem:$0x794] =	sst s2;
	s6 =	sadd.s32 s2, s5  }
0x35: {  	s2 =	sadd.s32 s12, s3;
	s3 =	sadd.s32 s13, s5;
	s20 =	sadd.s32 s18, s5  }
0x36: {  	s0 =	sshrl.u32 s0, $0x3;
	[smem:$0x795] =	sst s2;
	s7 =	sshll.u32 s6, $0xC  }
0x37: {  	s8 =	sshll.u32 s6, $0x9;
	s15 =	sshll.u32 s3, $0xC;
	s19 =	sshll.u32 s3, $0x9  }
0x38: {  	s21 =	sshll.u32 s20, $0xC;
	s22 =	sshll.u32 s20, $0x9;
	s20 =	sor.u32 $0x98, s16  }
0x39: {  	s0 =	sadd.s32 s12, s0;
	s2 =	sadd.s32 s12, s8;
	[smem:$0x7AF] =	sst s20  }
0x3a: {  	s17 =	sadd.s32 $0x10000, s15;
	[smem:$0x790] =	sst s0;
	s0 =	sadd.s32 $0x10000, s25  }
0x3b: {  	[smem:$0x797] =	sst s2;
	s2 =	sshll.u32 s10, $0x9;
	s25 =	sor.u32 $0x78, s16  }
0x3c: {  	s0 =	sshrl.u32 s0, $0x3;
	s2 =	sadd.s32 s12, s2;
	[smem:$0x7A3] =	sst s25  }
0x3d: {  	s3 =	sadd.s32 s25, s5;
	s0 =	sadd.s32 s12, s0;
	[smem:$0x79B] =	sst s2  }
0x3e: {  	s2 =	sadd.s32 s12, s19;
	s8 =	sshll.u32 s3, $0x9;
	[smem:$0x793] =	sst s0  }
0x3f: {  	s0 =	sshrl.u32 s30, $0x3;
	[smem:$0x79E] =	sst s2;
	s2 =	sadd.s32 s12, s22  }
0x40: {  	s30 =	sshll.u32 s3, $0xC;
	s0 =	sadd.s32 s12, s0;
	[smem:$0x7A0] =	sst s2  }
0x41: {  	s2 =	sshll.u32 s24, $0x9;
	s24 =	sor.u32 $0xA0, s16;
	[smem:$0x796] =	sst s0  }
0x42: {  	s6 =	sadd.s32 $0x10000, s30;
	s2 =	sadd.s32 s12, s2;
	[smem:$0x7B3] =	sst s24  }
0x43: {  	s0 =	sadd.s32 $0x10000, s7;
	s7 =	sor.u32 $0x80, s16;
	[smem:$0x7A4] =	sst s2  }
0x44: {  	s25 =	sadd.s32 s24, s5;
	s0 =	sshrl.u32 s0, $0x3;
	[smem:$0x7A6] =	sst s7  }
0x45: {  	s9 =	sadd.s32 s7, s5;
	s2 =	sadd.s32 s12, s8;
	s30 =	sshll.u32 s25, $0xC  }
0x46: {  	s0 =	sadd.s32 s12, s0;
	[smem:$0x7A7] =	sst s2;
	s10 =	sshll.u32 s9, $0xC  }
0x47: {  	s13 =	sshll.u32 s9, $0x9;
	s9 =	sor.u32 $0xB0, s16;
	[smem:$0x799] =	sst s0  }
0x48: {  	s0 =	sadd.s32 $0x10000, s14;
	s2 =	sadd.s32 s12, s13;
	[smem:$0x7B8] =	sst s9  }
0x49: {  	s14 =	sor.u32 $0x88, s16;
	s13 =	sadd.s32 s9, s5;
	[smem:$0x7A9] =	sst s2  }
0x4a: {  	s0 =	sshrl.u32 s0, $0x3;
	[smem:$0x7AA] =	sst s14;
	s15 =	sadd.s32 s14, s5  }
0x4b: {  	s14 =	sshll.u32 s13, $0xC;
	s0 =	sadd.s32 s12, s0;
	s18 =	sshll.u32 s15, $0xC  }
0x4c: {  	s2 =	sshll.u32 s15, $0x9;
	s15 =	sshll.u32 s13, $0x9;
	s13 =	sor.u32 $0xB8, s16  }
0x4d: {  	[smem:$0x79C] =	sst s0;
	s0 =	sshrl.u32 s17, $0x3;
	s17 =	sor.u32 $0x90, s16  }
0x4e: {  	s2 =	sadd.s32 s12, s2;
	s0 =	sadd.s32 s12, s0;
	[smem:$0x7AC] =	sst s17  }
0x4f: {  	s3 =	sadd.s32 s17, s5;
	[smem:$0x7AD] =	sst s2;
	s17 =	sadd.s32 s13, s5  }
0x50: {  	[smem:$0x79F] =	sst s0;
	s0 =	sadd.s32 $0x10000, s21;
	s19 =	sshll.u32 s3, $0xC  }
0x51: {  	s3 =	sshll.u32 s3, $0x9;
	s21 =	sadd.s32 s20, s5;
	s0 =	sshrl.u32 s0, $0x3  }
0x52: {  	s2 =	sadd.s32 $0x10000, s19;
	s3 =	sadd.s32 s12, s3;
	s22 =	sshll.u32 s21, $0xC  }
0x53: {  	s23 =	sshll.u32 s21, $0x9;
	s19 =	sadd.s32 s28, s5;
	s0 =	sadd.s32 s12, s0  }
0x54: {  	s2 =	sshrl.u32 s2, $0x3;
	[smem:$0x7B0] =	sst s3;
	s3 =	sadd.s32 s12, s23  }
0x55: {  	s20 =	sshll.u32 s19, $0xC;
	[smem:$0x7A2] =	sst s0;
	s0 =	sadd.s32 $0x10000, s26  }
0x56: {  	s2 =	sadd.s32 s12, s2;
	[smem:$0x7B2] =	sst s3;
	s26 =	sor.u32 $0xA8, s16  }
0x57: {  	s3 =	sshll.u32 s25, $0x9;
	s21 =	sadd.s32 $0x10000, s20;
	s0 =	sshrl.u32 s0, $0x3  }
0x58: {  	s20 =	sadd.s32 $0x1000, s11;
	[smem:$0x7B1] =	sst s2;
	s0 =	sadd.s32 s12, s0  }
0x59: {  	s2 =	sadd.s32 $0x10000, s22;
	[smem:$0x7A5] =	sst s0;
	s0 =	sshrl.u32 s6, $0x3  }
0x5a: {  	[smem:$0x7B5] =	sst s26;
	s3 =	sadd.s32 s12, s3;
	s0 =	sadd.s32 s12, s0  }
0x5b: {  	s22 =	sshll.u32 s19, $0x9;
	[smem:$0x7A8] =	sst s0;
	s0 =	sadd.s32 $0x10000, s10  }
0x5c: {  	[smem:$0x7CB] =	sst s20;
	s20 =	sadd.s32 $0x10000, s11;
	s0 =	sshrl.u32 s0, $0x3  }
0x5d: {  	s2 =	sshrl.u32 s2, $0x3;
	[smem:$0x7B6] =	sst s3;
	s0 =	sadd.s32 s12, s0  }
0x5e: {  	s2 =	sadd.s32 s12, s2;
	[smem:$0x7AB] =	sst s0;
	s0 =	sadd.s32 $0x10000, s18  }
0x5f: {  	[smem:$0x7B4] =	sst s2;
	s2 =	sadd.s32 $0x10000, s30;
	s0 =	sshrl.u32 s0, $0x3  }
0x60: {  	[smem:$0x7DA] =	sst s20;
	s2 =	sshrl.u32 s2, $0x3;
	s0 =	sadd.s32 s12, s0  }
0x61: {  	s2 =	sadd.s32 s12, s2;
	[smem:$0x7AE] =	sst s0;
	s0 =	sadd.s32 s26, s5  }
0x62: {  	[smem:$0x7B7] =	sst s2;
	s6 =	sshll.u32 s0, $0xC;
	s10 =	sshll.u32 s0, $0x9  }
0x63: {  	s18 =	sshll.u32 s17, $0xC;
	s8 =	sadd.s32 $0x10000, s6;
	s3 =	sadd.s32 s12, s10  }
0x64: {  	s2 =	sshrl.u32 s8, $0x3;
	[smem:$0x7B9] =	sst s3;
	s3 =	sadd.s32 s12, s15  }
0x65: {  	s8 =	sor.u32 $0xD0, s16;
	s2 =	sadd.s32 s12, s2;
	[smem:$0x7BB] =	sst s3  }
0x66: {  	s3 =	sshll.u32 s17, $0x9;
	s26 =	sadd.s32 s8, s5;
	[smem:$0x7BA] =	sst s2  }
0x67: {  	s2 =	sadd.s32 $0x10000, s14;
	s3 =	sadd.s32 s12, s3;
	s14 =	sor.u32 $0xC8, s16  }
0x68: {  	s30 =	sshll.u32 s26, $0xC;
	s2 =	sshrl.u32 s2, $0x3;
	[smem:$0x7BD] =	sst s3  }
0x69: {  	s23 =	sadd.s32 s14, s5;
	s3 =	sadd.s32 s12, s22;
	s22 =	sadd.s32 $0x3000, s11  }
0x6a: {  	s2 =	sadd.s32 s12, s2;
	[smem:$0x7BF] =	sst s3;
	s24 =	sshll.u32 s23, $0xC  }
0x6b: {  	s25 =	sshll.u32 s23, $0x9;
	s23 =	sor.u32 $0xD8, s16;
	[smem:$0x7CD] =	sst s22  }
0x6c: {  	s22 =	sadd.s32 $0x12000, s11;
	[smem:$0x7BC] =	sst s2;
	s2 =	sadd.s32 $0x10000, s18  }
0x6d: {  	s3 =	sadd.s32 s12, s25;
	s0 =	sadd.s32 s23, s5;
	[smem:$0x7DC] =	sst s22  }
0x6e: {  	s25 =	sadd.s32 $0x5000, s11;
	[smem:$0x7C1] =	sst s3;
	s3 =	sshll.u32 s26, $0x9  }
0x6f: {  	s6 =	sshll.u32 s0, $0xC;
	[smem:$0x7CF] =	sst s25;
	s26 =	sadd.s32 $0x6000, s11  }
0x70: {  	s7 =	sshll.u32 s0, $0x9;
	s0 =	sadd.s32 $0x8000, s11;
	[smem:$0x7D0] =	sst s26  }
0x71: {  	s2 =	sshrl.u32 s2, $0x3;
	s25 =	sadd.s32 $0x14000, s11;
	[smem:$0x7D2] =	sst s0  }
0x72: {  	s2 =	sadd.s32 s12, s2;
	[smem:$0x7DE] =	sst s25  }
0x73: {  	s3 =	sadd.s32 s12, s3;
	[smem:$0x7BE] =	sst s2  }
0x74: {  	s26 =	sadd.s32 $0x15000, s11;
	[smem:$0x7C3] =	sst s3  }
0x75: {  	s31 =	sor.u32 $0xF8, s16;
	s0 =	sadd.s32 $0x17000, s11;
	[smem:$0x7DF] =	sst s26  }
0x76: {  	s2 =	sshrl.u32 s21, $0x3;
	s21 =	sadd.s32 $0x2000, s11;
	[smem:$0x7E1] =	sst s0  }
0x77: {  	s3 =	sadd.s32 $0x10000, s6;
	s6 =	sadd.s32 $0x9000, s11;
	[smem:$0x7CC] =	sst s21  }
0x78: {  	s0 =	sadd.s32 $0x100, s12;
	s2 =	sadd.s32 s12, s2;
	[smem:$0x7D3] =	sst s6  }
0x79: {  	s3 =	sshrl.u32 s3, $0x3;
	s21 =	sadd.s32 $0x11000, s11;
	[smem:$0x7EF] =	sst s0  }
0x7a: {  	s6 =	sadd.s32 $0x18000, s11;
	[smem:$0x7C0] =	sst s2;
	s2 =	sadd.s32 $0x10000, s24  }
0x7b: {  	s3 =	sadd.s32 s12, s3;
	s24 =	sadd.s32 $0x4000, s11;
	[smem:$0x7DB] =	sst s21  }
0x7c: {  	[smem:$0x7E2] =	sst s6;
	s21 =	sadd.s32 s31, s5;
	s6 =	sadd.s32 $0x200, s12  }
0x7d: {  	s2 =	sshrl.u32 s2, $0x3;
	[smem:$0x7C6] =	sst s3;
	s3 =	sor.u32 $0xE8, s16  }
0x7e: {  	[smem:$0x7CE] =	sst s24;
	s24 =	sadd.s32 $0x13000, s11;
	s22 =	sshll.u32 s21, $0xC  }
0x7f: {  	[smem:$0x7F0] =	sst s6;
	s2 =	sadd.s32 s12, s2;
	s15 =	sadd.s32 s3, s5  }
0x80: {  	[smem:$0x7DD] =	sst s24;
	s24 =	sadd.s32 $0x10000, s22;
	s22 =	sadd.s32 $0xB00, s12  }
0x81: {  	[smem:$0x7C2] =	sst s2;
	s2 =	sadd.s32 $0x10000, s30;
	s17 =	sshll.u32 s15, $0xC  }
0x82: {  	s15 =	sshll.u32 s15, $0x9;
	s30 =	sadd.s32 $0x7000, s11;
	[smem:$0x7F9] =	sst s22  }
0x83: {  	s18 =	sadd.s32 s12, s15;
	[smem:$0x7D1] =	sst s30  }
0x84: {  	s15 =	sadd.s32 $0xC000, s11;
	[smem:$0x7C9] =	sst s18  }
0x85: {  	s2 =	sshrl.u32 s2, $0x3;
	s30 =	sadd.s32 $0x16000, s11;
	[smem:$0x7D6] =	sst s15  }
0x86: {  	s2 =	sadd.s32 s12, s2;
	[smem:$0x7E0] =	sst s30  }
0x87: {  	s18 =	sadd.s32 $0xE000, s11;
	[smem:$0x7C4] =	sst s2  }
0x88: {  	s15 =	sadd.s32 $0x1B000, s11;
	[smem:$0x7D8] =	sst s18  }
0x89: {  	s30 =	sadd.s32 $0x100, s16;
	[smem:$0x7E5] =	sst s15  }
0x8a: {  	s2 =	sadd.s32 s12, s7;
	[smem:$0x7EE] =	sst s30  }
0x8b: {  	s18 =	sadd.s32 $0x1D000, s11;
	[smem:$0x7C5] =	sst s2  }
0x8c: {  	s15 =	sshll.u32 s21, $0x9;
	s21 =	sadd.s32 $0xA00, s12;
	[smem:$0x7E7] =	sst s18  }
0x8d: {  	s30 =	sadd.s32 $0xF00, s12;
	s2 =	sor.u32 $0xE0, s16;
	[smem:$0x7F8] =	sst s21  }
0x8e: {  	s25 =	sadd.s32 s12, s15;
	[smem:$0x7FD] =	sst s30;
	s9 =	sadd.s32 s2, s5  }
0x8f: {  	[smem:$0x7EC] =	sst s25;
	s25 =	sadd.s32 $0xD00, s12;
	s10 =	sshll.u32 s9, $0x9  }
0x90: {  	s7 =	sshll.u32 s9, $0xC;
	[smem:$0x7FB] =	sst s25;
	s9 =	sadd.s32 s12, s10  }
0x91: {  	s7 =	sadd.s32 $0x10000, s7;
	s10 =	sadd.s32 $0xB000, s11;
	[smem:$0x7C7] =	sst s9  }
0x92: {  	s9 =	sadd.s32 $0x10000, s17;
	[smem:$0x7D5] =	sst s10;
	s17 =	sadd.s32 $0xD000, s11  }
0x93: {  	s7 =	sshrl.u32 s7, $0x3;
	s10 =	sadd.s32 $0x1A000, s11;
	[smem:$0x7D7] =	sst s17  }
0x94: {  	s7 =	sadd.s32 s12, s7;
	[smem:$0x7E4] =	sst s10  }
0x95: {  	s19 =	sshrl.u32 s9, $0x3;
	s9 =	sadd.s32 $0xA000, s11;
	[smem:$0x7C8] =	sst s7  }
0x96: {  	s17 =	sadd.s32 $0x1C000, s11;
	[smem:$0x7D4] =	sst s9  }
0x97: {  	s10 =	sadd.s32 $0x400, s12;
	[smem:$0x7E6] =	sst s17  }
0x98: {  	s7 =	sadd.s32 s12, s19;
	[smem:$0x7F2] =	sst s10  }
0x99: {  	s19 =	sadd.s32 $0xF000, s11;
	[smem:$0x7CA] =	sst s7  }
0x9a: {  	s9 =	sadd.s32 $0x19000, s11;
	[smem:$0x7D9] =	sst s19  }
0x9b: {  	s17 =	sadd.s32 $0x600, s12;
	[smem:$0x7E3] =	sst s9  }
0x9c: {  	s19 =	sadd.s32 $0x1E000, s11;
	[smem:$0x7F4] =	sst s17  }
0x9d: {  	s11 =	sadd.s32 $0x1F000, s11;
	[smem:$0x7E8] =	sst s19  }
0x9e: {  	s7 =	sor.u32 $0xF0, s16;
	s9 =	sadd.s32 $0x300, s12;
	[smem:$0x7E9] =	sst s11  }
0x9f: {  	s16 =	sadd.s32 $0x500, s12;
	s20 =	sadd.s32 s7, s5;
	[smem:$0x7F1] =	sst s9  }
0xa0: {  	[smem:$0x7F3] =	sst s16;
	s19 =	sadd.s32 $0x800, s12;
	s18 =	sshll.u32 s20, $0x9  }
0xa1: {  	s11 =	sshll.u32 s20, $0xC;
	[smem:$0x7F6] =	sst s19;
	s20 =	sadd.s32 $0x900, s12  }
0xa2: {  	s29 =	simm.s32 $0x2;
	s18 =	sadd.s32 s12, s18;
	[smem:$0x7F7] =	sst s20  }
0xa3: {  	s15 =	simm.s32 $0x1;
	s11 =	sadd.s32 $0x10000, s11;
	[smem:$0x7EA] =	sst s18  }
0xa4: {  	s11 =	sshrl.u32 s11, $0x3;
	s18 =	sshrl.u32 s24, $0x3;
	s24 =	sadd.s32 $0xC00, s12  }
.Ltmp0:
0xa5: {  	s11 =	sadd.s32 s12, s11;
	[smem:$0x7FA] =	sst s24;
	(pc) =	sbr.rel .LBB2_1-.Ltmp0, $4  }
0xa6: {  	s17 =	simm.s32 $0x7;
	s26 =	sadd.s32 s12, s18;
	[smem:$0x7EB] =	sst s11  }
0xa7: {  	v0 =	vlaneseq.u32;
	s9 =	simm.s32 $0x3;
	s18 =	sadd.s32 $0x700, s12;
	[smem:$0x7ED] =	sst s26  }
0xa8: {  	vm0 =	vmmov $0xffff;
	v2 =	vand.u32 $0x7, v0;
	v3 =	vshrl.u32 v0, $0x3;
	s19 =	simm.s32 $0x18000;
	[smem:$0x7F5] =	sst s18;
	s26 =	sadd.s32 $0xE00, s12  }
0xa9: {  	v4 =	vor.u32 $0x8, v0;
	v3 =	vmul.u32 $0x8, v3;
	v1 =	vmov s5;
	s11 =	smax.u32 s1, $0x1;
	s18 =	simm.s32 $0x10000;
	[smem:$0x7FC] =	sst s26  }
.LBB2_3:
0xaa: {  	s11 =	sadd.s32 $0xFFFFFFFF, s11  }
0xab: {  	p0 =	sne.s32 s11, $0x0  }
.Ltmp1:
0xac: {  	_ = 	snop;
	(pc) =	sbr.rel @!p0 .LBB2_4-.Ltmp1, $1  }
0xad: {  	_ =	sdelay $0x3  }
.LBB2_1:
0xae: {  	s5 =	rddreg [dreg:$0x9]  }
0xaf: {  	s16 =	sld [smem:$0x7CB]  }
0xb0: {  	[tilespmem:s4], [sflag:$0x1] =	stream.linear.gather [hbm4b:s5+s4], $0x8000, $0x38;
	[tilespmem:$0x18080] =	vst v63  }
0xb1: {  	s6 =	simm.s32 $0x8000  }
0xb2: {  	[tilespmem:s6], [sflag:$0x2] =	stream.linear.gather [hbm4b:s16+s4], $0x8000, $0x38;
	[tilespmem:$0x18080] =	vst v63  }
0xb3: {  	s20 =	rddreg [dreg:$0x6]  }
0xb4: {  	[tilespmem:s19], [sflag:$0x7] =	stream.linear.gather [hbm4b:s20+s4], $0x80, $0x38;
	[tilespmem:$0x18080] =	vst v63  }
0xb5: {  	_ =	swait.ge [sflag:s17], $0x80  }
0xb6: {  	[sflag:s17] =	ssyncset.done $0x0  }
0xb7: {  	s21 =	rddreg [dreg:$0x7];
	[sflag:s17] =	ssyncadd.s32 $0xFFFFFF80  }
0xb8: {  	v5 =	vld [tilespmem:s21+$0x18000];
	_ =	sdelay $0x4  }
0xb9: {  	(v2sf) =	vpush v5, $0x0;
	_ =	sdelay $0xe  }
0xba: {  	s5 =	spop (v2sf)  }
0xbb: {  	_ =	swait.ge [sflag:s15], $0x8000  }
0xbc: {  	s12 =	rddreg [dreg:$0x8]  }
0xbd: {  	s16 =	rddreg [dreg:$0xb]  }
0xbe: {  	s22 =	rddreg [dreg:$0xa]  }
0xbf: {  	[sflag:s15] =	ssyncset.done $0x0;
	s21 =	rddreg [dreg:$0xd];
	p2 =	sge.s32 s12, s5  }
0xc0: {  	[sflag:s15] =	ssyncadd.s32 $0xFFFF8000;
	p3 =	sle.s32 s22, s5;
	s12 =	simm.s32 @!p2 $0x0  }
0xc1: {  	[hbm4b:s16+s12] =	stream.linear.scatter @!p2 [tilespmem:s12], [sflag:$0x4], $0x8000, $0x38;
	[tilespmem:$0x18080] =	vst v63  }
0xc2: {  	s24 =	sld [smem:$0x7CC];
	s12 =	simm.s32 @!p3 $0x0  }
0xc3: {  	[hbm4b:s21+s12] =	stream.linear.scatter @!p3 [tilespmem:s12], [sflag:$0x4], $0x8000, $0x38;
	[tilespmem:$0x18080] =	vst v63  }
0xc4: {  	p0 =	sge.s32 s22, s5  }
0xc5: {  	[tilespmem:s18], [sflag:$0x3] =	stream.linear.gather [hbm4b:s24+s4], $0x8000, $0x38;
	[tilespmem:$0x18080] =	vst v63  }
0xc6: {  	s16 =	simm.s32 @!p0 $0x8000;
	_ =	swait.ge [sflag:s29], $0x8000  }
0xc7: {  	s12 =	simm.s32 @!p0 $0x0;
	[sflag:s29] =	ssyncset.done $0x0;
	s25 =	rddreg [dreg:$0xc]  }
0xc8: {  	s21 =	rddreg [dreg:$0xe];
	[sflag:s29] =	ssyncadd.s32 $0xFFFF8000;
	p1 =	sle.s32 s25, s5  }
0xc9: {  	[hbm4b:s21+s12] =	stream.linear.scatter @!p0 [tilespmem:s16], [sflag:$0x5], $0x8000, $0x38;
	[tilespmem:$0x18080] =	vst v63  }
0xca: {  	s26 =	rddreg [dreg:$0xf];
	s12 =	simm.s32 @!p1 $0x0;
	s16 =	simm.s32 @!p1 $0x8000  }
0xcb: {  	[hbm4b:s26+s12] =	stream.linear.scatter @!p1 [tilespmem:s16], [sflag:$0x5], $0x8000, $0x38;
	[tilespmem:$0x18080] =	vst v63  }
0xcc: {  	s12 =	simm.s32 @!p2 $0x4  }
0xcd: {  	_ =	swait.ge @!p2 [sflag:s12], $0x8000  }
0xce: {  	[sflag:s12] =	ssyncset.done @!p2 $0x0  }
0xcf: {  	[sflag:s12] =	ssyncadd.s32 @!p2 $0xFFFF8000;
	s12 =	simm.s32 @!p3 $0x4  }
0xd0: {  	_ =	swait.ge @!p3 [sflag:s12], $0x8000  }
0xd1: {  	s26 =	sld [smem:$0x7CD]  }
0xd2: {  	[sflag:s12] =	ssyncset.done @!p3 $0x0  }
0xd3: {  	p2 =	sge.s32 s25, s5;
	[sflag:s12] =	ssyncadd.s32 @!p3 $0xFFFF8000  }
0xd4: {  	[tilespmem:s4], [sflag:$0x1] =	stream.linear.gather [hbm4b:s26+s4], $0x8000, $0x38;
	[tilespmem:$0x18080] =	vst v63  }
0xd5: {  	s16 =	simm.s32 @!p2 $0x10000;
	_ =	swait.ge [sflag:s9], $0x8000  }
0xd6: {  	s12 =	simm.s32 @!p2 $0x0;
	[sflag:s9] =	ssyncset.done $0x0;
	s30 =	rddreg [dreg:$0x10]  }
0xd7: {  	s21 =	rddreg [dreg:$0x11];
	[sflag:s9] =	ssyncadd.s32 $0xFFFF8000;
	p5 =	sle.s32 s30, s5  }
0xd8: {  	[hbm4b:s21+s12] =	stream.linear.scatter @!p2 [tilespmem:s16], [sflag:$0x6], $0x8000, $0x38;
	[tilespmem:$0x18080] =	vst v63  }
0xd9: {  	s26 =	rddreg [dreg:$0x12];
	s12 =	simm.s32 @!p5 $0x0;
	s16 =	simm.s32 @!p5 $0x10000  }
0xda: {  	[hbm4b:s26+s12] =	stream.linear.scatter @!p5 [tilespmem:s16], [sflag:$0x6], $0x8000, $0x38;
	[tilespmem:$0x18080] =	vst v63  }
0xdb: {  	s12 =	simm.s32 @!p0 $0x5  }
0xdc: {  	_ =	swait.ge @!p0 [sflag:s12], $0x8000  }
0xdd: {  	[sflag:s12] =	ssyncset.done @!p0 $0x0  }
0xde: {  	[sflag:s12] =	ssyncadd.s32 @!p0 $0xFFFF8000;
	s12 =	simm.s32 @!p1 $0x5  }
0xdf: {  	_ =	swait.ge @!p1 [sflag:s12], $0x8000  }
0xe0: {  	s0 =	sld [smem:$0x7CE]  }
0xe1: {  	[sflag:s12] =	ssyncset.done @!p1 $0x0  }
0xe2: {  	[sflag:s12] =	ssyncadd.s32 @!p1 $0xFFFF8000  }
0xe3: {  	[tilespmem:s6], [sflag:$0x2] =	stream.linear.gather [hbm4b:s0+s4], $0x8000, $0x38;
	[tilespmem:$0x18080] =	vst v63  }
0xe4: {  	p3 =	sge.s32 s30, s5;
	_ =	swait.ge [sflag:s15], $0x8000  }
0xe5: {  	s12 =	simm.s32 @!p3 $0x0;
	[sflag:s15] =	ssyncset.done $0x0;
	s1 =	rddreg [dreg:$0x13]  }
0xe6: {  	s16 =	rddreg [dreg:$0x15];
	[sflag:s15] =	ssyncadd.s32 $0xFFFF8000;
	p4 =	sle.s32 s1, s5  }
0xe7: {  	[hbm4b:s16+s12] =	stream.linear.scatter @!p3 [tilespmem:s12], [sflag:$0x4], $0x8000, $0x38;
	[tilespmem:$0x18080] =	vst v63  }
0xe8: {  	s21 =	rddreg [dreg:$0x16];
	s12 =	simm.s32 @!p4 $0x0  }
0xe9: {  	[hbm4b:s21+s12] =	stream.linear.scatter @!p4 [tilespmem:s12], [sflag:$0x4], $0x8000, $0x38;
	[tilespmem:$0x18080] =	vst v63  }
0xea: {  	s12 =	simm.s32 @!p2 $0x6  }
0xeb: {  	_ =	swait.ge @!p2 [sflag:s12], $0x8000  }
0xec: {  	[sflag:s12] =	ssyncset.done @!p2 $0x0  }
0xed: {  	[sflag:s12] =	ssyncadd.s32 @!p2 $0xFFFF8000;
	s12 =	simm.s32 @!p5 $0x6  }
0xee: {  	_ =	swait.ge @!p5 [sflag:s12], $0x8000  }
0xef: {  	s10 =	sld [smem:$0x7CF]  }
0xf0: {  	[sflag:s12] =	ssyncset.done @!p5 $0x0  }
0xf1: {  	p0 =	sge.s32 s1, s5;
	[sflag:s12] =	ssyncadd.s32 @!p5 $0xFFFF8000  }
0xf2: {  	[tilespmem:s18], [sflag:$0x3] =	stream.linear.gather [hbm4b:s10+s4], $0x8000, $0x38;
	[tilespmem:$0x18080] =	vst v63  }
0xf3: {  	s16 =	simm.s32 @!p0 $0x8000;
	_ =	swait.ge [sflag:s29], $0x8000  }
0xf4: {  	s12 =	simm.s32 @!p0 $0x0;
	[sflag:s29] =	ssyncset.done $0x0;
	s20 =	rddreg [dreg:$0x17]  }
0xf5: {  	s21 =	rddreg [dreg:$0x18];
	[sflag:s29] =	ssyncadd.s32 $0xFFFF8000;
	p1 =	sle.s32 s20, s5  }
0xf6: {  	[hbm4b:s21+s12] =	stream.linear.scatter @!p0 [tilespmem:s16], [sflag:$0x5], $0x8000, $0x38;
	[tilespmem:$0x18080] =	vst v63  }
0xf7: {  	s26 =	rddreg [dreg:$0x19];
	s12 =	simm.s32 @!p1 $0x0;
	s16 =	simm.s32 @!p1 $0x8000  }
0xf8: {  	[hbm4b:s26+s12] =	stream.linear.scatter @!p1 [tilespmem:s16], [sflag:$0x5], $0x8000, $0x38;
	[tilespmem:$0x18080] =	vst v63  }
0xf9: {  	s12 =	simm.s32 @!p3 $0x4  }
0xfa: {  	_ =	swait.ge @!p3 [sflag:s12], $0x8000  }
0xfb: {  	[sflag:s12] =	ssyncset.done @!p3 $0x0  }
0xfc: {  	[sflag:s12] =	ssyncadd.s32 @!p3 $0xFFFF8000;
	s12 =	simm.s32 @!p4 $0x4  }
0xfd: {  	_ =	swait.ge @!p4 [sflag:s12], $0x8000  }
0xfe: {  	s22 =	sld [smem:$0x7D0]  }
0xff: {  	[sflag:s12] =	ssyncset.done @!p4 $0x0  }
0x100: {  	p2 =	sge.s32 s20, s5;
	[sflag:s12] =	ssyncadd.s32 @!p4 $0xFFFF8000  }
0x101: {  	[tilespmem:s4], [sflag:$0x1] =	stream.linear.gather [hbm4b:s22+s4], $0x8000, $0x38;
	[tilespmem:$0x18080] =	vst v63  }
0x102: {  	s16 =	simm.s32 @!p2 $0x10000;
	_ =	swait.ge [sflag:s9], $0x8000  }
0x103: {  	s12 =	simm.s32 @!p2 $0x0;
	[sflag:s9] =	ssyncset.done $0x0;
	s24 =	rddreg [dreg:$0x1a]  }
0x104: {  	s21 =	rddreg [dreg:$0x1b];
	[sflag:s9] =	ssyncadd.s32 $0xFFFF8000;
	p5 =	sle.s32 s24, s5  }
0x105: {  	[hbm4b:s21+s12] =	stream.linear.scatter @!p2 [tilespmem:s16], [sflag:$0x6], $0x8000, $0x38;
	[tilespmem:$0x18080] =	vst v63  }
0x106: {  	s26 =	rddreg [dreg:$0x1c];
	s12 =	simm.s32 @!p5 $0x0;
	s16 =	simm.s32 @!p5 $0x10000  }
0x107: {  	[hbm4b:s26+s12] =	stream.linear.scatter @!p5 [tilespmem:s16], [sflag:$0x6], $0x8000, $0x38;
	[tilespmem:$0x18080] =	vst v63  }
0x108: {  	s12 =	simm.s32 @!p0 $0x5  }
0x109: {  	_ =	swait.ge @!p0 [sflag:s12], $0x8000  }
0x10a: {  	[sflag:s12] =	ssyncset.done @!p0 $0x0  }
0x10b: {  	[sflag:s12] =	ssyncadd.s32 @!p0 $0xFFFF8000;
	s12 =	simm.s32 @!p1 $0x5  }
0x10c: {  	_ =	swait.ge @!p1 [sflag:s12], $0x8000  }
0x10d: {  	s25 =	sld [smem:$0x7D1]  }
0x10e: {  	[sflag:s12] =	ssyncset.done @!p1 $0x0  }
0x10f: {  	[sflag:s12] =	ssyncadd.s32 @!p1 $0xFFFF8000  }
0x110: {  	[tilespmem:s6], [sflag:$0x2] =	stream.linear.gather [hbm4b:s25+s4], $0x8000, $0x38;
	[tilespmem:$0x18080] =	vst v63  }
0x111: {  	p3 =	sge.s32 s24, s5;
	_ =	swait.ge [sflag:s15], $0x8000  }
0x112: {  	s12 =	simm.s32 @!p3 $0x0;
	[sflag:s15] =	ssyncset.done $0x0;
	s26 =	rddreg [dreg:$0x1d]  }
0x113: {  	s16 =	rddreg [dreg:$0x1e];
	[sflag:s15] =	ssyncadd.s32 $0xFFFF8000;
	p4 =	sle.s32 s26, s5  }
0x114: {  	[hbm4b:s16+s12] =	stream.linear.scatter @!p3 [tilespmem:s12], [sflag:$0x4], $0x8000, $0x38;
	[tilespmem:$0x18080] =	vst v63  }
0x115: {  	s21 =	rddreg [dreg:$0x1f];
	s12 =	simm.s32 @!p4 $0x0  }
0x116: {  	[hbm4b:s21+s12] =	stream.linear.scatter @!p4 [tilespmem:s12], [sflag:$0x4], $0x8000, $0x38;
	[tilespmem:$0x18080] =	vst v63  }
0x117: {  	s12 =	simm.s32 @!p2 $0x6  }
0x118: {  	_ =	swait.ge @!p2 [sflag:s12], $0x8000  }
0x119: {  	[sflag:s12] =	ssyncset.done @!p2 $0x0  }
0x11a: {  	[sflag:s12] =	ssyncadd.s32 @!p2 $0xFFFF8000;
	s12 =	simm.s32 @!p5 $0x6  }
0x11b: {  	_ =	swait.ge @!p5 [sflag:s12], $0x8000  }
0x11c: {  	s30 =	sld [smem:$0x7D2]  }
0x11d: {  	[sflag:s12] =	ssyncset.done @!p5 $0x0  }
0x11e: {  	[sflag:s12] =	ssyncadd.s32 @!p5 $0xFFFF8000  }
0x11f: {  	[tilespmem:s18], [sflag:$0x3] =	stream.linear.gather [hbm4b:s30+s4], $0x8000, $0x38;
	[tilespmem:$0x18080] =	vst v63  }
0x120: {  	_ =	swait.ge [sflag:s29], $0x8000  }
0x121: {  	p0 =	sge.s32 s26, s5;
	s21 =	sld [smem:$0x78E]  }
0x122: {  	s16 =	simm.s32 @!p0 $0x8000;
	[sflag:s29] =	ssyncset.done $0x0;
	s0 =	sld [smem:$0x78F]  }
0x123: {  	s12 =	simm.s32 @!p0 $0x0;
	s26 =	sld [smem:$0x790];
	[sflag:s29] =	ssyncadd.s32 $0xFFFF8000  }
0x124: {  	[hbm4b:s21+s12] =	stream.linear.scatter @!p0 [tilespmem:s16], [sflag:$0x5], $0x8000, $0x38;
	[tilespmem:$0x18080] =	vst v63  }
0x125: {  	p1 =	sle.s32 s0, s5  }
0x126: {  	s12 =	simm.s32 @!p1 $0x0;
	s16 =	simm.s32 @!p1 $0x8000  }
0x127: {  	[hbm4b:s26+s12] =	stream.linear.scatter @!p1 [tilespmem:s16], [sflag:$0x5], $0x8000, $0x38;
	[tilespmem:$0x18080] =	vst v63  }
0x128: {  	s12 =	simm.s32 @!p3 $0x4  }
0x129: {  	_ =	swait.ge @!p3 [sflag:s12], $0x8000  }
0x12a: {  	[sflag:s12] =	ssyncset.done @!p3 $0x0  }
0x12b: {  	[sflag:s12] =	ssyncadd.s32 @!p3 $0xFFFF8000;
	s12 =	simm.s32 @!p4 $0x4  }
0x12c: {  	_ =	swait.ge @!p4 [sflag:s12], $0x8000  }
0x12d: {  	s1 =	sld [smem:$0x7D3]  }
0x12e: {  	[sflag:s12] =	ssyncset.done @!p4 $0x0  }
0x12f: {  	[sflag:s12] =	ssyncadd.s32 @!p4 $0xFFFF8000  }
0x130: {  	[tilespmem:s4], [sflag:$0x1] =	stream.linear.gather [hbm4b:s1+s4], $0x8000, $0x38;
	[tilespmem:$0x18080] =	vst v63  }
0x131: {  	_ =	swait.ge [sflag:s9], $0x8000  }
0x132: {  	p2 =	sge.s32 s0, s5;
	s21 =	sld [smem:$0x792]  }
0x133: {  	s16 =	simm.s32 @!p2 $0x10000;
	[sflag:s9] =	ssyncset.done $0x0;
	s10 =	sld [smem:$0x791]  }
0x134: {  	s12 =	simm.s32 @!p2 $0x0;
	s26 =	sld [smem:$0x793];
	[sflag:s9] =	ssyncadd.s32 $0xFFFF8000  }
0x135: {  	[hbm4b:s21+s12] =	stream.linear.scatter @!p2 [tilespmem:s16], [sflag:$0x6], $0x8000, $0x38;
	[tilespmem:$0x18080] =	vst v63  }
0x136: {  	p5 =	sle.s32 s10, s5  }
0x137: {  	s12 =	simm.s32 @!p5 $0x0;
	s16 =	simm.s32 @!p5 $0x10000  }
0x138: {  	[hbm4b:s26+s12] =	stream.linear.scatter @!p5 [tilespmem:s16], [sflag:$0x6], $0x8000, $0x38;
	[tilespmem:$0x18080] =	vst v63  }
0x139: {  	s12 =	simm.s32 @!p0 $0x5  }
0x13a: {  	_ =	swait.ge @!p0 [sflag:s12], $0x8000  }
0x13b: {  	[sflag:s12] =	ssyncset.done @!p0 $0x0  }
0x13c: {  	[sflag:s12] =	ssyncadd.s32 @!p0 $0xFFFF8000;
	s12 =	simm.s32 @!p1 $0x5  }
0x13d: {  	_ =	swait.ge @!p1 [sflag:s12], $0x8000  }
0x13e: {  	s20 =	sld [smem:$0x7D4]  }
0x13f: {  	[sflag:s12] =	ssyncset.done @!p1 $0x0  }
0x140: {  	[sflag:s12] =	ssyncadd.s32 @!p1 $0xFFFF8000  }
0x141: {  	[tilespmem:s6], [sflag:$0x2] =	stream.linear.gather [hbm4b:s20+s4], $0x8000, $0x38;
	[tilespmem:$0x18080] =	vst v63  }
0x142: {  	_ =	swait.ge [sflag:s15], $0x8000  }
0x143: {  	s16 =	sld [smem:$0x795]  }
0x144: {  	p3 =	sge.s32 s10, s5;
	[sflag:s15] =	ssyncset.done $0x0;
	s22 =	sld [smem:$0x794]  }
0x145: {  	s12 =	simm.s32 @!p3 $0x0;
	s21 =	sld [smem:$0x796];
	[sflag:s15] =	ssyncadd.s32 $0xFFFF8000  }
0x146: {  	[hbm4b:s16+s12] =	stream.linear.scatter @!p3 [tilespmem:s12], [sflag:$0x4], $0x8000, $0x38;
	[tilespmem:$0x18080] =	vst v63  }
0x147: {  	p4 =	sle.s32 s22, s5  }
0x148: {  	s12 =	simm.s32 @!p4 $0x0  }
0x149: {  	[hbm4b:s21+s12] =	stream.linear.scatter @!p4 [tilespmem:s12], [sflag:$0x4], $0x8000, $0x38;
	[tilespmem:$0x18080] =	vst v63  }
0x14a: {  	s12 =	simm.s32 @!p2 $0x6  }
0x14b: {  	_ =	swait.ge @!p2 [sflag:s12], $0x8000  }
0x14c: {  	[sflag:s12] =	ssyncset.done @!p2 $0x0  }
0x14d: {  	[sflag:s12] =	ssyncadd.s32 @!p2 $0xFFFF8000;
	s12 =	simm.s32 @!p5 $0x6  }
0x14e: {  	_ =	swait.ge @!p5 [sflag:s12], $0x8000  }
0x14f: {  	s24 =	sld [smem:$0x7D5]  }
0x150: {  	[sflag:s12] =	ssyncset.done @!p5 $0x0  }
0x151: {  	[sflag:s12] =	ssyncadd.s32 @!p5 $0xFFFF8000  }
0x152: {  	[tilespmem:s18], [sflag:$0x3] =	stream.linear.gather [hbm4b:s24+s4], $0x8000, $0x38;
	[tilespmem:$0x18080] =	vst v63  }
0x153: {  	_ =	swait.ge [sflag:s29], $0x8000  }
0x154: {  	p0 =	sge.s32 s22, s5;
	s21 =	sld [smem:$0x797]  }
0x155: {  	s16 =	simm.s32 @!p0 $0x8000;
	[sflag:s29] =	ssyncset.done $0x0;
	s25 =	sld [smem:$0x798]  }
0x156: {  	s12 =	simm.s32 @!p0 $0x0;
	s26 =	sld [smem:$0x799];
	[sflag:s29] =	ssyncadd.s32 $0xFFFF8000  }
0x157: {  	[hbm4b:s21+s12] =	stream.linear.scatter @!p0 [tilespmem:s16], [sflag:$0x5], $0x8000, $0x38;
	[tilespmem:$0x18080] =	vst v63  }
0x158: {  	p1 =	sle.s32 s25, s5  }
0x159: {  	s12 =	simm.s32 @!p1 $0x0;
	s16 =	simm.s32 @!p1 $0x8000  }
0x15a: {  	[hbm4b:s26+s12] =	stream.linear.scatter @!p1 [tilespmem:s16], [sflag:$0x5], $0x8000, $0x38;
	[tilespmem:$0x18080] =	vst v63  }
0x15b: {  	s12 =	simm.s32 @!p3 $0x4  }
0x15c: {  	_ =	swait.ge @!p3 [sflag:s12], $0x8000  }
0x15d: {  	[sflag:s12] =	ssyncset.done @!p3 $0x0  }
0x15e: {  	[sflag:s12] =	ssyncadd.s32 @!p3 $0xFFFF8000;
	s12 =	simm.s32 @!p4 $0x4  }
0x15f: {  	_ =	swait.ge @!p4 [sflag:s12], $0x8000  }
0x160: {  	s26 =	sld [smem:$0x7D6]  }
0x161: {  	[sflag:s12] =	ssyncset.done @!p4 $0x0  }
0x162: {  	[sflag:s12] =	ssyncadd.s32 @!p4 $0xFFFF8000  }
0x163: {  	[tilespmem:s4], [sflag:$0x1] =	stream.linear.gather [hbm4b:s26+s4], $0x8000, $0x38;
	[tilespmem:$0x18080] =	vst v63  }
0x164: {  	_ =	swait.ge [sflag:s9], $0x8000  }
0x165: {  	p2 =	sge.s32 s25, s5;
	s21 =	sld [smem:$0x79B]  }
0x166: {  	s16 =	simm.s32 @!p2 $0x10000;
	[sflag:s9] =	ssyncset.done $0x0;
	s30 =	sld [smem:$0x79A]  }
0x167: {  	s12 =	simm.s32 @!p2 $0x0;
	s26 =	sld [smem:$0x79C];
	[sflag:s9] =	ssyncadd.s32 $0xFFFF8000  }
0x168: {  	[hbm4b:s21+s12] =	stream.linear.scatter @!p2 [tilespmem:s16], [sflag:$0x6], $0x8000, $0x38;
	[tilespmem:$0x18080] =	vst v63  }
0x169: {  	p5 =	sle.s32 s30, s5  }
0x16a: {  	s12 =	simm.s32 @!p5 $0x0;
	s16 =	simm.s32 @!p5 $0x10000  }
0x16b: {  	[hbm4b:s26+s12] =	stream.linear.scatter @!p5 [tilespmem:s16], [sflag:$0x6], $0x8000, $0x38;
	[tilespmem:$0x18080] =	vst v63  }
0x16c: {  	s12 =	simm.s32 @!p0 $0x5  }
0x16d: {  	_ =	swait.ge @!p0 [sflag:s12], $0x8000  }
0x16e: {  	[sflag:s12] =	ssyncset.done @!p0 $0x0  }
0x16f: {  	[sflag:s12] =	ssyncadd.s32 @!p0 $0xFFFF8000;
	s12 =	simm.s32 @!p1 $0x5  }
0x170: {  	_ =	swait.ge @!p1 [sflag:s12], $0x8000  }
0x171: {  	s0 =	sld [smem:$0x7D7]  }
0x172: {  	[sflag:s12] =	ssyncset.done @!p1 $0x0  }
0x173: {  	[sflag:s12] =	ssyncadd.s32 @!p1 $0xFFFF8000  }
0x174: {  	[tilespmem:s6], [sflag:$0x2] =	stream.linear.gather [hbm4b:s0+s4], $0x8000, $0x38;
	[tilespmem:$0x18080] =	vst v63  }
0x175: {  	_ =	swait.ge [sflag:s15], $0x8000  }
0x176: {  	s16 =	sld [smem:$0x79E]  }
0x177: {  	p3 =	sge.s32 s30, s5;
	[sflag:s15] =	ssyncset.done $0x0;
	s1 =	sld [smem:$0x79D]  }
0x178: {  	s12 =	simm.s32 @!p3 $0x0;
	s21 =	sld [smem:$0x79F];
	[sflag:s15] =	ssyncadd.s32 $0xFFFF8000  }
0x179: {  	[hbm4b:s16+s12] =	stream.linear.scatter @!p3 [tilespmem:s12], [sflag:$0x4], $0x8000, $0x38;
	[tilespmem:$0x18080] =	vst v63  }
0x17a: {  	p4 =	sle.s32 s1, s5  }
0x17b: {  	s12 =	simm.s32 @!p4 $0x0  }
0x17c: {  	[hbm4b:s21+s12] =	stream.linear.scatter @!p4 [tilespmem:s12], [sflag:$0x4], $0x8000, $0x38;
	[tilespmem:$0x18080] =	vst v63  }
0x17d: {  	s12 =	simm.s32 @!p2 $0x6  }
0x17e: {  	_ =	swait.ge @!p2 [sflag:s12], $0x8000  }
0x17f: {  	[sflag:s12] =	ssyncset.done @!p2 $0x0  }
0x180: {  	[sflag:s12] =	ssyncadd.s32 @!p2 $0xFFFF8000;
	s12 =	simm.s32 @!p5 $0x6  }
0x181: {  	_ =	swait.ge @!p5 [sflag:s12], $0x8000  }
0x182: {  	s10 =	sld [smem:$0x7D8]  }
0x183: {  	[sflag:s12] =	ssyncset.done @!p5 $0x0  }
0x184: {  	[sflag:s12] =	ssyncadd.s32 @!p5 $0xFFFF8000  }
0x185: {  	[tilespmem:s18], [sflag:$0x3] =	stream.linear.gather [hbm4b:s10+s4], $0x8000, $0x38;
	[tilespmem:$0x18080] =	vst v63  }
0x186: {  	_ =	swait.ge [sflag:s29], $0x8000  }
0x187: {  	p0 =	sge.s32 s1, s5;
	s21 =	sld [smem:$0x7A0]  }
0x188: {  	s16 =	simm.s32 @!p0 $0x8000;
	[sflag:s29] =	ssyncset.done $0x0  }
0x189: {  	s12 =	simm.s32 @!p0 $0x0;
	s1 =	sld [smem:$0x7A1];
	[sflag:s29] =	ssyncadd.s32 $0xFFFF8000  }
0x18a: {  	[hbm4b:s21+s12] =	stream.linear.scatter @!p0 [tilespmem:s16], [sflag:$0x5], $0x8000, $0x38;
	[tilespmem:$0x18080] =	vst v63  }
0x18b: {  	s21 =	sld [smem:$0x7A2]  }
0x18c: {  	p1 =	sle.s32 s1, s5  }
0x18d: {  	s12 =	simm.s32 @!p1 $0x0;
	s16 =	simm.s32 @!p1 $0x8000  }
0x18e: {  	[hbm4b:s21+s12] =	stream.linear.scatter @!p1 [tilespmem:s16], [sflag:$0x5], $0x8000, $0x38;
	[tilespmem:$0x18080] =	vst v63  }
0x18f: {  	s12 =	simm.s32 @!p3 $0x4  }
0x190: {  	_ =	swait.ge @!p3 [sflag:s12], $0x8000  }
0x191: {  	[sflag:s12] =	ssyncset.done @!p3 $0x0  }
0x192: {  	[sflag:s12] =	ssyncadd.s32 @!p3 $0xFFFF8000;
	s12 =	simm.s32 @!p4 $0x4  }
0x193: {  	_ =	swait.ge @!p4 [sflag:s12], $0x8000  }
0x194: {  	s16 =	sld [smem:$0x7D9]  }
0x195: {  	[sflag:s12] =	ssyncset.done @!p4 $0x0  }
0x196: {  	[sflag:s12] =	ssyncadd.s32 @!p4 $0xFFFF8000  }
0x197: {  	[tilespmem:s4], [sflag:$0x1] =	stream.linear.gather [hbm4b:s16+s4], $0x8000, $0x38;
	[tilespmem:$0x18080] =	vst v63  }
0x198: {  	_ =	swait.ge [sflag:s9], $0x8000  }
0x199: {  	p2 =	sge.s32 s1, s5;
	s21 =	sld [smem:$0x7A4]  }
0x19a: {  	s12 =	simm.s32 @!p2 $0x0;
	[sflag:s9] =	ssyncset.done $0x0  }
0x19b: {  	s16 =	simm.s32 @!p2 $0x10000;
	s20 =	sld [smem:$0x7A3];
	[sflag:s9] =	ssyncadd.s32 $0xFFFF8000  }
0x19c: {  	[hbm4b:s21+s12] =	stream.linear.scatter @!p2 [tilespmem:s16], [sflag:$0x6], $0x8000, $0x38;
	[tilespmem:$0x18080] =	vst v63  }
0x19d: {  	s21 =	sld [smem:$0x7A5]  }
0x19e: {  	p5 =	sle.s32 s20, s5  }
0x19f: {  	s12 =	simm.s32 @!p5 $0x0;
	s16 =	simm.s32 @!p5 $0x10000  }
0x1a0: {  	[hbm4b:s21+s12] =	stream.linear.scatter @!p5 [tilespmem:s16], [sflag:$0x6], $0x8000, $0x38;
	[tilespmem:$0x18080] =	vst v63  }
0x1a1: {  	s12 =	simm.s32 @!p0 $0x5  }
0x1a2: {  	_ =	swait.ge @!p0 [sflag:s12], $0x8000  }
0x1a3: {  	[sflag:s12] =	ssyncset.done @!p0 $0x0  }
0x1a4: {  	[sflag:s12] =	ssyncadd.s32 @!p0 $0xFFFF8000;
	s12 =	simm.s32 @!p1 $0x5  }
0x1a5: {  	_ =	swait.ge @!p1 [sflag:s12], $0x8000  }
0x1a6: {  	s21 =	sld [smem:$0x7DA]  }
0x1a7: {  	[sflag:s12] =	ssyncset.done @!p1 $0x0  }
0x1a8: {  	[sflag:s12] =	ssyncadd.s32 @!p1 $0xFFFF8000  }
0x1a9: {  	[tilespmem:s6], [sflag:$0x2] =	stream.linear.gather [hbm4b:s21+s4], $0x8000, $0x38;
	[tilespmem:$0x18080] =	vst v63  }
0x1aa: {  	_ =	swait.ge [sflag:s15], $0x8000  }
0x1ab: {  	s16 =	sld [smem:$0x7A7]  }
0x1ac: {  	p3 =	sge.s32 s20, s5;
	[sflag:s15] =	ssyncset.done $0x0  }
0x1ad: {  	s12 =	simm.s32 @!p3 $0x0;
	s22 =	sld [smem:$0x7A6];
	[sflag:s15] =	ssyncadd.s32 $0xFFFF8000  }
0x1ae: {  	[hbm4b:s16+s12] =	stream.linear.scatter @!p3 [tilespmem:s12], [sflag:$0x4], $0x8000, $0x38;
	[tilespmem:$0x18080] =	vst v63  }
0x1af: {  	s16 =	sld [smem:$0x7A8]  }
0x1b0: {  	p4 =	sle.s32 s22, s5  }
0x1b1: {  	s12 =	simm.s32 @!p4 $0x0  }
0x1b2: {  	[hbm4b:s16+s12] =	stream.linear.scatter @!p4 [tilespmem:s12], [sflag:$0x4], $0x8000, $0x38;
	[tilespmem:$0x18080] =	vst v63  }
0x1b3: {  	s12 =	simm.s32 @!p2 $0x6  }
0x1b4: {  	_ =	swait.ge @!p2 [sflag:s12], $0x8000  }
0x1b5: {  	[sflag:s12] =	ssyncset.done @!p2 $0x0  }
0x1b6: {  	[sflag:s12] =	ssyncadd.s32 @!p2 $0xFFFF8000;
	s12 =	simm.s32 @!p5 $0x6  }
0x1b7: {  	_ =	swait.ge @!p5 [sflag:s12], $0x8000  }
0x1b8: {  	s24 =	sld [smem:$0x7DB]  }
0x1b9: {  	[sflag:s12] =	ssyncset.done @!p5 $0x0  }
0x1ba: {  	[sflag:s12] =	ssyncadd.s32 @!p5 $0xFFFF8000  }
0x1bb: {  	[tilespmem:s18], [sflag:$0x3] =	stream.linear.gather [hbm4b:s24+s4], $0x8000, $0x38;
	[tilespmem:$0x18080] =	vst v63  }
0x1bc: {  	_ =	swait.ge [sflag:s29], $0x8000  }
0x1bd: {  	p0 =	sge.s32 s22, s5;
	s21 =	sld [smem:$0x7A9]  }
0x1be: {  	s16 =	simm.s32 @!p0 $0x8000;
	[sflag:s29] =	ssyncset.done $0x0  }
0x1bf: {  	s12 =	simm.s32 @!p0 $0x0;
	s25 =	sld [smem:$0x7AA];
	[sflag:s29] =	ssyncadd.s32 $0xFFFF8000  }
0x1c0: {  	[hbm4b:s21+s12] =	stream.linear.scatter @!p0 [tilespmem:s16], [sflag:$0x5], $0x8000, $0x38;
	[tilespmem:$0x18080] =	vst v63  }
0x1c1: {  	s21 =	sld [smem:$0x7AB]  }
0x1c2: {  	p1 =	sle.s32 s25, s5  }
0x1c3: {  	s12 =	simm.s32 @!p1 $0x0;
	s16 =	simm.s32 @!p1 $0x8000  }
0x1c4: {  	[hbm4b:s21+s12] =	stream.linear.scatter @!p1 [tilespmem:s16], [sflag:$0x5], $0x8000, $0x38;
	[tilespmem:$0x18080] =	vst v63  }
0x1c5: {  	s12 =	simm.s32 @!p3 $0x4  }
0x1c6: {  	_ =	swait.ge @!p3 [sflag:s12], $0x8000  }
0x1c7: {  	[sflag:s12] =	ssyncset.done @!p3 $0x0  }
0x1c8: {  	[sflag:s12] =	ssyncadd.s32 @!p3 $0xFFFF8000;
	s12 =	simm.s32 @!p4 $0x4  }
0x1c9: {  	_ =	swait.ge @!p4 [sflag:s12], $0x8000  }
0x1ca: {  	s26 =	sld [smem:$0x7DC]  }
0x1cb: {  	[sflag:s12] =	ssyncset.done @!p4 $0x0  }
0x1cc: {  	[sflag:s12] =	ssyncadd.s32 @!p4 $0xFFFF8000  }
0x1cd: {  	[tilespmem:s4], [sflag:$0x1] =	stream.linear.gather [hbm4b:s26+s4], $0x8000, $0x38;
	[tilespmem:$0x18080] =	vst v63  }
0x1ce: {  	_ =	swait.ge [sflag:s9], $0x8000  }
0x1cf: {  	p2 =	sge.s32 s25, s5;
	s21 =	sld [smem:$0x7AD]  }
0x1d0: {  	s16 =	simm.s32 @!p2 $0x10000;
	[sflag:s9] =	ssyncset.done $0x0  }
0x1d1: {  	s12 =	simm.s32 @!p2 $0x0;
	s30 =	sld [smem:$0x7AC];
	[sflag:s9] =	ssyncadd.s32 $0xFFFF8000  }
0x1d2: {  	[hbm4b:s21+s12] =	stream.linear.scatter @!p2 [tilespmem:s16], [sflag:$0x6], $0x8000, $0x38;
	[tilespmem:$0x18080] =	vst v63  }
0x1d3: {  	s21 =	sld [smem:$0x7AE]  }
0x1d4: {  	p5 =	sle.s32 s30, s5  }
0x1d5: {  	s12 =	simm.s32 @!p5 $0x0;
	s16 =	simm.s32 @!p5 $0x10000  }
0x1d6: {  	[hbm4b:s21+s12] =	stream.linear.scatter @!p5 [tilespmem:s16], [sflag:$0x6], $0x8000, $0x38;
	[tilespmem:$0x18080] =	vst v63  }
0x1d7: {  	s12 =	simm.s32 @!p0 $0x5  }
0x1d8: {  	_ =	swait.ge @!p0 [sflag:s12], $0x8000  }
0x1d9: {  	[sflag:s12] =	ssyncset.done @!p0 $0x0  }
0x1da: {  	[sflag:s12] =	ssyncadd.s32 @!p0 $0xFFFF8000;
	s12 =	simm.s32 @!p1 $0x5  }
0x1db: {  	_ =	swait.ge @!p1 [sflag:s12], $0x8000  }
0x1dc: {  	s0 =	sld [smem:$0x7DD]  }
0x1dd: {  	[sflag:s12] =	ssyncset.done @!p1 $0x0  }
0x1de: {  	[sflag:s12] =	ssyncadd.s32 @!p1 $0xFFFF8000  }
0x1df: {  	[tilespmem:s6], [sflag:$0x2] =	stream.linear.gather [hbm4b:s0+s4], $0x8000, $0x38;
	[tilespmem:$0x18080] =	vst v63  }
0x1e0: {  	_ =	swait.ge [sflag:s15], $0x8000  }
0x1e1: {  	s16 =	sld [smem:$0x7B0]  }
0x1e2: {  	p3 =	sge.s32 s30, s5;
	[sflag:s15] =	ssyncset.done $0x0  }
0x1e3: {  	s12 =	simm.s32 @!p3 $0x0;
	s0 =	sld [smem:$0x7AF];
	[sflag:s15] =	ssyncadd.s32 $0xFFFF8000  }
0x1e4: {  	[hbm4b:s16+s12] =	stream.linear.scatter @!p3 [tilespmem:s12], [sflag:$0x4], $0x8000, $0x38;
	[tilespmem:$0x18080] =	vst v63  }
0x1e5: {  	s16 =	sld [smem:$0x7B1]  }
0x1e6: {  	p4 =	sle.s32 s0, s5  }
0x1e7: {  	s12 =	simm.s32 @!p4 $0x0  }
0x1e8: {  	[hbm4b:s16+s12] =	stream.linear.scatter @!p4 [tilespmem:s12], [sflag:$0x4], $0x8000, $0x38;
	[tilespmem:$0x18080] =	vst v63  }
0x1e9: {  	s12 =	simm.s32 @!p2 $0x6  }
0x1ea: {  	_ =	swait.ge @!p2 [sflag:s12], $0x8000  }
0x1eb: {  	[sflag:s12] =	ssyncset.done @!p2 $0x0  }
0x1ec: {  	[sflag:s12] =	ssyncadd.s32 @!p2 $0xFFFF8000;
	s12 =	simm.s32 @!p5 $0x6  }
0x1ed: {  	_ =	swait.ge @!p5 [sflag:s12], $0x8000  }
0x1ee: {  	s1 =	sld [smem:$0x7DE]  }
0x1ef: {  	[sflag:s12] =	ssyncset.done @!p5 $0x0  }
0x1f0: {  	[sflag:s12] =	ssyncadd.s32 @!p5 $0xFFFF8000  }
0x1f1: {  	[tilespmem:s18], [sflag:$0x3] =	stream.linear.gather [hbm4b:s1+s4], $0x8000, $0x38;
	[tilespmem:$0x18080] =	vst v63  }
0x1f2: {  	_ =	swait.ge [sflag:s29], $0x8000  }
0x1f3: {  	p0 =	sge.s32 s0, s5;
	s21 =	sld [smem:$0x7B2]  }
0x1f4: {  	s16 =	simm.s32 @!p0 $0x8000;
	[sflag:s29] =	ssyncset.done $0x0  }
0x1f5: {  	s12 =	simm.s32 @!p0 $0x0;
	s10 =	sld [smem:$0x7B3];
	[sflag:s29] =	ssyncadd.s32 $0xFFFF8000  }
0x1f6: {  	[hbm4b:s21+s12] =	stream.linear.scatter @!p0 [tilespmem:s16], [sflag:$0x5], $0x8000, $0x38;
	[tilespmem:$0x18080] =	vst v63  }
0x1f7: {  	s21 =	sld [smem:$0x7B4]  }
0x1f8: {  	p1 =	sle.s32 s10, s5  }
0x1f9: {  	s12 =	simm.s32 @!p1 $0x0;
	s16 =	simm.s32 @!p1 $0x8000  }
0x1fa: {  	[hbm4b:s21+s12] =	stream.linear.scatter @!p1 [tilespmem:s16], [sflag:$0x5], $0x8000, $0x38;
	[tilespmem:$0x18080] =	vst v63  }
0x1fb: {  	s12 =	simm.s32 @!p3 $0x4  }
0x1fc: {  	_ =	swait.ge @!p3 [sflag:s12], $0x8000  }
0x1fd: {  	[sflag:s12] =	ssyncset.done @!p3 $0x0  }
0x1fe: {  	[sflag:s12] =	ssyncadd.s32 @!p3 $0xFFFF8000;
	s12 =	simm.s32 @!p4 $0x4  }
0x1ff: {  	_ =	swait.ge @!p4 [sflag:s12], $0x8000  }
0x200: {  	s16 =	sld [smem:$0x7DF]  }
0x201: {  	[sflag:s12] =	ssyncset.done @!p4 $0x0  }
0x202: {  	[sflag:s12] =	ssyncadd.s32 @!p4 $0xFFFF8000  }
0x203: {  	[tilespmem:s4], [sflag:$0x1] =	stream.linear.gather [hbm4b:s16+s4], $0x8000, $0x38;
	[tilespmem:$0x18080] =	vst v63  }
0x204: {  	_ =	swait.ge [sflag:s9], $0x8000  }
0x205: {  	p2 =	sge.s32 s10, s5;
	s21 =	sld [smem:$0x7B6]  }
0x206: {  	s12 =	simm.s32 @!p2 $0x0;
	[sflag:s9] =	ssyncset.done $0x0  }
0x207: {  	s16 =	simm.s32 @!p2 $0x10000;
	s20 =	sld [smem:$0x7B5];
	[sflag:s9] =	ssyncadd.s32 $0xFFFF8000  }
0x208: {  	[hbm4b:s21+s12] =	stream.linear.scatter @!p2 [tilespmem:s16], [sflag:$0x6], $0x8000, $0x38;
	[tilespmem:$0x18080] =	vst v63  }
0x209: {  	s21 =	sld [smem:$0x7B7]  }
0x20a: {  	p5 =	sle.s32 s20, s5  }
0x20b: {  	s12 =	simm.s32 @!p5 $0x0;
	s16 =	simm.s32 @!p5 $0x10000  }
0x20c: {  	[hbm4b:s21+s12] =	stream.linear.scatter @!p5 [tilespmem:s16], [sflag:$0x6], $0x8000, $0x38;
	[tilespmem:$0x18080] =	vst v63  }
0x20d: {  	s12 =	simm.s32 @!p0 $0x5  }
0x20e: {  	_ =	swait.ge @!p0 [sflag:s12], $0x8000  }
0x20f: {  	[sflag:s12] =	ssyncset.done @!p0 $0x0  }
0x210: {  	[sflag:s12] =	ssyncadd.s32 @!p0 $0xFFFF8000;
	s12 =	simm.s32 @!p1 $0x5  }
0x211: {  	_ =	swait.ge @!p1 [sflag:s12], $0x8000  }
0x212: {  	s22 =	sld [smem:$0x7E0]  }
0x213: {  	[sflag:s12] =	ssyncset.done @!p1 $0x0  }
0x214: {  	[sflag:s12] =	ssyncadd.s32 @!p1 $0xFFFF8000  }
0x215: {  	[tilespmem:s6], [sflag:$0x2] =	stream.linear.gather [hbm4b:s22+s4], $0x8000, $0x38;
	[tilespmem:$0x18080] =	vst v63  }
0x216: {  	_ =	swait.ge [sflag:s15], $0x8000  }
0x217: {  	s16 =	sld [smem:$0x7B9]  }
0x218: {  	p3 =	sge.s32 s20, s5;
	[sflag:s15] =	ssyncset.done $0x0  }
0x219: {  	s12 =	simm.s32 @!p3 $0x0;
	s24 =	sld [smem:$0x7B8];
	[sflag:s15] =	ssyncadd.s32 $0xFFFF8000  }
0x21a: {  	[hbm4b:s16+s12] =	stream.linear.scatter @!p3 [tilespmem:s12], [sflag:$0x4], $0x8000, $0x38;
	[tilespmem:$0x18080] =	vst v63  }
0x21b: {  	s16 =	sld [smem:$0x7BA]  }
0x21c: {  	p4 =	sle.s32 s24, s5  }
0x21d: {  	s12 =	simm.s32 @!p4 $0x0  }
0x21e: {  	[hbm4b:s16+s12] =	stream.linear.scatter @!p4 [tilespmem:s12], [sflag:$0x4], $0x8000, $0x38;
	[tilespmem:$0x18080] =	vst v63  }
0x21f: {  	s12 =	simm.s32 @!p2 $0x6  }
0x220: {  	_ =	swait.ge @!p2 [sflag:s12], $0x8000  }
0x221: {  	[sflag:s12] =	ssyncset.done @!p2 $0x0  }
0x222: {  	[sflag:s12] =	ssyncadd.s32 @!p2 $0xFFFF8000;
	s12 =	simm.s32 @!p5 $0x6  }
0x223: {  	_ =	swait.ge @!p5 [sflag:s12], $0x8000  }
0x224: {  	s25 =	sld [smem:$0x7E1]  }
0x225: {  	[sflag:s12] =	ssyncset.done @!p5 $0x0  }
0x226: {  	[sflag:s12] =	ssyncadd.s32 @!p5 $0xFFFF8000  }
0x227: {  	[tilespmem:s18], [sflag:$0x3] =	stream.linear.gather [hbm4b:s25+s4], $0x8000, $0x38;
	[tilespmem:$0x18080] =	vst v63  }
0x228: {  	_ =	swait.ge [sflag:s29], $0x8000  }
0x229: {  	s21 =	sld [smem:$0x7BB]  }
0x22a: {  	p0 =	sge.s32 s24, s5;
	[sflag:s29] =	ssyncset.done $0x0  }
0x22b: {  	s16 =	simm.s32 @!p0 $0x8000;
	s12 =	simm.s32 @!p0 $0x0;
	[sflag:s29] =	ssyncadd.s32 $0xFFFF8000  }
0x22c: {  	[hbm4b:s21+s12] =	stream.linear.scatter @!p0 [tilespmem:s16], [sflag:$0x5], $0x8000, $0x38;
	[tilespmem:$0x18080] =	vst v63  }
0x22d: {  	s21 =	sld [smem:$0x7BC]  }
0x22e: {  	p1 =	sle.s32 s13, s5  }
0x22f: {  	s12 =	simm.s32 @!p1 $0x0;
	s16 =	simm.s32 @!p1 $0x8000  }
0x230: {  	[hbm4b:s21+s12] =	stream.linear.scatter @!p1 [tilespmem:s16], [sflag:$0x5], $0x8000, $0x38;
	[tilespmem:$0x18080] =	vst v63  }
0x231: {  	s12 =	simm.s32 @!p3 $0x4  }
0x232: {  	_ =	swait.ge @!p3 [sflag:s12], $0x8000  }
0x233: {  	[sflag:s12] =	ssyncset.done @!p3 $0x0  }
0x234: {  	[sflag:s12] =	ssyncadd.s32 @!p3 $0xFFFF8000;
	s12 =	simm.s32 @!p4 $0x4  }
0x235: {  	_ =	swait.ge @!p4 [sflag:s12], $0x8000  }
0x236: {  	s26 =	sld [smem:$0x7E2]  }
0x237: {  	[sflag:s12] =	ssyncset.done @!p4 $0x0  }
0x238: {  	[sflag:s12] =	ssyncadd.s32 @!p4 $0xFFFF8000  }
0x239: {  	[tilespmem:s4], [sflag:$0x1] =	stream.linear.gather [hbm4b:s26+s4], $0x8000, $0x38;
	[tilespmem:$0x18080] =	vst v63  }
0x23a: {  	_ =	swait.ge [sflag:s9], $0x8000  }
0x23b: {  	s21 =	sld [smem:$0x7BD]  }
0x23c: {  	p2 =	sge.s32 s13, s5;
	[sflag:s9] =	ssyncset.done $0x0  }
0x23d: {  	s16 =	simm.s32 @!p2 $0x10000;
	s12 =	simm.s32 @!p2 $0x0;
	[sflag:s9] =	ssyncadd.s32 $0xFFFF8000  }
0x23e: {  	[hbm4b:s21+s12] =	stream.linear.scatter @!p2 [tilespmem:s16], [sflag:$0x6], $0x8000, $0x38;
	[tilespmem:$0x18080] =	vst v63  }
0x23f: {  	s21 =	sld [smem:$0x7BE]  }
0x240: {  	p5 =	sle.s32 s28, s5  }
0x241: {  	s12 =	simm.s32 @!p5 $0x0;
	s16 =	simm.s32 @!p5 $0x10000  }
0x242: {  	[hbm4b:s21+s12] =	stream.linear.scatter @!p5 [tilespmem:s16], [sflag:$0x6], $0x8000, $0x38;
	[tilespmem:$0x18080] =	vst v63  }
0x243: {  	s12 =	simm.s32 @!p0 $0x5  }
0x244: {  	_ =	swait.ge @!p0 [sflag:s12], $0x8000  }
0x245: {  	[sflag:s12] =	ssyncset.done @!p0 $0x0  }
0x246: {  	[sflag:s12] =	ssyncadd.s32 @!p0 $0xFFFF8000;
	s12 =	simm.s32 @!p1 $0x5  }
0x247: {  	_ =	swait.ge @!p1 [sflag:s12], $0x8000  }
0x248: {  	s30 =	sld [smem:$0x7E3]  }
0x249: {  	[sflag:s12] =	ssyncset.done @!p1 $0x0  }
0x24a: {  	[sflag:s12] =	ssyncadd.s32 @!p1 $0xFFFF8000  }
0x24b: {  	[tilespmem:s6], [sflag:$0x2] =	stream.linear.gather [hbm4b:s30+s4], $0x8000, $0x38;
	[tilespmem:$0x18080] =	vst v63  }
0x24c: {  	_ =	swait.ge [sflag:s15], $0x8000  }
0x24d: {  	s16 =	sld [smem:$0x7BF]  }
0x24e: {  	p3 =	sge.s32 s28, s5;
	[sflag:s15] =	ssyncset.done $0x0  }
0x24f: {  	s12 =	simm.s32 @!p3 $0x0;
	[sflag:s15] =	ssyncadd.s32 $0xFFFF8000  }
0x250: {  	[hbm4b:s16+s12] =	stream.linear.scatter @!p3 [tilespmem:s12], [sflag:$0x4], $0x8000, $0x38;
	[tilespmem:$0x18080] =	vst v63  }
0x251: {  	s16 =	sld [smem:$0x7C0]  }
0x252: {  	p4 =	sle.s32 s14, s5  }
0x253: {  	s12 =	simm.s32 @!p4 $0x0  }
0x254: {  	[hbm4b:s16+s12] =	stream.linear.scatter @!p4 [tilespmem:s12], [sflag:$0x4], $0x8000, $0x38;
	[tilespmem:$0x18080] =	vst v63  }
0x255: {  	s12 =	simm.s32 @!p2 $0x6  }
0x256: {  	_ =	swait.ge @!p2 [sflag:s12], $0x8000  }
0x257: {  	[sflag:s12] =	ssyncset.done @!p2 $0x0  }
0x258: {  	[sflag:s12] =	ssyncadd.s32 @!p2 $0xFFFF8000;
	s12 =	simm.s32 @!p5 $0x6  }
0x259: {  	_ =	swait.ge @!p5 [sflag:s12], $0x8000  }
0x25a: {  	s0 =	sld [smem:$0x7E4]  }
0x25b: {  	[sflag:s12] =	ssyncset.done @!p5 $0x0  }
0x25c: {  	[sflag:s12] =	ssyncadd.s32 @!p5 $0xFFFF8000  }
0x25d: {  	[tilespmem:s18], [sflag:$0x3] =	stream.linear.gather [hbm4b:s0+s4], $0x8000, $0x38;
	[tilespmem:$0x18080] =	vst v63  }
0x25e: {  	_ =	swait.ge [sflag:s29], $0x8000  }
0x25f: {  	s21 =	sld [smem:$0x7C1]  }
0x260: {  	p0 =	sge.s32 s14, s5;
	[sflag:s29] =	ssyncset.done $0x0  }
0x261: {  	s16 =	simm.s32 @!p0 $0x8000;
	s12 =	simm.s32 @!p0 $0x0;
	[sflag:s29] =	ssyncadd.s32 $0xFFFF8000  }
0x262: {  	[hbm4b:s21+s12] =	stream.linear.scatter @!p0 [tilespmem:s16], [sflag:$0x5], $0x8000, $0x38;
	[tilespmem:$0x18080] =	vst v63  }
0x263: {  	s21 =	sld [smem:$0x7C2]  }
0x264: {  	p1 =	sle.s32 s8, s5  }
0x265: {  	s12 =	simm.s32 @!p1 $0x0;
	s16 =	simm.s32 @!p1 $0x8000  }
0x266: {  	[hbm4b:s21+s12] =	stream.linear.scatter @!p1 [tilespmem:s16], [sflag:$0x5], $0x8000, $0x38;
	[tilespmem:$0x18080] =	vst v63  }
0x267: {  	s12 =	simm.s32 @!p3 $0x4  }
0x268: {  	_ =	swait.ge @!p3 [sflag:s12], $0x8000  }
0x269: {  	[sflag:s12] =	ssyncset.done @!p3 $0x0  }
0x26a: {  	[sflag:s12] =	ssyncadd.s32 @!p3 $0xFFFF8000;
	s12 =	simm.s32 @!p4 $0x4  }
0x26b: {  	_ =	swait.ge @!p4 [sflag:s12], $0x8000  }
0x26c: {  	s1 =	sld [smem:$0x7E5]  }
0x26d: {  	[sflag:s12] =	ssyncset.done @!p4 $0x0  }
0x26e: {  	[sflag:s12] =	ssyncadd.s32 @!p4 $0xFFFF8000  }
0x26f: {  	[tilespmem:s4], [sflag:$0x1] =	stream.linear.gather [hbm4b:s1+s4], $0x8000, $0x38;
	[tilespmem:$0x18080] =	vst v63  }
0x270: {  	_ =	swait.ge [sflag:s9], $0x8000  }
0x271: {  	s21 =	sld [smem:$0x7C3]  }
0x272: {  	p2 =	sge.s32 s8, s5;
	[sflag:s9] =	ssyncset.done $0x0  }
0x273: {  	s16 =	simm.s32 @!p2 $0x10000;
	s12 =	simm.s32 @!p2 $0x0;
	[sflag:s9] =	ssyncadd.s32 $0xFFFF8000  }
0x274: {  	[hbm4b:s21+s12] =	stream.linear.scatter @!p2 [tilespmem:s16], [sflag:$0x6], $0x8000, $0x38;
	[tilespmem:$0x18080] =	vst v63  }
0x275: {  	s21 =	sld [smem:$0x7C4]  }
0x276: {  	p5 =	sle.s32 s23, s5  }
0x277: {  	s12 =	simm.s32 @!p5 $0x0;
	s16 =	simm.s32 @!p5 $0x10000  }
0x278: {  	[hbm4b:s21+s12] =	stream.linear.scatter @!p5 [tilespmem:s16], [sflag:$0x6], $0x8000, $0x38;
	[tilespmem:$0x18080] =	vst v63  }
0x279: {  	s12 =	simm.s32 @!p0 $0x5  }
0x27a: {  	_ =	swait.ge @!p0 [sflag:s12], $0x8000  }
0x27b: {  	[sflag:s12] =	ssyncset.done @!p0 $0x0  }
0x27c: {  	[sflag:s12] =	ssyncadd.s32 @!p0 $0xFFFF8000;
	s12 =	simm.s32 @!p1 $0x5  }
0x27d: {  	_ =	swait.ge @!p1 [sflag:s12], $0x8000  }
0x27e: {  	s10 =	sld [smem:$0x7E6]  }
0x27f: {  	[sflag:s12] =	ssyncset.done @!p1 $0x0  }
0x280: {  	[sflag:s12] =	ssyncadd.s32 @!p1 $0xFFFF8000  }
0x281: {  	[tilespmem:s6], [sflag:$0x2] =	stream.linear.gather [hbm4b:s10+s4], $0x8000, $0x38;
	[tilespmem:$0x18080] =	vst v63  }
0x282: {  	_ =	swait.ge [sflag:s15], $0x8000  }
0x283: {  	s16 =	sld [smem:$0x7C5]  }
0x284: {  	p3 =	sge.s32 s23, s5;
	[sflag:s15] =	ssyncset.done $0x0  }
0x285: {  	s12 =	simm.s32 @!p3 $0x0;
	[sflag:s15] =	ssyncadd.s32 $0xFFFF8000  }
0x286: {  	[hbm4b:s16+s12] =	stream.linear.scatter @!p3 [tilespmem:s12], [sflag:$0x4], $0x8000, $0x38;
	[tilespmem:$0x18080] =	vst v63  }
0x287: {  	s16 =	sld [smem:$0x7C6]  }
0x288: {  	p4 =	sle.s32 s2, s5  }
0x289: {  	s12 =	simm.s32 @!p4 $0x0  }
0x28a: {  	[hbm4b:s16+s12] =	stream.linear.scatter @!p4 [tilespmem:s12], [sflag:$0x4], $0x8000, $0x38;
	[tilespmem:$0x18080] =	vst v63  }
0x28b: {  	s12 =	simm.s32 @!p2 $0x6  }
0x28c: {  	_ =	swait.ge @!p2 [sflag:s12], $0x8000  }
0x28d: {  	[sflag:s12] =	ssyncset.done @!p2 $0x0  }
0x28e: {  	[sflag:s12] =	ssyncadd.s32 @!p2 $0xFFFF8000;
	s12 =	simm.s32 @!p5 $0x6  }
0x28f: {  	_ =	swait.ge @!p5 [sflag:s12], $0x8000  }
0x290: {  	s16 =	sld [smem:$0x7E7]  }
0x291: {  	[sflag:s12] =	ssyncset.done @!p5 $0x0  }
0x292: {  	[sflag:s12] =	ssyncadd.s32 @!p5 $0xFFFF8000  }
0x293: {  	[tilespmem:s18], [sflag:$0x3] =	stream.linear.gather [hbm4b:s16+s4], $0x8000, $0x38;
	[tilespmem:$0x18080] =	vst v63  }
0x294: {  	_ =	swait.ge [sflag:s29], $0x8000  }
0x295: {  	s21 =	sld [smem:$0x7C7]  }
0x296: {  	p0 =	sge.s32 s2, s5;
	[sflag:s29] =	ssyncset.done $0x0  }
0x297: {  	s12 =	simm.s32 @!p0 $0x0;
	s16 =	simm.s32 @!p0 $0x8000;
	[sflag:s29] =	ssyncadd.s32 $0xFFFF8000  }
0x298: {  	[hbm4b:s21+s12] =	stream.linear.scatter @!p0 [tilespmem:s16], [sflag:$0x5], $0x8000, $0x38;
	[tilespmem:$0x18080] =	vst v63  }
0x299: {  	s21 =	sld [smem:$0x7C8]  }
0x29a: {  	p1 =	sle.s32 s3, s5  }
0x29b: {  	s12 =	simm.s32 @!p1 $0x0;
	s16 =	simm.s32 @!p1 $0x8000  }
0x29c: {  	[hbm4b:s21+s12] =	stream.linear.scatter @!p1 [tilespmem:s16], [sflag:$0x5], $0x8000, $0x38;
	[tilespmem:$0x18080] =	vst v63  }
0x29d: {  	s12 =	simm.s32 @!p3 $0x4  }
0x29e: {  	_ =	swait.ge @!p3 [sflag:s12], $0x8000  }
0x29f: {  	[sflag:s12] =	ssyncset.done @!p3 $0x0  }
0x2a0: {  	[sflag:s12] =	ssyncadd.s32 @!p3 $0xFFFF8000;
	s12 =	simm.s32 @!p4 $0x4  }
0x2a1: {  	_ =	swait.ge @!p4 [sflag:s12], $0x8000  }
0x2a2: {  	s20 =	sld [smem:$0x7E8]  }
0x2a3: {  	[sflag:s12] =	ssyncset.done @!p4 $0x0  }
0x2a4: {  	[sflag:s12] =	ssyncadd.s32 @!p4 $0xFFFF8000  }
0x2a5: {  	[tilespmem:s4], [sflag:$0x1] =	stream.linear.gather [hbm4b:s20+s4], $0x8000, $0x38;
	[tilespmem:$0x18080] =	vst v63  }
0x2a6: {  	_ =	swait.ge [sflag:s9], $0x8000  }
0x2a7: {  	s21 =	sld [smem:$0x7C9]  }
0x2a8: {  	p2 =	sge.s32 s3, s5;
	[sflag:s9] =	ssyncset.done $0x0  }
0x2a9: {  	s16 =	simm.s32 @!p2 $0x10000;
	s12 =	simm.s32 @!p2 $0x0;
	[sflag:s9] =	ssyncadd.s32 $0xFFFF8000  }
0x2aa: {  	[hbm4b:s21+s12] =	stream.linear.scatter @!p2 [tilespmem:s16], [sflag:$0x6], $0x8000, $0x38;
	[tilespmem:$0x18080] =	vst v63  }
0x2ab: {  	s21 =	sld [smem:$0x7CA]  }
0x2ac: {  	p3 =	sle.s32 s7, s5  }
0x2ad: {  	s12 =	simm.s32 @!p3 $0x0;
	s16 =	simm.s32 @!p3 $0x10000  }
0x2ae: {  	[hbm4b:s21+s12] =	stream.linear.scatter @!p3 [tilespmem:s16], [sflag:$0x6], $0x8000, $0x38;
	[tilespmem:$0x18080] =	vst v63  }
0x2af: {  	s12 =	simm.s32 @!p0 $0x5  }
0x2b0: {  	_ =	swait.ge @!p0 [sflag:s12], $0x8000  }
0x2b1: {  	[sflag:s12] =	ssyncset.done @!p0 $0x0  }
0x2b2: {  	[sflag:s12] =	ssyncadd.s32 @!p0 $0xFFFF8000;
	s12 =	simm.s32 @!p1 $0x5  }
0x2b3: {  	_ =	swait.ge @!p1 [sflag:s12], $0x8000  }
0x2b4: {  	s21 =	sld [smem:$0x7E9]  }
0x2b5: {  	[sflag:s12] =	ssyncset.done @!p1 $0x0  }
0x2b6: {  	[sflag:s12] =	ssyncadd.s32 @!p1 $0xFFFF8000  }
0x2b7: {  	[tilespmem:s6], [sflag:$0x2] =	stream.linear.gather [hbm4b:s21+s4], $0x8000, $0x38;
	[tilespmem:$0x18080] =	vst v63  }
0x2b8: {  	_ =	swait.ge [sflag:s15], $0x8000  }
0x2b9: {  	s16 =	sld [smem:$0x7EA]  }
0x2ba: {  	p1 =	sge.s32 s7, s5;
	[sflag:s15] =	ssyncset.done $0x0  }
0x2bb: {  	s12 =	simm.s32 @!p1 $0x0;
	[sflag:s15] =	ssyncadd.s32 $0xFFFF8000  }
0x2bc: {  	[hbm4b:s16+s12] =	stream.linear.scatter @!p1 [tilespmem:s12], [sflag:$0x4], $0x8000, $0x38;
	[tilespmem:$0x18080] =	vst v63  }
0x2bd: {  	s16 =	sld [smem:$0x7EB]  }
0x2be: {  	p4 =	sle.s32 s31, s5  }
0x2bf: {  	s12 =	simm.s32 @!p4 $0x0  }
0x2c0: {  	[hbm4b:s16+s12] =	stream.linear.scatter @!p4 [tilespmem:s12], [sflag:$0x4], $0x8000, $0x38;
	[tilespmem:$0x18080] =	vst v63  }
0x2c1: {  	s12 =	simm.s32 @!p2 $0x6  }
0x2c2: {  	_ =	swait.ge @!p2 [sflag:s12], $0x8000  }
0x2c3: {  	[sflag:s12] =	ssyncset.done @!p2 $0x0  }
0x2c4: {  	[sflag:s12] =	ssyncadd.s32 @!p2 $0xFFFF8000;
	s12 =	simm.s32 @!p3 $0x6  }
0x2c5: {  	_ =	swait.ge @!p3 [sflag:s12], $0x8000  }
0x2c6: {  	[sflag:s12] =	ssyncset.done @!p3 $0x0  }
0x2c7: {  	[sflag:s12] =	ssyncadd.s32 @!p3 $0xFFFF8000  }
0x2c8: {  	_ =	swait.ge [sflag:s29], $0x8000  }
0x2c9: {  	p2 =	sge.s32 s31, s5;
	s21 =	sld [smem:$0x7EC]  }
0x2ca: {  	s16 =	simm.s32 @!p2 $0x8000;
	[sflag:s29] =	ssyncset.done $0x0  }
0x2cb: {  	s12 =	simm.s32 @!p2 $0x0;
	s22 =	sld [smem:$0x7EE];
	[sflag:s29] =	ssyncadd.s32 $0xFFFF8000  }
0x2cc: {  	[hbm4b:s21+s12] =	stream.linear.scatter @!p2 [tilespmem:s16], [sflag:$0x5], $0x8000, $0x38;
	[tilespmem:$0x18080] =	vst v63  }
0x2cd: {  	s21 =	sld [smem:$0x7ED]  }
0x2ce: {  	p0 =	sle.s32 s22, s5  }
0x2cf: {  	s12 =	simm.s32 @!p0 $0x0;
	s16 =	simm.s32 @!p0 $0x8000  }
0x2d0: {  	[hbm4b:s21+s12] =	stream.linear.scatter @!p0 [tilespmem:s16], [sflag:$0x5], $0x8000, $0x38;
	[tilespmem:$0x18080] =	vst v63  }
0x2d1: {  	s12 =	simm.s32 @!p1 $0x4  }
0x2d2: {  	_ =	swait.ge @!p1 [sflag:s12], $0x8000  }
0x2d3: {  	[sflag:s12] =	ssyncset.done @!p1 $0x0  }
0x2d4: {  	[sflag:s12] =	ssyncadd.s32 @!p1 $0xFFFF8000;
	s12 =	simm.s32 @!p4 $0x4  }
0x2d5: {  	p6 =	slt.s32 s5, $0x1;
	_ =	swait.ge @!p4 [sflag:s12], $0x8000  }
0x2d6: {  	s24 =	sand.u32 $0xFF, s5;
	s25 =	sshra.s32 s5, $0x1F;
	[sflag:s12] =	ssyncset.done @!p4 $0x0  }
0x2d7: {  	s26 =	sshrl.u32 s25, $0x18;
	[sflag:s12] =	ssyncadd.s32 @!p4 $0xFFFF8000;
	s12 =	simm.s32 @!p2 $0x5  }
0x2d8: {  	p5 =	sne.s32 s24, $0x0;
	s5 =	sadd.s32 s26, s5;
	_ =	swait.ge @!p2 [sflag:s12], $0x8000  }
0x2d9: {  	s16 =	simm.s32 @!p0 $0x5;
	p1 =	por !p6, !p5;
	[sflag:s12] =	ssyncset.done @!p2 $0x0  }
0x2da: {  	p1 =	por !p1, !p1;
	[sflag:s12] =	ssyncadd.s32 @!p2 $0xFFFF8000;
	s12 =	simm.s32 $0x1  }
0x2db: {  	s5 =	sshra.s32 s5, $0x8;
	s12 =	simm.s32 @!p1 $0x0;
	_ =	swait.ge @!p0 [sflag:s16], $0x8000  }
0x2dc: {  	s5 =	ssub.s32 s5, s12;
	s30 =	rddreg [dreg:$0x5]  }
0x2dd: {  	p1 =	sne.s32 s30, s5  }
.Ltmp2:
0x2de: {  	_ = 	snop;
	(pc) =	sbr.rel @p1 .LBB2_3-.Ltmp2, $3  }
0x2df: {  	_ =	sdelay $0x1  }
0x2e0: {  	[sflag:s16] =	ssyncset.done @!p0 $0x0  }
0x2e1: {  	[sflag:s16] =	ssyncadd.s32 @!p0 $0xFFFF8000  }
0x2e2: {  	v5 =	vadd.s32 v1, v5  }
0x2e3: {  	v5 =	vbroadcast v5, $0x0;
	_ =	sdelay $0x1  }
0x2e4: {  	v5 =	vadd.s32 v0, v5  }
0x2e5: {  	v6 =	vshll.u32 v5, $0x5  }
0x2e6: {  	v5 =	vand.u32 $0x7, v5;
	v6 =	vand.u32 $0xFFFFFF00, v6  }
0x2e7: {  	v5 =	vor.u32 v5, v6  }
0x2e8: {  	v6 =	vperm.xlane v5, v2  }
0x2e9: {  	s5 =	rddreg [dreg:$0x14]  }
0x2ea: {  	[tilespmem:s4], [sflag:$0x7] =	stream.linear.gather [hbm4b:s5+s4], $0x10000, $0x38;
	v6 =	vadd.s32 v3, v6;
	[tilespmem:$0x18080] =	vst v63  }
0x2eb: {  	_ =	swait.ge [sflag:s17], $0x10000  }
0x2ec: {  	[sflag:s17] =	ssyncset.done $0x0  }
0x2ed: {  	s12 =	sld [smem:$0x7EF];
	[sflag:s17] =	ssyncadd.s32 $0xFFFF0000  }
0x2ee: {  	s10 =	rddreg [dreg:$0x3]  }
0x2ef: {  	[hbm4b:s10+s4] =	stream.indirect_vreg.scatter [tilespmem:s4], [sflag:$0x7], $0x80, v6, vm0, $0xb8;
	[tilespmem:$0x18080] =	vst v63  }
0x2f0: {  	s0 =	simm.s32 $0x800;
	s16 =	sld [smem:$0x7F0]  }
0x2f1: {  	[hbm4b:s12+s4] =	stream.indirect_vreg.scatter [tilespmem:s0], [sflag:$0x7], $0x80, v6, vm0, $0xb8;
	[tilespmem:$0x18080] =	vst v63  }
0x2f2: {  	s25 =	simm.s32 $0x1000;
	s21 =	sld [smem:$0x7F1]  }
0x2f3: {  	[hbm4b:s16+s4] =	stream.indirect_vreg.scatter [tilespmem:s25], [sflag:$0x7], $0x80, v6, vm0, $0xb8;
	[tilespmem:$0x18080] =	vst v63  }
0x2f4: {  	s26 =	simm.s32 $0x1800;
	s30 =	simm.s32 $0x2000  }
0x2f5: {  	[hbm4b:s21+s4] =	stream.indirect_vreg.scatter [tilespmem:s26], [sflag:$0x7], $0x80, v6, vm0, $0xb8;
	[tilespmem:$0x18080] =	vst v63  }
0x2f6: {  	s19 =	smov.u32 s7;
	s7 =	smov.u32 s3;
	s26 =	sld [smem:$0x7F2]  }
0x2f7: {  	s3 =	smov.u32 s2;
	s2 =	smov.u32 s23;
	s23 =	smov.u32 s8  }
0x2f8: {  	s8 =	smov.u32 s14;
	s5 =	smov.u32 s31;
	s31 =	sld [smem:$0x7F3]  }
0x2f9: {  	[hbm4b:s26+s4] =	stream.indirect_vreg.scatter [tilespmem:s30], [sflag:$0x7], $0x80, v6, vm0, $0xb8;
	[tilespmem:$0x18080] =	vst v63  }
0x2fa: {  	s14 =	smov.u32 s28;
	s1 =	simm.s32 $0x2800;
	s25 =	sld [smem:$0x7F4]  }
0x2fb: {  	[hbm4b:s31+s4] =	stream.indirect_vreg.scatter [tilespmem:s1], [sflag:$0x7], $0x80, v6, vm0, $0xb8;
	[tilespmem:$0x18080] =	vst v63  }
0x2fc: {  	s28 =	smov.u32 s13;
	s6 =	simm.s32 $0x3000;
	s18 =	sld [smem:$0x7F5]  }
0x2fd: {  	[hbm4b:s25+s4] =	stream.indirect_vreg.scatter [tilespmem:s6], [sflag:$0x7], $0x80, v6, vm0, $0xb8;
	[tilespmem:$0x18080] =	vst v63  }
0x2fe: {  	s13 =	simm.s32 $0x3800;
	s1 =	smov.u32 s11;
	s11 =	sld [smem:$0x7F6]  }
0x2ff: {  	[hbm4b:s18+s4] =	stream.indirect_vreg.scatter [tilespmem:s13], [sflag:$0x7], $0x80, v6, vm0, $0xb8;
	[tilespmem:$0x18080] =	vst v63  }
0x300: {  	s22 =	sld [smem:$0x7F7];
	s17 =	simm.s32 $0x4000  }
0x301: {  	[hbm4b:s11+s4] =	stream.indirect_vreg.scatter [tilespmem:s17], [sflag:$0x7], $0x80, v6, vm0, $0xb8;
	[tilespmem:$0x18080] =	vst v63  }
0x302: {  	s20 =	simm.s32 $0x4800;
	s6 =	sld [smem:$0x7F8]  }
0x303: {  	[hbm4b:s22+s4] =	stream.indirect_vreg.scatter [tilespmem:s20], [sflag:$0x7], $0x80, v6, vm0, $0xb8;
	[tilespmem:$0x18080] =	vst v63  }
0x304: {  	s24 =	simm.s32 $0x5000;
	s17 =	sld [smem:$0x7F9]  }
0x305: {  	[hbm4b:s6+s4] =	stream.indirect_vreg.scatter [tilespmem:s24], [sflag:$0x7], $0x80, v6, vm0, $0xb8;
	[tilespmem:$0x18080] =	vst v63  }
0x306: {  	s30 =	simm.s32 $0x5800;
	s24 =	sld [smem:$0x7FA]  }
0x307: {  	[hbm4b:s17+s4] =	stream.indirect_vreg.scatter [tilespmem:s30], [sflag:$0x7], $0x80, v6, vm0, $0xb8;
	[tilespmem:$0x18080] =	vst v63  }
0x308: {  	s0 =	sld [smem:$0x7FB];
	s13 =	simm.s32 $0x6000  }
0x309: {  	[hbm4b:s24+s4] =	stream.indirect_vreg.scatter [tilespmem:s13], [sflag:$0x7], $0x80, v6, vm0, $0xb8;
	[tilespmem:$0x18080] =	vst v63  }
0x30a: {  	s20 =	simm.s32 $0x6800  }
0x30b: {  	[hbm4b:s0+s4] =	stream.indirect_vreg.scatter [tilespmem:s20], [sflag:$0x7], $0x80, v6, vm0, $0xb8;
	[tilespmem:$0x18080] =	vst v63  }
0x30c: {  	s20 =	sld [smem:$0x7FC];
	_ =	sdelay $0x1  }
0x30d: {  	v5 =	vperm.xlane v5, v4;
	s30 =	simm.s32 $0x7000  }
0x30e: {  	[hbm4b:s20+s4] =	stream.indirect_vreg.scatter [tilespmem:s30], [sflag:$0x7], $0x80, v6, vm0, $0xb8;
	[tilespmem:$0x18080] =	vst v63  }
0x30f: {  	v5 =	vadd.s32 v3, v5;
	s30 =	sld [smem:$0x7FD];
	_ =	sdelay $0x1  }
0x310: {  	s13 =	simm.s32 $0x7800  }
0x311: {  	[hbm4b:s30+s4] =	stream.indirect_vreg.scatter [tilespmem:s13], [sflag:$0x7], $0x80, v6, vm0, $0xb8;
	[tilespmem:$0x18080] =	vst v63  }
0x312: {  	s13 =	simm.s32 $0x8000  }
0x313: {  	[hbm4b:s10+s4] =	stream.indirect_vreg.scatter [tilespmem:s13], [sflag:$0x7], $0x80, v5, vm0, $0xb8;
	[tilespmem:$0x18080] =	vst v63  }
0x314: {  	s13 =	simm.s32 $0x8800  }
0x315: {  	[hbm4b:s12+s4] =	stream.indirect_vreg.scatter [tilespmem:s13], [sflag:$0x7], $0x80, v5, vm0, $0xb8;
	[tilespmem:$0x18080] =	vst v63  }
0x316: {  	s13 =	simm.s32 $0x9000  }
0x317: {  	[hbm4b:s16+s4] =	stream.indirect_vreg.scatter [tilespmem:s13], [sflag:$0x7], $0x80, v5, vm0, $0xb8;
	[tilespmem:$0x18080] =	vst v63  }
0x318: {  	s12 =	simm.s32 $0x9800  }
0x319: {  	[hbm4b:s21+s4] =	stream.indirect_vreg.scatter [tilespmem:s12], [sflag:$0x7], $0x80, v5, vm0, $0xb8;
	[tilespmem:$0x18080] =	vst v63  }
0x31a: {  	s13 =	simm.s32 $0xA000  }
0x31b: {  	[hbm4b:s26+s4] =	stream.indirect_vreg.scatter [tilespmem:s13], [sflag:$0x7], $0x80, v5, vm0, $0xb8;
	[tilespmem:$0x18080] =	vst v63  }
0x31c: {  	s16 =	simm.s32 $0xA800  }
0x31d: {  	[hbm4b:s31+s4] =	stream.indirect_vreg.scatter [tilespmem:s16], [sflag:$0x7], $0x80, v5, vm0, $0xb8;
	[tilespmem:$0x18080] =	vst v63  }
0x31e: {  	s21 =	simm.s32 $0xB000  }
0x31f: {  	[hbm4b:s25+s4] =	stream.indirect_vreg.scatter [tilespmem:s21], [sflag:$0x7], $0x80, v5, vm0, $0xb8;
	[tilespmem:$0x18080] =	vst v63  }
0x320: {  	s26 =	simm.s32 $0xB800  }
0x321: {  	[hbm4b:s18+s4] =	stream.indirect_vreg.scatter [tilespmem:s26], [sflag:$0x7], $0x80, v5, vm0, $0xb8;
	[tilespmem:$0x18080] =	vst v63  }
0x322: {  	s10 =	simm.s32 $0xC000  }
0x323: {  	[hbm4b:s11+s4] =	stream.indirect_vreg.scatter [tilespmem:s10], [sflag:$0x7], $0x80, v5, vm0, $0xb8;
	[tilespmem:$0x18080] =	vst v63  }
0x324: {  	s12 =	simm.s32 $0xC800  }
0x325: {  	[hbm4b:s22+s4] =	stream.indirect_vreg.scatter [tilespmem:s12], [sflag:$0x7], $0x80, v5, vm0, $0xb8;
	[tilespmem:$0x18080] =	vst v63  }
0x326: {  	s16 =	simm.s32 $0xD000  }
0x327: {  	[hbm4b:s6+s4] =	stream.indirect_vreg.scatter [tilespmem:s16], [sflag:$0x7], $0x80, v5, vm0, $0xb8;
	[tilespmem:$0x18080] =	vst v63  }
0x328: {  	s21 =	simm.s32 $0xD800  }
0x329: {  	[hbm4b:s17+s4] =	stream.indirect_vreg.scatter [tilespmem:s21], [sflag:$0x7], $0x80, v5, vm0, $0xb8;
	[tilespmem:$0x18080] =	vst v63  }
0x32a: {  	s13 =	smov.u32 s28;
	s28 =	smov.u32 s14;
	s22 =	simm.s32 $0xE000  }
0x32b: {  	[hbm4b:s24+s4] =	stream.indirect_vreg.scatter [tilespmem:s22], [sflag:$0x7], $0x80, v5, vm0, $0xb8;
	[tilespmem:$0x18080] =	vst v63  }
0x32c: {  	s14 =	smov.u32 s8;
	s8 =	smov.u32 s23;
	s24 =	simm.s32 $0xE800  }
0x32d: {  	[hbm4b:s0+s4] =	stream.indirect_vreg.scatter [tilespmem:s24], [sflag:$0x7], $0x80, v5, vm0, $0xb8;
	[tilespmem:$0x18080] =	vst v63  }
0x32e: {  	s23 =	smov.u32 s2;
	s2 =	smov.u32 s3;
	s25 =	simm.s32 $0xF000  }
0x32f: {  	[hbm4b:s20+s4] =	stream.indirect_vreg.scatter [tilespmem:s25], [sflag:$0x7], $0x80, v5, vm0, $0xb8;
	[tilespmem:$0x18080] =	vst v63  }
.Ltmp3:
0x330: {  	s26 =	simm.s32 $0xF800;
	s17 =	simm.s32 $0x7;
	(pc) =	sbr.rel .LBB2_3-.Ltmp3, $4  }
0x331: {  	[hbm4b:s30+s4] =	stream.indirect_vreg.scatter [tilespmem:s26], [sflag:$0x7], $0x80, v5, vm0, $0xb8;
	[tilespmem:$0x18080] =	vst v63  }
0x332: {  	s3 =	smov.u32 s7;
	s7 =	smov.u32 s19;
	_ =	swait.ge [sflag:s17], $0x10000  }
0x333: {  	s19 =	simm.s32 $0x18000;
	s31 =	smov.u32 s5;
	[sflag:s17] =	ssyncset.done $0x0  }
0x334: {  	s18 =	simm.s32 $0x10000;
	s11 =	smov.u32 s1;
	[sflag:s17] =	ssyncadd.s32 $0xFFFF0000  }
.LBB2_4:
0x335: {  	_ =	sfence.sel $0x180000  }
0x336: {  	[bflag:$0x0] =	sbarrier.arrive $0xFFFF  }
0x337: {  	_ =	strace $0x90000047  }
0x338: {  	s0 =	stileid.u32;
	[bflag:$0x2] =	sbarrier.arrive $0xFFFF  }
0x339: {  	p0 =	sne.s32 s0, $0x0;
	s0 =	rddreg [dreg:$0x4]  }
0x33a: {  	s0 =	sadd.s32 @!p0 $0x100000, s0  }
0x33b: {  	[sflag:s0] =	ssyncadd.tile.s32 @!p0 $0x1;
	_ =	shalt  }
.Lfunc_end2:
_tile_overlayer_lowered:
.L_overlay_start_2:
0x33c: {  	(tag) =	ssettag $0x2  }
0x33d: {  	s0 =	rddreg [dreg:$0x0];
	s2 =	stileid.u32  }
0x33e: {  	s1 =	rddreg [dreg:$0x1];
	p0 =	sne.s32 s2, $0x0  }
0x33f: {  	s3 =	rddreg [dreg:$0x2];
	[bflag:$0x3] =	sbarrier.arrive $0xFFFF;
	s2 =	simm.s32 @!p0 $0x1C07  }
0x340: {  	[timem:s3], [sflag:s2] =	dma.local @!p0 [hbm:s0], s1  }
0x341: {  	s0 =	simm.s32 @!p0 $0x7  }
0x342: {  	_ =	swait.ge @!p0 [sflag:s0], s1  }
0x343: {  	s1 =	ssub.s32 @!p0 $0x0, s1;
	[sflag:s0] =	ssyncset.done @!p0 $0x0  }
0x344: {  	[sflag:s0] =	ssyncadd.s32 @!p0 s1  }
0x345: {  	[bflag:$0x3] =	sbarrier.arrive $0xFFFF  }
0x346: {  	_ =	shalt  }

</sc_bundles>
